<compile_context>
chip_gen: v7x
topology: tpu7x:2x2x1
jax: 0.10.2.dev20260603
libtpu: 0.0.44.dev20260713+nightly
codegen_flags: <defaults>
</compile_context>

<pallas_src>
import functools

import jax
import jax.numpy as jnp
from jax import lax
from jax.experimental import pallas as pl
from jax.experimental.pallas import tpu as pltpu
from jax.experimental.pallas import tpu_sc as plsc

NC = 2
NS = 16
NW = NC * NS
L = 16
CHUNK = 128

_SIN_C = (-1.0 / 6.0, 1.0 / 120.0, -1.0 / 5040.0, 1.0 / 362880.0)
_COS_C = (-0.5, 1.0 / 24.0, -1.0 / 720.0, 1.0 / 40320.0, -1.0 / 3628800.0)


def _sincos_base(x):
    t = x * x
    s = _SIN_C[3]
    for c in (_SIN_C[2], _SIN_C[1], _SIN_C[0]):
        s = s * t + c
    s = x * (s * t + 1.0)
    c = _COS_C[4]
    for cc in (_COS_C[3], _COS_C[2], _COS_C[1], _COS_C[0]):
        c = c * t + cc
    c = c * t + 1.0
    return s, c


def _axis_coord(t, res):
    xp = t * jnp.float32(res - 1)
    x0 = xp.astype(jnp.int32)
    w = xp - x0.astype(jnp.float32)
    x1 = jnp.minimum(x0 + 1, res - 1)
    return x0, x1, w


def _tri_body(n, res, fdim, nfreq, p_hbm, tab_hbm, aabb_hbm, out_hbm,
              p_v, aabb_v, idx_v, w_v, rows_v, out_v,
              sem_g0, sem_g1, sem_o0, sem_o1):
    cid = lax.axis_index("c")
    sid = lax.axis_index("s")
    wid = sid * NC + cid
    per_w = n // NW
    base0 = wid * per_w
    nch = per_w // CHUNK

    pltpu.sync_copy(aabb_hbm, aabb_v)
    iota = lax.iota(jnp.int32, L)

    def splat_i(v):
        return jnp.full((L,), v, jnp.int32)

    ab = [[aabb_v[r, c, :] for c in range(3)] for r in range(2)]

    ncols = 3 * fdim + 3 + 6 * nfreq
    plane_sz = res * res
    gsem = (sem_g0, sem_g1)
    osem = (sem_o0, sem_o1)

    def cbase(ci):
        return base0 + ci * CHUNK

    def load_p(ci, pb):
        pltpu.sync_copy(p_hbm.at[pl.ds(cbase(ci) * 3, CHUNK * 3)],
                        p_v.at[pb])

    def phase1(ci, pb):
        def grp1(g, c1):
            rows = g * L + iota
            rows3 = rows * 3
            px = plsc.load_gather(p_v.at[pb], [rows3])
            py = plsc.load_gather(p_v.at[pb], [rows3 + 1])
            pz = plsc.load_gather(p_v.at[pb], [rows3 + 2])
            ts = []
            for c, pv in enumerate((px, py, pz)):
                t = (pv - ab[0][c]) / (ab[1][c] - ab[0][c])
                ts.append(jnp.minimum(jnp.maximum(t, 0.0), 1.0))
            tx, ty, tz = ts
            x0, x1, wx = _axis_coord(tx, res)
            y0, y1, wy = _axis_coord(ty, res)
            z0, z1, wz = _axis_coord(tz, res)

            taps = []
            for pi, (ga0, ga1, gb0, gb1) in enumerate((
                    (x0, x1, y0, y1),
                    (y0, y1, z0, z1),
                    (x0, x1, z0, z1))):
                off = pi * plane_sz
                taps += [
                    gb0 * res + ga0 + off,
                    gb0 * res + ga1 + off,
                    gb1 * res + ga0 + off,
                    gb1 * res + ga1 + off,
                ]
            for t, rid in enumerate(taps):
                idx_v[pb, pl.ds(t * CHUNK + g * L, L)] = rid
            for t, wgt in enumerate((wx, wy, wz)):
                w_v[pb, pl.ds(t * CHUNK + g * L, L)] = wgt

            rowsnc = rows * ncols

            def putcol(col, vec):
                plsc.store_scatter(out_v.at[pb], [rowsnc + col], vec)

            xg = 2.0 * tx - 1.0
            yg = 2.0 * ty - 1.0
            zg = 2.0 * tz - 1.0
            pe = 3 * fdim
            putcol(pe + 0, xg)
            putcol(pe + 1, yg)
            putcol(pe + 2, zg)
            scs = [_sincos_base(v) for v in (xg, yg, zg)]
            for i in range(nfreq):
                for c in range(3):
                    s, co = scs[c]
                    putcol(pe + 3 + 6 * i + c, s)
                    putcol(pe + 6 + 6 * i + c, co)
                    if i + 1 < nfreq:
                        scs[c] = (2.0 * s * co, 1.0 - 2.0 * s * s)
            return c1

        lax.fori_loop(0, CHUNK // L, grp1, 0)

    def fire(pb):
        pltpu.async_copy(tab_hbm.at[idx_v.at[pb]], rows_v.at[pb], gsem[pb])

    def wait_gathers(pb):
        pltpu.make_async_copy(tab_hbm.at[idx_v.at[pb]], rows_v.at[pb],
                              gsem[pb]).wait()

    def phase3(ci, pb):
        zero = jnp.zeros((L,), jnp.int32)

        def ptbody(b, c2):
            bs = zero + b
            wx = plsc.load_gather(w_v.at[pb], [bs])
            wy = plsc.load_gather(w_v.at[pb], [bs + CHUNK])
            wz = plsc.load_gather(w_v.at[pb], [bs + 2 * CHUNK])
            ux, uy, uz = 1.0 - wx, 1.0 - wy, 1.0 - wz
            rv = [rows_v[pb, t * CHUNK + b, :] for t in range(12)]
            for pi, (wa, ua, wb2, ub) in enumerate(
                    ((wx, ux, wy, uy), (wy, uy, wz, uz), (wx, ux, wz, uz))):
                t0 = 4 * pi
                acc = ((ua * ub) * rv[t0] + (wa * ub) * rv[t0 + 1]
                       + ((ua * wb2) * rv[t0 + 2] + (wa * wb2) * rv[t0 + 3]))
                out_v[pb, pl.ds(b * ncols + pi * fdim, fdim)] = acc
            return c2

        lax.fori_loop(0, CHUNK, ptbody, 0)

    def write_out(ci, pb):
        pltpu.async_copy(out_v.at[pb],
                         out_hbm.at[pl.ds(cbase(ci) * ncols, CHUNK * ncols)],
                         osem[pb])

    def wait_out(ci, pb):
        pltpu.make_async_copy(out_v.at[pb],
                              out_hbm.at[pl.ds(cbase(ci) * ncols,
                                               CHUNK * ncols)],
                              osem[pb]).wait()

    load_p(0, 0)
    phase1(0, 0)
    fire(0)

    def pair_body(k, carry):
        c0 = 2 * k
        c1 = 2 * k + 1

        @pl.when(k > 0)
        def _():
            wait_out(c1 - 2, 1)

        load_p(c1, 1)
        phase1(c1, 1)
        fire(1)

        wait_gathers(0)
        phase3(c0, 0)
        write_out(c0, 0)

        @pl.when(k + 1 < nch // 2)
        def _():
            wait_out(c0, 0)
            load_p(c0 + 2, 0)
            phase1(c0 + 2, 0)
            fire(0)

        wait_gathers(1)
        phase3(c1, 1)
        write_out(c1, 1)
        return carry

    lax.fori_loop(0, nch // 2, pair_body, 0)
    wait_out(nch - 2, 0)
    wait_out(nch - 1, 1)


def kernel(p, triplane, aabb):
    n = p.shape[0]
    nplane, fdim, res, _ = triplane.shape
    nfreq = 6
    ncols = nplane * fdim + 3 + 6 * nfreq
    table = triplane.transpose(0, 2, 3, 1).reshape(nplane * res * res, fdim)
    aabb_b = jnp.tile(aabb[:, :, None], (1, 1, L))

    mesh = plsc.VectorSubcoreMesh(core_axis_name="c", subcore_axis_name="s",
                                  num_cores=NC, num_subcores=NS)
    scratch = [
        pltpu.VMEM((2, CHUNK * 3), jnp.float32),
        pltpu.VMEM((2, 3, L), jnp.float32),
        pltpu.VMEM((2, 12 * CHUNK), jnp.int32),
        pltpu.VMEM((2, 12 * CHUNK), jnp.float32),
        pltpu.VMEM((2, 12 * CHUNK, fdim), jnp.float32),
        pltpu.VMEM((2, CHUNK * ncols), jnp.float32),
        pltpu.SemaphoreType.DMA,
        pltpu.SemaphoreType.DMA,
        pltpu.SemaphoreType.DMA,
        pltpu.SemaphoreType.DMA,
    ]
    body = functools.partial(_tri_body, n, res, fdim, nfreq)
    run = pl.kernel(
        body,
        out_type=jax.ShapeDtypeStruct((n * ncols,), jnp.float32),
        mesh=mesh,
        scratch_types=scratch,
        compiler_params=pltpu.CompilerParams(
            needs_layout_passes=False, use_tc_tiling_on_sc=False),
    )
    return run(p.reshape(-1), table, aabb_b).reshape(n, ncols)

# --- scband reference (transcript-rebuilt; emitter-appended) ---
"""Pipeline reference for scband-triplane-feature-net-6511170421531 (READ-ONLY COPY).

The authoritative reference and input builder live on the scoring server;
editing this copy changes nothing except your own understanding.
"""

import jax, jax.numpy as jnp
import numpy as np

N = 1048576
RES = 512
FDIM = 16


def setup_inputs(seed: int = 0) -> dict:
    key = jax.random.key(seed)
    k1, k2 = jax.random.split(key)
    p = jax.random.normal(k1, (N, 3), dtype=jnp.float32)
    triplane = jax.random.uniform(k2, (3, FDIM, RES, RES), dtype=jnp.float32, minval=-0.01, maxval=0.01)
    aabb = jnp.array([[-1.0, -1.0, -1.0], [1.0, 1.0, 1.0]], dtype=jnp.float32)
    return {"p": p, "triplane": triplane, "aabb": aabb}


def _grid_sample_bilinear(plane, gx, gy):
    # plane: [C, H, W]; gx, gy: [N] normalized coords in [-1, 1]
    # matches F.grid_sample(align_corners=True, padding_mode='border', mode='bilinear')
    C, H, W = plane.shape
    x = (gx + 1.0) * 0.5 * (W - 1)
    y = (gy + 1.0) * 0.5 * (H - 1)
    x0 = jnp.floor(x)
    y0 = jnp.floor(y)
    wx = x - x0
    wy = y - y0
    x0i = jnp.clip(x0.astype(jnp.int32), 0, W - 1)
    x1i = jnp.clip(x0i + 1, 0, W - 1)
    y0i = jnp.clip(y0.astype(jnp.int32), 0, H - 1)
    y1i = jnp.clip(y0i + 1, 0, H - 1)
    v00 = plane[:, y0i, x0i]
    v01 = plane[:, y0i, x1i]
    v10 = plane[:, y1i, x0i]
    v11 = plane[:, y1i, x1i]
    out = (v00 * ((1.0 - wx) * (1.0 - wy))[None, :]
           + v01 * (wx * (1.0 - wy))[None, :]
           + v10 * ((1.0 - wx) * wy)[None, :]
           + v11 * (wx * wy)[None, :])
    return out.T  # [N, C]


def _posenc(x):
    # get_embedder(6, 0): include_input + 6 log-sampled freqs * (sin, cos) -> 3 + 36 = 39 dims
    freqs = 2.0 ** jnp.linspace(0.0, 5.0, 6)
    outs = [x]
    for f in freqs:
        outs.append(jnp.sin(x * f))
        outs.append(jnp.cos(x * f))
    return jnp.concatenate(outs, axis=-1)


def reference(p, triplane, aabb):
    texc = (p.reshape(-1, 3) - aabb[0][None, :]) / (aabb[1][None, :] - aabb[0][None, :])
    xyz = 2.0 * jnp.clip(texc, 0.0, 1.0) - 1.0
    xy_feat = _grid_sample_bilinear(triplane[0], xyz[:, 0], xyz[:, 1])
    yz_feat = _grid_sample_bilinear(triplane[1], xyz[:, 1], xyz[:, 2])
    xz_feat = _grid_sample_bilinear(triplane[2], xyz[:, 0], xyz[:, 2])
    return jnp.concatenate([xy_feat, yz_feat, xz_feat, _posenc(xyz)], axis=-1)

if __name__ == "__main__":
    import jax
    _d = setup_inputs()
    print(jax.jit(kernel)(*tuple(_d.values())))

</pallas_src>

<mosaic_0001>
#map = affine_map<(d0, d1) -> (0)>
#map1 = affine_map<(d0, d1) -> (0, 0)>
#map2 = affine_map<(d0, d1) -> (0, 0, 0)>
module attributes {stable_mosaic.version = 14 : i64} {
  func.func @_tri_body(%arg0: i32, %arg1: i32, %arg2: memref<3145728xf32, #tpu.memory_space<hbm>>, %arg3: memref<786432x16xf32, #tpu.memory_space<hbm>>, %arg4: memref<2x3x16xf32, #tpu.memory_space<hbm>>, %arg5: memref<91226112xf32, #tpu.memory_space<hbm>>, %arg6: memref<2x384xf32, #tpu.memory_space<vmem>>, %arg7: memref<2x3x16xf32, #tpu.memory_space<vmem>>, %arg8: memref<2x1536xi32, #tpu.memory_space<vmem>>, %arg9: memref<2x1536xf32, #tpu.memory_space<vmem>>, %arg10: memref<2x1536x16xf32, #tpu.memory_space<vmem>>, %arg11: memref<2x11136xf32, #tpu.memory_space<vmem>>, %arg12: memref<!tpu.dma_semaphore, #tpu.memory_space<semaphore_mem>>, %arg13: memref<!tpu.dma_semaphore, #tpu.memory_space<semaphore_mem>>, %arg14: memref<!tpu.dma_semaphore, #tpu.memory_space<semaphore_mem>>, %arg15: memref<!tpu.dma_semaphore, #tpu.memory_space<semaphore_mem>>) attributes {dimension_semantics = [#tpu.dimension_semantics<core_parallel>, #tpu.dimension_semantics<subcore_parallel>], iteration_bounds = array<i64: 2, 16>, scalar_prefetch = 0 : i64, scratch_operands = 10 : i64, tpu.core_type = #tpu.core_type<sc_vector_subcore>, window_params = [{transform_indices = #map}, {transform_indices = #map1}, {transform_indices = #map2}, {transform_indices = #map}]} {
    %mul3A = arith.constant 2 : i32
    %mul3A_0 = arith.muli %arg1, %mul3A : i32
    %add3A = arith.addi %mul3A_0, %arg0 : i32
    %mul3A_1 = arith.constant 32768 : i32
    %mul3A_2 = arith.muli %add3A, %mul3A_1 : i32
    "tpu.region"() ({
      %run_scoped3A_89 = tpu.sem_alloc : memref<!tpu.dma_semaphore, #tpu.memory_space<semaphore_mem>>
      tpu.enqueue_dma source(%arg4 : memref<2x3x16xf32, #tpu.memory_space<hbm>>) target(%arg7 : memref<2x3x16xf32, #tpu.memory_space<vmem>>) target_semaphore(%run_scoped3A_89 : memref<!tpu.dma_semaphore, #tpu.memory_space<semaphore_mem>>)
      tpu.wait_dma2 semaphore(%run_scoped3A_89 : memref<!tpu.dma_semaphore, #tpu.memory_space<semaphore_mem>>) src(%arg4 : memref<2x3x16xf32, #tpu.memory_space<hbm>>) dst(%arg7 : memref<2x3x16xf32, #tpu.memory_space<vmem>>)
      tpu.yield
    }) : () -> ()
    %iota3A = tpu.iota {dimensions = array<i32: 0>} : vector<16xi32>
    %get3A = arith.constant 0 : i32
    %get3A_3 = arith.constant 0 : i32
    %get3A_4 = arith.index_cast %get3A : i32 to index
    %get3A_5 = arith.index_cast %get3A_3 : i32 to index
    %get3A_6 = arith.constant 0 : index
    %get3A_7 = tpu.vector_load %arg7[%get3A_4, %get3A_5, %get3A_6] {strides = array<i32>} : memref<2x3x16xf32, #tpu.memory_space<vmem>>, vector<16xf32>,
    %get3A_8 = arith.constant 0 : i32
    %get3A_9 = arith.constant 1 : i32
    %get3A_10 = arith.index_cast %get3A_8 : i32 to index
    %get3A_11 = arith.index_cast %get3A_9 : i32 to index
    %get3A_12 = arith.constant 0 : index
    %get3A_13 = tpu.vector_load %arg7[%get3A_10, %get3A_11, %get3A_12] {strides = array<i32>} : memref<2x3x16xf32, #tpu.memory_space<vmem>>, vector<16xf32>,
    %get3A_14 = arith.constant 0 : i32
    %get3A_15 = arith.constant 2 : i32
    %get3A_16 = arith.index_cast %get3A_14 : i32 to index
    %get3A_17 = arith.index_cast %get3A_15 : i32 to index
    %get3A_18 = arith.constant 0 : index
    %get3A_19 = tpu.vector_load %arg7[%get3A_16, %get3A_17, %get3A_18] {strides = array<i32>} : memref<2x3x16xf32, #tpu.memory_space<vmem>>, vector<16xf32>,
    %get3A_20 = arith.constant 1 : i32
    %get3A_21 = arith.constant 0 : i32
    %get3A_22 = arith.index_cast %get3A_20 : i32 to index
    %get3A_23 = arith.index_cast %get3A_21 : i32 to index
    %get3A_24 = arith.constant 0 : index
    %get3A_25 = tpu.vector_load %arg7[%get3A_22, %get3A_23, %get3A_24] {strides = array<i32>} : memref<2x3x16xf32, #tpu.memory_space<vmem>>, vector<16xf32>,
    %get3A_26 = arith.constant 1 : i32
    %get3A_27 = arith.constant 1 : i32
    %get3A_28 = arith.index_cast %get3A_26 : i32 to index
    %get3A_29 = arith.index_cast %get3A_27 : i32 to index
    %get3A_30 = arith.constant 0 : index
    %get3A_31 = tpu.vector_load %arg7[%get3A_28, %get3A_29, %get3A_30] {strides = array<i32>} : memref<2x3x16xf32, #tpu.memory_space<vmem>>, vector<16xf32>,
    %get3A_32 = arith.constant 1 : i32
    %get3A_33 = arith.constant 2 : i32
    %get3A_34 = arith.index_cast %get3A_32 : i32 to index
    %get3A_35 = arith.index_cast %get3A_33 : i32 to index
    %get3A_36 = arith.constant 0 : index
    %get3A_37 = tpu.vector_load %arg7[%get3A_34, %get3A_35, %get3A_36] {strides = array<i32>} : memref<2x3x16xf32, #tpu.memory_space<vmem>>, vector<16xf32>,
    %add3A_38 = arith.constant 0 : i32
    %add3A_39 = arith.addi %mul3A_2, %add3A_38 : i32
    %mul3A_40 = arith.constant 3 : i32
    %mul3A_41 = arith.muli %add3A_39, %mul3A_40 : i32
    %run_scoped3A = arith.constant 0 : i32
    "tpu.region"() ({
      %run_scoped3A_89 = tpu.sem_alloc : memref<!tpu.dma_semaphore, #tpu.memory_space<semaphore_mem>>
      %dma_start3A_90 = arith.constant 0 : i32
      %dma_start3A_91 = tpu.memref_slice %arg6[%run_scoped3A, %dma_start3A_90] : memref<2x384xf32, #tpu.memory_space<vmem>> -> memref<1x384xf32, #tpu.memory_space<vmem>>
      %dma_start3A_92 = tpu.memref_squeeze %dma_start3A_91 : memref<1x384xf32, #tpu.memory_space<vmem>> -> memref<384xf32, #tpu.memory_space<vmem>>
      %dma_start3A_93 = tpu.memref_slice %arg2[%mul3A_41] : memref<3145728xf32, #tpu.memory_space<hbm>> -> memref<384xf32, #tpu.memory_space<hbm>>
      %dma_start3A_94 = arith.constant 0 : i32
      %dma_start3A_95 = tpu.memref_slice %arg6[%run_scoped3A, %dma_start3A_94] : memref<2x384xf32, #tpu.memory_space<vmem>> -> memref<1x384xf32, #tpu.memory_space<vmem>>
      %dma_start3A_96 = tpu.memref_squeeze %dma_start3A_95 : memref<1x384xf32, #tpu.memory_space<vmem>> -> memref<384xf32, #tpu.memory_space<vmem>>
      %dma_start3A_97 = tpu.memref_slice %arg2[%mul3A_41] : memref<3145728xf32, #tpu.memory_space<hbm>> -> memref<384xf32, #tpu.memory_space<hbm>>
      tpu.enqueue_dma source(%dma_start3A_97 : memref<384xf32, #tpu.memory_space<hbm>>) target(%dma_start3A_96 : memref<384xf32, #tpu.memory_space<vmem>>) target_semaphore(%run_scoped3A_89 : memref<!tpu.dma_semaphore, #tpu.memory_space<semaphore_mem>>)
      %dma_wait3A_98 = arith.constant 0 : i32
      %dma_wait3A_99 = tpu.memref_slice %arg6[%run_scoped3A, %dma_wait3A_98] : memref<2x384xf32, #tpu.memory_space<vmem>> -> memref<1x384xf32, #tpu.memory_space<vmem>>
      %dma_wait3A_100 = tpu.memref_squeeze %dma_wait3A_99 : memref<1x384xf32, #tpu.memory_space<vmem>> -> memref<384xf32, #tpu.memory_space<vmem>>
      %dma_wait3A_101 = tpu.memref_slice %arg2[%mul3A_41] : memref<3145728xf32, #tpu.memory_space<hbm>> -> memref<384xf32, #tpu.memory_space<hbm>>
      %dma_wait3A_102 = arith.constant 0 : i32
      %dma_wait3A_103 = tpu.memref_slice %arg6[%run_scoped3A, %dma_wait3A_102] : memref<2x384xf32, #tpu.memory_space<vmem>> -> memref<1x384xf32, #tpu.memory_space<vmem>>
      %dma_wait3A_104 = tpu.memref_squeeze %dma_wait3A_103 : memref<1x384xf32, #tpu.memory_space<vmem>> -> memref<384xf32, #tpu.memory_space<vmem>>
      %dma_wait3A_105 = tpu.memref_slice %arg2[%mul3A_41] : memref<3145728xf32, #tpu.memory_space<hbm>> -> memref<384xf32, #tpu.memory_space<hbm>>
      tpu.wait_dma2 semaphore(%run_scoped3A_89 : memref<!tpu.dma_semaphore, #tpu.memory_space<semaphore_mem>>) src(%dma_wait3A_105 : memref<384xf32, #tpu.memory_space<hbm>>) dst(%dma_wait3A_104 : memref<384xf32, #tpu.memory_space<vmem>>)
      tpu.yield
    }) : () -> ()
    %scan3A = arith.constant 0 : i32
    %scan3A_42 = arith.constant 0 : i32
    %scan3A_43 = arith.constant 8 : i32
    %scan3A_44 = arith.addi %scan3A_42, %scan3A_43 : i32
    %scan3A_45 = arith.constant 1 : i32
    scf.for %scan3A_89 = %scan3A_42 to %scan3A_44 step %scan3A_45  : i32 {
      %mul3A_90 = arith.constant 16 : i32
      %mul3A_91 = arith.muli %scan3A_89, %mul3A_90 : i32
      %add3A_92 = vector.broadcast %mul3A_91 : i32 to vector<16xi32>
      %add3A_93 = arith.addi %add3A_92, %iota3A : vector<16xi32>
      %mul3A_94 = arith.constant 3 : i32
      %mul3A_95 = vector.broadcast %mul3A_94 : i32 to vector<16xi32>
      %mul3A_96 = arith.muli %add3A_93, %mul3A_95 : vector<16xi32>
      %gather3A = arith.constant 0 : i32
      %gather3A_97 = arith.constant 0 : i32
      %gather3A_98 = tpu.memref_slice %arg6[%gather3A, %gather3A_97] : memref<2x384xf32, #tpu.memory_space<vmem>> -> memref<1x384xf32, #tpu.memory_space<vmem>>
      %gather3A_99 = tpu.memref_squeeze %gather3A_98 : memref<1x384xf32, #tpu.memory_space<vmem>> -> memref<384xf32, #tpu.memory_space<vmem>>
      %gather3A_100 = tpu.vector_load_idx %gather3A_99[%mul3A_96] : memref<384xf32, #tpu.memory_space<vmem>>[vector<16xi32>], vector<16xf32>,
      %add3A_101 = arith.constant 1 : i32
      %add3A_102 = vector.broadcast %add3A_101 : i32 to vector<16xi32>
      %add3A_103 = arith.addi %mul3A_96, %add3A_102 : vector<16xi32>
      %gather3A_104 = arith.constant 0 : i32
      %gather3A_105 = arith.constant 0 : i32
      %gather3A_106 = tpu.memref_slice %arg6[%gather3A_104, %gather3A_105] : memref<2x384xf32, #tpu.memory_space<vmem>> -> memref<1x384xf32, #tpu.memory_space<vmem>>
      %gather3A_107 = tpu.memref_squeeze %gather3A_106 : memref<1x384xf32, #tpu.memory_space<vmem>> -> memref<384xf32, #tpu.memory_space<vmem>>
      %gather3A_108 = tpu.vector_load_idx %gather3A_107[%add3A_103] : memref<384xf32, #tpu.memory_space<vmem>>[vector<16xi32>], vector<16xf32>,
      %add3A_109 = arith.constant 2 : i32
      %add3A_110 = vector.broadcast %add3A_109 : i32 to vector<16xi32>
      %add3A_111 = arith.addi %mul3A_96, %add3A_110 : vector<16xi32>
      %gather3A_112 = arith.constant 0 : i32
      %gather3A_113 = arith.constant 0 : i32
      %gather3A_114 = tpu.memref_slice %arg6[%gather3A_112, %gather3A_113] : memref<2x384xf32, #tpu.memory_space<vmem>> -> memref<1x384xf32, #tpu.memory_space<vmem>>
      %gather3A_115 = tpu.memref_squeeze %gather3A_114 : memref<1x384xf32, #tpu.memory_space<vmem>> -> memref<384xf32, #tpu.memory_space<vmem>>
      %gather3A_116 = tpu.vector_load_idx %gather3A_115[%add3A_111] : memref<384xf32, #tpu.memory_space<vmem>>[vector<16xi32>], vector<16xf32>,
      %sub3A = arith.subf %gather3A_100, %get3A_7 : vector<16xf32>
      %sub3A_117 = arith.subf %get3A_25, %get3A_7 : vector<16xf32>
      %div3A = arith.divf %sub3A, %sub3A_117 : vector<16xf32>
      %max3A = arith.constant 0.000000e+00 : f32
      %max3A_118 = vector.broadcast %max3A : f32 to vector<16xf32>
      %max3A_119 = arith.maximumf %div3A, %max3A_118 : vector<16xf32>
      %min3A = arith.constant 1.000000e+00 : f32
      %min3A_120 = vector.broadcast %min3A : f32 to vector<16xf32>
      %min3A_121 = arith.minimumf %max3A_119, %min3A_120 : vector<16xf32>
      %sub3A_122 = arith.subf %gather3A_108, %get3A_13 : vector<16xf32>
      %sub3A_123 = arith.subf %get3A_31, %get3A_13 : vector<16xf32>
      %div3A_124 = arith.divf %sub3A_122, %sub3A_123 : vector<16xf32>
      %max3A_125 = arith.constant 0.000000e+00 : f32
      %max3A_126 = vector.broadcast %max3A_125 : f32 to vector<16xf32>
      %max3A_127 = arith.maximumf %div3A_124, %max3A_126 : vector<16xf32>
      %min3A_128 = arith.constant 1.000000e+00 : f32
      %min3A_129 = vector.broadcast %min3A_128 : f32 to vector<16xf32>
      %min3A_130 = arith.minimumf %max3A_127, %min3A_129 : vector<16xf32>
      %sub3A_131 = arith.subf %gather3A_116, %get3A_19 : vector<16xf32>
      %sub3A_132 = arith.subf %get3A_37, %get3A_19 : vector<16xf32>
      %div3A_133 = arith.divf %sub3A_131, %sub3A_132 : vector<16xf32>
      %max3A_134 = arith.constant 0.000000e+00 : f32
      %max3A_135 = vector.broadcast %max3A_134 : f32 to vector<16xf32>
      %max3A_136 = arith.maximumf %div3A_133, %max3A_135 : vector<16xf32>
      %min3A_137 = arith.constant 1.000000e+00 : f32
      %min3A_138 = vector.broadcast %min3A_137 : f32 to vector<16xf32>
      %min3A_139 = arith.minimumf %max3A_136, %min3A_138 : vector<16xf32>
      %mul3A_140 = arith.constant 5.110000e+02 : f32
      %mul3A_141 = vector.broadcast %mul3A_140 : f32 to vector<16xf32>
      %mul3A_142 = arith.mulf %min3A_121, %mul3A_141 : vector<16xf32>
      %convert_element_type3A = arith.fptosi %mul3A_142 : vector<16xf32> to vector<16xi32>
      %convert_element_type3A_143 = arith.sitofp %convert_element_type3A : vector<16xi32> to vector<16xf32>
      %sub3A_144 = arith.subf %mul3A_142, %convert_element_type3A_143 : vector<16xf32>
      %add3A_145 = arith.constant 1 : i32
      %add3A_146 = vector.broadcast %add3A_145 : i32 to vector<16xi32>
      %add3A_147 = arith.addi %convert_element_type3A, %add3A_146 : vector<16xi32>
      %min3A_148 = arith.constant 511 : i32
      %min3A_149 = vector.broadcast %min3A_148 : i32 to vector<16xi32>
      %min3A_150 = arith.minsi %add3A_147, %min3A_149 : vector<16xi32>
      %mul3A_151 = arith.constant 5.110000e+02 : f32
      %mul3A_152 = vector.broadcast %mul3A_151 : f32 to vector<16xf32>
      %mul3A_153 = arith.mulf %min3A_130, %mul3A_152 : vector<16xf32>
      %convert_element_type3A_154 = arith.fptosi %mul3A_153 : vector<16xf32> to vector<16xi32>
      %convert_element_type3A_155 = arith.sitofp %convert_element_type3A_154 : vector<16xi32> to vector<16xf32>
      %sub3A_156 = arith.subf %mul3A_153, %convert_element_type3A_155 : vector<16xf32>
      %add3A_157 = arith.constant 1 : i32
      %add3A_158 = vector.broadcast %add3A_157 : i32 to vector<16xi32>
      %add3A_159 = arith.addi %convert_element_type3A_154, %add3A_158 : vector<16xi32>
      %min3A_160 = arith.constant 511 : i32
      %min3A_161 = vector.broadcast %min3A_160 : i32 to vector<16xi32>
      %min3A_162 = arith.minsi %add3A_159, %min3A_161 : vector<16xi32>
      %mul3A_163 = arith.constant 5.110000e+02 : f32
      %mul3A_164 = vector.broadcast %mul3A_163 : f32 to vector<16xf32>
      %mul3A_165 = arith.mulf %min3A_139, %mul3A_164 : vector<16xf32>
      %convert_element_type3A_166 = arith.fptosi %mul3A_165 : vector<16xf32> to vector<16xi32>
      %convert_element_type3A_167 = arith.sitofp %convert_element_type3A_166 : vector<16xi32> to vector<16xf32>
      %sub3A_168 = arith.subf %mul3A_165, %convert_element_type3A_167 : vector<16xf32>
      %add3A_169 = arith.constant 1 : i32
      %add3A_170 = vector.broadcast %add3A_169 : i32 to vector<16xi32>
      %add3A_171 = arith.addi %convert_element_type3A_166, %add3A_170 : vector<16xi32>
      %min3A_172 = arith.constant 511 : i32
      %min3A_173 = vector.broadcast %min3A_172 : i32 to vector<16xi32>
      %min3A_174 = arith.minsi %add3A_171, %min3A_173 : vector<16xi32>
      %mul3A_175 = arith.constant 512 : i32
      %mul3A_176 = vector.broadcast %mul3A_175 : i32 to vector<16xi32>
      %mul3A_177 = arith.muli %convert_element_type3A_154, %mul3A_176 : vector<16xi32>
      %add3A_178 = arith.addi %mul3A_177, %convert_element_type3A : vector<16xi32>
      %add3A_179 = arith.constant 0 : i32
      %add3A_180 = vector.broadcast %add3A_179 : i32 to vector<16xi32>
      %add3A_181 = arith.addi %add3A_178, %add3A_180 : vector<16xi32>
      %mul3A_182 = arith.constant 512 : i32
      %mul3A_183 = vector.broadcast %mul3A_182 : i32 to vector<16xi32>
      %mul3A_184 = arith.muli %convert_element_type3A_154, %mul3A_183 : vector<16xi32>
      %add3A_185 = arith.addi %mul3A_184, %min3A_150 : vector<16xi32>
      %add3A_186 = arith.constant 0 : i32
      %add3A_187 = vector.broadcast %add3A_186 : i32 to vector<16xi32>
      %add3A_188 = arith.addi %add3A_185, %add3A_187 : vector<16xi32>
      %mul3A_189 = arith.constant 512 : i32
      %mul3A_190 = vector.broadcast %mul3A_189 : i32 to vector<16xi32>
      %mul3A_191 = arith.muli %min3A_162, %mul3A_190 : vector<16xi32>
      %add3A_192 = arith.addi %mul3A_191, %convert_element_type3A : vector<16xi32>
      %add3A_193 = arith.constant 0 : i32
      %add3A_194 = vector.broadcast %add3A_193 : i32 to vector<16xi32>
      %add3A_195 = arith.addi %add3A_192, %add3A_194 : vector<16xi32>
      %mul3A_196 = arith.constant 512 : i32
      %mul3A_197 = vector.broadcast %mul3A_196 : i32 to vector<16xi32>
      %mul3A_198 = arith.muli %min3A_162, %mul3A_197 : vector<16xi32>
      %add3A_199 = arith.addi %mul3A_198, %min3A_150 : vector<16xi32>
      %add3A_200 = arith.constant 0 : i32
      %add3A_201 = vector.broadcast %add3A_200 : i32 to vector<16xi32>
      %add3A_202 = arith.addi %add3A_199, %add3A_201 : vector<16xi32>
      %mul3A_203 = arith.constant 512 : i32
      %mul3A_204 = vector.broadcast %mul3A_203 : i32 to vector<16xi32>
      %mul3A_205 = arith.muli %convert_element_type3A_166, %mul3A_204 : vector<16xi32>
      %add3A_206 = arith.addi %mul3A_205, %convert_element_type3A_154 : vector<16xi32>
      %add3A_207 = arith.constant 262144 : i32
      %add3A_208 = vector.broadcast %add3A_207 : i32 to vector<16xi32>
      %add3A_209 = arith.addi %add3A_206, %add3A_208 : vector<16xi32>
      %mul3A_210 = arith.constant 512 : i32
      %mul3A_211 = vector.broadcast %mul3A_210 : i32 to vector<16xi32>
      %mul3A_212 = arith.muli %convert_element_type3A_166, %mul3A_211 : vector<16xi32>
      %add3A_213 = arith.addi %mul3A_212, %min3A_162 : vector<16xi32>
      %add3A_214 = arith.constant 262144 : i32
      %add3A_215 = vector.broadcast %add3A_214 : i32 to vector<16xi32>
      %add3A_216 = arith.addi %add3A_213, %add3A_215 : vector<16xi32>
      %mul3A_217 = arith.constant 512 : i32
      %mul3A_218 = vector.broadcast %mul3A_217 : i32 to vector<16xi32>
      %mul3A_219 = arith.muli %min3A_174, %mul3A_218 : vector<16xi32>
      %add3A_220 = arith.addi %mul3A_219, %convert_element_type3A_154 : vector<16xi32>
      %add3A_221 = arith.constant 262144 : i32
      %add3A_222 = vector.broadcast %add3A_221 : i32 to vector<16xi32>
      %add3A_223 = arith.addi %add3A_220, %add3A_222 : vector<16xi32>
      %mul3A_224 = arith.constant 512 : i32
      %mul3A_225 = vector.broadcast %mul3A_224 : i32 to vector<16xi32>
      %mul3A_226 = arith.muli %min3A_174, %mul3A_225 : vector<16xi32>
      %add3A_227 = arith.addi %mul3A_226, %min3A_162 : vector<16xi32>
      %add3A_228 = arith.constant 262144 : i32
      %add3A_229 = vector.broadcast %add3A_228 : i32 to vector<16xi32>
      %add3A_230 = arith.addi %add3A_227, %add3A_229 : vector<16xi32>
      %mul3A_231 = arith.constant 512 : i32
      %mul3A_232 = vector.broadcast %mul3A_231 : i32 to vector<16xi32>
      %mul3A_233 = arith.muli %convert_element_type3A_166, %mul3A_232 : vector<16xi32>
      %add3A_234 = arith.addi %mul3A_233, %convert_element_type3A : vector<16xi32>
      %add3A_235 = arith.constant 524288 : i32
      %add3A_236 = vector.broadcast %add3A_235 : i32 to vector<16xi32>
      %add3A_237 = arith.addi %add3A_234, %add3A_236 : vector<16xi32>
      %mul3A_238 = arith.constant 512 : i32
      %mul3A_239 = vector.broadcast %mul3A_238 : i32 to vector<16xi32>
      %mul3A_240 = arith.muli %convert_element_type3A_166, %mul3A_239 : vector<16xi32>
      %add3A_241 = arith.addi %mul3A_240, %min3A_150 : vector<16xi32>
      %add3A_242 = arith.constant 524288 : i32
      %add3A_243 = vector.broadcast %add3A_242 : i32 to vector<16xi32>
      %add3A_244 = arith.addi %add3A_241, %add3A_243 : vector<16xi32>
      %mul3A_245 = arith.constant 512 : i32
      %mul3A_246 = vector.broadcast %mul3A_245 : i32 to vector<16xi32>
      %mul3A_247 = arith.muli %min3A_174, %mul3A_246 : vector<16xi32>
      %add3A_248 = arith.addi %mul3A_247, %convert_element_type3A : vector<16xi32>
      %add3A_249 = arith.constant 524288 : i32
      %add3A_250 = vector.broadcast %add3A_249 : i32 to vector<16xi32>
      %add3A_251 = arith.addi %add3A_248, %add3A_250 : vector<16xi32>
      %mul3A_252 = arith.constant 512 : i32
      %mul3A_253 = vector.broadcast %mul3A_252 : i32 to vector<16xi32>
      %mul3A_254 = arith.muli %min3A_174, %mul3A_253 : vector<16xi32>
      %add3A_255 = arith.addi %mul3A_254, %min3A_150 : vector<16xi32>
      %add3A_256 = arith.constant 524288 : i32
      %add3A_257 = vector.broadcast %add3A_256 : i32 to vector<16xi32>
      %add3A_258 = arith.addi %add3A_255, %add3A_257 : vector<16xi32>
      %mul3A_259 = arith.constant 16 : i32
      %mul3A_260 = arith.muli %scan3A_89, %mul3A_259 : i32
      %add3A_261 = arith.constant 0 : i32
      %add3A_262 = arith.addi %add3A_261, %mul3A_260 : i32
      %swap3A = arith.constant 0 : i32
      %swap3A_263 = arith.index_cast %swap3A : i32 to index
      %swap3A_264 = arith.index_cast %add3A_262 : i32 to index
      %swap3A_265 = tpu.vector_load %arg8[%swap3A_263, %swap3A_264] {strides = array<i32>} : memref<2x1536xi32, #tpu.memory_space<vmem>>, vector<16xi32>,
      tpu.vector_store %arg8[%swap3A_263, %swap3A_264], %add3A_181 {strides = array<i32>} : memref<2x1536xi32, #tpu.memory_space<vmem>>, vector<16xi32>,
      %mul3A_266 = arith.constant 16 : i32
      %mul3A_267 = arith.muli %scan3A_89, %mul3A_266 : i32
      %add3A_268 = arith.constant 128 : i32
      %add3A_269 = arith.addi %add3A_268, %mul3A_267 : i32
      %swap3A_270 = arith.constant 0 : i32
      %swap3A_271 = arith.index_cast %swap3A_270 : i32 to index
      %swap3A_272 = arith.index_cast %add3A_269 : i32 to index
      %swap3A_273 = tpu.vector_load %arg8[%swap3A_271, %swap3A_272] {strides = array<i32>} : memref<2x1536xi32, #tpu.memory_space<vmem>>, vector<16xi32>,
      tpu.vector_store %arg8[%swap3A_271, %swap3A_272], %add3A_188 {strides = array<i32>} : memref<2x1536xi32, #tpu.memory_space<vmem>>, vector<16xi32>,
      %mul3A_274 = arith.constant 16 : i32
      %mul3A_275 = arith.muli %scan3A_89, %mul3A_274 : i32
      %add3A_276 = arith.constant 256 : i32
      %add3A_277 = arith.addi %add3A_276, %mul3A_275 : i32
      %swap3A_278 = arith.constant 0 : i32
      %swap3A_279 = arith.index_cast %swap3A_278 : i32 to index
      %swap3A_280 = arith.index_cast %add3A_277 : i32 to index
      %swap3A_281 = tpu.vector_load %arg8[%swap3A_279, %swap3A_280] {strides = array<i32>} : memref<2x1536xi32, #tpu.memory_space<vmem>>, vector<16xi32>,
      tpu.vector_store %arg8[%swap3A_279, %swap3A_280], %add3A_195 {strides = array<i32>} : memref<2x1536xi32, #tpu.memory_space<vmem>>, vector<16xi32>,
      %mul3A_282 = arith.constant 16 : i32
      %mul3A_283 = arith.muli %scan3A_89, %mul3A_282 : i32
      %add3A_284 = arith.constant 384 : i32
      %add3A_285 = arith.addi %add3A_284, %mul3A_283 : i32
      %swap3A_286 = arith.constant 0 : i32
      %swap3A_287 = arith.index_cast %swap3A_286 : i32 to index
      %swap3A_288 = arith.index_cast %add3A_285 : i32 to index
      %swap3A_289 = tpu.vector_load %arg8[%swap3A_287, %swap3A_288] {strides = array<i32>} : memref<2x1536xi32, #tpu.memory_space<vmem>>, vector<16xi32>,
      tpu.vector_store %arg8[%swap3A_287, %swap3A_288], %add3A_202 {strides = array<i32>} : memref<2x1536xi32, #tpu.memory_space<vmem>>, vector<16xi32>,
      %mul3A_290 = arith.constant 16 : i32
      %mul3A_291 = arith.muli %scan3A_89, %mul3A_290 : i32
      %add3A_292 = arith.constant 512 : i32
      %add3A_293 = arith.addi %add3A_292, %mul3A_291 : i32
      %swap3A_294 = arith.constant 0 : i32
      %swap3A_295 = arith.index_cast %swap3A_294 : i32 to index
      %swap3A_296 = arith.index_cast %add3A_293 : i32 to index
      %swap3A_297 = tpu.vector_load %arg8[%swap3A_295, %swap3A_296] {strides = array<i32>} : memref<2x1536xi32, #tpu.memory_space<vmem>>, vector<16xi32>,
      tpu.vector_store %arg8[%swap3A_295, %swap3A_296], %add3A_209 {strides = array<i32>} : memref<2x1536xi32, #tpu.memory_space<vmem>>, vector<16xi32>,
      %mul3A_298 = arith.constant 16 : i32
      %mul3A_299 = arith.muli %scan3A_89, %mul3A_298 : i32
      %add3A_300 = arith.constant 640 : i32
      %add3A_301 = arith.addi %add3A_300, %mul3A_299 : i32
      %swap3A_302 = arith.constant 0 : i32
      %swap3A_303 = arith.index_cast %swap3A_302 : i32 to index
      %swap3A_304 = arith.index_cast %add3A_301 : i32 to index
      %swap3A_305 = tpu.vector_load %arg8[%swap3A_303, %swap3A_304] {strides = array<i32>} : memref<2x1536xi32, #tpu.memory_space<vmem>>, vector<16xi32>,
      tpu.vector_store %arg8[%swap3A_303, %swap3A_304], %add3A_216 {strides = array<i32>} : memref<2x1536xi32, #tpu.memory_space<vmem>>, vector<16xi32>,
      %mul3A_306 = arith.constant 16 : i32
      %mul3A_307 = arith.muli %scan3A_89, %mul3A_306 : i32
      %add3A_308 = arith.constant 768 : i32
      %add3A_309 = arith.addi %add3A_308, %mul3A_307 : i32
      %swap3A_310 = arith.constant 0 : i32
      %swap3A_311 = arith.index_cast %swap3A_310 : i32 to index
      %swap3A_312 = arith.index_cast %add3A_309 : i32 to index
      %swap3A_313 = tpu.vector_load %arg8[%swap3A_311, %swap3A_312] {strides = array<i32>} : memref<2x1536xi32, #tpu.memory_space<vmem>>, vector<16xi32>,
      tpu.vector_store %arg8[%swap3A_311, %swap3A_312], %add3A_223 {strides = array<i32>} : memref<2x1536xi32, #tpu.memory_space<vmem>>, vector<16xi32>,
      %mul3A_314 = arith.constant 16 : i32
      %mul3A_315 = arith.muli %scan3A_89, %mul3A_314 : i32
      %add3A_316 = arith.constant 896 : i32
      %add3A_317 = arith.addi %add3A_316, %mul3A_315 : i32
      %swap3A_318 = arith.constant 0 : i32
      %swap3A_319 = arith.index_cast %swap3A_318 : i32 to index
      %swap3A_320 = arith.index_cast %add3A_317 : i32 to index
      %swap3A_321 = tpu.vector_load %arg8[%swap3A_319, %swap3A_320] {strides = array<i32>} : memref<2x1536xi32, #tpu.memory_space<vmem>>, vector<16xi32>,
      tpu.vector_store %arg8[%swap3A_319, %swap3A_320], %add3A_230 {strides = array<i32>} : memref<2x1536xi32, #tpu.memory_space<vmem>>, vector<16xi32>,
      %mul3A_322 = arith.constant 16 : i32
      %mul3A_323 = arith.muli %scan3A_89, %mul3A_322 : i32
      %add3A_324 = arith.constant 1024 : i32
      %add3A_325 = arith.addi %add3A_324, %mul3A_323 : i32
      %swap3A_326 = arith.constant 0 : i32
      %swap3A_327 = arith.index_cast %swap3A_326 : i32 to index
      %swap3A_328 = arith.index_cast %add3A_325 : i32 to index
      %swap3A_329 = tpu.vector_load %arg8[%swap3A_327, %swap3A_328] {strides = array<i32>} : memref<2x1536xi32, #tpu.memory_space<vmem>>, vector<16xi32>,
      tpu.vector_store %arg8[%swap3A_327, %swap3A_328], %add3A_237 {strides = array<i32>} : memref<2x1536xi32, #tpu.memory_space<vmem>>, vector<16xi32>,
      %mul3A_330 = arith.constant 16 : i32
      %mul3A_331 = arith.muli %scan3A_89, %mul3A_330 : i32
      %add3A_332 = arith.constant 1152 : i32
      %add3A_333 = arith.addi %add3A_332, %mul3A_331 : i32
      %swap3A_334 = arith.constant 0 : i32
      %swap3A_335 = arith.index_cast %swap3A_334 : i32 to index
      %swap3A_336 = arith.index_cast %add3A_333 : i32 to index
      %swap3A_337 = tpu.vector_load %arg8[%swap3A_335, %swap3A_336] {strides = array<i32>} : memref<2x1536xi32, #tpu.memory_space<vmem>>, vector<16xi32>,
      tpu.vector_store %arg8[%swap3A_335, %swap3A_336], %add3A_244 {strides = array<i32>} : memref<2x1536xi32, #tpu.memory_space<vmem>>, vector<16xi32>,
      %mul3A_338 = arith.constant 16 : i32
      %mul3A_339 = arith.muli %scan3A_89, %mul3A_338 : i32
      %add3A_340 = arith.constant 1280 : i32
      %add3A_341 = arith.addi %add3A_340, %mul3A_339 : i32
      %swap3A_342 = arith.constant 0 : i32
      %swap3A_343 = arith.index_cast %swap3A_342 : i32 to index
      %swap3A_344 = arith.index_cast %add3A_341 : i32 to index
      %swap3A_345 = tpu.vector_load %arg8[%swap3A_343, %swap3A_344] {strides = array<i32>} : memref<2x1536xi32, #tpu.memory_space<vmem>>, vector<16xi32>,
      tpu.vector_store %arg8[%swap3A_343, %swap3A_344], %add3A_251 {strides = array<i32>} : memref<2x1536xi32, #tpu.memory_space<vmem>>, vector<16xi32>,
      %mul3A_346 = arith.constant 16 : i32
      %mul3A_347 = arith.muli %scan3A_89, %mul3A_346 : i32
      %add3A_348 = arith.constant 1408 : i32
      %add3A_349 = arith.addi %add3A_348, %mul3A_347 : i32
      %swap3A_350 = arith.constant 0 : i32
      %swap3A_351 = arith.index_cast %swap3A_350 : i32 to index
      %swap3A_352 = arith.index_cast %add3A_349 : i32 to index
      %swap3A_353 = tpu.vector_load %arg8[%swap3A_351, %swap3A_352] {strides = array<i32>} : memref<2x1536xi32, #tpu.memory_space<vmem>>, vector<16xi32>,
      tpu.vector_store %arg8[%swap3A_351, %swap3A_352], %add3A_258 {strides = array<i32>} : memref<2x1536xi32, #tpu.memory_space<vmem>>, vector<16xi32>,
      %mul3A_354 = arith.constant 16 : i32
      %mul3A_355 = arith.muli %scan3A_89, %mul3A_354 : i32
      %add3A_356 = arith.constant 0 : i32
      %add3A_357 = arith.addi %add3A_356, %mul3A_355 : i32
      %swap3A_358 = arith.constant 0 : i32
      %swap3A_359 = arith.index_cast %swap3A_358 : i32 to index
      %swap3A_360 = arith.index_cast %add3A_357 : i32 to index
      %swap3A_361 = tpu.vector_load %arg9[%swap3A_359, %swap3A_360] {strides = array<i32>} : memref<2x1536xf32, #tpu.memory_space<vmem>>, vector<16xf32>,
      tpu.vector_store %arg9[%swap3A_359, %swap3A_360], %sub3A_144 {strides = array<i32>} : memref<2x1536xf32, #tpu.memory_space<vmem>>, vector<16xf32>,
      %mul3A_362 = arith.constant 16 : i32
      %mul3A_363 = arith.muli %scan3A_89, %mul3A_362 : i32
      %add3A_364 = arith.constant 128 : i32
      %add3A_365 = arith.addi %add3A_364, %mul3A_363 : i32
      %swap3A_366 = arith.constant 0 : i32
      %swap3A_367 = arith.index_cast %swap3A_366 : i32 to index
      %swap3A_368 = arith.index_cast %add3A_365 : i32 to index
      %swap3A_369 = tpu.vector_load %arg9[%swap3A_367, %swap3A_368] {strides = array<i32>} : memref<2x1536xf32, #tpu.memory_space<vmem>>, vector<16xf32>,
      tpu.vector_store %arg9[%swap3A_367, %swap3A_368], %sub3A_156 {strides = array<i32>} : memref<2x1536xf32, #tpu.memory_space<vmem>>, vector<16xf32>,
      %mul3A_370 = arith.constant 16 : i32
      %mul3A_371 = arith.muli %scan3A_89, %mul3A_370 : i32
      %add3A_372 = arith.constant 256 : i32
      %add3A_373 = arith.addi %add3A_372, %mul3A_371 : i32
      %swap3A_374 = arith.constant 0 : i32
      %swap3A_375 = arith.index_cast %swap3A_374 : i32 to index
      %swap3A_376 = arith.index_cast %add3A_373 : i32 to index
      %swap3A_377 = tpu.vector_load %arg9[%swap3A_375, %swap3A_376] {strides = array<i32>} : memref<2x1536xf32, #tpu.memory_space<vmem>>, vector<16xf32>,
      tpu.vector_store %arg9[%swap3A_375, %swap3A_376], %sub3A_168 {strides = array<i32>} : memref<2x1536xf32, #tpu.memory_space<vmem>>, vector<16xf32>,
      %mul3A_378 = arith.constant 87 : i32
      %mul3A_379 = vector.broadcast %mul3A_378 : i32 to vector<16xi32>
      %mul3A_380 = arith.muli %add3A_93, %mul3A_379 : vector<16xi32>
      %mul3A_381 = arith.constant 2.000000e+00 : f32
      %mul3A_382 = vector.broadcast %mul3A_381 : f32 to vector<16xf32>
      %mul3A_383 = arith.mulf %mul3A_382, %min3A_121 : vector<16xf32>
      %sub3A_384 = arith.constant 1.000000e+00 : f32
      %sub3A_385 = vector.broadcast %sub3A_384 : f32 to vector<16xf32>
      %sub3A_386 = arith.subf %mul3A_383, %sub3A_385 : vector<16xf32>
      %mul3A_387 = arith.constant 2.000000e+00 : f32
      %mul3A_388 = vector.broadcast %mul3A_387 : f32 to vector<16xf32>
      %mul3A_389 = arith.mulf %mul3A_388, %min3A_130 : vector<16xf32>
      %sub3A_390 = arith.constant 1.000000e+00 : f32
      %sub3A_391 = vector.broadcast %sub3A_390 : f32 to vector<16xf32>
      %sub3A_392 = arith.subf %mul3A_389, %sub3A_391 : vector<16xf32>
      %mul3A_393 = arith.constant 2.000000e+00 : f32
      %mul3A_394 = vector.broadcast %mul3A_393 : f32 to vector<16xf32>
      %mul3A_395 = arith.mulf %mul3A_394, %min3A_139 : vector<16xf32>
      %sub3A_396 = arith.constant 1.000000e+00 : f32
      %sub3A_397 = vector.broadcast %sub3A_396 : f32 to vector<16xf32>
      %sub3A_398 = arith.subf %mul3A_395, %sub3A_397 : vector<16xf32>
      %add3A_399 = arith.constant 48 : i32
      %add3A_400 = vector.broadcast %add3A_399 : i32 to vector<16xi32>
      %add3A_401 = arith.addi %mul3A_380, %add3A_400 : vector<16xi32>
      %scatter3A = arith.constant 0 : i32
      %scatter3A_402 = arith.constant 0 : i32
      %scatter3A_403 = tpu.memref_slice %arg11[%scatter3A, %scatter3A_402] : memref<2x11136xf32, #tpu.memory_space<vmem>> -> memref<1x11136xf32, #tpu.memory_space<vmem>>
      %scatter3A_404 = tpu.memref_squeeze %scatter3A_403 : memref<1x11136xf32, #tpu.memory_space<vmem>> -> memref<11136xf32, #tpu.memory_space<vmem>>
      tpu.vector_store_idx %scatter3A_404[%add3A_401], %sub3A_386 : memref<11136xf32, #tpu.memory_space<vmem>>[vector<16xi32>], vector<16xf32>,
      %add3A_405 = arith.constant 49 : i32
      %add3A_406 = vector.broadcast %add3A_405 : i32 to vector<16xi32>
      %add3A_407 = arith.addi %mul3A_380, %add3A_406 : vector<16xi32>
      %scatter3A_408 = arith.constant 0 : i32
      %scatter3A_409 = arith.constant 0 : i32
      %scatter3A_410 = tpu.memref_slice %arg11[%scatter3A_408, %scatter3A_409] : memref<2x11136xf32, #tpu.memory_space<vmem>> -> memref<1x11136xf32, #tpu.memory_space<vmem>>
      %scatter3A_411 = tpu.memref_squeeze %scatter3A_410 : memref<1x11136xf32, #tpu.memory_space<vmem>> -> memref<11136xf32, #tpu.memory_space<vmem>>
      tpu.vector_store_idx %scatter3A_411[%add3A_407], %sub3A_392 : memref<11136xf32, #tpu.memory_space<vmem>>[vector<16xi32>], vector<16xf32>,
      %add3A_412 = arith.constant 50 : i32
      %add3A_413 = vector.broadcast %add3A_412 : i32 to vector<16xi32>
      %add3A_414 = arith.addi %mul3A_380, %add3A_413 : vector<16xi32>
      %scatter3A_415 = arith.constant 0 : i32
      %scatter3A_416 = arith.constant 0 : i32
      %scatter3A_417 = tpu.memref_slice %arg11[%scatter3A_415, %scatter3A_416] : memref<2x11136xf32, #tpu.memory_space<vmem>> -> memref<1x11136xf32, #tpu.memory_space<vmem>>
      %scatter3A_418 = tpu.memref_squeeze %scatter3A_417 : memref<1x11136xf32, #tpu.memory_space<vmem>> -> memref<11136xf32, #tpu.memory_space<vmem>>
      tpu.vector_store_idx %scatter3A_418[%add3A_414], %sub3A_398 : memref<11136xf32, #tpu.memory_space<vmem>>[vector<16xi32>], vector<16xf32>,
      %mul3A_419 = arith.mulf %sub3A_386, %sub3A_386 : vector<16xf32>
      %mul3A_420 = arith.constant 2.75573188E-6 : f32
      %mul3A_421 = vector.broadcast %mul3A_420 : f32 to vector<16xf32>
      %mul3A_422 = arith.mulf %mul3A_421, %mul3A_419 : vector<16xf32>
      %add3A_423 = arith.constant -1.98412701E-4 : f32
      %add3A_424 = vector.broadcast %add3A_423 : f32 to vector<16xf32>
      %add3A_425 = arith.addf %mul3A_422, %add3A_424 : vector<16xf32>
      %mul3A_426 = arith.mulf %add3A_425, %mul3A_419 : vector<16xf32>
      %add3A_427 = arith.constant 0.00833333377 : f32
      %add3A_428 = vector.broadcast %add3A_427 : f32 to vector<16xf32>
      %add3A_429 = arith.addf %mul3A_426, %add3A_428 : vector<16xf32>
      %mul3A_430 = arith.mulf %add3A_429, %mul3A_419 : vector<16xf32>
      %add3A_431 = arith.constant -0.166666672 : f32
      %add3A_432 = vector.broadcast %add3A_431 : f32 to vector<16xf32>
      %add3A_433 = arith.addf %mul3A_430, %add3A_432 : vector<16xf32>
      %mul3A_434 = arith.mulf %add3A_433, %mul3A_419 : vector<16xf32>
      %add3A_435 = arith.constant 1.000000e+00 : f32
      %add3A_436 = vector.broadcast %add3A_435 : f32 to vector<16xf32>
      %add3A_437 = arith.addf %mul3A_434, %add3A_436 : vector<16xf32>
      %mul3A_438 = arith.mulf %sub3A_386, %add3A_437 : vector<16xf32>
      %mul3A_439 = arith.constant -2.755732E-7 : f32
      %mul3A_440 = vector.broadcast %mul3A_439 : f32 to vector<16xf32>
      %mul3A_441 = arith.mulf %mul3A_440, %mul3A_419 : vector<16xf32>
      %add3A_442 = arith.constant 2.48015876E-5 : f32
      %add3A_443 = vector.broadcast %add3A_442 : f32 to vector<16xf32>
      %add3A_444 = arith.addf %mul3A_441, %add3A_443 : vector<16xf32>
      %mul3A_445 = arith.mulf %add3A_444, %mul3A_419 : vector<16xf32>
      %add3A_446 = arith.constant -0.00138888892 : f32
      %add3A_447 = vector.broadcast %add3A_446 : f32 to vector<16xf32>
      %add3A_448 = arith.addf %mul3A_445, %add3A_447 : vector<16xf32>
      %mul3A_449 = arith.mulf %add3A_448, %mul3A_419 : vector<16xf32>
      %add3A_450 = arith.constant 0.0416666679 : f32
      %add3A_451 = vector.broadcast %add3A_450 : f32 to vector<16xf32>
      %add3A_452 = arith.addf %mul3A_449, %add3A_451 : vector<16xf32>
      %mul3A_453 = arith.mulf %add3A_452, %mul3A_419 : vector<16xf32>
      %add3A_454 = arith.constant -5.000000e-01 : f32
      %add3A_455 = vector.broadcast %add3A_454 : f32 to vector<16xf32>
      %add3A_456 = arith.addf %mul3A_453, %add3A_455 : vector<16xf32>
      %mul3A_457 = arith.mulf %add3A_456, %mul3A_419 : vector<16xf32>
      %add3A_458 = arith.constant 1.000000e+00 : f32
      %add3A_459 = vector.broadcast %add3A_458 : f32 to vector<16xf32>
      %add3A_460 = arith.addf %mul3A_457, %add3A_459 : vector<16xf32>
      %mul3A_461 = arith.mulf %sub3A_392, %sub3A_392 : vector<16xf32>
      %mul3A_462 = arith.constant 2.75573188E-6 : f32
      %mul3A_463 = vector.broadcast %mul3A_462 : f32 to vector<16xf32>
      %mul3A_464 = arith.mulf %mul3A_463, %mul3A_461 : vector<16xf32>
      %add3A_465 = arith.constant -1.98412701E-4 : f32
      %add3A_466 = vector.broadcast %add3A_465 : f32 to vector<16xf32>
      %add3A_467 = arith.addf %mul3A_464, %add3A_466 : vector<16xf32>
      %mul3A_468 = arith.mulf %add3A_467, %mul3A_461 : vector<16xf32>
      %add3A_469 = arith.constant 0.00833333377 : f32
      %add3A_470 = vector.broadcast %add3A_469 : f32 to vector<16xf32>
      %add3A_471 = arith.addf %mul3A_468, %add3A_470 : vector<16xf32>
      %mul3A_472 = arith.mulf %add3A_471, %mul3A_461 : vector<16xf32>
      %add3A_473 = arith.constant -0.166666672 : f32
      %add3A_474 = vector.broadcast %add3A_473 : f32 to vector<16xf32>
      %add3A_475 = arith.addf %mul3A_472, %add3A_474 : vector<16xf32>
      %mul3A_476 = arith.mulf %add3A_475, %mul3A_461 : vector<16xf32>
      %add3A_477 = arith.constant 1.000000e+00 : f32
      %add3A_478 = vector.broadcast %add3A_477 : f32 to vector<16xf32>
      %add3A_479 = arith.addf %mul3A_476, %add3A_478 : vector<16xf32>
      %mul3A_480 = arith.mulf %sub3A_392, %add3A_479 : vector<16xf32>
      %mul3A_481 = arith.constant -2.755732E-7 : f32
      %mul3A_482 = vector.broadcast %mul3A_481 : f32 to vector<16xf32>
      %mul3A_483 = arith.mulf %mul3A_482, %mul3A_461 : vector<16xf32>
      %add3A_484 = arith.constant 2.48015876E-5 : f32
      %add3A_485 = vector.broadcast %add3A_484 : f32 to vector<16xf32>
      %add3A_486 = arith.addf %mul3A_483, %add3A_485 : vector<16xf32>
      %mul3A_487 = arith.mulf %add3A_486, %mul3A_461 : vector<16xf32>
      %add3A_488 = arith.constant -0.00138888892 : f32
      %add3A_489 = vector.broadcast %add3A_488 : f32 to vector<16xf32>
      %add3A_490 = arith.addf %mul3A_487, %add3A_489 : vector<16xf32>
      %mul3A_491 = arith.mulf %add3A_490, %mul3A_461 : vector<16xf32>
      %add3A_492 = arith.constant 0.0416666679 : f32
      %add3A_493 = vector.broadcast %add3A_492 : f32 to vector<16xf32>
      %add3A_494 = arith.addf %mul3A_491, %add3A_493 : vector<16xf32>
      %mul3A_495 = arith.mulf %add3A_494, %mul3A_461 : vector<16xf32>
      %add3A_496 = arith.constant -5.000000e-01 : f32
      %add3A_497 = vector.broadcast %add3A_496 : f32 to vector<16xf32>
      %add3A_498 = arith.addf %mul3A_495, %add3A_497 : vector<16xf32>
      %mul3A_499 = arith.mulf %add3A_498, %mul3A_461 : vector<16xf32>
      %add3A_500 = arith.constant 1.000000e+00 : f32
      %add3A_501 = vector.broadcast %add3A_500 : f32 to vector<16xf32>
      %add3A_502 = arith.addf %mul3A_499, %add3A_501 : vector<16xf32>
      %mul3A_503 = arith.mulf %sub3A_398, %sub3A_398 : vector<16xf32>
      %mul3A_504 = arith.constant 2.75573188E-6 : f32
      %mul3A_505 = vector.broadcast %mul3A_504 : f32 to vector<16xf32>
      %mul3A_506 = arith.mulf %mul3A_505, %mul3A_503 : vector<16xf32>
      %add3A_507 = arith.constant -1.98412701E-4 : f32
      %add3A_508 = vector.broadcast %add3A_507 : f32 to vector<16xf32>
      %add3A_509 = arith.addf %mul3A_506, %add3A_508 : vector<16xf32>
      %mul3A_510 = arith.mulf %add3A_509, %mul3A_503 : vector<16xf32>
      %add3A_511 = arith.constant 0.00833333377 : f32
      %add3A_512 = vector.broadcast %add3A_511 : f32 to vector<16xf32>
      %add3A_513 = arith.addf %mul3A_510, %add3A_512 : vector<16xf32>
      %mul3A_514 = arith.mulf %add3A_513, %mul3A_503 : vector<16xf32>
      %add3A_515 = arith.constant -0.166666672 : f32
      %add3A_516 = vector.broadcast %add3A_515 : f32 to vector<16xf32>
      %add3A_517 = arith.addf %mul3A_514, %add3A_516 : vector<16xf32>
      %mul3A_518 = arith.mulf %add3A_517, %mul3A_503 : vector<16xf32>
      %add3A_519 = arith.constant 1.000000e+00 : f32
      %add3A_520 = vector.broadcast %add3A_519 : f32 to vector<16xf32>
      %add3A_521 = arith.addf %mul3A_518, %add3A_520 : vector<16xf32>
      %mul3A_522 = arith.mulf %sub3A_398, %add3A_521 : vector<16xf32>
      %mul3A_523 = arith.constant -2.755732E-7 : f32
      %mul3A_524 = vector.broadcast %mul3A_523 : f32 to vector<16xf32>
      %mul3A_525 = arith.mulf %mul3A_524, %mul3A_503 : vector<16xf32>
      %add3A_526 = arith.constant 2.48015876E-5 : f32
      %add3A_527 = vector.broadcast %add3A_526 : f32 to vector<16xf32>
      %add3A_528 = arith.addf %mul3A_525, %add3A_527 : vector<16xf32>
      %mul3A_529 = arith.mulf %add3A_528, %mul3A_503 : vector<16xf32>
      %add3A_530 = arith.constant -0.00138888892 : f32
      %add3A_531 = vector.broadcast %add3A_530 : f32 to vector<16xf32>
      %add3A_532 = arith.addf %mul3A_529, %add3A_531 : vector<16xf32>
      %mul3A_533 = arith.mulf %add3A_532, %mul3A_503 : vector<16xf32>
      %add3A_534 = arith.constant 0.0416666679 : f32
      %add3A_535 = vector.broadcast %add3A_534 : f32 to vector<16xf32>
      %add3A_536 = arith.addf %mul3A_533, %add3A_535 : vector<16xf32>
      %mul3A_537 = arith.mulf %add3A_536, %mul3A_503 : vector<16xf32>
      %add3A_538 = arith.constant -5.000000e-01 : f32
      %add3A_539 = vector.broadcast %add3A_538 : f32 to vector<16xf32>
      %add3A_540 = arith.addf %mul3A_537, %add3A_539 : vector<16xf32>
      %mul3A_541 = arith.mulf %add3A_540, %mul3A_503 : vector<16xf32>
      %add3A_542 = arith.constant 1.000000e+00 : f32
      %add3A_543 = vector.broadcast %add3A_542 : f32 to vector<16xf32>
      %add3A_544 = arith.addf %mul3A_541, %add3A_543 : vector<16xf32>
      %add3A_545 = arith.constant 51 : i32
      %add3A_546 = vector.broadcast %add3A_545 : i32 to vector<16xi32>
      %add3A_547 = arith.addi %mul3A_380, %add3A_546 : vector<16xi32>
      %scatter3A_548 = arith.constant 0 : i32
      %scatter3A_549 = arith.constant 0 : i32
      %scatter3A_550 = tpu.memref_slice %arg11[%scatter3A_548, %scatter3A_549] : memref<2x11136xf32, #tpu.memory_space<vmem>> -> memref<1x11136xf32, #tpu.memory_space<vmem>>
      %scatter3A_551 = tpu.memref_squeeze %scatter3A_550 : memref<1x11136xf32, #tpu.memory_space<vmem>> -> memref<11136xf32, #tpu.memory_space<vmem>>
      tpu.vector_store_idx %scatter3A_551[%add3A_547], %mul3A_438 : memref<11136xf32, #tpu.memory_space<vmem>>[vector<16xi32>], vector<16xf32>,
      %add3A_552 = arith.constant 54 : i32
      %add3A_553 = vector.broadcast %add3A_552 : i32 to vector<16xi32>
      %add3A_554 = arith.addi %mul3A_380, %add3A_553 : vector<16xi32>
      %scatter3A_555 = arith.constant 0 : i32
      %scatter3A_556 = arith.constant 0 : i32
      %scatter3A_557 = tpu.memref_slice %arg11[%scatter3A_555, %scatter3A_556] : memref<2x11136xf32, #tpu.memory_space<vmem>> -> memref<1x11136xf32, #tpu.memory_space<vmem>>
      %scatter3A_558 = tpu.memref_squeeze %scatter3A_557 : memref<1x11136xf32, #tpu.memory_space<vmem>> -> memref<11136xf32, #tpu.memory_space<vmem>>
      tpu.vector_store_idx %scatter3A_558[%add3A_554], %add3A_460 : memref<11136xf32, #tpu.memory_space<vmem>>[vector<16xi32>], vector<16xf32>,
      %mul3A_559 = arith.constant 2.000000e+00 : f32
      %mul3A_560 = vector.broadcast %mul3A_559 : f32 to vector<16xf32>
      %mul3A_561 = arith.mulf %mul3A_560, %mul3A_438 : vector<16xf32>
      %mul3A_562 = arith.mulf %mul3A_561, %add3A_460 : vector<16xf32>
      %mul3A_563 = arith.constant 2.000000e+00 : f32
      %mul3A_564 = vector.broadcast %mul3A_563 : f32 to vector<16xf32>
      %mul3A_565 = arith.mulf %mul3A_564, %mul3A_438 : vector<16xf32>
      %mul3A_566 = arith.mulf %mul3A_565, %mul3A_438 : vector<16xf32>
      %sub3A_567 = arith.constant 1.000000e+00 : f32
      %sub3A_568 = vector.broadcast %sub3A_567 : f32 to vector<16xf32>
      %sub3A_569 = arith.subf %sub3A_568, %mul3A_566 : vector<16xf32>
      %add3A_570 = arith.constant 52 : i32
      %add3A_571 = vector.broadcast %add3A_570 : i32 to vector<16xi32>
      %add3A_572 = arith.addi %mul3A_380, %add3A_571 : vector<16xi32>
      %scatter3A_573 = arith.constant 0 : i32
      %scatter3A_574 = arith.constant 0 : i32
      %scatter3A_575 = tpu.memref_slice %arg11[%scatter3A_573, %scatter3A_574] : memref<2x11136xf32, #tpu.memory_space<vmem>> -> memref<1x11136xf32, #tpu.memory_space<vmem>>
      %scatter3A_576 = tpu.memref_squeeze %scatter3A_575 : memref<1x11136xf32, #tpu.memory_space<vmem>> -> memref<11136xf32, #tpu.memory_space<vmem>>
      tpu.vector_store_idx %scatter3A_576[%add3A_572], %mul3A_480 : memref<11136xf32, #tpu.memory_space<vmem>>[vector<16xi32>], vector<16xf32>,
      %add3A_577 = arith.constant 55 : i32
      %add3A_578 = vector.broadcast %add3A_577 : i32 to vector<16xi32>
      %add3A_579 = arith.addi %mul3A_380, %add3A_578 : vector<16xi32>
      %scatter3A_580 = arith.constant 0 : i32
      %scatter3A_581 = arith.constant 0 : i32
      %scatter3A_582 = tpu.memref_slice %arg11[%scatter3A_580, %scatter3A_581] : memref<2x11136xf32, #tpu.memory_space<vmem>> -> memref<1x11136xf32, #tpu.memory_space<vmem>>
      %scatter3A_583 = tpu.memref_squeeze %scatter3A_582 : memref<1x11136xf32, #tpu.memory_space<vmem>> -> memref<11136xf32, #tpu.memory_space<vmem>>
      tpu.vector_store_idx %scatter3A_583[%add3A_579], %add3A_502 : memref<11136xf32, #tpu.memory_space<vmem>>[vector<16xi32>], vector<16xf32>,
      %mul3A_584 = arith.constant 2.000000e+00 : f32
      %mul3A_585 = vector.broadcast %mul3A_584 : f32 to vector<16xf32>
      %mul3A_586 = arith.mulf %mul3A_585, %mul3A_480 : vector<16xf32>
      %mul3A_587 = arith.mulf %mul3A_586, %add3A_502 : vector<16xf32>
      %mul3A_588 = arith.constant 2.000000e+00 : f32
      %mul3A_589 = vector.broadcast %mul3A_588 : f32 to vector<16xf32>
      %mul3A_590 = arith.mulf %mul3A_589, %mul3A_480 : vector<16xf32>
      %mul3A_591 = arith.mulf %mul3A_590, %mul3A_480 : vector<16xf32>
      %sub3A_592 = arith.constant 1.000000e+00 : f32
      %sub3A_593 = vector.broadcast %sub3A_592 : f32 to vector<16xf32>
      %sub3A_594 = arith.subf %sub3A_593, %mul3A_591 : vector<16xf32>
      %add3A_595 = arith.constant 53 : i32
      %add3A_596 = vector.broadcast %add3A_595 : i32 to vector<16xi32>
      %add3A_597 = arith.addi %mul3A_380, %add3A_596 : vector<16xi32>
      %scatter3A_598 = arith.constant 0 : i32
      %scatter3A_599 = arith.constant 0 : i32
      %scatter3A_600 = tpu.memref_slice %arg11[%scatter3A_598, %scatter3A_599] : memref<2x11136xf32, #tpu.memory_space<vmem>> -> memref<1x11136xf32, #tpu.memory_space<vmem>>
      %scatter3A_601 = tpu.memref_squeeze %scatter3A_600 : memref<1x11136xf32, #tpu.memory_space<vmem>> -> memref<11136xf32, #tpu.memory_space<vmem>>
      tpu.vector_store_idx %scatter3A_601[%add3A_597], %mul3A_522 : memref<11136xf32, #tpu.memory_space<vmem>>[vector<16xi32>], vector<16xf32>,
      %add3A_602 = arith.constant 56 : i32
      %add3A_603 = vector.broadcast %add3A_602 : i32 to vector<16xi32>
      %add3A_604 = arith.addi %mul3A_380, %add3A_603 : vector<16xi32>
      %scatter3A_605 = arith.constant 0 : i32
      %scatter3A_606 = arith.constant 0 : i32
      %scatter3A_607 = tpu.memref_slice %arg11[%scatter3A_605, %scatter3A_606] : memref<2x11136xf32, #tpu.memory_space<vmem>> -> memref<1x11136xf32, #tpu.memory_space<vmem>>
      %scatter3A_608 = tpu.memref_squeeze %scatter3A_607 : memref<1x11136xf32, #tpu.memory_space<vmem>> -> memref<11136xf32, #tpu.memory_space<vmem>>
      tpu.vector_store_idx %scatter3A_608[%add3A_604], %add3A_544 : memref<11136xf32, #tpu.memory_space<vmem>>[vector<16xi32>], vector<16xf32>,
      %mul3A_609 = arith.constant 2.000000e+00 : f32
      %mul3A_610 = vector.broadcast %mul3A_609 : f32 to vector<16xf32>
      %mul3A_611 = arith.mulf %mul3A_610, %mul3A_522 : vector<16xf32>
      %mul3A_612 = arith.mulf %mul3A_611, %add3A_544 : vector<16xf32>
      %mul3A_613 = arith.constant 2.000000e+00 : f32
      %mul3A_614 = vector.broadcast %mul3A_613 : f32 to vector<16xf32>
      %mul3A_615 = arith.mulf %mul3A_614, %mul3A_522 : vector<16xf32>
      %mul3A_616 = arith.mulf %mul3A_615, %mul3A_522 : vector<16xf32>
      %sub3A_617 = arith.constant 1.000000e+00 : f32
      %sub3A_618 = vector.broadcast %sub3A_617 : f32 to vector<16xf32>
      %sub3A_619 = arith.subf %sub3A_618, %mul3A_616 : vector<16xf32>
      %add3A_620 = arith.constant 57 : i32
      %add3A_621 = vector.broadcast %add3A_620 : i32 to vector<16xi32>
      %add3A_622 = arith.addi %mul3A_380, %add3A_621 : vector<16xi32>
      %scatter3A_623 = arith.constant 0 : i32
      %scatter3A_624 = arith.constant 0 : i32
      %scatter3A_625 = tpu.memref_slice %arg11[%scatter3A_623, %scatter3A_624] : memref<2x11136xf32, #tpu.memory_space<vmem>> -> memref<1x11136xf32, #tpu.memory_space<vmem>>
      %scatter3A_626 = tpu.memref_squeeze %scatter3A_625 : memref<1x11136xf32, #tpu.memory_space<vmem>> -> memref<11136xf32, #tpu.memory_space<vmem>>
      tpu.vector_store_idx %scatter3A_626[%add3A_622], %mul3A_562 : memref<11136xf32, #tpu.memory_space<vmem>>[vector<16xi32>], vector<16xf32>,
      %add3A_627 = arith.constant 60 : i32
      %add3A_628 = vector.broadcast %add3A_627 : i32 to vector<16xi32>
      %add3A_629 = arith.addi %mul3A_380, %add3A_628 : vector<16xi32>
      %scatter3A_630 = arith.constant 0 : i32
      %scatter3A_631 = arith.constant 0 : i32
      %scatter3A_632 = tpu.memref_slice %arg11[%scatter3A_630, %scatter3A_631] : memref<2x11136xf32, #tpu.memory_space<vmem>> -> memref<1x11136xf32, #tpu.memory_space<vmem>>
      %scatter3A_633 = tpu.memref_squeeze %scatter3A_632 : memref<1x11136xf32, #tpu.memory_space<vmem>> -> memref<11136xf32, #tpu.memory_space<vmem>>
      tpu.vector_store_idx %scatter3A_633[%add3A_629], %sub3A_569 : memref<11136xf32, #tpu.memory_space<vmem>>[vector<16xi32>], vector<16xf32>,
      %mul3A_634 = arith.constant 2.000000e+00 : f32
      %mul3A_635 = vector.broadcast %mul3A_634 : f32 to vector<16xf32>
      %mul3A_636 = arith.mulf %mul3A_635, %mul3A_562 : vector<16xf32>
      %mul3A_637 = arith.mulf %mul3A_636, %sub3A_569 : vector<16xf32>
      %mul3A_638 = arith.constant 2.000000e+00 : f32
      %mul3A_639 = vector.broadcast %mul3A_638 : f32 to vector<16xf32>
      %mul3A_640 = arith.mulf %mul3A_639, %mul3A_562 : vector<16xf32>
      %mul3A_641 = arith.mulf %mul3A_640, %mul3A_562 : vector<16xf32>
      %sub3A_642 = arith.constant 1.000000e+00 : f32
      %sub3A_643 = vector.broadcast %sub3A_642 : f32 to vector<16xf32>
      %sub3A_644 = arith.subf %sub3A_643, %mul3A_641 : vector<16xf32>
      %add3A_645 = arith.constant 58 : i32
      %add3A_646 = vector.broadcast %add3A_645 : i32 to vector<16xi32>
      %add3A_647 = arith.addi %mul3A_380, %add3A_646 : vector<16xi32>
      %scatter3A_648 = arith.constant 0 : i32
      %scatter3A_649 = arith.constant 0 : i32
      %scatter3A_650 = tpu.memref_slice %arg11[%scatter3A_648, %scatter3A_649] : memref<2x11136xf32, #tpu.memory_space<vmem>> -> memref<1x11136xf32, #tpu.memory_space<vmem>>
      %scatter3A_651 = tpu.memref_squeeze %scatter3A_650 : memref<1x11136xf32, #tpu.memory_space<vmem>> -> memref<11136xf32, #tpu.memory_space<vmem>>
      tpu.vector_store_idx %scatter3A_651[%add3A_647], %mul3A_587 : memref<11136xf32, #tpu.memory_space<vmem>>[vector<16xi32>], vector<16xf32>,
      %add3A_652 = arith.constant 61 : i32
      %add3A_653 = vector.broadcast %add3A_652 : i32 to vector<16xi32>
      %add3A_654 = arith.addi %mul3A_380, %add3A_653 : vector<16xi32>
      %scatter3A_655 = arith.constant 0 : i32
      %scatter3A_656 = arith.constant 0 : i32
      %scatter3A_657 = tpu.memref_slice %arg11[%scatter3A_655, %scatter3A_656] : memref<2x11136xf32, #tpu.memory_space<vmem>> -> memref<1x11136xf32, #tpu.memory_space<vmem>>
      %scatter3A_658 = tpu.memref_squeeze %scatter3A_657 : memref<1x11136xf32, #tpu.memory_space<vmem>> -> memref<11136xf32, #tpu.memory_space<vmem>>
      tpu.vector_store_idx %scatter3A_658[%add3A_654], %sub3A_594 : memref<11136xf32, #tpu.memory_space<vmem>>[vector<16xi32>], vector<16xf32>,
      %mul3A_659 = arith.constant 2.000000e+00 : f32
      %mul3A_660 = vector.broadcast %mul3A_659 : f32 to vector<16xf32>
      %mul3A_661 = arith.mulf %mul3A_660, %mul3A_587 : vector<16xf32>
      %mul3A_662 = arith.mulf %mul3A_661, %sub3A_594 : vector<16xf32>
      %mul3A_663 = arith.constant 2.000000e+00 : f32
      %mul3A_664 = vector.broadcast %mul3A_663 : f32 to vector<16xf32>
      %mul3A_665 = arith.mulf %mul3A_664, %mul3A_587 : vector<16xf32>
      %mul3A_666 = arith.mulf %mul3A_665, %mul3A_587 : vector<16xf32>
      %sub3A_667 = arith.constant 1.000000e+00 : f32
      %sub3A_668 = vector.broadcast %sub3A_667 : f32 to vector<16xf32>
      %sub3A_669 = arith.subf %sub3A_668, %mul3A_666 : vector<16xf32>
      %add3A_670 = arith.constant 59 : i32
      %add3A_671 = vector.broadcast %add3A_670 : i32 to vector<16xi32>
      %add3A_672 = arith.addi %mul3A_380, %add3A_671 : vector<16xi32>
      %scatter3A_673 = arith.constant 0 : i32
      %scatter3A_674 = arith.constant 0 : i32
      %scatter3A_675 = tpu.memref_slice %arg11[%scatter3A_673, %scatter3A_674] : memref<2x11136xf32, #tpu.memory_space<vmem>> -> memref<1x11136xf32, #tpu.memory_space<vmem>>
      %scatter3A_676 = tpu.memref_squeeze %scatter3A_675 : memref<1x11136xf32, #tpu.memory_space<vmem>> -> memref<11136xf32, #tpu.memory_space<vmem>>
      tpu.vector_store_idx %scatter3A_676[%add3A_672], %mul3A_612 : memref<11136xf32, #tpu.memory_space<vmem>>[vector<16xi32>], vector<16xf32>,
      %add3A_677 = arith.constant 62 : i32
      %add3A_678 = vector.broadcast %add3A_677 : i32 to vector<16xi32>
      %add3A_679 = arith.addi %mul3A_380, %add3A_678 : vector<16xi32>
      %scatter3A_680 = arith.constant 0 : i32
      %scatter3A_681 = arith.constant 0 : i32
      %scatter3A_682 = tpu.memref_slice %arg11[%scatter3A_680, %scatter3A_681] : memref<2x11136xf32, #tpu.memory_space<vmem>> -> memref<1x11136xf32, #tpu.memory_space<vmem>>
      %scatter3A_683 = tpu.memref_squeeze %scatter3A_682 : memref<1x11136xf32, #tpu.memory_space<vmem>> -> memref<11136xf32, #tpu.memory_space<vmem>>
      tpu.vector_store_idx %scatter3A_683[%add3A_679], %sub3A_619 : memref<11136xf32, #tpu.memory_space<vmem>>[vector<16xi32>], vector<16xf32>,
      %mul3A_684 = arith.constant 2.000000e+00 : f32
      %mul3A_685 = vector.broadcast %mul3A_684 : f32 to vector<16xf32>
      %mul3A_686 = arith.mulf %mul3A_685, %mul3A_612 : vector<16xf32>
      %mul3A_687 = arith.mulf %mul3A_686, %sub3A_619 : vector<16xf32>
      %mul3A_688 = arith.constant 2.000000e+00 : f32
      %mul3A_689 = vector.broadcast %mul3A_688 : f32 to vector<16xf32>
      %mul3A_690 = arith.mulf %mul3A_689, %mul3A_612 : vector<16xf32>
      %mul3A_691 = arith.mulf %mul3A_690, %mul3A_612 : vector<16xf32>
      %sub3A_692 = arith.constant 1.000000e+00 : f32
      %sub3A_693 = vector.broadcast %sub3A_692 : f32 to vector<16xf32>
      %sub3A_694 = arith.subf %sub3A_693, %mul3A_691 : vector<16xf32>
      %add3A_695 = arith.constant 63 : i32
      %add3A_696 = vector.broadcast %add3A_695 : i32 to vector<16xi32>
      %add3A_697 = arith.addi %mul3A_380, %add3A_696 : vector<16xi32>
      %scatter3A_698 = arith.constant 0 : i32
      %scatter3A_699 = arith.constant 0 : i32
      %scatter3A_700 = tpu.memref_slice %arg11[%scatter3A_698, %scatter3A_699] : memref<2x11136xf32, #tpu.memory_space<vmem>> -> memref<1x11136xf32, #tpu.memory_space<vmem>>
      %scatter3A_701 = tpu.memref_squeeze %scatter3A_700 : memref<1x11136xf32, #tpu.memory_space<vmem>> -> memref<11136xf32, #tpu.memory_space<vmem>>
      tpu.vector_store_idx %scatter3A_701[%add3A_697], %mul3A_637 : memref<11136xf32, #tpu.memory_space<vmem>>[vector<16xi32>], vector<16xf32>,
      %add3A_702 = arith.constant 66 : i32
      %add3A_703 = vector.broadcast %add3A_702 : i32 to vector<16xi32>
      %add3A_704 = arith.addi %mul3A_380, %add3A_703 : vector<16xi32>
      %scatter3A_705 = arith.constant 0 : i32
      %scatter3A_706 = arith.constant 0 : i32
      %scatter3A_707 = tpu.memref_slice %arg11[%scatter3A_705, %scatter3A_706] : memref<2x11136xf32, #tpu.memory_space<vmem>> -> memref<1x11136xf32, #tpu.memory_space<vmem>>
      %scatter3A_708 = tpu.memref_squeeze %scatter3A_707 : memref<1x11136xf32, #tpu.memory_space<vmem>> -> memref<11136xf32, #tpu.memory_space<vmem>>
      tpu.vector_store_idx %scatter3A_708[%add3A_704], %sub3A_644 : memref<11136xf32, #tpu.memory_space<vmem>>[vector<16xi32>], vector<16xf32>,
      %mul3A_709 = arith.constant 2.000000e+00 : f32
      %mul3A_710 = vector.broadcast %mul3A_709 : f32 to vector<16xf32>
      %mul3A_711 = arith.mulf %mul3A_710, %mul3A_637 : vector<16xf32>
      %mul3A_712 = arith.mulf %mul3A_711, %sub3A_644 : vector<16xf32>
      %mul3A_713 = arith.constant 2.000000e+00 : f32
      %mul3A_714 = vector.broadcast %mul3A_713 : f32 to vector<16xf32>
      %mul3A_715 = arith.mulf %mul3A_714, %mul3A_637 : vector<16xf32>
      %mul3A_716 = arith.mulf %mul3A_715, %mul3A_637 : vector<16xf32>
      %sub3A_717 = arith.constant 1.000000e+00 : f32
      %sub3A_718 = vector.broadcast %sub3A_717 : f32 to vector<16xf32>
      %sub3A_719 = arith.subf %sub3A_718, %mul3A_716 : vector<16xf32>
      %add3A_720 = arith.constant 64 : i32
      %add3A_721 = vector.broadcast %add3A_720 : i32 to vector<16xi32>
      %add3A_722 = arith.addi %mul3A_380, %add3A_721 : vector<16xi32>
      %scatter3A_723 = arith.constant 0 : i32
      %scatter3A_724 = arith.constant 0 : i32
      %scatter3A_725 = tpu.memref_slice %arg11[%scatter3A_723, %scatter3A_724] : memref<2x11136xf32, #tpu.memory_space<vmem>> -> memref<1x11136xf32, #tpu.memory_space<vmem>>
      %scatter3A_726 = tpu.memref_squeeze %scatter3A_725 : memref<1x11136xf32, #tpu.memory_space<vmem>> -> memref<11136xf32, #tpu.memory_space<vmem>>
      tpu.vector_store_idx %scatter3A_726[%add3A_722], %mul3A_662 : memref<11136xf32, #tpu.memory_space<vmem>>[vector<16xi32>], vector<16xf32>,
      %add3A_727 = arith.constant 67 : i32
      %add3A_728 = vector.broadcast %add3A_727 : i32 to vector<16xi32>
      %add3A_729 = arith.addi %mul3A_380, %add3A_728 : vector<16xi32>
      %scatter3A_730 = arith.constant 0 : i32
      %scatter3A_731 = arith.constant 0 : i32
      %scatter3A_732 = tpu.memref_slice %arg11[%scatter3A_730, %scatter3A_731] : memref<2x11136xf32, #tpu.memory_space<vmem>> -> memref<1x11136xf32, #tpu.memory_space<vmem>>
      %scatter3A_733 = tpu.memref_squeeze %scatter3A_732 : memref<1x11136xf32, #tpu.memory_space<vmem>> -> memref<11136xf32, #tpu.memory_space<vmem>>
      tpu.vector_store_idx %scatter3A_733[%add3A_729], %sub3A_669 : memref<11136xf32, #tpu.memory_space<vmem>>[vector<16xi32>], vector<16xf32>,
      %mul3A_734 = arith.constant 2.000000e+00 : f32
      %mul3A_735 = vector.broadcast %mul3A_734 : f32 to vector<16xf32>
      %mul3A_736 = arith.mulf %mul3A_735, %mul3A_662 : vector<16xf32>
      %mul3A_737 = arith.mulf %mul3A_736, %sub3A_669 : vector<16xf32>
      %mul3A_738 = arith.constant 2.000000e+00 : f32
      %mul3A_739 = vector.broadcast %mul3A_738 : f32 to vector<16xf32>
      %mul3A_740 = arith.mulf %mul3A_739, %mul3A_662 : vector<16xf32>
      %mul3A_741 = arith.mulf %mul3A_740, %mul3A_662 : vector<16xf32>
      %sub3A_742 = arith.constant 1.000000e+00 : f32
      %sub3A_743 = vector.broadcast %sub3A_742 : f32 to vector<16xf32>
      %sub3A_744 = arith.subf %sub3A_743, %mul3A_741 : vector<16xf32>
      %add3A_745 = arith.constant 65 : i32
      %add3A_746 = vector.broadcast %add3A_745 : i32 to vector<16xi32>
      %add3A_747 = arith.addi %mul3A_380, %add3A_746 : vector<16xi32>
      %scatter3A_748 = arith.constant 0 : i32
      %scatter3A_749 = arith.constant 0 : i32
      %scatter3A_750 = tpu.memref_slice %arg11[%scatter3A_748, %scatter3A_749] : memref<2x11136xf32, #tpu.memory_space<vmem>> -> memref<1x11136xf32, #tpu.memory_space<vmem>>
      %scatter3A_751 = tpu.memref_squeeze %scatter3A_750 : memref<1x11136xf32, #tpu.memory_space<vmem>> -> memref<11136xf32, #tpu.memory_space<vmem>>
      tpu.vector_store_idx %scatter3A_751[%add3A_747], %mul3A_687 : memref<11136xf32, #tpu.memory_space<vmem>>[vector<16xi32>], vector<16xf32>,
      %add3A_752 = arith.constant 68 : i32
      %add3A_753 = vector.broadcast %add3A_752 : i32 to vector<16xi32>
      %add3A_754 = arith.addi %mul3A_380, %add3A_753 : vector<16xi32>
      %scatter3A_755 = arith.constant 0 : i32
      %scatter3A_756 = arith.constant 0 : i32
      %scatter3A_757 = tpu.memref_slice %arg11[%scatter3A_755, %scatter3A_756] : memref<2x11136xf32, #tpu.memory_space<vmem>> -> memref<1x11136xf32, #tpu.memory_space<vmem>>
      %scatter3A_758 = tpu.memref_squeeze %scatter3A_757 : memref<1x11136xf32, #tpu.memory_space<vmem>> -> memref<11136xf32, #tpu.memory_space<vmem>>
      tpu.vector_store_idx %scatter3A_758[%add3A_754], %sub3A_694 : memref<11136xf32, #tpu.memory_space<vmem>>[vector<16xi32>], vector<16xf32>,
      %mul3A_759 = arith.constant 2.000000e+00 : f32
      %mul3A_760 = vector.broadcast %mul3A_759 : f32 to vector<16xf32>
      %mul3A_761 = arith.mulf %mul3A_760, %mul3A_687 : vector<16xf32>
      %mul3A_762 = arith.mulf %mul3A_761, %sub3A_694 : vector<16xf32>
      %mul3A_763 = arith.constant 2.000000e+00 : f32
      %mul3A_764 = vector.broadcast %mul3A_763 : f32 to vector<16xf32>
      %mul3A_765 = arith.mulf %mul3A_764, %mul3A_687 : vector<16xf32>
      %mul3A_766 = arith.mulf %mul3A_765, %mul3A_687 : vector<16xf32>
      %sub3A_767 = arith.constant 1.000000e+00 : f32
      %sub3A_768 = vector.broadcast %sub3A_767 : f32 to vector<16xf32>
      %sub3A_769 = arith.subf %sub3A_768, %mul3A_766 : vector<16xf32>
      %add3A_770 = arith.constant 69 : i32
      %add3A_771 = vector.broadcast %add3A_770 : i32 to vector<16xi32>
      %add3A_772 = arith.addi %mul3A_380, %add3A_771 : vector<16xi32>
      %scatter3A_773 = arith.constant 0 : i32
      %scatter3A_774 = arith.constant 0 : i32
      %scatter3A_775 = tpu.memref_slice %arg11[%scatter3A_773, %scatter3A_774] : memref<2x11136xf32, #tpu.memory_space<vmem>> -> memref<1x11136xf32, #tpu.memory_space<vmem>>
      %scatter3A_776 = tpu.memref_squeeze %scatter3A_775 : memref<1x11136xf32, #tpu.memory_space<vmem>> -> memref<11136xf32, #tpu.memory_space<vmem>>
      tpu.vector_store_idx %scatter3A_776[%add3A_772], %mul3A_712 : memref<11136xf32, #tpu.memory_space<vmem>>[vector<16xi32>], vector<16xf32>,
      %add3A_777 = arith.constant 72 : i32
      %add3A_778 = vector.broadcast %add3A_777 : i32 to vector<16xi32>
      %add3A_779 = arith.addi %mul3A_380, %add3A_778 : vector<16xi32>
      %scatter3A_780 = arith.constant 0 : i32
      %scatter3A_781 = arith.constant 0 : i32
      %scatter3A_782 = tpu.memref_slice %arg11[%scatter3A_780, %scatter3A_781] : memref<2x11136xf32, #tpu.memory_space<vmem>> -> memref<1x11136xf32, #tpu.memory_space<vmem>>
      %scatter3A_783 = tpu.memref_squeeze %scatter3A_782 : memref<1x11136xf32, #tpu.memory_space<vmem>> -> memref<11136xf32, #tpu.memory_space<vmem>>
      tpu.vector_store_idx %scatter3A_783[%add3A_779], %sub3A_719 : memref<11136xf32, #tpu.memory_space<vmem>>[vector<16xi32>], vector<16xf32>,
      %mul3A_784 = arith.constant 2.000000e+00 : f32
      %mul3A_785 = vector.broadcast %mul3A_784 : f32 to vector<16xf32>
      %mul3A_786 = arith.mulf %mul3A_785, %mul3A_712 : vector<16xf32>
      %mul3A_787 = arith.mulf %mul3A_786, %sub3A_719 : vector<16xf32>
      %mul3A_788 = arith.constant 2.000000e+00 : f32
      %mul3A_789 = vector.broadcast %mul3A_788 : f32 to vector<16xf32>
      %mul3A_790 = arith.mulf %mul3A_789, %mul3A_712 : vector<16xf32>
      %mul3A_791 = arith.mulf %mul3A_790, %mul3A_712 : vector<16xf32>
      %sub3A_792 = arith.constant 1.000000e+00 : f32
      %sub3A_793 = vector.broadcast %sub3A_792 : f32 to vector<16xf32>
      %sub3A_794 = arith.subf %sub3A_793, %mul3A_791 : vector<16xf32>
      %add3A_795 = arith.constant 70 : i32
      %add3A_796 = vector.broadcast %add3A_795 : i32 to vector<16xi32>
      %add3A_797 = arith.addi %mul3A_380, %add3A_796 : vector<16xi32>
      %scatter3A_798 = arith.constant 0 : i32
      %scatter3A_799 = arith.constant 0 : i32
      %scatter3A_800 = tpu.memref_slice %arg11[%scatter3A_798, %scatter3A_799] : memref<2x11136xf32, #tpu.memory_space<vmem>> -> memref<1x11136xf32, #tpu.memory_space<vmem>>
      %scatter3A_801 = tpu.memref_squeeze %scatter3A_800 : memref<1x11136xf32, #tpu.memory_space<vmem>> -> memref<11136xf32, #tpu.memory_space<vmem>>
      tpu.vector_store_idx %scatter3A_801[%add3A_797], %mul3A_737 : memref<11136xf32, #tpu.memory_space<vmem>>[vector<16xi32>], vector<16xf32>,
      %add3A_802 = arith.constant 73 : i32
      %add3A_803 = vector.broadcast %add3A_802 : i32 to vector<16xi32>
      %add3A_804 = arith.addi %mul3A_380, %add3A_803 : vector<16xi32>
      %scatter3A_805 = arith.constant 0 : i32
      %scatter3A_806 = arith.constant 0 : i32
      %scatter3A_807 = tpu.memref_slice %arg11[%scatter3A_805, %scatter3A_806] : memref<2x11136xf32, #tpu.memory_space<vmem>> -> memref<1x11136xf32, #tpu.memory_space<vmem>>
      %scatter3A_808 = tpu.memref_squeeze %scatter3A_807 : memref<1x11136xf32, #tpu.memory_space<vmem>> -> memref<11136xf32, #tpu.memory_space<vmem>>
      tpu.vector_store_idx %scatter3A_808[%add3A_804], %sub3A_744 : memref<11136xf32, #tpu.memory_space<vmem>>[vector<16xi32>], vector<16xf32>,
      %mul3A_809 = arith.constant 2.000000e+00 : f32
      %mul3A_810 = vector.broadcast %mul3A_809 : f32 to vector<16xf32>
      %mul3A_811 = arith.mulf %mul3A_810, %mul3A_737 : vector<16xf32>
      %mul3A_812 = arith.mulf %mul3A_811, %sub3A_744 : vector<16xf32>
      %mul3A_813 = arith.constant 2.000000e+00 : f32
      %mul3A_814 = vector.broadcast %mul3A_813 : f32 to vector<16xf32>
      %mul3A_815 = arith.mulf %mul3A_814, %mul3A_737 : vector<16xf32>
      %mul3A_816 = arith.mulf %mul3A_815, %mul3A_737 : vector<16xf32>
      %sub3A_817 = arith.constant 1.000000e+00 : f32
      %sub3A_818 = vector.broadcast %sub3A_817 : f32 to vector<16xf32>
      %sub3A_819 = arith.subf %sub3A_818, %mul3A_816 : vector<16xf32>
      %add3A_820 = arith.constant 71 : i32
      %add3A_821 = vector.broadcast %add3A_820 : i32 to vector<16xi32>
      %add3A_822 = arith.addi %mul3A_380, %add3A_821 : vector<16xi32>
      %scatter3A_823 = arith.constant 0 : i32
      %scatter3A_824 = arith.constant 0 : i32
      %scatter3A_825 = tpu.memref_slice %arg11[%scatter3A_823, %scatter3A_824] : memref<2x11136xf32, #tpu.memory_space<vmem>> -> memref<1x11136xf32, #tpu.memory_space<vmem>>
      %scatter3A_826 = tpu.memref_squeeze %scatter3A_825 : memref<1x11136xf32, #tpu.memory_space<vmem>> -> memref<11136xf32, #tpu.memory_space<vmem>>
      tpu.vector_store_idx %scatter3A_826[%add3A_822], %mul3A_762 : memref<11136xf32, #tpu.memory_space<vmem>>[vector<16xi32>], vector<16xf32>,
      %add3A_827 = arith.constant 74 : i32
      %add3A_828 = vector.broadcast %add3A_827 : i32 to vector<16xi32>
      %add3A_829 = arith.addi %mul3A_380, %add3A_828 : vector<16xi32>
      %scatter3A_830 = arith.constant 0 : i32
      %scatter3A_831 = arith.constant 0 : i32
      %scatter3A_832 = tpu.memref_slice %arg11[%scatter3A_830, %scatter3A_831] : memref<2x11136xf32, #tpu.memory_space<vmem>> -> memref<1x11136xf32, #tpu.memory_space<vmem>>
      %scatter3A_833 = tpu.memref_squeeze %scatter3A_832 : memref<1x11136xf32, #tpu.memory_space<vmem>> -> memref<11136xf32, #tpu.memory_space<vmem>>
      tpu.vector_store_idx %scatter3A_833[%add3A_829], %sub3A_769 : memref<11136xf32, #tpu.memory_space<vmem>>[vector<16xi32>], vector<16xf32>,
      %mul3A_834 = arith.constant 2.000000e+00 : f32
      %mul3A_835 = vector.broadcast %mul3A_834 : f32 to vector<16xf32>
      %mul3A_836 = arith.mulf %mul3A_835, %mul3A_762 : vector<16xf32>
      %mul3A_837 = arith.mulf %mul3A_836, %sub3A_769 : vector<16xf32>
      %mul3A_838 = arith.constant 2.000000e+00 : f32
      %mul3A_839 = vector.broadcast %mul3A_838 : f32 to vector<16xf32>
      %mul3A_840 = arith.mulf %mul3A_839, %mul3A_762 : vector<16xf32>
      %mul3A_841 = arith.mulf %mul3A_840, %mul3A_762 : vector<16xf32>
      %sub3A_842 = arith.constant 1.000000e+00 : f32
      %sub3A_843 = vector.broadcast %sub3A_842 : f32 to vector<16xf32>
      %sub3A_844 = arith.subf %sub3A_843, %mul3A_841 : vector<16xf32>
      %add3A_845 = arith.constant 75 : i32
      %add3A_846 = vector.broadcast %add3A_845 : i32 to vector<16xi32>
      %add3A_847 = arith.addi %mul3A_380, %add3A_846 : vector<16xi32>
      %scatter3A_848 = arith.constant 0 : i32
      %scatter3A_849 = arith.constant 0 : i32
      %scatter3A_850 = tpu.memref_slice %arg11[%scatter3A_848, %scatter3A_849] : memref<2x11136xf32, #tpu.memory_space<vmem>> -> memref<1x11136xf32, #tpu.memory_space<vmem>>
      %scatter3A_851 = tpu.memref_squeeze %scatter3A_850 : memref<1x11136xf32, #tpu.memory_space<vmem>> -> memref<11136xf32, #tpu.memory_space<vmem>>
      tpu.vector_store_idx %scatter3A_851[%add3A_847], %mul3A_787 : memref<11136xf32, #tpu.memory_space<vmem>>[vector<16xi32>], vector<16xf32>,
      %add3A_852 = arith.constant 78 : i32
      %add3A_853 = vector.broadcast %add3A_852 : i32 to vector<16xi32>
      %add3A_854 = arith.addi %mul3A_380, %add3A_853 : vector<16xi32>
      %scatter3A_855 = arith.constant 0 : i32
      %scatter3A_856 = arith.constant 0 : i32
      %scatter3A_857 = tpu.memref_slice %arg11[%scatter3A_855, %scatter3A_856] : memref<2x11136xf32, #tpu.memory_space<vmem>> -> memref<1x11136xf32, #tpu.memory_space<vmem>>
      %scatter3A_858 = tpu.memref_squeeze %scatter3A_857 : memref<1x11136xf32, #tpu.memory_space<vmem>> -> memref<11136xf32, #tpu.memory_space<vmem>>
      tpu.vector_store_idx %scatter3A_858[%add3A_854], %sub3A_794 : memref<11136xf32, #tpu.memory_space<vmem>>[vector<16xi32>], vector<16xf32>,
      %mul3A_859 = arith.constant 2.000000e+00 : f32
      %mul3A_860 = vector.broadcast %mul3A_859 : f32 to vector<16xf32>
      %mul3A_861 = arith.mulf %mul3A_860, %mul3A_787 : vector<16xf32>
      %mul3A_862 = arith.mulf %mul3A_861, %sub3A_794 : vector<16xf32>
      %mul3A_863 = arith.constant 2.000000e+00 : f32
      %mul3A_864 = vector.broadcast %mul3A_863 : f32 to vector<16xf32>
      %mul3A_865 = arith.mulf %mul3A_864, %mul3A_787 : vector<16xf32>
      %mul3A_866 = arith.mulf %mul3A_865, %mul3A_787 : vector<16xf32>
      %sub3A_867 = arith.constant 1.000000e+00 : f32
      %sub3A_868 = vector.broadcast %sub3A_867 : f32 to vector<16xf32>
      %sub3A_869 = arith.subf %sub3A_868, %mul3A_866 : vector<16xf32>
      %add3A_870 = arith.constant 76 : i32
      %add3A_871 = vector.broadcast %add3A_870 : i32 to vector<16xi32>
      %add3A_872 = arith.addi %mul3A_380, %add3A_871 : vector<16xi32>
      %scatter3A_873 = arith.constant 0 : i32
      %scatter3A_874 = arith.constant 0 : i32
      %scatter3A_875 = tpu.memref_slice %arg11[%scatter3A_873, %scatter3A_874] : memref<2x11136xf32, #tpu.memory_space<vmem>> -> memref<1x11136xf32, #tpu.memory_space<vmem>>
      %scatter3A_876 = tpu.memref_squeeze %scatter3A_875 : memref<1x11136xf32, #tpu.memory_space<vmem>> -> memref<11136xf32, #tpu.memory_space<vmem>>
      tpu.vector_store_idx %scatter3A_876[%add3A_872], %mul3A_812 : memref<11136xf32, #tpu.memory_space<vmem>>[vector<16xi32>], vector<16xf32>,
      %add3A_877 = arith.constant 79 : i32
      %add3A_878 = vector.broadcast %add3A_877 : i32 to vector<16xi32>
      %add3A_879 = arith.addi %mul3A_380, %add3A_878 : vector<16xi32>
      %scatter3A_880 = arith.constant 0 : i32
      %scatter3A_881 = arith.constant 0 : i32
      %scatter3A_882 = tpu.memref_slice %arg11[%scatter3A_880, %scatter3A_881] : memref<2x11136xf32, #tpu.memory_space<vmem>> -> memref<1x11136xf32, #tpu.memory_space<vmem>>
      %scatter3A_883 = tpu.memref_squeeze %scatter3A_882 : memref<1x11136xf32, #tpu.memory_space<vmem>> -> memref<11136xf32, #tpu.memory_space<vmem>>
      tpu.vector_store_idx %scatter3A_883[%add3A_879], %sub3A_819 : memref<11136xf32, #tpu.memory_space<vmem>>[vector<16xi32>], vector<16xf32>,
      %mul3A_884 = arith.constant 2.000000e+00 : f32
      %mul3A_885 = vector.broadcast %mul3A_884 : f32 to vector<16xf32>
      %mul3A_886 = arith.mulf %mul3A_885, %mul3A_812 : vector<16xf32>
      %mul3A_887 = arith.mulf %mul3A_886, %sub3A_819 : vector<16xf32>
      %mul3A_888 = arith.constant 2.000000e+00 : f32
      %mul3A_889 = vector.broadcast %mul3A_888 : f32 to vector<16xf32>
      %mul3A_890 = arith.mulf %mul3A_889, %mul3A_812 : vector<16xf32>
      %mul3A_891 = arith.mulf %mul3A_890, %mul3A_812 : vector<16xf32>
      %sub3A_892 = arith.constant 1.000000e+00 : f32
      %sub3A_893 = vector.broadcast %sub3A_892 : f32 to vector<16xf32>
      %sub3A_894 = arith.subf %sub3A_893, %mul3A_891 : vector<16xf32>
      %add3A_895 = arith.constant 77 : i32
      %add3A_896 = vector.broadcast %add3A_895 : i32 to vector<16xi32>
      %add3A_897 = arith.addi %mul3A_380, %add3A_896 : vector<16xi32>
      %scatter3A_898 = arith.constant 0 : i32
      %scatter3A_899 = arith.constant 0 : i32
      %scatter3A_900 = tpu.memref_slice %arg11[%scatter3A_898, %scatter3A_899] : memref<2x11136xf32, #tpu.memory_space<vmem>> -> memref<1x11136xf32, #tpu.memory_space<vmem>>
      %scatter3A_901 = tpu.memref_squeeze %scatter3A_900 : memref<1x11136xf32, #tpu.memory_space<vmem>> -> memref<11136xf32, #tpu.memory_space<vmem>>
      tpu.vector_store_idx %scatter3A_901[%add3A_897], %mul3A_837 : memref<11136xf32, #tpu.memory_space<vmem>>[vector<16xi32>], vector<16xf32>,
      %add3A_902 = arith.constant 80 : i32
      %add3A_903 = vector.broadcast %add3A_902 : i32 to vector<16xi32>
      %add3A_904 = arith.addi %mul3A_380, %add3A_903 : vector<16xi32>
      %scatter3A_905 = arith.constant 0 : i32
      %scatter3A_906 = arith.constant 0 : i32
      %scatter3A_907 = tpu.memref_slice %arg11[%scatter3A_905, %scatter3A_906] : memref<2x11136xf32, #tpu.memory_space<vmem>> -> memref<1x11136xf32, #tpu.memory_space<vmem>>
      %scatter3A_908 = tpu.memref_squeeze %scatter3A_907 : memref<1x11136xf32, #tpu.memory_space<vmem>> -> memref<11136xf32, #tpu.memory_space<vmem>>
      tpu.vector_store_idx %scatter3A_908[%add3A_904], %sub3A_844 : memref<11136xf32, #tpu.memory_space<vmem>>[vector<16xi32>], vector<16xf32>,
      %mul3A_909 = arith.constant 2.000000e+00 : f32
      %mul3A_910 = vector.broadcast %mul3A_909 : f32 to vector<16xf32>
      %mul3A_911 = arith.mulf %mul3A_910, %mul3A_837 : vector<16xf32>
      %mul3A_912 = arith.mulf %mul3A_911, %sub3A_844 : vector<16xf32>
      %mul3A_913 = arith.constant 2.000000e+00 : f32
      %mul3A_914 = vector.broadcast %mul3A_913 : f32 to vector<16xf32>
      %mul3A_915 = arith.mulf %mul3A_914, %mul3A_837 : vector<16xf32>
      %mul3A_916 = arith.mulf %mul3A_915, %mul3A_837 : vector<16xf32>
      %sub3A_917 = arith.constant 1.000000e+00 : f32
      %sub3A_918 = vector.broadcast %sub3A_917 : f32 to vector<16xf32>
      %sub3A_919 = arith.subf %sub3A_918, %mul3A_916 : vector<16xf32>
      %add3A_920 = arith.constant 81 : i32
      %add3A_921 = vector.broadcast %add3A_920 : i32 to vector<16xi32>
      %add3A_922 = arith.addi %mul3A_380, %add3A_921 : vector<16xi32>
      %scatter3A_923 = arith.constant 0 : i32
      %scatter3A_924 = arith.constant 0 : i32
      %scatter3A_925 = tpu.memref_slice %arg11[%scatter3A_923, %scatter3A_924] : memref<2x11136xf32, #tpu.memory_space<vmem>> -> memref<1x11136xf32, #tpu.memory_space<vmem>>
      %scatter3A_926 = tpu.memref_squeeze %scatter3A_925 : memref<1x11136xf32, #tpu.memory_space<vmem>> -> memref<11136xf32, #tpu.memory_space<vmem>>
      tpu.vector_store_idx %scatter3A_926[%add3A_922], %mul3A_862 : memref<11136xf32, #tpu.memory_space<vmem>>[vector<16xi32>], vector<16xf32>,
      %add3A_927 = arith.constant 84 : i32
      %add3A_928 = vector.broadcast %add3A_927 : i32 to vector<16xi32>
      %add3A_929 = arith.addi %mul3A_380, %add3A_928 : vector<16xi32>
      %scatter3A_930 = arith.constant 0 : i32
      %scatter3A_931 = arith.constant 0 : i32
      %scatter3A_932 = tpu.memref_slice %arg11[%scatter3A_930, %scatter3A_931] : memref<2x11136xf32, #tpu.memory_space<vmem>> -> memref<1x11136xf32, #tpu.memory_space<vmem>>
      %scatter3A_933 = tpu.memref_squeeze %scatter3A_932 : memref<1x11136xf32, #tpu.memory_space<vmem>> -> memref<11136xf32, #tpu.memory_space<vmem>>
      tpu.vector_store_idx %scatter3A_933[%add3A_929], %sub3A_869 : memref<11136xf32, #tpu.memory_space<vmem>>[vector<16xi32>], vector<16xf32>,
      %add3A_934 = arith.constant 82 : i32
      %add3A_935 = vector.broadcast %add3A_934 : i32 to vector<16xi32>
      %add3A_936 = arith.addi %mul3A_380, %add3A_935 : vector<16xi32>
      %scatter3A_937 = arith.constant 0 : i32
      %scatter3A_938 = arith.constant 0 : i32
      %scatter3A_939 = tpu.memref_slice %arg11[%scatter3A_937, %scatter3A_938] : memref<2x11136xf32, #tpu.memory_space<vmem>> -> memref<1x11136xf32, #tpu.memory_space<vmem>>
      %scatter3A_940 = tpu.memref_squeeze %scatter3A_939 : memref<1x11136xf32, #tpu.memory_space<vmem>> -> memref<11136xf32, #tpu.memory_space<vmem>>
      tpu.vector_store_idx %scatter3A_940[%add3A_936], %mul3A_887 : memref<11136xf32, #tpu.memory_space<vmem>>[vector<16xi32>], vector<16xf32>,
      %add3A_941 = arith.constant 85 : i32
      %add3A_942 = vector.broadcast %add3A_941 : i32 to vector<16xi32>
      %add3A_943 = arith.addi %mul3A_380, %add3A_942 : vector<16xi32>
      %scatter3A_944 = arith.constant 0 : i32
      %scatter3A_945 = arith.constant 0 : i32
      %scatter3A_946 = tpu.memref_slice %arg11[%scatter3A_944, %scatter3A_945] : memref<2x11136xf32, #tpu.memory_space<vmem>> -> memref<1x11136xf32, #tpu.memory_space<vmem>>
      %scatter3A_947 = tpu.memref_squeeze %scatter3A_946 : memref<1x11136xf32, #tpu.memory_space<vmem>> -> memref<11136xf32, #tpu.memory_space<vmem>>
      tpu.vector_store_idx %scatter3A_947[%add3A_943], %sub3A_894 : memref<11136xf32, #tpu.memory_space<vmem>>[vector<16xi32>], vector<16xf32>,
      %add3A_948 = arith.constant 83 : i32
      %add3A_949 = vector.broadcast %add3A_948 : i32 to vector<16xi32>
      %add3A_950 = arith.addi %mul3A_380, %add3A_949 : vector<16xi32>
      %scatter3A_951 = arith.constant 0 : i32
      %scatter3A_952 = arith.constant 0 : i32
      %scatter3A_953 = tpu.memref_slice %arg11[%scatter3A_951, %scatter3A_952] : memref<2x11136xf32, #tpu.memory_space<vmem>> -> memref<1x11136xf32, #tpu.memory_space<vmem>>
      %scatter3A_954 = tpu.memref_squeeze %scatter3A_953 : memref<1x11136xf32, #tpu.memory_space<vmem>> -> memref<11136xf32, #tpu.memory_space<vmem>>
      tpu.vector_store_idx %scatter3A_954[%add3A_950], %mul3A_912 : memref<11136xf32, #tpu.memory_space<vmem>>[vector<16xi32>], vector<16xf32>,
      %add3A_955 = arith.constant 86 : i32
      %add3A_956 = vector.broadcast %add3A_955 : i32 to vector<16xi32>
      %add3A_957 = arith.addi %mul3A_380, %add3A_956 : vector<16xi32>
      %scatter3A_958 = arith.constant 0 : i32
      %scatter3A_959 = arith.constant 0 : i32
      %scatter3A_960 = tpu.memref_slice %arg11[%scatter3A_958, %scatter3A_959] : memref<2x11136xf32, #tpu.memory_space<vmem>> -> memref<1x11136xf32, #tpu.memory_space<vmem>>
      %scatter3A_961 = tpu.memref_squeeze %scatter3A_960 : memref<1x11136xf32, #tpu.memory_space<vmem>> -> memref<11136xf32, #tpu.memory_space<vmem>>
      tpu.vector_store_idx %scatter3A_961[%add3A_957], %sub3A_919 : memref<11136xf32, #tpu.memory_space<vmem>>[vector<16xi32>], vector<16xf32>,
    }
    %scan3A_46 = arith.constant 8 : i32
    %dma_start3A = arith.constant 0 : i32
    %dma_start3A_47 = arith.constant 0 : i32
    %dma_start3A_48 = arith.constant 0 : i32
    %dma_start3A_49 = arith.constant 0 : i32
    %dma_start3A_50 = tpu.memref_slice %arg10[%dma_start3A_47, %dma_start3A_48, %dma_start3A_49] : memref<2x1536x16xf32, #tpu.memory_space<vmem>> -> memref<1x1536x16xf32, #tpu.memory_space<vmem>>
    %dma_start3A_51 = tpu.memref_squeeze %dma_start3A_50 : memref<1x1536x16xf32, #tpu.memory_space<vmem>> -> memref<1536x16xf32, #tpu.memory_space<vmem>>
    %dma_start3A_52 = arith.constant 0 : i32
    %dma_start3A_53 = tpu.memref_slice %arg8[%dma_start3A, %dma_start3A_52] : memref<2x1536xi32, #tpu.memory_space<vmem>> -> memref<1x1536xi32, #tpu.memory_space<vmem>>
    %dma_start3A_54 = tpu.memref_squeeze %dma_start3A_53 : memref<1x1536xi32, #tpu.memory_space<vmem>> -> memref<1536xi32, #tpu.memory_space<vmem>>
    %dma_start3A_55 = arith.constant 0 : i32
    %dma_start3A_56 = arith.constant 0 : i32
    %dma_start3A_57 = tpu.memref_slice %arg3[%dma_start3A_55, %dma_start3A_56] : memref<786432x16xf32, #tpu.memory_space<hbm>> -> memref<786432x16xf32, #tpu.memory_space<hbm>>
    tpu.enqueue_indirect_dma source(%dma_start3A_57 : memref<786432x16xf32, #tpu.memory_space<hbm>>) target(%dma_start3A_51 : memref<1536x16xf32, #tpu.memory_space<vmem>>) offsets(%dma_start3A_54 : memref<1536xi32, #tpu.memory_space<vmem>>) semaphore(%arg12 : memref<!tpu.dma_semaphore, #tpu.memory_space<semaphore_mem>>)
    %scan3A_58 = arith.constant 0 : i32
    %scan3A_59 = arith.constant 0 : i32
    %scan3A_60 = arith.constant 128 : i32
    %scan3A_61 = arith.addi %scan3A_59, %scan3A_60 : i32
    %scan3A_62 = arith.constant 1 : i32
    scf.for %scan3A_89 = %scan3A_59 to %scan3A_61 step %scan3A_62  : i32 {
      %mul3A_90 = arith.constant 2 : i32
      %mul3A_91 = arith.muli %mul3A_90, %scan3A_89 : i32
      %mul3A_92 = arith.constant 2 : i32
      %mul3A_93 = arith.muli %mul3A_92, %scan3A_89 : i32
      %add3A_94 = arith.constant 1 : i32
      %add3A_95 = arith.addi %mul3A_93, %add3A_94 : i32
      %gt3A = arith.constant 0 : i32
      %gt3A_96 = arith.cmpi sgt, %scan3A_89, %gt3A : i32
      %convert_element_type3A = arith.extui %gt3A_96 : i1 to i32
      %cond3A = arith.constant 0 : i32
      %cond3A_97 = arith.cmpi ne, %convert_element_type3A, %cond3A : i32
      scf.if %cond3A_97 {
        %sub3A = arith.constant 2 : i32
        %sub3A_195 = arith.subi %add3A_95, %sub3A : i32
        %mul3A_196 = arith.constant 128 : i32
        %mul3A_197 = arith.muli %sub3A_195, %mul3A_196 : i32
        %add3A_198 = arith.addi %mul3A_2, %mul3A_197 : i32
        %mul3A_199 = arith.constant 87 : i32
        %mul3A_200 = arith.muli %add3A_198, %mul3A_199 : i32
        %dma_wait3A_201 = arith.constant 1 : i32
        %dma_wait3A_202 = arith.constant 0 : i32
        %dma_wait3A_203 = tpu.memref_slice %arg11[%dma_wait3A_201, %dma_wait3A_202] : memref<2x11136xf32, #tpu.memory_space<vmem>> -> memref<1x11136xf32, #tpu.memory_space<vmem>>
        %dma_wait3A_204 = tpu.memref_squeeze %dma_wait3A_203 : memref<1x11136xf32, #tpu.memory_space<vmem>> -> memref<11136xf32, #tpu.memory_space<vmem>>
        %dma_wait3A_205 = tpu.memref_slice %arg5[%mul3A_200] : memref<91226112xf32, #tpu.memory_space<hbm>> -> memref<11136xf32, #tpu.memory_space<hbm>>
        %dma_wait3A_206 = tpu.memref_slice %arg5[%mul3A_200] : memref<91226112xf32, #tpu.memory_space<hbm>> -> memref<11136xf32, #tpu.memory_space<hbm>>
        %dma_wait3A_207 = arith.constant 0 : i32
        %dma_wait3A_208 = tpu.memref_slice %arg11[%dma_wait3A_201, %dma_wait3A_207] : memref<2x11136xf32, #tpu.memory_space<vmem>> -> memref<1x11136xf32, #tpu.memory_space<vmem>>
        %dma_wait3A_209 = tpu.memref_squeeze %dma_wait3A_208 : memref<1x11136xf32, #tpu.memory_space<vmem>> -> memref<11136xf32, #tpu.memory_space<vmem>>
        tpu.wait_dma2 semaphore(%arg15 : memref<!tpu.dma_semaphore, #tpu.memory_space<semaphore_mem>>) src(%dma_wait3A_209 : memref<11136xf32, #tpu.memory_space<vmem>>) dst(%dma_wait3A_206 : memref<11136xf32, #tpu.memory_space<hbm>>)
      } else {
      }
      %mul3A_98 = arith.constant 128 : i32
      %mul3A_99 = arith.muli %add3A_95, %mul3A_98 : i32
      %add3A_100 = arith.addi %mul3A_2, %mul3A_99 : i32
      %mul3A_101 = arith.constant 3 : i32
      %mul3A_102 = arith.muli %add3A_100, %mul3A_101 : i32
      %run_scoped3A_103 = arith.constant 1 : i32
      "tpu.region"() ({
        %run_scoped3A_195 = tpu.sem_alloc : memref<!tpu.dma_semaphore, #tpu.memory_space<semaphore_mem>>
        %dma_start3A_196 = arith.constant 0 : i32
        %dma_start3A_197 = tpu.memref_slice %arg6[%run_scoped3A_103, %dma_start3A_196] : memref<2x384xf32, #tpu.memory_space<vmem>> -> memref<1x384xf32, #tpu.memory_space<vmem>>
        %dma_start3A_198 = tpu.memref_squeeze %dma_start3A_197 : memref<1x384xf32, #tpu.memory_space<vmem>> -> memref<384xf32, #tpu.memory_space<vmem>>
        %dma_start3A_199 = tpu.memref_slice %arg2[%mul3A_102] : memref<3145728xf32, #tpu.memory_space<hbm>> -> memref<384xf32, #tpu.memory_space<hbm>>
        %dma_start3A_200 = arith.constant 0 : i32
        %dma_start3A_201 = tpu.memref_slice %arg6[%run_scoped3A_103, %dma_start3A_200] : memref<2x384xf32, #tpu.memory_space<vmem>> -> memref<1x384xf32, #tpu.memory_space<vmem>>
        %dma_start3A_202 = tpu.memref_squeeze %dma_start3A_201 : memref<1x384xf32, #tpu.memory_space<vmem>> -> memref<384xf32, #tpu.memory_space<vmem>>
        %dma_start3A_203 = tpu.memref_slice %arg2[%mul3A_102] : memref<3145728xf32, #tpu.memory_space<hbm>> -> memref<384xf32, #tpu.memory_space<hbm>>
        tpu.enqueue_dma source(%dma_start3A_203 : memref<384xf32, #tpu.memory_space<hbm>>) target(%dma_start3A_202 : memref<384xf32, #tpu.memory_space<vmem>>) target_semaphore(%run_scoped3A_195 : memref<!tpu.dma_semaphore, #tpu.memory_space<semaphore_mem>>)
        %dma_wait3A_204 = arith.constant 0 : i32
        %dma_wait3A_205 = tpu.memref_slice %arg6[%run_scoped3A_103, %dma_wait3A_204] : memref<2x384xf32, #tpu.memory_space<vmem>> -> memref<1x384xf32, #tpu.memory_space<vmem>>
        %dma_wait3A_206 = tpu.memref_squeeze %dma_wait3A_205 : memref<1x384xf32, #tpu.memory_space<vmem>> -> memref<384xf32, #tpu.memory_space<vmem>>
        %dma_wait3A_207 = tpu.memref_slice %arg2[%mul3A_102] : memref<3145728xf32, #tpu.memory_space<hbm>> -> memref<384xf32, #tpu.memory_space<hbm>>
        %dma_wait3A_208 = arith.constant 0 : i32
        %dma_wait3A_209 = tpu.memref_slice %arg6[%run_scoped3A_103, %dma_wait3A_208] : memref<2x384xf32, #tpu.memory_space<vmem>> -> memref<1x384xf32, #tpu.memory_space<vmem>>
        %dma_wait3A_210 = tpu.memref_squeeze %dma_wait3A_209 : memref<1x384xf32, #tpu.memory_space<vmem>> -> memref<384xf32, #tpu.memory_space<vmem>>
        %dma_wait3A_211 = tpu.memref_slice %arg2[%mul3A_102] : memref<3145728xf32, #tpu.memory_space<hbm>> -> memref<384xf32, #tpu.memory_space<hbm>>
        tpu.wait_dma2 semaphore(%run_scoped3A_195 : memref<!tpu.dma_semaphore, #tpu.memory_space<semaphore_mem>>) src(%dma_wait3A_211 : memref<384xf32, #tpu.memory_space<hbm>>) dst(%dma_wait3A_210 : memref<384xf32, #tpu.memory_space<vmem>>)
        tpu.yield
      }) : () -> ()
      %scan3A_104 = arith.constant 0 : i32
      %scan3A_105 = arith.constant 0 : i32
      %scan3A_106 = arith.constant 8 : i32
      %scan3A_107 = arith.addi %scan3A_105, %scan3A_106 : i32
      %scan3A_108 = arith.constant 1 : i32
      scf.for %scan3A_195 = %scan3A_105 to %scan3A_107 step %scan3A_108  : i32 {
        %mul3A_196 = arith.constant 16 : i32
        %mul3A_197 = arith.muli %scan3A_195, %mul3A_196 : i32
        %add3A_198 = vector.broadcast %mul3A_197 : i32 to vector<16xi32>
        %add3A_199 = arith.addi %add3A_198, %iota3A : vector<16xi32>
        %mul3A_200 = arith.constant 3 : i32
        %mul3A_201 = vector.broadcast %mul3A_200 : i32 to vector<16xi32>
        %mul3A_202 = arith.muli %add3A_199, %mul3A_201 : vector<16xi32>
        %gather3A = arith.constant 1 : i32
        %gather3A_203 = arith.constant 0 : i32
        %gather3A_204 = tpu.memref_slice %arg6[%gather3A, %gather3A_203] : memref<2x384xf32, #tpu.memory_space<vmem>> -> memref<1x384xf32, #tpu.memory_space<vmem>>
        %gather3A_205 = tpu.memref_squeeze %gather3A_204 : memref<1x384xf32, #tpu.memory_space<vmem>> -> memref<384xf32, #tpu.memory_space<vmem>>
        %gather3A_206 = tpu.vector_load_idx %gather3A_205[%mul3A_202] : memref<384xf32, #tpu.memory_space<vmem>>[vector<16xi32>], vector<16xf32>,
        %add3A_207 = arith.constant 1 : i32
        %add3A_208 = vector.broadcast %add3A_207 : i32 to vector<16xi32>
        %add3A_209 = arith.addi %mul3A_202, %add3A_208 : vector<16xi32>
        %gather3A_210 = arith.constant 1 : i32
        %gather3A_211 = arith.constant 0 : i32
        %gather3A_212 = tpu.memref_slice %arg6[%gather3A_210, %gather3A_211] : memref<2x384xf32, #tpu.memory_space<vmem>> -> memref<1x384xf32, #tpu.memory_space<vmem>>
        %gather3A_213 = tpu.memref_squeeze %gather3A_212 : memref<1x384xf32, #tpu.memory_space<vmem>> -> memref<384xf32, #tpu.memory_space<vmem>>
        %gather3A_214 = tpu.vector_load_idx %gather3A_213[%add3A_209] : memref<384xf32, #tpu.memory_space<vmem>>[vector<16xi32>], vector<16xf32>,
        %add3A_215 = arith.constant 2 : i32
        %add3A_216 = vector.broadcast %add3A_215 : i32 to vector<16xi32>
        %add3A_217 = arith.addi %mul3A_202, %add3A_216 : vector<16xi32>
        %gather3A_218 = arith.constant 1 : i32
        %gather3A_219 = arith.constant 0 : i32
        %gather3A_220 = tpu.memref_slice %arg6[%gather3A_218, %gather3A_219] : memref<2x384xf32, #tpu.memory_space<vmem>> -> memref<1x384xf32, #tpu.memory_space<vmem>>
        %gather3A_221 = tpu.memref_squeeze %gather3A_220 : memref<1x384xf32, #tpu.memory_space<vmem>> -> memref<384xf32, #tpu.memory_space<vmem>>
        %gather3A_222 = tpu.vector_load_idx %gather3A_221[%add3A_217] : memref<384xf32, #tpu.memory_space<vmem>>[vector<16xi32>], vector<16xf32>,
        %sub3A = arith.subf %gather3A_206, %get3A_7 : vector<16xf32>
        %sub3A_223 = arith.subf %get3A_25, %get3A_7 : vector<16xf32>
        %div3A = arith.divf %sub3A, %sub3A_223 : vector<16xf32>
        %max3A = arith.constant 0.000000e+00 : f32
        %max3A_224 = vector.broadcast %max3A : f32 to vector<16xf32>
        %max3A_225 = arith.maximumf %div3A, %max3A_224 : vector<16xf32>
        %min3A = arith.constant 1.000000e+00 : f32
        %min3A_226 = vector.broadcast %min3A : f32 to vector<16xf32>
        %min3A_227 = arith.minimumf %max3A_225, %min3A_226 : vector<16xf32>
        %sub3A_228 = arith.subf %gather3A_214, %get3A_13 : vector<16xf32>
        %sub3A_229 = arith.subf %get3A_31, %get3A_13 : vector<16xf32>
        %div3A_230 = arith.divf %sub3A_228, %sub3A_229 : vector<16xf32>
        %max3A_231 = arith.constant 0.000000e+00 : f32
        %max3A_232 = vector.broadcast %max3A_231 : f32 to vector<16xf32>
        %max3A_233 = arith.maximumf %div3A_230, %max3A_232 : vector<16xf32>
        %min3A_234 = arith.constant 1.000000e+00 : f32
        %min3A_235 = vector.broadcast %min3A_234 : f32 to vector<16xf32>
        %min3A_236 = arith.minimumf %max3A_233, %min3A_235 : vector<16xf32>
        %sub3A_237 = arith.subf %gather3A_222, %get3A_19 : vector<16xf32>
        %sub3A_238 = arith.subf %get3A_37, %get3A_19 : vector<16xf32>
        %div3A_239 = arith.divf %sub3A_237, %sub3A_238 : vector<16xf32>
        %max3A_240 = arith.constant 0.000000e+00 : f32
        %max3A_241 = vector.broadcast %max3A_240 : f32 to vector<16xf32>
        %max3A_242 = arith.maximumf %div3A_239, %max3A_241 : vector<16xf32>
        %min3A_243 = arith.constant 1.000000e+00 : f32
        %min3A_244 = vector.broadcast %min3A_243 : f32 to vector<16xf32>
        %min3A_245 = arith.minimumf %max3A_242, %min3A_244 : vector<16xf32>
        %mul3A_246 = arith.constant 5.110000e+02 : f32
        %mul3A_247 = vector.broadcast %mul3A_246 : f32 to vector<16xf32>
        %mul3A_248 = arith.mulf %min3A_227, %mul3A_247 : vector<16xf32>
        %convert_element_type3A_249 = arith.fptosi %mul3A_248 : vector<16xf32> to vector<16xi32>
        %convert_element_type3A_250 = arith.sitofp %convert_element_type3A_249 : vector<16xi32> to vector<16xf32>
        %sub3A_251 = arith.subf %mul3A_248, %convert_element_type3A_250 : vector<16xf32>
        %add3A_252 = arith.constant 1 : i32
        %add3A_253 = vector.broadcast %add3A_252 : i32 to vector<16xi32>
        %add3A_254 = arith.addi %convert_element_type3A_249, %add3A_253 : vector<16xi32>
        %min3A_255 = arith.constant 511 : i32
        %min3A_256 = vector.broadcast %min3A_255 : i32 to vector<16xi32>
        %min3A_257 = arith.minsi %add3A_254, %min3A_256 : vector<16xi32>
        %mul3A_258 = arith.constant 5.110000e+02 : f32
        %mul3A_259 = vector.broadcast %mul3A_258 : f32 to vector<16xf32>
        %mul3A_260 = arith.mulf %min3A_236, %mul3A_259 : vector<16xf32>
        %convert_element_type3A_261 = arith.fptosi %mul3A_260 : vector<16xf32> to vector<16xi32>
        %convert_element_type3A_262 = arith.sitofp %convert_element_type3A_261 : vector<16xi32> to vector<16xf32>
        %sub3A_263 = arith.subf %mul3A_260, %convert_element_type3A_262 : vector<16xf32>
        %add3A_264 = arith.constant 1 : i32
        %add3A_265 = vector.broadcast %add3A_264 : i32 to vector<16xi32>
        %add3A_266 = arith.addi %convert_element_type3A_261, %add3A_265 : vector<16xi32>
        %min3A_267 = arith.constant 511 : i32
        %min3A_268 = vector.broadcast %min3A_267 : i32 to vector<16xi32>
        %min3A_269 = arith.minsi %add3A_266, %min3A_268 : vector<16xi32>
        %mul3A_270 = arith.constant 5.110000e+02 : f32
        %mul3A_271 = vector.broadcast %mul3A_270 : f32 to vector<16xf32>
        %mul3A_272 = arith.mulf %min3A_245, %mul3A_271 : vector<16xf32>
        %convert_element_type3A_273 = arith.fptosi %mul3A_272 : vector<16xf32> to vector<16xi32>
        %convert_element_type3A_274 = arith.sitofp %convert_element_type3A_273 : vector<16xi32> to vector<16xf32>
        %sub3A_275 = arith.subf %mul3A_272, %convert_element_type3A_274 : vector<16xf32>
        %add3A_276 = arith.constant 1 : i32
        %add3A_277 = vector.broadcast %add3A_276 : i32 to vector<16xi32>
        %add3A_278 = arith.addi %convert_element_type3A_273, %add3A_277 : vector<16xi32>
        %min3A_279 = arith.constant 511 : i32
        %min3A_280 = vector.broadcast %min3A_279 : i32 to vector<16xi32>
        %min3A_281 = arith.minsi %add3A_278, %min3A_280 : vector<16xi32>
        %mul3A_282 = arith.constant 512 : i32
        %mul3A_283 = vector.broadcast %mul3A_282 : i32 to vector<16xi32>
        %mul3A_284 = arith.muli %convert_element_type3A_261, %mul3A_283 : vector<16xi32>
        %add3A_285 = arith.addi %mul3A_284, %convert_element_type3A_249 : vector<16xi32>
        %add3A_286 = arith.constant 0 : i32
        %add3A_287 = vector.broadcast %add3A_286 : i32 to vector<16xi32>
        %add3A_288 = arith.addi %add3A_285, %add3A_287 : vector<16xi32>
        %mul3A_289 = arith.constant 512 : i32
        %mul3A_290 = vector.broadcast %mul3A_289 : i32 to vector<16xi32>
        %mul3A_291 = arith.muli %convert_element_type3A_261, %mul3A_290 : vector<16xi32>
        %add3A_292 = arith.addi %mul3A_291, %min3A_257 : vector<16xi32>
        %add3A_293 = arith.constant 0 : i32
        %add3A_294 = vector.broadcast %add3A_293 : i32 to vector<16xi32>
        %add3A_295 = arith.addi %add3A_292, %add3A_294 : vector<16xi32>
        %mul3A_296 = arith.constant 512 : i32
        %mul3A_297 = vector.broadcast %mul3A_296 : i32 to vector<16xi32>
        %mul3A_298 = arith.muli %min3A_269, %mul3A_297 : vector<16xi32>
        %add3A_299 = arith.addi %mul3A_298, %convert_element_type3A_249 : vector<16xi32>
        %add3A_300 = arith.constant 0 : i32
        %add3A_301 = vector.broadcast %add3A_300 : i32 to vector<16xi32>
        %add3A_302 = arith.addi %add3A_299, %add3A_301 : vector<16xi32>
        %mul3A_303 = arith.constant 512 : i32
        %mul3A_304 = vector.broadcast %mul3A_303 : i32 to vector<16xi32>
        %mul3A_305 = arith.muli %min3A_269, %mul3A_304 : vector<16xi32>
        %add3A_306 = arith.addi %mul3A_305, %min3A_257 : vector<16xi32>
        %add3A_307 = arith.constant 0 : i32
        %add3A_308 = vector.broadcast %add3A_307 : i32 to vector<16xi32>
        %add3A_309 = arith.addi %add3A_306, %add3A_308 : vector<16xi32>
        %mul3A_310 = arith.constant 512 : i32
        %mul3A_311 = vector.broadcast %mul3A_310 : i32 to vector<16xi32>
        %mul3A_312 = arith.muli %convert_element_type3A_273, %mul3A_311 : vector<16xi32>
        %add3A_313 = arith.addi %mul3A_312, %convert_element_type3A_261 : vector<16xi32>
        %add3A_314 = arith.constant 262144 : i32
        %add3A_315 = vector.broadcast %add3A_314 : i32 to vector<16xi32>
        %add3A_316 = arith.addi %add3A_313, %add3A_315 : vector<16xi32>
        %mul3A_317 = arith.constant 512 : i32
        %mul3A_318 = vector.broadcast %mul3A_317 : i32 to vector<16xi32>
        %mul3A_319 = arith.muli %convert_element_type3A_273, %mul3A_318 : vector<16xi32>
        %add3A_320 = arith.addi %mul3A_319, %min3A_269 : vector<16xi32>
        %add3A_321 = arith.constant 262144 : i32
        %add3A_322 = vector.broadcast %add3A_321 : i32 to vector<16xi32>
        %add3A_323 = arith.addi %add3A_320, %add3A_322 : vector<16xi32>
        %mul3A_324 = arith.constant 512 : i32
        %mul3A_325 = vector.broadcast %mul3A_324 : i32 to vector<16xi32>
        %mul3A_326 = arith.muli %min3A_281, %mul3A_325 : vector<16xi32>
        %add3A_327 = arith.addi %mul3A_326, %convert_element_type3A_261 : vector<16xi32>
        %add3A_328 = arith.constant 262144 : i32
        %add3A_329 = vector.broadcast %add3A_328 : i32 to vector<16xi32>
        %add3A_330 = arith.addi %add3A_327, %add3A_329 : vector<16xi32>
        %mul3A_331 = arith.constant 512 : i32
        %mul3A_332 = vector.broadcast %mul3A_331 : i32 to vector<16xi32>
        %mul3A_333 = arith.muli %min3A_281, %mul3A_332 : vector<16xi32>
        %add3A_334 = arith.addi %mul3A_333, %min3A_269 : vector<16xi32>
        %add3A_335 = arith.constant 262144 : i32
        %add3A_336 = vector.broadcast %add3A_335 : i32 to vector<16xi32>
        %add3A_337 = arith.addi %add3A_334, %add3A_336 : vector<16xi32>
        %mul3A_338 = arith.constant 512 : i32
        %mul3A_339 = vector.broadcast %mul3A_338 : i32 to vector<16xi32>
        %mul3A_340 = arith.muli %convert_element_type3A_273, %mul3A_339 : vector<16xi32>
        %add3A_341 = arith.addi %mul3A_340, %convert_element_type3A_249 : vector<16xi32>
        %add3A_342 = arith.constant 524288 : i32
        %add3A_343 = vector.broadcast %add3A_342 : i32 to vector<16xi32>
        %add3A_344 = arith.addi %add3A_341, %add3A_343 : vector<16xi32>
        %mul3A_345 = arith.constant 512 : i32
        %mul3A_346 = vector.broadcast %mul3A_345 : i32 to vector<16xi32>
        %mul3A_347 = arith.muli %convert_element_type3A_273, %mul3A_346 : vector<16xi32>
        %add3A_348 = arith.addi %mul3A_347, %min3A_257 : vector<16xi32>
        %add3A_349 = arith.constant 524288 : i32
        %add3A_350 = vector.broadcast %add3A_349 : i32 to vector<16xi32>
        %add3A_351 = arith.addi %add3A_348, %add3A_350 : vector<16xi32>
        %mul3A_352 = arith.constant 512 : i32
        %mul3A_353 = vector.broadcast %mul3A_352 : i32 to vector<16xi32>
        %mul3A_354 = arith.muli %min3A_281, %mul3A_353 : vector<16xi32>
        %add3A_355 = arith.addi %mul3A_354, %convert_element_type3A_249 : vector<16xi32>
        %add3A_356 = arith.constant 524288 : i32
        %add3A_357 = vector.broadcast %add3A_356 : i32 to vector<16xi32>
        %add3A_358 = arith.addi %add3A_355, %add3A_357 : vector<16xi32>
        %mul3A_359 = arith.constant 512 : i32
        %mul3A_360 = vector.broadcast %mul3A_359 : i32 to vector<16xi32>
        %mul3A_361 = arith.muli %min3A_281, %mul3A_360 : vector<16xi32>
        %add3A_362 = arith.addi %mul3A_361, %min3A_257 : vector<16xi32>
        %add3A_363 = arith.constant 524288 : i32
        %add3A_364 = vector.broadcast %add3A_363 : i32 to vector<16xi32>
        %add3A_365 = arith.addi %add3A_362, %add3A_364 : vector<16xi32>
        %mul3A_366 = arith.constant 16 : i32
        %mul3A_367 = arith.muli %scan3A_195, %mul3A_366 : i32
        %add3A_368 = arith.constant 0 : i32
        %add3A_369 = arith.addi %add3A_368, %mul3A_367 : i32
        %swap3A = arith.constant 1 : i32
        %swap3A_370 = arith.index_cast %swap3A : i32 to index
        %swap3A_371 = arith.index_cast %add3A_369 : i32 to index
        %swap3A_372 = tpu.vector_load %arg8[%swap3A_370, %swap3A_371] {strides = array<i32>} : memref<2x1536xi32, #tpu.memory_space<vmem>>, vector<16xi32>,
        tpu.vector_store %arg8[%swap3A_370, %swap3A_371], %add3A_288 {strides = array<i32>} : memref<2x1536xi32, #tpu.memory_space<vmem>>, vector<16xi32>,
        %mul3A_373 = arith.constant 16 : i32
        %mul3A_374 = arith.muli %scan3A_195, %mul3A_373 : i32
        %add3A_375 = arith.constant 128 : i32
        %add3A_376 = arith.addi %add3A_375, %mul3A_374 : i32
        %swap3A_377 = arith.constant 1 : i32
        %swap3A_378 = arith.index_cast %swap3A_377 : i32 to index
        %swap3A_379 = arith.index_cast %add3A_376 : i32 to index
        %swap3A_380 = tpu.vector_load %arg8[%swap3A_378, %swap3A_379] {strides = array<i32>} : memref<2x1536xi32, #tpu.memory_space<vmem>>, vector<16xi32>,
        tpu.vector_store %arg8[%swap3A_378, %swap3A_379], %add3A_295 {strides = array<i32>} : memref<2x1536xi32, #tpu.memory_space<vmem>>, vector<16xi32>,
        %mul3A_381 = arith.constant 16 : i32
        %mul3A_382 = arith.muli %scan3A_195, %mul3A_381 : i32
        %add3A_383 = arith.constant 256 : i32
        %add3A_384 = arith.addi %add3A_383, %mul3A_382 : i32
        %swap3A_385 = arith.constant 1 : i32
        %swap3A_386 = arith.index_cast %swap3A_385 : i32 to index
        %swap3A_387 = arith.index_cast %add3A_384 : i32 to index
        %swap3A_388 = tpu.vector_load %arg8[%swap3A_386, %swap3A_387] {strides = array<i32>} : memref<2x1536xi32, #tpu.memory_space<vmem>>, vector<16xi32>,
        tpu.vector_store %arg8[%swap3A_386, %swap3A_387], %add3A_302 {strides = array<i32>} : memref<2x1536xi32, #tpu.memory_space<vmem>>, vector<16xi32>,
        %mul3A_389 = arith.constant 16 : i32
        %mul3A_390 = arith.muli %scan3A_195, %mul3A_389 : i32
        %add3A_391 = arith.constant 384 : i32
        %add3A_392 = arith.addi %add3A_391, %mul3A_390 : i32
        %swap3A_393 = arith.constant 1 : i32
        %swap3A_394 = arith.index_cast %swap3A_393 : i32 to index
        %swap3A_395 = arith.index_cast %add3A_392 : i32 to index
        %swap3A_396 = tpu.vector_load %arg8[%swap3A_394, %swap3A_395] {strides = array<i32>} : memref<2x1536xi32, #tpu.memory_space<vmem>>, vector<16xi32>,
        tpu.vector_store %arg8[%swap3A_394, %swap3A_395], %add3A_309 {strides = array<i32>} : memref<2x1536xi32, #tpu.memory_space<vmem>>, vector<16xi32>,
        %mul3A_397 = arith.constant 16 : i32
        %mul3A_398 = arith.muli %scan3A_195, %mul3A_397 : i32
        %add3A_399 = arith.constant 512 : i32
        %add3A_400 = arith.addi %add3A_399, %mul3A_398 : i32
        %swap3A_401 = arith.constant 1 : i32
        %swap3A_402 = arith.index_cast %swap3A_401 : i32 to index
        %swap3A_403 = arith.index_cast %add3A_400 : i32 to index
        %swap3A_404 = tpu.vector_load %arg8[%swap3A_402, %swap3A_403] {strides = array<i32>} : memref<2x1536xi32, #tpu.memory_space<vmem>>, vector<16xi32>,
        tpu.vector_store %arg8[%swap3A_402, %swap3A_403], %add3A_316 {strides = array<i32>} : memref<2x1536xi32, #tpu.memory_space<vmem>>, vector<16xi32>,
        %mul3A_405 = arith.constant 16 : i32
        %mul3A_406 = arith.muli %scan3A_195, %mul3A_405 : i32
        %add3A_407 = arith.constant 640 : i32
        %add3A_408 = arith.addi %add3A_407, %mul3A_406 : i32
        %swap3A_409 = arith.constant 1 : i32
        %swap3A_410 = arith.index_cast %swap3A_409 : i32 to index
        %swap3A_411 = arith.index_cast %add3A_408 : i32 to index
        %swap3A_412 = tpu.vector_load %arg8[%swap3A_410, %swap3A_411] {strides = array<i32>} : memref<2x1536xi32, #tpu.memory_space<vmem>>, vector<16xi32>,
        tpu.vector_store %arg8[%swap3A_410, %swap3A_411], %add3A_323 {strides = array<i32>} : memref<2x1536xi32, #tpu.memory_space<vmem>>, vector<16xi32>,
        %mul3A_413 = arith.constant 16 : i32
        %mul3A_414 = arith.muli %scan3A_195, %mul3A_413 : i32
        %add3A_415 = arith.constant 768 : i32
        %add3A_416 = arith.addi %add3A_415, %mul3A_414 : i32
        %swap3A_417 = arith.constant 1 : i32
        %swap3A_418 = arith.index_cast %swap3A_417 : i32 to index
        %swap3A_419 = arith.index_cast %add3A_416 : i32 to index
        %swap3A_420 = tpu.vector_load %arg8[%swap3A_418, %swap3A_419] {strides = array<i32>} : memref<2x1536xi32, #tpu.memory_space<vmem>>, vector<16xi32>,
        tpu.vector_store %arg8[%swap3A_418, %swap3A_419], %add3A_330 {strides = array<i32>} : memref<2x1536xi32, #tpu.memory_space<vmem>>, vector<16xi32>,
        %mul3A_421 = arith.constant 16 : i32
        %mul3A_422 = arith.muli %scan3A_195, %mul3A_421 : i32
        %add3A_423 = arith.constant 896 : i32
        %add3A_424 = arith.addi %add3A_423, %mul3A_422 : i32
        %swap3A_425 = arith.constant 1 : i32
        %swap3A_426 = arith.index_cast %swap3A_425 : i32 to index
        %swap3A_427 = arith.index_cast %add3A_424 : i32 to index
        %swap3A_428 = tpu.vector_load %arg8[%swap3A_426, %swap3A_427] {strides = array<i32>} : memref<2x1536xi32, #tpu.memory_space<vmem>>, vector<16xi32>,
        tpu.vector_store %arg8[%swap3A_426, %swap3A_427], %add3A_337 {strides = array<i32>} : memref<2x1536xi32, #tpu.memory_space<vmem>>, vector<16xi32>,
        %mul3A_429 = arith.constant 16 : i32
        %mul3A_430 = arith.muli %scan3A_195, %mul3A_429 : i32
        %add3A_431 = arith.constant 1024 : i32
        %add3A_432 = arith.addi %add3A_431, %mul3A_430 : i32
        %swap3A_433 = arith.constant 1 : i32
        %swap3A_434 = arith.index_cast %swap3A_433 : i32 to index
        %swap3A_435 = arith.index_cast %add3A_432 : i32 to index
        %swap3A_436 = tpu.vector_load %arg8[%swap3A_434, %swap3A_435] {strides = array<i32>} : memref<2x1536xi32, #tpu.memory_space<vmem>>, vector<16xi32>,
        tpu.vector_store %arg8[%swap3A_434, %swap3A_435], %add3A_344 {strides = array<i32>} : memref<2x1536xi32, #tpu.memory_space<vmem>>, vector<16xi32>,
        %mul3A_437 = arith.constant 16 : i32
        %mul3A_438 = arith.muli %scan3A_195, %mul3A_437 : i32
        %add3A_439 = arith.constant 1152 : i32
        %add3A_440 = arith.addi %add3A_439, %mul3A_438 : i32
        %swap3A_441 = arith.constant 1 : i32
        %swap3A_442 = arith.index_cast %swap3A_441 : i32 to index
        %swap3A_443 = arith.index_cast %add3A_440 : i32 to index
        %swap3A_444 = tpu.vector_load %arg8[%swap3A_442, %swap3A_443] {strides = array<i32>} : memref<2x1536xi32, #tpu.memory_space<vmem>>, vector<16xi32>,
        tpu.vector_store %arg8[%swap3A_442, %swap3A_443], %add3A_351 {strides = array<i32>} : memref<2x1536xi32, #tpu.memory_space<vmem>>, vector<16xi32>,
        %mul3A_445 = arith.constant 16 : i32
        %mul3A_446 = arith.muli %scan3A_195, %mul3A_445 : i32
        %add3A_447 = arith.constant 1280 : i32
        %add3A_448 = arith.addi %add3A_447, %mul3A_446 : i32
        %swap3A_449 = arith.constant 1 : i32
        %swap3A_450 = arith.index_cast %swap3A_449 : i32 to index
        %swap3A_451 = arith.index_cast %add3A_448 : i32 to index
        %swap3A_452 = tpu.vector_load %arg8[%swap3A_450, %swap3A_451] {strides = array<i32>} : memref<2x1536xi32, #tpu.memory_space<vmem>>, vector<16xi32>,
        tpu.vector_store %arg8[%swap3A_450, %swap3A_451], %add3A_358 {strides = array<i32>} : memref<2x1536xi32, #tpu.memory_space<vmem>>, vector<16xi32>,
        %mul3A_453 = arith.constant 16 : i32
        %mul3A_454 = arith.muli %scan3A_195, %mul3A_453 : i32
        %add3A_455 = arith.constant 1408 : i32
        %add3A_456 = arith.addi %add3A_455, %mul3A_454 : i32
        %swap3A_457 = arith.constant 1 : i32
        %swap3A_458 = arith.index_cast %swap3A_457 : i32 to index
        %swap3A_459 = arith.index_cast %add3A_456 : i32 to index
        %swap3A_460 = tpu.vector_load %arg8[%swap3A_458, %swap3A_459] {strides = array<i32>} : memref<2x1536xi32, #tpu.memory_space<vmem>>, vector<16xi32>,
        tpu.vector_store %arg8[%swap3A_458, %swap3A_459], %add3A_365 {strides = array<i32>} : memref<2x1536xi32, #tpu.memory_space<vmem>>, vector<16xi32>,
        %mul3A_461 = arith.constant 16 : i32
        %mul3A_462 = arith.muli %scan3A_195, %mul3A_461 : i32
        %add3A_463 = arith.constant 0 : i32
        %add3A_464 = arith.addi %add3A_463, %mul3A_462 : i32
        %swap3A_465 = arith.constant 1 : i32
        %swap3A_466 = arith.index_cast %swap3A_465 : i32 to index
        %swap3A_467 = arith.index_cast %add3A_464 : i32 to index
        %swap3A_468 = tpu.vector_load %arg9[%swap3A_466, %swap3A_467] {strides = array<i32>} : memref<2x1536xf32, #tpu.memory_space<vmem>>, vector<16xf32>,
        tpu.vector_store %arg9[%swap3A_466, %swap3A_467], %sub3A_251 {strides = array<i32>} : memref<2x1536xf32, #tpu.memory_space<vmem>>, vector<16xf32>,
        %mul3A_469 = arith.constant 16 : i32
        %mul3A_470 = arith.muli %scan3A_195, %mul3A_469 : i32
        %add3A_471 = arith.constant 128 : i32
        %add3A_472 = arith.addi %add3A_471, %mul3A_470 : i32
        %swap3A_473 = arith.constant 1 : i32
        %swap3A_474 = arith.index_cast %swap3A_473 : i32 to index
        %swap3A_475 = arith.index_cast %add3A_472 : i32 to index
        %swap3A_476 = tpu.vector_load %arg9[%swap3A_474, %swap3A_475] {strides = array<i32>} : memref<2x1536xf32, #tpu.memory_space<vmem>>, vector<16xf32>,
        tpu.vector_store %arg9[%swap3A_474, %swap3A_475], %sub3A_263 {strides = array<i32>} : memref<2x1536xf32, #tpu.memory_space<vmem>>, vector<16xf32>,
        %mul3A_477 = arith.constant 16 : i32
        %mul3A_478 = arith.muli %scan3A_195, %mul3A_477 : i32
        %add3A_479 = arith.constant 256 : i32
        %add3A_480 = arith.addi %add3A_479, %mul3A_478 : i32
        %swap3A_481 = arith.constant 1 : i32
        %swap3A_482 = arith.index_cast %swap3A_481 : i32 to index
        %swap3A_483 = arith.index_cast %add3A_480 : i32 to index
        %swap3A_484 = tpu.vector_load %arg9[%swap3A_482, %swap3A_483] {strides = array<i32>} : memref<2x1536xf32, #tpu.memory_space<vmem>>, vector<16xf32>,
        tpu.vector_store %arg9[%swap3A_482, %swap3A_483], %sub3A_275 {strides = array<i32>} : memref<2x1536xf32, #tpu.memory_space<vmem>>, vector<16xf32>,
        %mul3A_485 = arith.constant 87 : i32
        %mul3A_486 = vector.broadcast %mul3A_485 : i32 to vector<16xi32>
        %mul3A_487 = arith.muli %add3A_199, %mul3A_486 : vector<16xi32>
        %mul3A_488 = arith.constant 2.000000e+00 : f32
        %mul3A_489 = vector.broadcast %mul3A_488 : f32 to vector<16xf32>
        %mul3A_490 = arith.mulf %mul3A_489, %min3A_227 : vector<16xf32>
        %sub3A_491 = arith.constant 1.000000e+00 : f32
        %sub3A_492 = vector.broadcast %sub3A_491 : f32 to vector<16xf32>
        %sub3A_493 = arith.subf %mul3A_490, %sub3A_492 : vector<16xf32>
        %mul3A_494 = arith.constant 2.000000e+00 : f32
        %mul3A_495 = vector.broadcast %mul3A_494 : f32 to vector<16xf32>
        %mul3A_496 = arith.mulf %mul3A_495, %min3A_236 : vector<16xf32>
        %sub3A_497 = arith.constant 1.000000e+00 : f32
        %sub3A_498 = vector.broadcast %sub3A_497 : f32 to vector<16xf32>
        %sub3A_499 = arith.subf %mul3A_496, %sub3A_498 : vector<16xf32>
        %mul3A_500 = arith.constant 2.000000e+00 : f32
        %mul3A_501 = vector.broadcast %mul3A_500 : f32 to vector<16xf32>
        %mul3A_502 = arith.mulf %mul3A_501, %min3A_245 : vector<16xf32>
        %sub3A_503 = arith.constant 1.000000e+00 : f32
        %sub3A_504 = vector.broadcast %sub3A_503 : f32 to vector<16xf32>
        %sub3A_505 = arith.subf %mul3A_502, %sub3A_504 : vector<16xf32>
        %add3A_506 = arith.constant 48 : i32
        %add3A_507 = vector.broadcast %add3A_506 : i32 to vector<16xi32>
        %add3A_508 = arith.addi %mul3A_487, %add3A_507 : vector<16xi32>
        %scatter3A = arith.constant 1 : i32
        %scatter3A_509 = arith.constant 0 : i32
        %scatter3A_510 = tpu.memref_slice %arg11[%scatter3A, %scatter3A_509] : memref<2x11136xf32, #tpu.memory_space<vmem>> -> memref<1x11136xf32, #tpu.memory_space<vmem>>
        %scatter3A_511 = tpu.memref_squeeze %scatter3A_510 : memref<1x11136xf32, #tpu.memory_space<vmem>> -> memref<11136xf32, #tpu.memory_space<vmem>>
        tpu.vector_store_idx %scatter3A_511[%add3A_508], %sub3A_493 : memref<11136xf32, #tpu.memory_space<vmem>>[vector<16xi32>], vector<16xf32>,
        %add3A_512 = arith.constant 49 : i32
        %add3A_513 = vector.broadcast %add3A_512 : i32 to vector<16xi32>
        %add3A_514 = arith.addi %mul3A_487, %add3A_513 : vector<16xi32>
        %scatter3A_515 = arith.constant 1 : i32
        %scatter3A_516 = arith.constant 0 : i32
        %scatter3A_517 = tpu.memref_slice %arg11[%scatter3A_515, %scatter3A_516] : memref<2x11136xf32, #tpu.memory_space<vmem>> -> memref<1x11136xf32, #tpu.memory_space<vmem>>
        %scatter3A_518 = tpu.memref_squeeze %scatter3A_517 : memref<1x11136xf32, #tpu.memory_space<vmem>> -> memref<11136xf32, #tpu.memory_space<vmem>>
        tpu.vector_store_idx %scatter3A_518[%add3A_514], %sub3A_499 : memref<11136xf32, #tpu.memory_space<vmem>>[vector<16xi32>], vector<16xf32>,
        %add3A_519 = arith.constant 50 : i32
        %add3A_520 = vector.broadcast %add3A_519 : i32 to vector<16xi32>
        %add3A_521 = arith.addi %mul3A_487, %add3A_520 : vector<16xi32>
        %scatter3A_522 = arith.constant 1 : i32
        %scatter3A_523 = arith.constant 0 : i32
        %scatter3A_524 = tpu.memref_slice %arg11[%scatter3A_522, %scatter3A_523] : memref<2x11136xf32, #tpu.memory_space<vmem>> -> memref<1x11136xf32, #tpu.memory_space<vmem>>
        %scatter3A_525 = tpu.memref_squeeze %scatter3A_524 : memref<1x11136xf32, #tpu.memory_space<vmem>> -> memref<11136xf32, #tpu.memory_space<vmem>>
        tpu.vector_store_idx %scatter3A_525[%add3A_521], %sub3A_505 : memref<11136xf32, #tpu.memory_space<vmem>>[vector<16xi32>], vector<16xf32>,
        %mul3A_526 = arith.mulf %sub3A_493, %sub3A_493 : vector<16xf32>
        %mul3A_527 = arith.constant 2.75573188E-6 : f32
        %mul3A_528 = vector.broadcast %mul3A_527 : f32 to vector<16xf32>
        %mul3A_529 = arith.mulf %mul3A_528, %mul3A_526 : vector<16xf32>
        %add3A_530 = arith.constant -1.98412701E-4 : f32
        %add3A_531 = vector.broadcast %add3A_530 : f32 to vector<16xf32>
        %add3A_532 = arith.addf %mul3A_529, %add3A_531 : vector<16xf32>
        %mul3A_533 = arith.mulf %add3A_532, %mul3A_526 : vector<16xf32>
        %add3A_534 = arith.constant 0.00833333377 : f32
        %add3A_535 = vector.broadcast %add3A_534 : f32 to vector<16xf32>
        %add3A_536 = arith.addf %mul3A_533, %add3A_535 : vector<16xf32>
        %mul3A_537 = arith.mulf %add3A_536, %mul3A_526 : vector<16xf32>
        %add3A_538 = arith.constant -0.166666672 : f32
        %add3A_539 = vector.broadcast %add3A_538 : f32 to vector<16xf32>
        %add3A_540 = arith.addf %mul3A_537, %add3A_539 : vector<16xf32>
        %mul3A_541 = arith.mulf %add3A_540, %mul3A_526 : vector<16xf32>
        %add3A_542 = arith.constant 1.000000e+00 : f32
        %add3A_543 = vector.broadcast %add3A_542 : f32 to vector<16xf32>
        %add3A_544 = arith.addf %mul3A_541, %add3A_543 : vector<16xf32>
        %mul3A_545 = arith.mulf %sub3A_493, %add3A_544 : vector<16xf32>
        %mul3A_546 = arith.constant -2.755732E-7 : f32
        %mul3A_547 = vector.broadcast %mul3A_546 : f32 to vector<16xf32>
        %mul3A_548 = arith.mulf %mul3A_547, %mul3A_526 : vector<16xf32>
        %add3A_549 = arith.constant 2.48015876E-5 : f32
        %add3A_550 = vector.broadcast %add3A_549 : f32 to vector<16xf32>
        %add3A_551 = arith.addf %mul3A_548, %add3A_550 : vector<16xf32>
        %mul3A_552 = arith.mulf %add3A_551, %mul3A_526 : vector<16xf32>
        %add3A_553 = arith.constant -0.00138888892 : f32
        %add3A_554 = vector.broadcast %add3A_553 : f32 to vector<16xf32>
        %add3A_555 = arith.addf %mul3A_552, %add3A_554 : vector<16xf32>
        %mul3A_556 = arith.mulf %add3A_555, %mul3A_526 : vector<16xf32>
        %add3A_557 = arith.constant 0.0416666679 : f32
        %add3A_558 = vector.broadcast %add3A_557 : f32 to vector<16xf32>
        %add3A_559 = arith.addf %mul3A_556, %add3A_558 : vector<16xf32>
        %mul3A_560 = arith.mulf %add3A_559, %mul3A_526 : vector<16xf32>
        %add3A_561 = arith.constant -5.000000e-01 : f32
        %add3A_562 = vector.broadcast %add3A_561 : f32 to vector<16xf32>
        %add3A_563 = arith.addf %mul3A_560, %add3A_562 : vector<16xf32>
        %mul3A_564 = arith.mulf %add3A_563, %mul3A_526 : vector<16xf32>
        %add3A_565 = arith.constant 1.000000e+00 : f32
        %add3A_566 = vector.broadcast %add3A_565 : f32 to vector<16xf32>
        %add3A_567 = arith.addf %mul3A_564, %add3A_566 : vector<16xf32>
        %mul3A_568 = arith.mulf %sub3A_499, %sub3A_499 : vector<16xf32>
        %mul3A_569 = arith.constant 2.75573188E-6 : f32
        %mul3A_570 = vector.broadcast %mul3A_569 : f32 to vector<16xf32>
        %mul3A_571 = arith.mulf %mul3A_570, %mul3A_568 : vector<16xf32>
        %add3A_572 = arith.constant -1.98412701E-4 : f32
        %add3A_573 = vector.broadcast %add3A_572 : f32 to vector<16xf32>
        %add3A_574 = arith.addf %mul3A_571, %add3A_573 : vector<16xf32>
        %mul3A_575 = arith.mulf %add3A_574, %mul3A_568 : vector<16xf32>
        %add3A_576 = arith.constant 0.00833333377 : f32
        %add3A_577 = vector.broadcast %add3A_576 : f32 to vector<16xf32>
        %add3A_578 = arith.addf %mul3A_575, %add3A_577 : vector<16xf32>
        %mul3A_579 = arith.mulf %add3A_578, %mul3A_568 : vector<16xf32>
        %add3A_580 = arith.constant -0.166666672 : f32
        %add3A_581 = vector.broadcast %add3A_580 : f32 to vector<16xf32>
        %add3A_582 = arith.addf %mul3A_579, %add3A_581 : vector<16xf32>
        %mul3A_583 = arith.mulf %add3A_582, %mul3A_568 : vector<16xf32>
        %add3A_584 = arith.constant 1.000000e+00 : f32
        %add3A_585 = vector.broadcast %add3A_584 : f32 to vector<16xf32>
        %add3A_586 = arith.addf %mul3A_583, %add3A_585 : vector<16xf32>
        %mul3A_587 = arith.mulf %sub3A_499, %add3A_586 : vector<16xf32>
        %mul3A_588 = arith.constant -2.755732E-7 : f32
        %mul3A_589 = vector.broadcast %mul3A_588 : f32 to vector<16xf32>
        %mul3A_590 = arith.mulf %mul3A_589, %mul3A_568 : vector<16xf32>
        %add3A_591 = arith.constant 2.48015876E-5 : f32
        %add3A_592 = vector.broadcast %add3A_591 : f32 to vector<16xf32>
        %add3A_593 = arith.addf %mul3A_590, %add3A_592 : vector<16xf32>
        %mul3A_594 = arith.mulf %add3A_593, %mul3A_568 : vector<16xf32>
        %add3A_595 = arith.constant -0.00138888892 : f32
        %add3A_596 = vector.broadcast %add3A_595 : f32 to vector<16xf32>
        %add3A_597 = arith.addf %mul3A_594, %add3A_596 : vector<16xf32>
        %mul3A_598 = arith.mulf %add3A_597, %mul3A_568 : vector<16xf32>
        %add3A_599 = arith.constant 0.0416666679 : f32
        %add3A_600 = vector.broadcast %add3A_599 : f32 to vector<16xf32>
        %add3A_601 = arith.addf %mul3A_598, %add3A_600 : vector<16xf32>
        %mul3A_602 = arith.mulf %add3A_601, %mul3A_568 : vector<16xf32>
        %add3A_603 = arith.constant -5.000000e-01 : f32
        %add3A_604 = vector.broadcast %add3A_603 : f32 to vector<16xf32>
        %add3A_605 = arith.addf %mul3A_602, %add3A_604 : vector<16xf32>
        %mul3A_606 = arith.mulf %add3A_605, %mul3A_568 : vector<16xf32>
        %add3A_607 = arith.constant 1.000000e+00 : f32
        %add3A_608 = vector.broadcast %add3A_607 : f32 to vector<16xf32>
        %add3A_609 = arith.addf %mul3A_606, %add3A_608 : vector<16xf32>
        %mul3A_610 = arith.mulf %sub3A_505, %sub3A_505 : vector<16xf32>
        %mul3A_611 = arith.constant 2.75573188E-6 : f32
        %mul3A_612 = vector.broadcast %mul3A_611 : f32 to vector<16xf32>
        %mul3A_613 = arith.mulf %mul3A_612, %mul3A_610 : vector<16xf32>
        %add3A_614 = arith.constant -1.98412701E-4 : f32
        %add3A_615 = vector.broadcast %add3A_614 : f32 to vector<16xf32>
        %add3A_616 = arith.addf %mul3A_613, %add3A_615 : vector<16xf32>
        %mul3A_617 = arith.mulf %add3A_616, %mul3A_610 : vector<16xf32>
        %add3A_618 = arith.constant 0.00833333377 : f32
        %add3A_619 = vector.broadcast %add3A_618 : f32 to vector<16xf32>
        %add3A_620 = arith.addf %mul3A_617, %add3A_619 : vector<16xf32>
        %mul3A_621 = arith.mulf %add3A_620, %mul3A_610 : vector<16xf32>
        %add3A_622 = arith.constant -0.166666672 : f32
        %add3A_623 = vector.broadcast %add3A_622 : f32 to vector<16xf32>
        %add3A_624 = arith.addf %mul3A_621, %add3A_623 : vector<16xf32>
        %mul3A_625 = arith.mulf %add3A_624, %mul3A_610 : vector<16xf32>
        %add3A_626 = arith.constant 1.000000e+00 : f32
        %add3A_627 = vector.broadcast %add3A_626 : f32 to vector<16xf32>
        %add3A_628 = arith.addf %mul3A_625, %add3A_627 : vector<16xf32>
        %mul3A_629 = arith.mulf %sub3A_505, %add3A_628 : vector<16xf32>
        %mul3A_630 = arith.constant -2.755732E-7 : f32
        %mul3A_631 = vector.broadcast %mul3A_630 : f32 to vector<16xf32>
        %mul3A_632 = arith.mulf %mul3A_631, %mul3A_610 : vector<16xf32>
        %add3A_633 = arith.constant 2.48015876E-5 : f32
        %add3A_634 = vector.broadcast %add3A_633 : f32 to vector<16xf32>
        %add3A_635 = arith.addf %mul3A_632, %add3A_634 : vector<16xf32>
        %mul3A_636 = arith.mulf %add3A_635, %mul3A_610 : vector<16xf32>
        %add3A_637 = arith.constant -0.00138888892 : f32
        %add3A_638 = vector.broadcast %add3A_637 : f32 to vector<16xf32>
        %add3A_639 = arith.addf %mul3A_636, %add3A_638 : vector<16xf32>
        %mul3A_640 = arith.mulf %add3A_639, %mul3A_610 : vector<16xf32>
        %add3A_641 = arith.constant 0.0416666679 : f32
        %add3A_642 = vector.broadcast %add3A_641 : f32 to vector<16xf32>
        %add3A_643 = arith.addf %mul3A_640, %add3A_642 : vector<16xf32>
        %mul3A_644 = arith.mulf %add3A_643, %mul3A_610 : vector<16xf32>
        %add3A_645 = arith.constant -5.000000e-01 : f32
        %add3A_646 = vector.broadcast %add3A_645 : f32 to vector<16xf32>
        %add3A_647 = arith.addf %mul3A_644, %add3A_646 : vector<16xf32>
        %mul3A_648 = arith.mulf %add3A_647, %mul3A_610 : vector<16xf32>
        %add3A_649 = arith.constant 1.000000e+00 : f32
        %add3A_650 = vector.broadcast %add3A_649 : f32 to vector<16xf32>
        %add3A_651 = arith.addf %mul3A_648, %add3A_650 : vector<16xf32>
        %add3A_652 = arith.constant 51 : i32
        %add3A_653 = vector.broadcast %add3A_652 : i32 to vector<16xi32>
        %add3A_654 = arith.addi %mul3A_487, %add3A_653 : vector<16xi32>
        %scatter3A_655 = arith.constant 1 : i32
        %scatter3A_656 = arith.constant 0 : i32
        %scatter3A_657 = tpu.memref_slice %arg11[%scatter3A_655, %scatter3A_656] : memref<2x11136xf32, #tpu.memory_space<vmem>> -> memref<1x11136xf32, #tpu.memory_space<vmem>>
        %scatter3A_658 = tpu.memref_squeeze %scatter3A_657 : memref<1x11136xf32, #tpu.memory_space<vmem>> -> memref<11136xf32, #tpu.memory_space<vmem>>
        tpu.vector_store_idx %scatter3A_658[%add3A_654], %mul3A_545 : memref<11136xf32, #tpu.memory_space<vmem>>[vector<16xi32>], vector<16xf32>,
        %add3A_659 = arith.constant 54 : i32
        %add3A_660 = vector.broadcast %add3A_659 : i32 to vector<16xi32>
        %add3A_661 = arith.addi %mul3A_487, %add3A_660 : vector<16xi32>
        %scatter3A_662 = arith.constant 1 : i32
        %scatter3A_663 = arith.constant 0 : i32
        %scatter3A_664 = tpu.memref_slice %arg11[%scatter3A_662, %scatter3A_663] : memref<2x11136xf32, #tpu.memory_space<vmem>> -> memref<1x11136xf32, #tpu.memory_space<vmem>>
        %scatter3A_665 = tpu.memref_squeeze %scatter3A_664 : memref<1x11136xf32, #tpu.memory_space<vmem>> -> memref<11136xf32, #tpu.memory_space<vmem>>
        tpu.vector_store_idx %scatter3A_665[%add3A_661], %add3A_567 : memref<11136xf32, #tpu.memory_space<vmem>>[vector<16xi32>], vector<16xf32>,
        %mul3A_666 = arith.constant 2.000000e+00 : f32
        %mul3A_667 = vector.broadcast %mul3A_666 : f32 to vector<16xf32>
        %mul3A_668 = arith.mulf %mul3A_667, %mul3A_545 : vector<16xf32>
        %mul3A_669 = arith.mulf %mul3A_668, %add3A_567 : vector<16xf32>
        %mul3A_670 = arith.constant 2.000000e+00 : f32
        %mul3A_671 = vector.broadcast %mul3A_670 : f32 to vector<16xf32>
        %mul3A_672 = arith.mulf %mul3A_671, %mul3A_545 : vector<16xf32>
        %mul3A_673 = arith.mulf %mul3A_672, %mul3A_545 : vector<16xf32>
        %sub3A_674 = arith.constant 1.000000e+00 : f32
        %sub3A_675 = vector.broadcast %sub3A_674 : f32 to vector<16xf32>
        %sub3A_676 = arith.subf %sub3A_675, %mul3A_673 : vector<16xf32>
        %add3A_677 = arith.constant 52 : i32
        %add3A_678 = vector.broadcast %add3A_677 : i32 to vector<16xi32>
        %add3A_679 = arith.addi %mul3A_487, %add3A_678 : vector<16xi32>
        %scatter3A_680 = arith.constant 1 : i32
        %scatter3A_681 = arith.constant 0 : i32
        %scatter3A_682 = tpu.memref_slice %arg11[%scatter3A_680, %scatter3A_681] : memref<2x11136xf32, #tpu.memory_space<vmem>> -> memref<1x11136xf32, #tpu.memory_space<vmem>>
        %scatter3A_683 = tpu.memref_squeeze %scatter3A_682 : memref<1x11136xf32, #tpu.memory_space<vmem>> -> memref<11136xf32, #tpu.memory_space<vmem>>
        tpu.vector_store_idx %scatter3A_683[%add3A_679], %mul3A_587 : memref<11136xf32, #tpu.memory_space<vmem>>[vector<16xi32>], vector<16xf32>,
        %add3A_684 = arith.constant 55 : i32
        %add3A_685 = vector.broadcast %add3A_684 : i32 to vector<16xi32>
        %add3A_686 = arith.addi %mul3A_487, %add3A_685 : vector<16xi32>
        %scatter3A_687 = arith.constant 1 : i32
        %scatter3A_688 = arith.constant 0 : i32
        %scatter3A_689 = tpu.memref_slice %arg11[%scatter3A_687, %scatter3A_688] : memref<2x11136xf32, #tpu.memory_space<vmem>> -> memref<1x11136xf32, #tpu.memory_space<vmem>>
        %scatter3A_690 = tpu.memref_squeeze %scatter3A_689 : memref<1x11136xf32, #tpu.memory_space<vmem>> -> memref<11136xf32, #tpu.memory_space<vmem>>
        tpu.vector_store_idx %scatter3A_690[%add3A_686], %add3A_609 : memref<11136xf32, #tpu.memory_space<vmem>>[vector<16xi32>], vector<16xf32>,
        %mul3A_691 = arith.constant 2.000000e+00 : f32
        %mul3A_692 = vector.broadcast %mul3A_691 : f32 to vector<16xf32>
        %mul3A_693 = arith.mulf %mul3A_692, %mul3A_587 : vector<16xf32>
        %mul3A_694 = arith.mulf %mul3A_693, %add3A_609 : vector<16xf32>
        %mul3A_695 = arith.constant 2.000000e+00 : f32
        %mul3A_696 = vector.broadcast %mul3A_695 : f32 to vector<16xf32>
        %mul3A_697 = arith.mulf %mul3A_696, %mul3A_587 : vector<16xf32>
        %mul3A_698 = arith.mulf %mul3A_697, %mul3A_587 : vector<16xf32>
        %sub3A_699 = arith.constant 1.000000e+00 : f32
        %sub3A_700 = vector.broadcast %sub3A_699 : f32 to vector<16xf32>
        %sub3A_701 = arith.subf %sub3A_700, %mul3A_698 : vector<16xf32>
        %add3A_702 = arith.constant 53 : i32
        %add3A_703 = vector.broadcast %add3A_702 : i32 to vector<16xi32>
        %add3A_704 = arith.addi %mul3A_487, %add3A_703 : vector<16xi32>
        %scatter3A_705 = arith.constant 1 : i32
        %scatter3A_706 = arith.constant 0 : i32
        %scatter3A_707 = tpu.memref_slice %arg11[%scatter3A_705, %scatter3A_706] : memref<2x11136xf32, #tpu.memory_space<vmem>> -> memref<1x11136xf32, #tpu.memory_space<vmem>>
        %scatter3A_708 = tpu.memref_squeeze %scatter3A_707 : memref<1x11136xf32, #tpu.memory_space<vmem>> -> memref<11136xf32, #tpu.memory_space<vmem>>
        tpu.vector_store_idx %scatter3A_708[%add3A_704], %mul3A_629 : memref<11136xf32, #tpu.memory_space<vmem>>[vector<16xi32>], vector<16xf32>,
        %add3A_709 = arith.constant 56 : i32
        %add3A_710 = vector.broadcast %add3A_709 : i32 to vector<16xi32>
        %add3A_711 = arith.addi %mul3A_487, %add3A_710 : vector<16xi32>
        %scatter3A_712 = arith.constant 1 : i32
        %scatter3A_713 = arith.constant 0 : i32
        %scatter3A_714 = tpu.memref_slice %arg11[%scatter3A_712, %scatter3A_713] : memref<2x11136xf32, #tpu.memory_space<vmem>> -> memref<1x11136xf32, #tpu.memory_space<vmem>>
        %scatter3A_715 = tpu.memref_squeeze %scatter3A_714 : memref<1x11136xf32, #tpu.memory_space<vmem>> -> memref<11136xf32, #tpu.memory_space<vmem>>
        tpu.vector_store_idx %scatter3A_715[%add3A_711], %add3A_651 : memref<11136xf32, #tpu.memory_space<vmem>>[vector<16xi32>], vector<16xf32>,
        %mul3A_716 = arith.constant 2.000000e+00 : f32
        %mul3A_717 = vector.broadcast %mul3A_716 : f32 to vector<16xf32>
        %mul3A_718 = arith.mulf %mul3A_717, %mul3A_629 : vector<16xf32>
        %mul3A_719 = arith.mulf %mul3A_718, %add3A_651 : vector<16xf32>
        %mul3A_720 = arith.constant 2.000000e+00 : f32
        %mul3A_721 = vector.broadcast %mul3A_720 : f32 to vector<16xf32>
        %mul3A_722 = arith.mulf %mul3A_721, %mul3A_629 : vector<16xf32>
        %mul3A_723 = arith.mulf %mul3A_722, %mul3A_629 : vector<16xf32>
        %sub3A_724 = arith.constant 1.000000e+00 : f32
        %sub3A_725 = vector.broadcast %sub3A_724 : f32 to vector<16xf32>
        %sub3A_726 = arith.subf %sub3A_725, %mul3A_723 : vector<16xf32>
        %add3A_727 = arith.constant 57 : i32
        %add3A_728 = vector.broadcast %add3A_727 : i32 to vector<16xi32>
        %add3A_729 = arith.addi %mul3A_487, %add3A_728 : vector<16xi32>
        %scatter3A_730 = arith.constant 1 : i32
        %scatter3A_731 = arith.constant 0 : i32
        %scatter3A_732 = tpu.memref_slice %arg11[%scatter3A_730, %scatter3A_731] : memref<2x11136xf32, #tpu.memory_space<vmem>> -> memref<1x11136xf32, #tpu.memory_space<vmem>>
        %scatter3A_733 = tpu.memref_squeeze %scatter3A_732 : memref<1x11136xf32, #tpu.memory_space<vmem>> -> memref<11136xf32, #tpu.memory_space<vmem>>
        tpu.vector_store_idx %scatter3A_733[%add3A_729], %mul3A_669 : memref<11136xf32, #tpu.memory_space<vmem>>[vector<16xi32>], vector<16xf32>,
        %add3A_734 = arith.constant 60 : i32
        %add3A_735 = vector.broadcast %add3A_734 : i32 to vector<16xi32>
        %add3A_736 = arith.addi %mul3A_487, %add3A_735 : vector<16xi32>
        %scatter3A_737 = arith.constant 1 : i32
        %scatter3A_738 = arith.constant 0 : i32
        %scatter3A_739 = tpu.memref_slice %arg11[%scatter3A_737, %scatter3A_738] : memref<2x11136xf32, #tpu.memory_space<vmem>> -> memref<1x11136xf32, #tpu.memory_space<vmem>>
        %scatter3A_740 = tpu.memref_squeeze %scatter3A_739 : memref<1x11136xf32, #tpu.memory_space<vmem>> -> memref<11136xf32, #tpu.memory_space<vmem>>
        tpu.vector_store_idx %scatter3A_740[%add3A_736], %sub3A_676 : memref<11136xf32, #tpu.memory_space<vmem>>[vector<16xi32>], vector<16xf32>,
        %mul3A_741 = arith.constant 2.000000e+00 : f32
        %mul3A_742 = vector.broadcast %mul3A_741 : f32 to vector<16xf32>
        %mul3A_743 = arith.mulf %mul3A_742, %mul3A_669 : vector<16xf32>
        %mul3A_744 = arith.mulf %mul3A_743, %sub3A_676 : vector<16xf32>
        %mul3A_745 = arith.constant 2.000000e+00 : f32
        %mul3A_746 = vector.broadcast %mul3A_745 : f32 to vector<16xf32>
        %mul3A_747 = arith.mulf %mul3A_746, %mul3A_669 : vector<16xf32>
        %mul3A_748 = arith.mulf %mul3A_747, %mul3A_669 : vector<16xf32>
        %sub3A_749 = arith.constant 1.000000e+00 : f32
        %sub3A_750 = vector.broadcast %sub3A_749 : f32 to vector<16xf32>
        %sub3A_751 = arith.subf %sub3A_750, %mul3A_748 : vector<16xf32>
        %add3A_752 = arith.constant 58 : i32
        %add3A_753 = vector.broadcast %add3A_752 : i32 to vector<16xi32>
        %add3A_754 = arith.addi %mul3A_487, %add3A_753 : vector<16xi32>
        %scatter3A_755 = arith.constant 1 : i32
        %scatter3A_756 = arith.constant 0 : i32
        %scatter3A_757 = tpu.memref_slice %arg11[%scatter3A_755, %scatter3A_756] : memref<2x11136xf32, #tpu.memory_space<vmem>> -> memref<1x11136xf32, #tpu.memory_space<vmem>>
        %scatter3A_758 = tpu.memref_squeeze %scatter3A_757 : memref<1x11136xf32, #tpu.memory_space<vmem>> -> memref<11136xf32, #tpu.memory_space<vmem>>
        tpu.vector_store_idx %scatter3A_758[%add3A_754], %mul3A_694 : memref<11136xf32, #tpu.memory_space<vmem>>[vector<16xi32>], vector<16xf32>,
        %add3A_759 = arith.constant 61 : i32
        %add3A_760 = vector.broadcast %add3A_759 : i32 to vector<16xi32>
        %add3A_761 = arith.addi %mul3A_487, %add3A_760 : vector<16xi32>
        %scatter3A_762 = arith.constant 1 : i32
        %scatter3A_763 = arith.constant 0 : i32
        %scatter3A_764 = tpu.memref_slice %arg11[%scatter3A_762, %scatter3A_763] : memref<2x11136xf32, #tpu.memory_space<vmem>> -> memref<1x11136xf32, #tpu.memory_space<vmem>>
        %scatter3A_765 = tpu.memref_squeeze %scatter3A_764 : memref<1x11136xf32, #tpu.memory_space<vmem>> -> memref<11136xf32, #tpu.memory_space<vmem>>
        tpu.vector_store_idx %scatter3A_765[%add3A_761], %sub3A_701 : memref<11136xf32, #tpu.memory_space<vmem>>[vector<16xi32>], vector<16xf32>,
        %mul3A_766 = arith.constant 2.000000e+00 : f32
        %mul3A_767 = vector.broadcast %mul3A_766 : f32 to vector<16xf32>
        %mul3A_768 = arith.mulf %mul3A_767, %mul3A_694 : vector<16xf32>
        %mul3A_769 = arith.mulf %mul3A_768, %sub3A_701 : vector<16xf32>
        %mul3A_770 = arith.constant 2.000000e+00 : f32
        %mul3A_771 = vector.broadcast %mul3A_770 : f32 to vector<16xf32>
        %mul3A_772 = arith.mulf %mul3A_771, %mul3A_694 : vector<16xf32>
        %mul3A_773 = arith.mulf %mul3A_772, %mul3A_694 : vector<16xf32>
        %sub3A_774 = arith.constant 1.000000e+00 : f32
        %sub3A_775 = vector.broadcast %sub3A_774 : f32 to vector<16xf32>
        %sub3A_776 = arith.subf %sub3A_775, %mul3A_773 : vector<16xf32>
        %add3A_777 = arith.constant 59 : i32
        %add3A_778 = vector.broadcast %add3A_777 : i32 to vector<16xi32>
        %add3A_779 = arith.addi %mul3A_487, %add3A_778 : vector<16xi32>
        %scatter3A_780 = arith.constant 1 : i32
        %scatter3A_781 = arith.constant 0 : i32
        %scatter3A_782 = tpu.memref_slice %arg11[%scatter3A_780, %scatter3A_781] : memref<2x11136xf32, #tpu.memory_space<vmem>> -> memref<1x11136xf32, #tpu.memory_space<vmem>>
        %scatter3A_783 = tpu.memref_squeeze %scatter3A_782 : memref<1x11136xf32, #tpu.memory_space<vmem>> -> memref<11136xf32, #tpu.memory_space<vmem>>
        tpu.vector_store_idx %scatter3A_783[%add3A_779], %mul3A_719 : memref<11136xf32, #tpu.memory_space<vmem>>[vector<16xi32>], vector<16xf32>,
        %add3A_784 = arith.constant 62 : i32
        %add3A_785 = vector.broadcast %add3A_784 : i32 to vector<16xi32>
        %add3A_786 = arith.addi %mul3A_487, %add3A_785 : vector<16xi32>
        %scatter3A_787 = arith.constant 1 : i32
        %scatter3A_788 = arith.constant 0 : i32
        %scatter3A_789 = tpu.memref_slice %arg11[%scatter3A_787, %scatter3A_788] : memref<2x11136xf32, #tpu.memory_space<vmem>> -> memref<1x11136xf32, #tpu.memory_space<vmem>>
        %scatter3A_790 = tpu.memref_squeeze %scatter3A_789 : memref<1x11136xf32, #tpu.memory_space<vmem>> -> memref<11136xf32, #tpu.memory_space<vmem>>
        tpu.vector_store_idx %scatter3A_790[%add3A_786], %sub3A_726 : memref<11136xf32, #tpu.memory_space<vmem>>[vector<16xi32>], vector<16xf32>,
        %mul3A_791 = arith.constant 2.000000e+00 : f32
        %mul3A_792 = vector.broadcast %mul3A_791 : f32 to vector<16xf32>
        %mul3A_793 = arith.mulf %mul3A_792, %mul3A_719 : vector<16xf32>
        %mul3A_794 = arith.mulf %mul3A_793, %sub3A_726 : vector<16xf32>
        %mul3A_795 = arith.constant 2.000000e+00 : f32
        %mul3A_796 = vector.broadcast %mul3A_795 : f32 to vector<16xf32>
        %mul3A_797 = arith.mulf %mul3A_796, %mul3A_719 : vector<16xf32>
        %mul3A_798 = arith.mulf %mul3A_797, %mul3A_719 : vector<16xf32>
        %sub3A_799 = arith.constant 1.000000e+00 : f32
        %sub3A_800 = vector.broadcast %sub3A_799 : f32 to vector<16xf32>
        %sub3A_801 = arith.subf %sub3A_800, %mul3A_798 : vector<16xf32>
        %add3A_802 = arith.constant 63 : i32
        %add3A_803 = vector.broadcast %add3A_802 : i32 to vector<16xi32>
        %add3A_804 = arith.addi %mul3A_487, %add3A_803 : vector<16xi32>
        %scatter3A_805 = arith.constant 1 : i32
        %scatter3A_806 = arith.constant 0 : i32
        %scatter3A_807 = tpu.memref_slice %arg11[%scatter3A_805, %scatter3A_806] : memref<2x11136xf32, #tpu.memory_space<vmem>> -> memref<1x11136xf32, #tpu.memory_space<vmem>>
        %scatter3A_808 = tpu.memref_squeeze %scatter3A_807 : memref<1x11136xf32, #tpu.memory_space<vmem>> -> memref<11136xf32, #tpu.memory_space<vmem>>
        tpu.vector_store_idx %scatter3A_808[%add3A_804], %mul3A_744 : memref<11136xf32, #tpu.memory_space<vmem>>[vector<16xi32>], vector<16xf32>,
        %add3A_809 = arith.constant 66 : i32
        %add3A_810 = vector.broadcast %add3A_809 : i32 to vector<16xi32>
        %add3A_811 = arith.addi %mul3A_487, %add3A_810 : vector<16xi32>
        %scatter3A_812 = arith.constant 1 : i32
        %scatter3A_813 = arith.constant 0 : i32
        %scatter3A_814 = tpu.memref_slice %arg11[%scatter3A_812, %scatter3A_813] : memref<2x11136xf32, #tpu.memory_space<vmem>> -> memref<1x11136xf32, #tpu.memory_space<vmem>>
        %scatter3A_815 = tpu.memref_squeeze %scatter3A_814 : memref<1x11136xf32, #tpu.memory_space<vmem>> -> memref<11136xf32, #tpu.memory_space<vmem>>
        tpu.vector_store_idx %scatter3A_815[%add3A_811], %sub3A_751 : memref<11136xf32, #tpu.memory_space<vmem>>[vector<16xi32>], vector<16xf32>,
        %mul3A_816 = arith.constant 2.000000e+00 : f32
        %mul3A_817 = vector.broadcast %mul3A_816 : f32 to vector<16xf32>
        %mul3A_818 = arith.mulf %mul3A_817, %mul3A_744 : vector<16xf32>
        %mul3A_819 = arith.mulf %mul3A_818, %sub3A_751 : vector<16xf32>
        %mul3A_820 = arith.constant 2.000000e+00 : f32
        %mul3A_821 = vector.broadcast %mul3A_820 : f32 to vector<16xf32>
        %mul3A_822 = arith.mulf %mul3A_821, %mul3A_744 : vector<16xf32>
        %mul3A_823 = arith.mulf %mul3A_822, %mul3A_744 : vector<16xf32>
        %sub3A_824 = arith.constant 1.000000e+00 : f32
        %sub3A_825 = vector.broadcast %sub3A_824 : f32 to vector<16xf32>
        %sub3A_826 = arith.subf %sub3A_825, %mul3A_823 : vector<16xf32>
        %add3A_827 = arith.constant 64 : i32
        %add3A_828 = vector.broadcast %add3A_827 : i32 to vector<16xi32>
        %add3A_829 = arith.addi %mul3A_487, %add3A_828 : vector<16xi32>
        %scatter3A_830 = arith.constant 1 : i32
        %scatter3A_831 = arith.constant 0 : i32
        %scatter3A_832 = tpu.memref_slice %arg11[%scatter3A_830, %scatter3A_831] : memref<2x11136xf32, #tpu.memory_space<vmem>> -> memref<1x11136xf32, #tpu.memory_space<vmem>>
        %scatter3A_833 = tpu.memref_squeeze %scatter3A_832 : memref<1x11136xf32, #tpu.memory_space<vmem>> -> memref<11136xf32, #tpu.memory_space<vmem>>
        tpu.vector_store_idx %scatter3A_833[%add3A_829], %mul3A_769 : memref<11136xf32, #tpu.memory_space<vmem>>[vector<16xi32>], vector<16xf32>,
        %add3A_834 = arith.constant 67 : i32
        %add3A_835 = vector.broadcast %add3A_834 : i32 to vector<16xi32>
        %add3A_836 = arith.addi %mul3A_487, %add3A_835 : vector<16xi32>
        %scatter3A_837 = arith.constant 1 : i32
        %scatter3A_838 = arith.constant 0 : i32
        %scatter3A_839 = tpu.memref_slice %arg11[%scatter3A_837, %scatter3A_838] : memref<2x11136xf32, #tpu.memory_space<vmem>> -> memref<1x11136xf32, #tpu.memory_space<vmem>>
        %scatter3A_840 = tpu.memref_squeeze %scatter3A_839 : memref<1x11136xf32, #tpu.memory_space<vmem>> -> memref<11136xf32, #tpu.memory_space<vmem>>
        tpu.vector_store_idx %scatter3A_840[%add3A_836], %sub3A_776 : memref<11136xf32, #tpu.memory_space<vmem>>[vector<16xi32>], vector<16xf32>,
        %mul3A_841 = arith.constant 2.000000e+00 : f32
        %mul3A_842 = vector.broadcast %mul3A_841 : f32 to vector<16xf32>
        %mul3A_843 = arith.mulf %mul3A_842, %mul3A_769 : vector<16xf32>
        %mul3A_844 = arith.mulf %mul3A_843, %sub3A_776 : vector<16xf32>
        %mul3A_845 = arith.constant 2.000000e+00 : f32
        %mul3A_846 = vector.broadcast %mul3A_845 : f32 to vector<16xf32>
        %mul3A_847 = arith.mulf %mul3A_846, %mul3A_769 : vector<16xf32>
        %mul3A_848 = arith.mulf %mul3A_847, %mul3A_769 : vector<16xf32>
        %sub3A_849 = arith.constant 1.000000e+00 : f32
        %sub3A_850 = vector.broadcast %sub3A_849 : f32 to vector<16xf32>
        %sub3A_851 = arith.subf %sub3A_850, %mul3A_848 : vector<16xf32>
        %add3A_852 = arith.constant 65 : i32
        %add3A_853 = vector.broadcast %add3A_852 : i32 to vector<16xi32>
        %add3A_854 = arith.addi %mul3A_487, %add3A_853 : vector<16xi32>
        %scatter3A_855 = arith.constant 1 : i32
        %scatter3A_856 = arith.constant 0 : i32
        %scatter3A_857 = tpu.memref_slice %arg11[%scatter3A_855, %scatter3A_856] : memref<2x11136xf32, #tpu.memory_space<vmem>> -> memref<1x11136xf32, #tpu.memory_space<vmem>>
        %scatter3A_858 = tpu.memref_squeeze %scatter3A_857 : memref<1x11136xf32, #tpu.memory_space<vmem>> -> memref<11136xf32, #tpu.memory_space<vmem>>
        tpu.vector_store_idx %scatter3A_858[%add3A_854], %mul3A_794 : memref<11136xf32, #tpu.memory_space<vmem>>[vector<16xi32>], vector<16xf32>,
        %add3A_859 = arith.constant 68 : i32
        %add3A_860 = vector.broadcast %add3A_859 : i32 to vector<16xi32>
        %add3A_861 = arith.addi %mul3A_487, %add3A_860 : vector<16xi32>
        %scatter3A_862 = arith.constant 1 : i32
        %scatter3A_863 = arith.constant 0 : i32
        %scatter3A_864 = tpu.memref_slice %arg11[%scatter3A_862, %scatter3A_863] : memref<2x11136xf32, #tpu.memory_space<vmem>> -> memref<1x11136xf32, #tpu.memory_space<vmem>>
        %scatter3A_865 = tpu.memref_squeeze %scatter3A_864 : memref<1x11136xf32, #tpu.memory_space<vmem>> -> memref<11136xf32, #tpu.memory_space<vmem>>
        tpu.vector_store_idx %scatter3A_865[%add3A_861], %sub3A_801 : memref<11136xf32, #tpu.memory_space<vmem>>[vector<16xi32>], vector<16xf32>,
        %mul3A_866 = arith.constant 2.000000e+00 : f32
        %mul3A_867 = vector.broadcast %mul3A_866 : f32 to vector<16xf32>
        %mul3A_868 = arith.mulf %mul3A_867, %mul3A_794 : vector<16xf32>
        %mul3A_869 = arith.mulf %mul3A_868, %sub3A_801 : vector<16xf32>
        %mul3A_870 = arith.constant 2.000000e+00 : f32
        %mul3A_871 = vector.broadcast %mul3A_870 : f32 to vector<16xf32>
        %mul3A_872 = arith.mulf %mul3A_871, %mul3A_794 : vector<16xf32>
        %mul3A_873 = arith.mulf %mul3A_872, %mul3A_794 : vector<16xf32>
        %sub3A_874 = arith.constant 1.000000e+00 : f32
        %sub3A_875 = vector.broadcast %sub3A_874 : f32 to vector<16xf32>
        %sub3A_876 = arith.subf %sub3A_875, %mul3A_873 : vector<16xf32>
        %add3A_877 = arith.constant 69 : i32
        %add3A_878 = vector.broadcast %add3A_877 : i32 to vector<16xi32>
        %add3A_879 = arith.addi %mul3A_487, %add3A_878 : vector<16xi32>
        %scatter3A_880 = arith.constant 1 : i32
        %scatter3A_881 = arith.constant 0 : i32
        %scatter3A_882 = tpu.memref_slice %arg11[%scatter3A_880, %scatter3A_881] : memref<2x11136xf32, #tpu.memory_space<vmem>> -> memref<1x11136xf32, #tpu.memory_space<vmem>>
        %scatter3A_883 = tpu.memref_squeeze %scatter3A_882 : memref<1x11136xf32, #tpu.memory_space<vmem>> -> memref<11136xf32, #tpu.memory_space<vmem>>
        tpu.vector_store_idx %scatter3A_883[%add3A_879], %mul3A_819 : memref<11136xf32, #tpu.memory_space<vmem>>[vector<16xi32>], vector<16xf32>,
        %add3A_884 = arith.constant 72 : i32
        %add3A_885 = vector.broadcast %add3A_884 : i32 to vector<16xi32>
        %add3A_886 = arith.addi %mul3A_487, %add3A_885 : vector<16xi32>
        %scatter3A_887 = arith.constant 1 : i32
        %scatter3A_888 = arith.constant 0 : i32
        %scatter3A_889 = tpu.memref_slice %arg11[%scatter3A_887, %scatter3A_888] : memref<2x11136xf32, #tpu.memory_space<vmem>> -> memref<1x11136xf32, #tpu.memory_space<vmem>>
        %scatter3A_890 = tpu.memref_squeeze %scatter3A_889 : memref<1x11136xf32, #tpu.memory_space<vmem>> -> memref<11136xf32, #tpu.memory_space<vmem>>
        tpu.vector_store_idx %scatter3A_890[%add3A_886], %sub3A_826 : memref<11136xf32, #tpu.memory_space<vmem>>[vector<16xi32>], vector<16xf32>,
        %mul3A_891 = arith.constant 2.000000e+00 : f32
        %mul3A_892 = vector.broadcast %mul3A_891 : f32 to vector<16xf32>
        %mul3A_893 = arith.mulf %mul3A_892, %mul3A_819 : vector<16xf32>
        %mul3A_894 = arith.mulf %mul3A_893, %sub3A_826 : vector<16xf32>
        %mul3A_895 = arith.constant 2.000000e+00 : f32
        %mul3A_896 = vector.broadcast %mul3A_895 : f32 to vector<16xf32>
        %mul3A_897 = arith.mulf %mul3A_896, %mul3A_819 : vector<16xf32>
        %mul3A_898 = arith.mulf %mul3A_897, %mul3A_819 : vector<16xf32>
        %sub3A_899 = arith.constant 1.000000e+00 : f32
        %sub3A_900 = vector.broadcast %sub3A_899 : f32 to vector<16xf32>
        %sub3A_901 = arith.subf %sub3A_900, %mul3A_898 : vector<16xf32>
        %add3A_902 = arith.constant 70 : i32
        %add3A_903 = vector.broadcast %add3A_902 : i32 to vector<16xi32>
        %add3A_904 = arith.addi %mul3A_487, %add3A_903 : vector<16xi32>
        %scatter3A_905 = arith.constant 1 : i32
        %scatter3A_906 = arith.constant 0 : i32
        %scatter3A_907 = tpu.memref_slice %arg11[%scatter3A_905, %scatter3A_906] : memref<2x11136xf32, #tpu.memory_space<vmem>> -> memref<1x11136xf32, #tpu.memory_space<vmem>>
        %scatter3A_908 = tpu.memref_squeeze %scatter3A_907 : memref<1x11136xf32, #tpu.memory_space<vmem>> -> memref<11136xf32, #tpu.memory_space<vmem>>
        tpu.vector_store_idx %scatter3A_908[%add3A_904], %mul3A_844 : memref<11136xf32, #tpu.memory_space<vmem>>[vector<16xi32>], vector<16xf32>,
        %add3A_909 = arith.constant 73 : i32
        %add3A_910 = vector.broadcast %add3A_909 : i32 to vector<16xi32>
        %add3A_911 = arith.addi %mul3A_487, %add3A_910 : vector<16xi32>
        %scatter3A_912 = arith.constant 1 : i32
        %scatter3A_913 = arith.constant 0 : i32
        %scatter3A_914 = tpu.memref_slice %arg11[%scatter3A_912, %scatter3A_913] : memref<2x11136xf32, #tpu.memory_space<vmem>> -> memref<1x11136xf32, #tpu.memory_space<vmem>>
        %scatter3A_915 = tpu.memref_squeeze %scatter3A_914 : memref<1x11136xf32, #tpu.memory_space<vmem>> -> memref<11136xf32, #tpu.memory_space<vmem>>
        tpu.vector_store_idx %scatter3A_915[%add3A_911], %sub3A_851 : memref<11136xf32, #tpu.memory_space<vmem>>[vector<16xi32>], vector<16xf32>,
        %mul3A_916 = arith.constant 2.000000e+00 : f32
        %mul3A_917 = vector.broadcast %mul3A_916 : f32 to vector<16xf32>
        %mul3A_918 = arith.mulf %mul3A_917, %mul3A_844 : vector<16xf32>
        %mul3A_919 = arith.mulf %mul3A_918, %sub3A_851 : vector<16xf32>
        %mul3A_920 = arith.constant 2.000000e+00 : f32
        %mul3A_921 = vector.broadcast %mul3A_920 : f32 to vector<16xf32>
        %mul3A_922 = arith.mulf %mul3A_921, %mul3A_844 : vector<16xf32>
        %mul3A_923 = arith.mulf %mul3A_922, %mul3A_844 : vector<16xf32>
        %sub3A_924 = arith.constant 1.000000e+00 : f32
        %sub3A_925 = vector.broadcast %sub3A_924 : f32 to vector<16xf32>
        %sub3A_926 = arith.subf %sub3A_925, %mul3A_923 : vector<16xf32>
        %add3A_927 = arith.constant 71 : i32
        %add3A_928 = vector.broadcast %add3A_927 : i32 to vector<16xi32>
        %add3A_929 = arith.addi %mul3A_487, %add3A_928 : vector<16xi32>
        %scatter3A_930 = arith.constant 1 : i32
        %scatter3A_931 = arith.constant 0 : i32
        %scatter3A_932 = tpu.memref_slice %arg11[%scatter3A_930, %scatter3A_931] : memref<2x11136xf32, #tpu.memory_space<vmem>> -> memref<1x11136xf32, #tpu.memory_space<vmem>>
        %scatter3A_933 = tpu.memref_squeeze %scatter3A_932 : memref<1x11136xf32, #tpu.memory_space<vmem>> -> memref<11136xf32, #tpu.memory_space<vmem>>
        tpu.vector_store_idx %scatter3A_933[%add3A_929], %mul3A_869 : memref<11136xf32, #tpu.memory_space<vmem>>[vector<16xi32>], vector<16xf32>,
        %add3A_934 = arith.constant 74 : i32
        %add3A_935 = vector.broadcast %add3A_934 : i32 to vector<16xi32>
        %add3A_936 = arith.addi %mul3A_487, %add3A_935 : vector<16xi32>
        %scatter3A_937 = arith.constant 1 : i32
        %scatter3A_938 = arith.constant 0 : i32
        %scatter3A_939 = tpu.memref_slice %arg11[%scatter3A_937, %scatter3A_938] : memref<2x11136xf32, #tpu.memory_space<vmem>> -> memref<1x11136xf32, #tpu.memory_space<vmem>>
        %scatter3A_940 = tpu.memref_squeeze %scatter3A_939 : memref<1x11136xf32, #tpu.memory_space<vmem>> -> memref<11136xf32, #tpu.memory_space<vmem>>
        tpu.vector_store_idx %scatter3A_940[%add3A_936], %sub3A_876 : memref<11136xf32, #tpu.memory_space<vmem>>[vector<16xi32>], vector<16xf32>,
        %mul3A_941 = arith.constant 2.000000e+00 : f32
        %mul3A_942 = vector.broadcast %mul3A_941 : f32 to vector<16xf32>
        %mul3A_943 = arith.mulf %mul3A_942, %mul3A_869 : vector<16xf32>
        %mul3A_944 = arith.mulf %mul3A_943, %sub3A_876 : vector<16xf32>
        %mul3A_945 = arith.constant 2.000000e+00 : f32
        %mul3A_946 = vector.broadcast %mul3A_945 : f32 to vector<16xf32>
        %mul3A_947 = arith.mulf %mul3A_946, %mul3A_869 : vector<16xf32>
        %mul3A_948 = arith.mulf %mul3A_947, %mul3A_869 : vector<16xf32>
        %sub3A_949 = arith.constant 1.000000e+00 : f32
        %sub3A_950 = vector.broadcast %sub3A_949 : f32 to vector<16xf32>
        %sub3A_951 = arith.subf %sub3A_950, %mul3A_948 : vector<16xf32>
        %add3A_952 = arith.constant 75 : i32
        %add3A_953 = vector.broadcast %add3A_952 : i32 to vector<16xi32>
        %add3A_954 = arith.addi %mul3A_487, %add3A_953 : vector<16xi32>
        %scatter3A_955 = arith.constant 1 : i32
        %scatter3A_956 = arith.constant 0 : i32
        %scatter3A_957 = tpu.memref_slice %arg11[%scatter3A_955, %scatter3A_956] : memref<2x11136xf32, #tpu.memory_space<vmem>> -> memref<1x11136xf32, #tpu.memory_space<vmem>>
        %scatter3A_958 = tpu.memref_squeeze %scatter3A_957 : memref<1x11136xf32, #tpu.memory_space<vmem>> -> memref<11136xf32, #tpu.memory_space<vmem>>
        tpu.vector_store_idx %scatter3A_958[%add3A_954], %mul3A_894 : memref<11136xf32, #tpu.memory_space<vmem>>[vector<16xi32>], vector<16xf32>,
        %add3A_959 = arith.constant 78 : i32
        %add3A_960 = vector.broadcast %add3A_959 : i32 to vector<16xi32>
        %add3A_961 = arith.addi %mul3A_487, %add3A_960 : vector<16xi32>
        %scatter3A_962 = arith.constant 1 : i32
        %scatter3A_963 = arith.constant 0 : i32
        %scatter3A_964 = tpu.memref_slice %arg11[%scatter3A_962, %scatter3A_963] : memref<2x11136xf32, #tpu.memory_space<vmem>> -> memref<1x11136xf32, #tpu.memory_space<vmem>>
        %scatter3A_965 = tpu.memref_squeeze %scatter3A_964 : memref<1x11136xf32, #tpu.memory_space<vmem>> -> memref<11136xf32, #tpu.memory_space<vmem>>
        tpu.vector_store_idx %scatter3A_965[%add3A_961], %sub3A_901 : memref<11136xf32, #tpu.memory_space<vmem>>[vector<16xi32>], vector<16xf32>,
        %mul3A_966 = arith.constant 2.000000e+00 : f32
        %mul3A_967 = vector.broadcast %mul3A_966 : f32 to vector<16xf32>
        %mul3A_968 = arith.mulf %mul3A_967, %mul3A_894 : vector<16xf32>
        %mul3A_969 = arith.mulf %mul3A_968, %sub3A_901 : vector<16xf32>
        %mul3A_970 = arith.constant 2.000000e+00 : f32
        %mul3A_971 = vector.broadcast %mul3A_970 : f32 to vector<16xf32>
        %mul3A_972 = arith.mulf %mul3A_971, %mul3A_894 : vector<16xf32>
        %mul3A_973 = arith.mulf %mul3A_972, %mul3A_894 : vector<16xf32>
        %sub3A_974 = arith.constant 1.000000e+00 : f32
        %sub3A_975 = vector.broadcast %sub3A_974 : f32 to vector<16xf32>
        %sub3A_976 = arith.subf %sub3A_975, %mul3A_973 : vector<16xf32>
        %add3A_977 = arith.constant 76 : i32
        %add3A_978 = vector.broadcast %add3A_977 : i32 to vector<16xi32>
        %add3A_979 = arith.addi %mul3A_487, %add3A_978 : vector<16xi32>
        %scatter3A_980 = arith.constant 1 : i32
        %scatter3A_981 = arith.constant 0 : i32
        %scatter3A_982 = tpu.memref_slice %arg11[%scatter3A_980, %scatter3A_981] : memref<2x11136xf32, #tpu.memory_space<vmem>> -> memref<1x11136xf32, #tpu.memory_space<vmem>>
        %scatter3A_983 = tpu.memref_squeeze %scatter3A_982 : memref<1x11136xf32, #tpu.memory_space<vmem>> -> memref<11136xf32, #tpu.memory_space<vmem>>
        tpu.vector_store_idx %scatter3A_983[%add3A_979], %mul3A_919 : memref<11136xf32, #tpu.memory_space<vmem>>[vector<16xi32>], vector<16xf32>,
        %add3A_984 = arith.constant 79 : i32
        %add3A_985 = vector.broadcast %add3A_984 : i32 to vector<16xi32>
        %add3A_986 = arith.addi %mul3A_487, %add3A_985 : vector<16xi32>
        %scatter3A_987 = arith.constant 1 : i32
        %scatter3A_988 = arith.constant 0 : i32
        %scatter3A_989 = tpu.memref_slice %arg11[%scatter3A_987, %scatter3A_988] : memref<2x11136xf32, #tpu.memory_space<vmem>> -> memref<1x11136xf32, #tpu.memory_space<vmem>>
        %scatter3A_990 = tpu.memref_squeeze %scatter3A_989 : memref<1x11136xf32, #tpu.memory_space<vmem>> -> memref<11136xf32, #tpu.memory_space<vmem>>
        tpu.vector_store_idx %scatter3A_990[%add3A_986], %sub3A_926 : memref<11136xf32, #tpu.memory_space<vmem>>[vector<16xi32>], vector<16xf32>,
        %mul3A_991 = arith.constant 2.000000e+00 : f32
        %mul3A_992 = vector.broadcast %mul3A_991 : f32 to vector<16xf32>
        %mul3A_993 = arith.mulf %mul3A_992, %mul3A_919 : vector<16xf32>
        %mul3A_994 = arith.mulf %mul3A_993, %sub3A_926 : vector<16xf32>
        %mul3A_995 = arith.constant 2.000000e+00 : f32
        %mul3A_996 = vector.broadcast %mul3A_995 : f32 to vector<16xf32>
        %mul3A_997 = arith.mulf %mul3A_996, %mul3A_919 : vector<16xf32>
        %mul3A_998 = arith.mulf %mul3A_997, %mul3A_919 : vector<16xf32>
        %sub3A_999 = arith.constant 1.000000e+00 : f32
        %sub3A_1000 = vector.broadcast %sub3A_999 : f32 to vector<16xf32>
        %sub3A_1001 = arith.subf %sub3A_1000, %mul3A_998 : vector<16xf32>
        %add3A_1002 = arith.constant 77 : i32
        %add3A_1003 = vector.broadcast %add3A_1002 : i32 to vector<16xi32>
        %add3A_1004 = arith.addi %mul3A_487, %add3A_1003 : vector<16xi32>
        %scatter3A_1005 = arith.constant 1 : i32
        %scatter3A_1006 = arith.constant 0 : i32
        %scatter3A_1007 = tpu.memref_slice %arg11[%scatter3A_1005, %scatter3A_1006] : memref<2x11136xf32, #tpu.memory_space<vmem>> -> memref<1x11136xf32, #tpu.memory_space<vmem>>
        %scatter3A_1008 = tpu.memref_squeeze %scatter3A_1007 : memref<1x11136xf32, #tpu.memory_space<vmem>> -> memref<11136xf32, #tpu.memory_space<vmem>>
        tpu.vector_store_idx %scatter3A_1008[%add3A_1004], %mul3A_944 : memref<11136xf32, #tpu.memory_space<vmem>>[vector<16xi32>], vector<16xf32>,
        %add3A_1009 = arith.constant 80 : i32
        %add3A_1010 = vector.broadcast %add3A_1009 : i32 to vector<16xi32>
        %add3A_1011 = arith.addi %mul3A_487, %add3A_1010 : vector<16xi32>
        %scatter3A_1012 = arith.constant 1 : i32
        %scatter3A_1013 = arith.constant 0 : i32
        %scatter3A_1014 = tpu.memref_slice %arg11[%scatter3A_1012, %scatter3A_1013] : memref<2x11136xf32, #tpu.memory_space<vmem>> -> memref<1x11136xf32, #tpu.memory_space<vmem>>
        %scatter3A_1015 = tpu.memref_squeeze %scatter3A_1014 : memref<1x11136xf32, #tpu.memory_space<vmem>> -> memref<11136xf32, #tpu.memory_space<vmem>>
        tpu.vector_store_idx %scatter3A_1015[%add3A_1011], %sub3A_951 : memref<11136xf32, #tpu.memory_space<vmem>>[vector<16xi32>], vector<16xf32>,
        %mul3A_1016 = arith.constant 2.000000e+00 : f32
        %mul3A_1017 = vector.broadcast %mul3A_1016 : f32 to vector<16xf32>
        %mul3A_1018 = arith.mulf %mul3A_1017, %mul3A_944 : vector<16xf32>
        %mul3A_1019 = arith.mulf %mul3A_1018, %sub3A_951 : vector<16xf32>
        %mul3A_1020 = arith.constant 2.000000e+00 : f32
        %mul3A_1021 = vector.broadcast %mul3A_1020 : f32 to vector<16xf32>
        %mul3A_1022 = arith.mulf %mul3A_1021, %mul3A_944 : vector<16xf32>
        %mul3A_1023 = arith.mulf %mul3A_1022, %mul3A_944 : vector<16xf32>
        %sub3A_1024 = arith.constant 1.000000e+00 : f32
        %sub3A_1025 = vector.broadcast %sub3A_1024 : f32 to vector<16xf32>
        %sub3A_1026 = arith.subf %sub3A_1025, %mul3A_1023 : vector<16xf32>
        %add3A_1027 = arith.constant 81 : i32
        %add3A_1028 = vector.broadcast %add3A_1027 : i32 to vector<16xi32>
        %add3A_1029 = arith.addi %mul3A_487, %add3A_1028 : vector<16xi32>
        %scatter3A_1030 = arith.constant 1 : i32
        %scatter3A_1031 = arith.constant 0 : i32
        %scatter3A_1032 = tpu.memref_slice %arg11[%scatter3A_1030, %scatter3A_1031] : memref<2x11136xf32, #tpu.memory_space<vmem>> -> memref<1x11136xf32, #tpu.memory_space<vmem>>
        %scatter3A_1033 = tpu.memref_squeeze %scatter3A_1032 : memref<1x11136xf32, #tpu.memory_space<vmem>> -> memref<11136xf32, #tpu.memory_space<vmem>>
        tpu.vector_store_idx %scatter3A_1033[%add3A_1029], %mul3A_969 : memref<11136xf32, #tpu.memory_space<vmem>>[vector<16xi32>], vector<16xf32>,
        %add3A_1034 = arith.constant 84 : i32
        %add3A_1035 = vector.broadcast %add3A_1034 : i32 to vector<16xi32>
        %add3A_1036 = arith.addi %mul3A_487, %add3A_1035 : vector<16xi32>
        %scatter3A_1037 = arith.constant 1 : i32
        %scatter3A_1038 = arith.constant 0 : i32
        %scatter3A_1039 = tpu.memref_slice %arg11[%scatter3A_1037, %scatter3A_1038] : memref<2x11136xf32, #tpu.memory_space<vmem>> -> memref<1x11136xf32, #tpu.memory_space<vmem>>
        %scatter3A_1040 = tpu.memref_squeeze %scatter3A_1039 : memref<1x11136xf32, #tpu.memory_space<vmem>> -> memref<11136xf32, #tpu.memory_space<vmem>>
        tpu.vector_store_idx %scatter3A_1040[%add3A_1036], %sub3A_976 : memref<11136xf32, #tpu.memory_space<vmem>>[vector<16xi32>], vector<16xf32>,
        %add3A_1041 = arith.constant 82 : i32
        %add3A_1042 = vector.broadcast %add3A_1041 : i32 to vector<16xi32>
        %add3A_1043 = arith.addi %mul3A_487, %add3A_1042 : vector<16xi32>
        %scatter3A_1044 = arith.constant 1 : i32
        %scatter3A_1045 = arith.constant 0 : i32
        %scatter3A_1046 = tpu.memref_slice %arg11[%scatter3A_1044, %scatter3A_1045] : memref<2x11136xf32, #tpu.memory_space<vmem>> -> memref<1x11136xf32, #tpu.memory_space<vmem>>
        %scatter3A_1047 = tpu.memref_squeeze %scatter3A_1046 : memref<1x11136xf32, #tpu.memory_space<vmem>> -> memref<11136xf32, #tpu.memory_space<vmem>>
        tpu.vector_store_idx %scatter3A_1047[%add3A_1043], %mul3A_994 : memref<11136xf32, #tpu.memory_space<vmem>>[vector<16xi32>], vector<16xf32>,
        %add3A_1048 = arith.constant 85 : i32
        %add3A_1049 = vector.broadcast %add3A_1048 : i32 to vector<16xi32>
        %add3A_1050 = arith.addi %mul3A_487, %add3A_1049 : vector<16xi32>
        %scatter3A_1051 = arith.constant 1 : i32
        %scatter3A_1052 = arith.constant 0 : i32
        %scatter3A_1053 = tpu.memref_slice %arg11[%scatter3A_1051, %scatter3A_1052] : memref<2x11136xf32, #tpu.memory_space<vmem>> -> memref<1x11136xf32, #tpu.memory_space<vmem>>
        %scatter3A_1054 = tpu.memref_squeeze %scatter3A_1053 : memref<1x11136xf32, #tpu.memory_space<vmem>> -> memref<11136xf32, #tpu.memory_space<vmem>>
        tpu.vector_store_idx %scatter3A_1054[%add3A_1050], %sub3A_1001 : memref<11136xf32, #tpu.memory_space<vmem>>[vector<16xi32>], vector<16xf32>,
        %add3A_1055 = arith.constant 83 : i32
        %add3A_1056 = vector.broadcast %add3A_1055 : i32 to vector<16xi32>
        %add3A_1057 = arith.addi %mul3A_487, %add3A_1056 : vector<16xi32>
        %scatter3A_1058 = arith.constant 1 : i32
        %scatter3A_1059 = arith.constant 0 : i32
        %scatter3A_1060 = tpu.memref_slice %arg11[%scatter3A_1058, %scatter3A_1059] : memref<2x11136xf32, #tpu.memory_space<vmem>> -> memref<1x11136xf32, #tpu.memory_space<vmem>>
        %scatter3A_1061 = tpu.memref_squeeze %scatter3A_1060 : memref<1x11136xf32, #tpu.memory_space<vmem>> -> memref<11136xf32, #tpu.memory_space<vmem>>
        tpu.vector_store_idx %scatter3A_1061[%add3A_1057], %mul3A_1019 : memref<11136xf32, #tpu.memory_space<vmem>>[vector<16xi32>], vector<16xf32>,
        %add3A_1062 = arith.constant 86 : i32
        %add3A_1063 = vector.broadcast %add3A_1062 : i32 to vector<16xi32>
        %add3A_1064 = arith.addi %mul3A_487, %add3A_1063 : vector<16xi32>
        %scatter3A_1065 = arith.constant 1 : i32
        %scatter3A_1066 = arith.constant 0 : i32
        %scatter3A_1067 = tpu.memref_slice %arg11[%scatter3A_1065, %scatter3A_1066] : memref<2x11136xf32, #tpu.memory_space<vmem>> -> memref<1x11136xf32, #tpu.memory_space<vmem>>
        %scatter3A_1068 = tpu.memref_squeeze %scatter3A_1067 : memref<1x11136xf32, #tpu.memory_space<vmem>> -> memref<11136xf32, #tpu.memory_space<vmem>>
        tpu.vector_store_idx %scatter3A_1068[%add3A_1064], %sub3A_1026 : memref<11136xf32, #tpu.memory_space<vmem>>[vector<16xi32>], vector<16xf32>,
      }
      %scan3A_109 = arith.constant 8 : i32
      %dma_start3A_110 = arith.constant 1 : i32
      %dma_start3A_111 = arith.constant 1 : i32
      %dma_start3A_112 = arith.constant 0 : i32
      %dma_start3A_113 = arith.constant 0 : i32
      %dma_start3A_114 = tpu.memref_slice %arg10[%dma_start3A_111, %dma_start3A_112, %dma_start3A_113] : memref<2x1536x16xf32, #tpu.memory_space<vmem>> -> memref<1x1536x16xf32, #tpu.memory_space<vmem>>
      %dma_start3A_115 = tpu.memref_squeeze %dma_start3A_114 : memref<1x1536x16xf32, #tpu.memory_space<vmem>> -> memref<1536x16xf32, #tpu.memory_space<vmem>>
      %dma_start3A_116 = arith.constant 0 : i32
      %dma_start3A_117 = tpu.memref_slice %arg8[%dma_start3A_110, %dma_start3A_116] : memref<2x1536xi32, #tpu.memory_space<vmem>> -> memref<1x1536xi32, #tpu.memory_space<vmem>>
      %dma_start3A_118 = tpu.memref_squeeze %dma_start3A_117 : memref<1x1536xi32, #tpu.memory_space<vmem>> -> memref<1536xi32, #tpu.memory_space<vmem>>
      %dma_start3A_119 = arith.constant 0 : i32
      %dma_start3A_120 = arith.constant 0 : i32
      %dma_start3A_121 = tpu.memref_slice %arg3[%dma_start3A_119, %dma_start3A_120] : memref<786432x16xf32, #tpu.memory_space<hbm>> -> memref<786432x16xf32, #tpu.memory_space<hbm>>
      tpu.enqueue_indirect_dma source(%dma_start3A_121 : memref<786432x16xf32, #tpu.memory_space<hbm>>) target(%dma_start3A_115 : memref<1536x16xf32, #tpu.memory_space<vmem>>) offsets(%dma_start3A_118 : memref<1536xi32, #tpu.memory_space<vmem>>) semaphore(%arg13 : memref<!tpu.dma_semaphore, #tpu.memory_space<semaphore_mem>>)
      %dma_wait3A_122 = arith.constant 0 : i32
      %dma_wait3A_123 = arith.constant 0 : i32
      %dma_wait3A_124 = arith.constant 0 : i32
      %dma_wait3A_125 = arith.constant 0 : i32
      %dma_wait3A_126 = tpu.memref_slice %arg10[%dma_wait3A_123, %dma_wait3A_124, %dma_wait3A_125] : memref<2x1536x16xf32, #tpu.memory_space<vmem>> -> memref<1x1536x16xf32, #tpu.memory_space<vmem>>
      %dma_wait3A_127 = tpu.memref_squeeze %dma_wait3A_126 : memref<1x1536x16xf32, #tpu.memory_space<vmem>> -> memref<1536x16xf32, #tpu.memory_space<vmem>>
      %dma_wait3A_128 = arith.constant 0 : i32
      %dma_wait3A_129 = tpu.memref_slice %arg8[%dma_wait3A_122, %dma_wait3A_128] : memref<2x1536xi32, #tpu.memory_space<vmem>> -> memref<1x1536xi32, #tpu.memory_space<vmem>>
      %dma_wait3A_130 = tpu.memref_squeeze %dma_wait3A_129 : memref<1x1536xi32, #tpu.memory_space<vmem>> -> memref<1536xi32, #tpu.memory_space<vmem>>
      %dma_wait3A_131 = arith.constant 0 : i32
      %dma_wait3A_132 = arith.constant 0 : i32
      %dma_wait3A_133 = tpu.memref_slice %arg3[%dma_wait3A_131, %dma_wait3A_132] : memref<786432x16xf32, #tpu.memory_space<hbm>> -> memref<786432x16xf32, #tpu.memory_space<hbm>>
      tpu.wait_indirect_dma semaphore(%arg12 : memref<!tpu.dma_semaphore, #tpu.memory_space<semaphore_mem>>) src(%dma_wait3A_133 : memref<786432x16xf32, #tpu.memory_space<hbm>>) dst(%dma_wait3A_127 : memref<1536x16xf32, #tpu.memory_space<vmem>>)
      %broadcast_in_dim3A = arith.constant 0 : i32
      %broadcast_in_dim3A_134 = vector.broadcast %broadcast_in_dim3A : i32 to vector<16xi32>
      %scan3A_135 = arith.constant 0 : i32
      %scan3A_136 = arith.constant 0 : i32
      %scan3A_137 = arith.constant 128 : i32
      %scan3A_138 = arith.addi %scan3A_136, %scan3A_137 : i32
      %scan3A_139 = arith.constant 1 : i32
      scf.for %scan3A_195 = %scan3A_136 to %scan3A_138 step %scan3A_139  : i32 {
        %add3A_196 = vector.broadcast %scan3A_195 : i32 to vector<16xi32>
        %add3A_197 = arith.addi %broadcast_in_dim3A_134, %add3A_196 : vector<16xi32>
        %gather3A = arith.constant 0 : i32
        %gather3A_198 = arith.constant 0 : i32
        %gather3A_199 = tpu.memref_slice %arg9[%gather3A, %gather3A_198] : memref<2x1536xf32, #tpu.memory_space<vmem>> -> memref<1x1536xf32, #tpu.memory_space<vmem>>
        %gather3A_200 = tpu.memref_squeeze %gather3A_199 : memref<1x1536xf32, #tpu.memory_space<vmem>> -> memref<1536xf32, #tpu.memory_space<vmem>>
        %gather3A_201 = tpu.vector_load_idx %gather3A_200[%add3A_197] : memref<1536xf32, #tpu.memory_space<vmem>>[vector<16xi32>], vector<16xf32>,
        %add3A_202 = arith.constant 128 : i32
        %add3A_203 = vector.broadcast %add3A_202 : i32 to vector<16xi32>
        %add3A_204 = arith.addi %add3A_197, %add3A_203 : vector<16xi32>
        %gather3A_205 = arith.constant 0 : i32
        %gather3A_206 = arith.constant 0 : i32
        %gather3A_207 = tpu.memref_slice %arg9[%gather3A_205, %gather3A_206] : memref<2x1536xf32, #tpu.memory_space<vmem>> -> memref<1x1536xf32, #tpu.memory_space<vmem>>
        %gather3A_208 = tpu.memref_squeeze %gather3A_207 : memref<1x1536xf32, #tpu.memory_space<vmem>> -> memref<1536xf32, #tpu.memory_space<vmem>>
        %gather3A_209 = tpu.vector_load_idx %gather3A_208[%add3A_204] : memref<1536xf32, #tpu.memory_space<vmem>>[vector<16xi32>], vector<16xf32>,
        %add3A_210 = arith.constant 256 : i32
        %add3A_211 = vector.broadcast %add3A_210 : i32 to vector<16xi32>
        %add3A_212 = arith.addi %add3A_197, %add3A_211 : vector<16xi32>
        %gather3A_213 = arith.constant 0 : i32
        %gather3A_214 = arith.constant 0 : i32
        %gather3A_215 = tpu.memref_slice %arg9[%gather3A_213, %gather3A_214] : memref<2x1536xf32, #tpu.memory_space<vmem>> -> memref<1x1536xf32, #tpu.memory_space<vmem>>
        %gather3A_216 = tpu.memref_squeeze %gather3A_215 : memref<1x1536xf32, #tpu.memory_space<vmem>> -> memref<1536xf32, #tpu.memory_space<vmem>>
        %gather3A_217 = tpu.vector_load_idx %gather3A_216[%add3A_212] : memref<1536xf32, #tpu.memory_space<vmem>>[vector<16xi32>], vector<16xf32>,
        %sub3A = arith.constant 1.000000e+00 : f32
        %sub3A_218 = vector.broadcast %sub3A : f32 to vector<16xf32>
        %sub3A_219 = arith.subf %sub3A_218, %gather3A_201 : vector<16xf32>
        %sub3A_220 = arith.constant 1.000000e+00 : f32
        %sub3A_221 = vector.broadcast %sub3A_220 : f32 to vector<16xf32>
        %sub3A_222 = arith.subf %sub3A_221, %gather3A_209 : vector<16xf32>
        %sub3A_223 = arith.constant 1.000000e+00 : f32
        %sub3A_224 = vector.broadcast %sub3A_223 : f32 to vector<16xf32>
        %sub3A_225 = arith.subf %sub3A_224, %gather3A_217 : vector<16xf32>
        %add3A_226 = arith.constant 0 : i32
        %add3A_227 = arith.addi %add3A_226, %scan3A_195 : i32
        %get3A_228 = arith.constant 0 : i32
        %get3A_229 = arith.index_cast %get3A_228 : i32 to index
        %get3A_230 = arith.index_cast %add3A_227 : i32 to index
        %get3A_231 = arith.constant 0 : index
        %get3A_232 = tpu.vector_load %arg10[%get3A_229, %get3A_230, %get3A_231] {strides = array<i32>} : memref<2x1536x16xf32, #tpu.memory_space<vmem>>, vector<16xf32>,
        %add3A_233 = arith.constant 128 : i32
        %add3A_234 = arith.addi %add3A_233, %scan3A_195 : i32
        %get3A_235 = arith.constant 0 : i32
        %get3A_236 = arith.index_cast %get3A_235 : i32 to index
        %get3A_237 = arith.index_cast %add3A_234 : i32 to index
        %get3A_238 = arith.constant 0 : index
        %get3A_239 = tpu.vector_load %arg10[%get3A_236, %get3A_237, %get3A_238] {strides = array<i32>} : memref<2x1536x16xf32, #tpu.memory_space<vmem>>, vector<16xf32>,
        %add3A_240 = arith.constant 256 : i32
        %add3A_241 = arith.addi %add3A_240, %scan3A_195 : i32
        %get3A_242 = arith.constant 0 : i32
        %get3A_243 = arith.index_cast %get3A_242 : i32 to index
        %get3A_244 = arith.index_cast %add3A_241 : i32 to index
        %get3A_245 = arith.constant 0 : index
        %get3A_246 = tpu.vector_load %arg10[%get3A_243, %get3A_244, %get3A_245] {strides = array<i32>} : memref<2x1536x16xf32, #tpu.memory_space<vmem>>, vector<16xf32>,
        %add3A_247 = arith.constant 384 : i32
        %add3A_248 = arith.addi %add3A_247, %scan3A_195 : i32
        %get3A_249 = arith.constant 0 : i32
        %get3A_250 = arith.index_cast %get3A_249 : i32 to index
        %get3A_251 = arith.index_cast %add3A_248 : i32 to index
        %get3A_252 = arith.constant 0 : index
        %get3A_253 = tpu.vector_load %arg10[%get3A_250, %get3A_251, %get3A_252] {strides = array<i32>} : memref<2x1536x16xf32, #tpu.memory_space<vmem>>, vector<16xf32>,
        %add3A_254 = arith.constant 512 : i32
        %add3A_255 = arith.addi %add3A_254, %scan3A_195 : i32
        %get3A_256 = arith.constant 0 : i32
        %get3A_257 = arith.index_cast %get3A_256 : i32 to index
        %get3A_258 = arith.index_cast %add3A_255 : i32 to index
        %get3A_259 = arith.constant 0 : index
        %get3A_260 = tpu.vector_load %arg10[%get3A_257, %get3A_258, %get3A_259] {strides = array<i32>} : memref<2x1536x16xf32, #tpu.memory_space<vmem>>, vector<16xf32>,
        %add3A_261 = arith.constant 640 : i32
        %add3A_262 = arith.addi %add3A_261, %scan3A_195 : i32
        %get3A_263 = arith.constant 0 : i32
        %get3A_264 = arith.index_cast %get3A_263 : i32 to index
        %get3A_265 = arith.index_cast %add3A_262 : i32 to index
        %get3A_266 = arith.constant 0 : index
        %get3A_267 = tpu.vector_load %arg10[%get3A_264, %get3A_265, %get3A_266] {strides = array<i32>} : memref<2x1536x16xf32, #tpu.memory_space<vmem>>, vector<16xf32>,
        %add3A_268 = arith.constant 768 : i32
        %add3A_269 = arith.addi %add3A_268, %scan3A_195 : i32
        %get3A_270 = arith.constant 0 : i32
        %get3A_271 = arith.index_cast %get3A_270 : i32 to index
        %get3A_272 = arith.index_cast %add3A_269 : i32 to index
        %get3A_273 = arith.constant 0 : index
        %get3A_274 = tpu.vector_load %arg10[%get3A_271, %get3A_272, %get3A_273] {strides = array<i32>} : memref<2x1536x16xf32, #tpu.memory_space<vmem>>, vector<16xf32>,
        %add3A_275 = arith.constant 896 : i32
        %add3A_276 = arith.addi %add3A_275, %scan3A_195 : i32
        %get3A_277 = arith.constant 0 : i32
        %get3A_278 = arith.index_cast %get3A_277 : i32 to index
        %get3A_279 = arith.index_cast %add3A_276 : i32 to index
        %get3A_280 = arith.constant 0 : index
        %get3A_281 = tpu.vector_load %arg10[%get3A_278, %get3A_279, %get3A_280] {strides = array<i32>} : memref<2x1536x16xf32, #tpu.memory_space<vmem>>, vector<16xf32>,
        %add3A_282 = arith.constant 1024 : i32
        %add3A_283 = arith.addi %add3A_282, %scan3A_195 : i32
        %get3A_284 = arith.constant 0 : i32
        %get3A_285 = arith.index_cast %get3A_284 : i32 to index
        %get3A_286 = arith.index_cast %add3A_283 : i32 to index
        %get3A_287 = arith.constant 0 : index
        %get3A_288 = tpu.vector_load %arg10[%get3A_285, %get3A_286, %get3A_287] {strides = array<i32>} : memref<2x1536x16xf32, #tpu.memory_space<vmem>>, vector<16xf32>,
        %add3A_289 = arith.constant 1152 : i32
        %add3A_290 = arith.addi %add3A_289, %scan3A_195 : i32
        %get3A_291 = arith.constant 0 : i32
        %get3A_292 = arith.index_cast %get3A_291 : i32 to index
        %get3A_293 = arith.index_cast %add3A_290 : i32 to index
        %get3A_294 = arith.constant 0 : index
        %get3A_295 = tpu.vector_load %arg10[%get3A_292, %get3A_293, %get3A_294] {strides = array<i32>} : memref<2x1536x16xf32, #tpu.memory_space<vmem>>, vector<16xf32>,
        %add3A_296 = arith.constant 1280 : i32
        %add3A_297 = arith.addi %add3A_296, %scan3A_195 : i32
        %get3A_298 = arith.constant 0 : i32
        %get3A_299 = arith.index_cast %get3A_298 : i32 to index
        %get3A_300 = arith.index_cast %add3A_297 : i32 to index
        %get3A_301 = arith.constant 0 : index
        %get3A_302 = tpu.vector_load %arg10[%get3A_299, %get3A_300, %get3A_301] {strides = array<i32>} : memref<2x1536x16xf32, #tpu.memory_space<vmem>>, vector<16xf32>,
        %add3A_303 = arith.constant 1408 : i32
        %add3A_304 = arith.addi %add3A_303, %scan3A_195 : i32
        %get3A_305 = arith.constant 0 : i32
        %get3A_306 = arith.index_cast %get3A_305 : i32 to index
        %get3A_307 = arith.index_cast %add3A_304 : i32 to index
        %get3A_308 = arith.constant 0 : index
        %get3A_309 = tpu.vector_load %arg10[%get3A_306, %get3A_307, %get3A_308] {strides = array<i32>} : memref<2x1536x16xf32, #tpu.memory_space<vmem>>, vector<16xf32>,
        %mul3A_310 = arith.mulf %sub3A_219, %sub3A_222 : vector<16xf32>
        %mul3A_311 = arith.mulf %mul3A_310, %get3A_232 : vector<16xf32>
        %mul3A_312 = arith.mulf %gather3A_201, %sub3A_222 : vector<16xf32>
        %mul3A_313 = arith.mulf %mul3A_312, %get3A_239 : vector<16xf32>
        %add3A_314 = arith.addf %mul3A_311, %mul3A_313 : vector<16xf32>
        %mul3A_315 = arith.mulf %sub3A_219, %gather3A_209 : vector<16xf32>
        %mul3A_316 = arith.mulf %mul3A_315, %get3A_246 : vector<16xf32>
        %mul3A_317 = arith.mulf %gather3A_201, %gather3A_209 : vector<16xf32>
        %mul3A_318 = arith.mulf %mul3A_317, %get3A_253 : vector<16xf32>
        %add3A_319 = arith.addf %mul3A_316, %mul3A_318 : vector<16xf32>
        %add3A_320 = arith.addf %add3A_314, %add3A_319 : vector<16xf32>
        %mul3A_321 = arith.constant 87 : i32
        %mul3A_322 = arith.muli %scan3A_195, %mul3A_321 : i32
        %add3A_323 = arith.constant 0 : i32
        %add3A_324 = arith.addi %mul3A_322, %add3A_323 : i32
        %swap3A = arith.constant 0 : i32
        %swap3A_325 = arith.index_cast %swap3A : i32 to index
        %swap3A_326 = arith.index_cast %add3A_324 : i32 to index
        %swap3A_327 = tpu.vector_load %arg11[%swap3A_325, %swap3A_326] {strides = array<i32>} : memref<2x11136xf32, #tpu.memory_space<vmem>>, vector<16xf32>,
        tpu.vector_store %arg11[%swap3A_325, %swap3A_326], %add3A_320 {strides = array<i32>} : memref<2x11136xf32, #tpu.memory_space<vmem>>, vector<16xf32>,
        %mul3A_328 = arith.mulf %sub3A_222, %sub3A_225 : vector<16xf32>
        %mul3A_329 = arith.mulf %mul3A_328, %get3A_260 : vector<16xf32>
        %mul3A_330 = arith.mulf %gather3A_209, %sub3A_225 : vector<16xf32>
        %mul3A_331 = arith.mulf %mul3A_330, %get3A_267 : vector<16xf32>
        %add3A_332 = arith.addf %mul3A_329, %mul3A_331 : vector<16xf32>
        %mul3A_333 = arith.mulf %sub3A_222, %gather3A_217 : vector<16xf32>
        %mul3A_334 = arith.mulf %mul3A_333, %get3A_274 : vector<16xf32>
        %mul3A_335 = arith.mulf %gather3A_209, %gather3A_217 : vector<16xf32>
        %mul3A_336 = arith.mulf %mul3A_335, %get3A_281 : vector<16xf32>
        %add3A_337 = arith.addf %mul3A_334, %mul3A_336 : vector<16xf32>
        %add3A_338 = arith.addf %add3A_332, %add3A_337 : vector<16xf32>
        %mul3A_339 = arith.constant 87 : i32
        %mul3A_340 = arith.muli %scan3A_195, %mul3A_339 : i32
        %add3A_341 = arith.constant 16 : i32
        %add3A_342 = arith.addi %mul3A_340, %add3A_341 : i32
        %swap3A_343 = arith.constant 0 : i32
        %swap3A_344 = arith.index_cast %swap3A_343 : i32 to index
        %swap3A_345 = arith.index_cast %add3A_342 : i32 to index
        %swap3A_346 = tpu.vector_load %arg11[%swap3A_344, %swap3A_345] {strides = array<i32>} : memref<2x11136xf32, #tpu.memory_space<vmem>>, vector<16xf32>,
        tpu.vector_store %arg11[%swap3A_344, %swap3A_345], %add3A_338 {strides = array<i32>} : memref<2x11136xf32, #tpu.memory_space<vmem>>, vector<16xf32>,
        %mul3A_347 = arith.mulf %sub3A_219, %sub3A_225 : vector<16xf32>
        %mul3A_348 = arith.mulf %mul3A_347, %get3A_288 : vector<16xf32>
        %mul3A_349 = arith.mulf %gather3A_201, %sub3A_225 : vector<16xf32>
        %mul3A_350 = arith.mulf %mul3A_349, %get3A_295 : vector<16xf32>
        %add3A_351 = arith.addf %mul3A_348, %mul3A_350 : vector<16xf32>
        %mul3A_352 = arith.mulf %sub3A_219, %gather3A_217 : vector<16xf32>
        %mul3A_353 = arith.mulf %mul3A_352, %get3A_302 : vector<16xf32>
        %mul3A_354 = arith.mulf %gather3A_201, %gather3A_217 : vector<16xf32>
        %mul3A_355 = arith.mulf %mul3A_354, %get3A_309 : vector<16xf32>
        %add3A_356 = arith.addf %mul3A_353, %mul3A_355 : vector<16xf32>
        %add3A_357 = arith.addf %add3A_351, %add3A_356 : vector<16xf32>
        %mul3A_358 = arith.constant 87 : i32
        %mul3A_359 = arith.muli %scan3A_195, %mul3A_358 : i32
        %add3A_360 = arith.constant 32 : i32
        %add3A_361 = arith.addi %mul3A_359, %add3A_360 : i32
        %swap3A_362 = arith.constant 0 : i32
        %swap3A_363 = arith.index_cast %swap3A_362 : i32 to index
        %swap3A_364 = arith.index_cast %add3A_361 : i32 to index
        %swap3A_365 = tpu.vector_load %arg11[%swap3A_363, %swap3A_364] {strides = array<i32>} : memref<2x11136xf32, #tpu.memory_space<vmem>>, vector<16xf32>,
        tpu.vector_store %arg11[%swap3A_363, %swap3A_364], %add3A_357 {strides = array<i32>} : memref<2x11136xf32, #tpu.memory_space<vmem>>, vector<16xf32>,
      }
      %scan3A_140 = arith.constant 128 : i32
      %mul3A_141 = arith.constant 128 : i32
      %mul3A_142 = arith.muli %mul3A_91, %mul3A_141 : i32
      %add3A_143 = arith.addi %mul3A_2, %mul3A_142 : i32
      %mul3A_144 = arith.constant 87 : i32
      %mul3A_145 = arith.muli %add3A_143, %mul3A_144 : i32
      %dma_start3A_146 = arith.constant 0 : i32
      %dma_start3A_147 = arith.constant 0 : i32
      %dma_start3A_148 = tpu.memref_slice %arg11[%dma_start3A_146, %dma_start3A_147] : memref<2x11136xf32, #tpu.memory_space<vmem>> -> memref<1x11136xf32, #tpu.memory_space<vmem>>
      %dma_start3A_149 = tpu.memref_squeeze %dma_start3A_148 : memref<1x11136xf32, #tpu.memory_space<vmem>> -> memref<11136xf32, #tpu.memory_space<vmem>>
      %dma_start3A_150 = tpu.memref_slice %arg5[%mul3A_145] : memref<91226112xf32, #tpu.memory_space<hbm>> -> memref<11136xf32, #tpu.memory_space<hbm>>
      %dma_start3A_151 = tpu.memref_slice %arg5[%mul3A_145] : memref<91226112xf32, #tpu.memory_space<hbm>> -> memref<11136xf32, #tpu.memory_space<hbm>>
      %dma_start3A_152 = arith.constant 0 : i32
      %dma_start3A_153 = tpu.memref_slice %arg11[%dma_start3A_146, %dma_start3A_152] : memref<2x11136xf32, #tpu.memory_space<vmem>> -> memref<1x11136xf32, #tpu.memory_space<vmem>>
      %dma_start3A_154 = tpu.memref_squeeze %dma_start3A_153 : memref<1x11136xf32, #tpu.memory_space<vmem>> -> memref<11136xf32, #tpu.memory_space<vmem>>
      tpu.enqueue_dma source(%dma_start3A_154 : memref<11136xf32, #tpu.memory_space<vmem>>) target(%dma_start3A_151 : memref<11136xf32, #tpu.memory_space<hbm>>) target_semaphore(%arg14 : memref<!tpu.dma_semaphore, #tpu.memory_space<semaphore_mem>>)
      %add3A_155 = arith.constant 1 : i32
      %add3A_156 = arith.addi %scan3A_89, %add3A_155 : i32
      %lt3A = arith.constant 128 : i32
      %lt3A_157 = arith.cmpi slt, %add3A_156, %lt3A : i32
      %convert_element_type3A_158 = arith.extui %lt3A_157 : i1 to i32
      %cond3A_159 = arith.constant 0 : i32
      %cond3A_160 = arith.cmpi ne, %convert_element_type3A_158, %cond3A_159 : i32
      scf.if %cond3A_160 {
        %mul3A_195 = arith.constant 128 : i32
        %mul3A_196 = arith.muli %mul3A_91, %mul3A_195 : i32
        %add3A_197 = arith.addi %mul3A_2, %mul3A_196 : i32
        %mul3A_198 = arith.constant 87 : i32
        %mul3A_199 = arith.muli %add3A_197, %mul3A_198 : i32
        %dma_wait3A_200 = arith.constant 0 : i32
        %dma_wait3A_201 = arith.constant 0 : i32
        %dma_wait3A_202 = tpu.memref_slice %arg11[%dma_wait3A_200, %dma_wait3A_201] : memref<2x11136xf32, #tpu.memory_space<vmem>> -> memref<1x11136xf32, #tpu.memory_space<vmem>>
        %dma_wait3A_203 = tpu.memref_squeeze %dma_wait3A_202 : memref<1x11136xf32, #tpu.memory_space<vmem>> -> memref<11136xf32, #tpu.memory_space<vmem>>
        %dma_wait3A_204 = tpu.memref_slice %arg5[%mul3A_199] : memref<91226112xf32, #tpu.memory_space<hbm>> -> memref<11136xf32, #tpu.memory_space<hbm>>
        %dma_wait3A_205 = tpu.memref_slice %arg5[%mul3A_199] : memref<91226112xf32, #tpu.memory_space<hbm>> -> memref<11136xf32, #tpu.memory_space<hbm>>
        %dma_wait3A_206 = arith.constant 0 : i32
        %dma_wait3A_207 = tpu.memref_slice %arg11[%dma_wait3A_200, %dma_wait3A_206] : memref<2x11136xf32, #tpu.memory_space<vmem>> -> memref<1x11136xf32, #tpu.memory_space<vmem>>
        %dma_wait3A_208 = tpu.memref_squeeze %dma_wait3A_207 : memref<1x11136xf32, #tpu.memory_space<vmem>> -> memref<11136xf32, #tpu.memory_space<vmem>>
        tpu.wait_dma2 semaphore(%arg14 : memref<!tpu.dma_semaphore, #tpu.memory_space<semaphore_mem>>) src(%dma_wait3A_208 : memref<11136xf32, #tpu.memory_space<vmem>>) dst(%dma_wait3A_205 : memref<11136xf32, #tpu.memory_space<hbm>>)
        %add3A_209 = arith.constant 2 : i32
        %add3A_210 = arith.addi %mul3A_91, %add3A_209 : i32
        %mul3A_211 = arith.constant 128 : i32
        %mul3A_212 = arith.muli %add3A_210, %mul3A_211 : i32
        %add3A_213 = arith.addi %mul3A_2, %mul3A_212 : i32
        %mul3A_214 = arith.constant 3 : i32
        %mul3A_215 = arith.muli %add3A_213, %mul3A_214 : i32
        %run_scoped3A_216 = arith.constant 0 : i32
        "tpu.region"() ({
          %run_scoped3A_237 = tpu.sem_alloc : memref<!tpu.dma_semaphore, #tpu.memory_space<semaphore_mem>>
          %dma_start3A_238 = arith.constant 0 : i32
          %dma_start3A_239 = tpu.memref_slice %arg6[%run_scoped3A_216, %dma_start3A_238] : memref<2x384xf32, #tpu.memory_space<vmem>> -> memref<1x384xf32, #tpu.memory_space<vmem>>
          %dma_start3A_240 = tpu.memref_squeeze %dma_start3A_239 : memref<1x384xf32, #tpu.memory_space<vmem>> -> memref<384xf32, #tpu.memory_space<vmem>>
          %dma_start3A_241 = tpu.memref_slice %arg2[%mul3A_215] : memref<3145728xf32, #tpu.memory_space<hbm>> -> memref<384xf32, #tpu.memory_space<hbm>>
          %dma_start3A_242 = arith.constant 0 : i32
          %dma_start3A_243 = tpu.memref_slice %arg6[%run_scoped3A_216, %dma_start3A_242] : memref<2x384xf32, #tpu.memory_space<vmem>> -> memref<1x384xf32, #tpu.memory_space<vmem>>
          %dma_start3A_244 = tpu.memref_squeeze %dma_start3A_243 : memref<1x384xf32, #tpu.memory_space<vmem>> -> memref<384xf32, #tpu.memory_space<vmem>>
          %dma_start3A_245 = tpu.memref_slice %arg2[%mul3A_215] : memref<3145728xf32, #tpu.memory_space<hbm>> -> memref<384xf32, #tpu.memory_space<hbm>>
          tpu.enqueue_dma source(%dma_start3A_245 : memref<384xf32, #tpu.memory_space<hbm>>) target(%dma_start3A_244 : memref<384xf32, #tpu.memory_space<vmem>>) target_semaphore(%run_scoped3A_237 : memref<!tpu.dma_semaphore, #tpu.memory_space<semaphore_mem>>)
          %dma_wait3A_246 = arith.constant 0 : i32
          %dma_wait3A_247 = tpu.memref_slice %arg6[%run_scoped3A_216, %dma_wait3A_246] : memref<2x384xf32, #tpu.memory_space<vmem>> -> memref<1x384xf32, #tpu.memory_space<vmem>>
          %dma_wait3A_248 = tpu.memref_squeeze %dma_wait3A_247 : memref<1x384xf32, #tpu.memory_space<vmem>> -> memref<384xf32, #tpu.memory_space<vmem>>
          %dma_wait3A_249 = tpu.memref_slice %arg2[%mul3A_215] : memref<3145728xf32, #tpu.memory_space<hbm>> -> memref<384xf32, #tpu.memory_space<hbm>>
          %dma_wait3A_250 = arith.constant 0 : i32
          %dma_wait3A_251 = tpu.memref_slice %arg6[%run_scoped3A_216, %dma_wait3A_250] : memref<2x384xf32, #tpu.memory_space<vmem>> -> memref<1x384xf32, #tpu.memory_space<vmem>>
          %dma_wait3A_252 = tpu.memref_squeeze %dma_wait3A_251 : memref<1x384xf32, #tpu.memory_space<vmem>> -> memref<384xf32, #tpu.memory_space<vmem>>
          %dma_wait3A_253 = tpu.memref_slice %arg2[%mul3A_215] : memref<3145728xf32, #tpu.memory_space<hbm>> -> memref<384xf32, #tpu.memory_space<hbm>>
          tpu.wait_dma2 semaphore(%run_scoped3A_237 : memref<!tpu.dma_semaphore, #tpu.memory_space<semaphore_mem>>) src(%dma_wait3A_253 : memref<384xf32, #tpu.memory_space<hbm>>) dst(%dma_wait3A_252 : memref<384xf32, #tpu.memory_space<vmem>>)
          tpu.yield
        }) : () -> ()
        %add3A_217 = arith.constant 2 : i32
        %add3A_218 = arith.addi %mul3A_91, %add3A_217 : i32
        %scan3A_219 = arith.constant 0 : i32
        %scan3A_220 = arith.constant 0 : i32
        %scan3A_221 = arith.constant 8 : i32
        %scan3A_222 = arith.addi %scan3A_220, %scan3A_221 : i32
        %scan3A_223 = arith.constant 1 : i32
        scf.for %scan3A_237 = %scan3A_220 to %scan3A_222 step %scan3A_223  : i32 {
          %mul3A_238 = arith.constant 16 : i32
          %mul3A_239 = arith.muli %scan3A_237, %mul3A_238 : i32
          %add3A_240 = vector.broadcast %mul3A_239 : i32 to vector<16xi32>
          %add3A_241 = arith.addi %add3A_240, %iota3A : vector<16xi32>
          %mul3A_242 = arith.constant 3 : i32
          %mul3A_243 = vector.broadcast %mul3A_242 : i32 to vector<16xi32>
          %mul3A_244 = arith.muli %add3A_241, %mul3A_243 : vector<16xi32>
          %gather3A = arith.constant 0 : i32
          %gather3A_245 = arith.constant 0 : i32
          %gather3A_246 = tpu.memref_slice %arg6[%gather3A, %gather3A_245] : memref<2x384xf32, #tpu.memory_space<vmem>> -> memref<1x384xf32, #tpu.memory_space<vmem>>
          %gather3A_247 = tpu.memref_squeeze %gather3A_246 : memref<1x384xf32, #tpu.memory_space<vmem>> -> memref<384xf32, #tpu.memory_space<vmem>>
          %gather3A_248 = tpu.vector_load_idx %gather3A_247[%mul3A_244] : memref<384xf32, #tpu.memory_space<vmem>>[vector<16xi32>], vector<16xf32>,
          %add3A_249 = arith.constant 1 : i32
          %add3A_250 = vector.broadcast %add3A_249 : i32 to vector<16xi32>
          %add3A_251 = arith.addi %mul3A_244, %add3A_250 : vector<16xi32>
          %gather3A_252 = arith.constant 0 : i32
          %gather3A_253 = arith.constant 0 : i32
          %gather3A_254 = tpu.memref_slice %arg6[%gather3A_252, %gather3A_253] : memref<2x384xf32, #tpu.memory_space<vmem>> -> memref<1x384xf32, #tpu.memory_space<vmem>>
          %gather3A_255 = tpu.memref_squeeze %gather3A_254 : memref<1x384xf32, #tpu.memory_space<vmem>> -> memref<384xf32, #tpu.memory_space<vmem>>
          %gather3A_256 = tpu.vector_load_idx %gather3A_255[%add3A_251] : memref<384xf32, #tpu.memory_space<vmem>>[vector<16xi32>], vector<16xf32>,
          %add3A_257 = arith.constant 2 : i32
          %add3A_258 = vector.broadcast %add3A_257 : i32 to vector<16xi32>
          %add3A_259 = arith.addi %mul3A_244, %add3A_258 : vector<16xi32>
          %gather3A_260 = arith.constant 0 : i32
          %gather3A_261 = arith.constant 0 : i32
          %gather3A_262 = tpu.memref_slice %arg6[%gather3A_260, %gather3A_261] : memref<2x384xf32, #tpu.memory_space<vmem>> -> memref<1x384xf32, #tpu.memory_space<vmem>>
          %gather3A_263 = tpu.memref_squeeze %gather3A_262 : memref<1x384xf32, #tpu.memory_space<vmem>> -> memref<384xf32, #tpu.memory_space<vmem>>
          %gather3A_264 = tpu.vector_load_idx %gather3A_263[%add3A_259] : memref<384xf32, #tpu.memory_space<vmem>>[vector<16xi32>], vector<16xf32>,
          %sub3A = arith.subf %gather3A_248, %get3A_7 : vector<16xf32>
          %sub3A_265 = arith.subf %get3A_25, %get3A_7 : vector<16xf32>
          %div3A = arith.divf %sub3A, %sub3A_265 : vector<16xf32>
          %max3A = arith.constant 0.000000e+00 : f32
          %max3A_266 = vector.broadcast %max3A : f32 to vector<16xf32>
          %max3A_267 = arith.maximumf %div3A, %max3A_266 : vector<16xf32>
          %min3A = arith.constant 1.000000e+00 : f32
          %min3A_268 = vector.broadcast %min3A : f32 to vector<16xf32>
          %min3A_269 = arith.minimumf %max3A_267, %min3A_268 : vector<16xf32>
          %sub3A_270 = arith.subf %gather3A_256, %get3A_13 : vector<16xf32>
          %sub3A_271 = arith.subf %get3A_31, %get3A_13 : vector<16xf32>
          %div3A_272 = arith.divf %sub3A_270, %sub3A_271 : vector<16xf32>
          %max3A_273 = arith.constant 0.000000e+00 : f32
          %max3A_274 = vector.broadcast %max3A_273 : f32 to vector<16xf32>
          %max3A_275 = arith.maximumf %div3A_272, %max3A_274 : vector<16xf32>
          %min3A_276 = arith.constant 1.000000e+00 : f32
          %min3A_277 = vector.broadcast %min3A_276 : f32 to vector<16xf32>
          %min3A_278 = arith.minimumf %max3A_275, %min3A_277 : vector<16xf32>
          %sub3A_279 = arith.subf %gather3A_264, %get3A_19 : vector<16xf32>
          %sub3A_280 = arith.subf %get3A_37, %get3A_19 : vector<16xf32>
          %div3A_281 = arith.divf %sub3A_279, %sub3A_280 : vector<16xf32>
          %max3A_282 = arith.constant 0.000000e+00 : f32
          %max3A_283 = vector.broadcast %max3A_282 : f32 to vector<16xf32>
          %max3A_284 = arith.maximumf %div3A_281, %max3A_283 : vector<16xf32>
          %min3A_285 = arith.constant 1.000000e+00 : f32
          %min3A_286 = vector.broadcast %min3A_285 : f32 to vector<16xf32>
          %min3A_287 = arith.minimumf %max3A_284, %min3A_286 : vector<16xf32>
          %mul3A_288 = arith.constant 5.110000e+02 : f32
          %mul3A_289 = vector.broadcast %mul3A_288 : f32 to vector<16xf32>
          %mul3A_290 = arith.mulf %min3A_269, %mul3A_289 : vector<16xf32>
          %convert_element_type3A_291 = arith.fptosi %mul3A_290 : vector<16xf32> to vector<16xi32>
          %convert_element_type3A_292 = arith.sitofp %convert_element_type3A_291 : vector<16xi32> to vector<16xf32>
          %sub3A_293 = arith.subf %mul3A_290, %convert_element_type3A_292 : vector<16xf32>
          %add3A_294 = arith.constant 1 : i32
          %add3A_295 = vector.broadcast %add3A_294 : i32 to vector<16xi32>
          %add3A_296 = arith.addi %convert_element_type3A_291, %add3A_295 : vector<16xi32>
          %min3A_297 = arith.constant 511 : i32
          %min3A_298 = vector.broadcast %min3A_297 : i32 to vector<16xi32>
          %min3A_299 = arith.minsi %add3A_296, %min3A_298 : vector<16xi32>
          %mul3A_300 = arith.constant 5.110000e+02 : f32
          %mul3A_301 = vector.broadcast %mul3A_300 : f32 to vector<16xf32>
          %mul3A_302 = arith.mulf %min3A_278, %mul3A_301 : vector<16xf32>
          %convert_element_type3A_303 = arith.fptosi %mul3A_302 : vector<16xf32> to vector<16xi32>
          %convert_element_type3A_304 = arith.sitofp %convert_element_type3A_303 : vector<16xi32> to vector<16xf32>
          %sub3A_305 = arith.subf %mul3A_302, %convert_element_type3A_304 : vector<16xf32>
          %add3A_306 = arith.constant 1 : i32
          %add3A_307 = vector.broadcast %add3A_306 : i32 to vector<16xi32>
          %add3A_308 = arith.addi %convert_element_type3A_303, %add3A_307 : vector<16xi32>
          %min3A_309 = arith.constant 511 : i32
          %min3A_310 = vector.broadcast %min3A_309 : i32 to vector<16xi32>
          %min3A_311 = arith.minsi %add3A_308, %min3A_310 : vector<16xi32>
          %mul3A_312 = arith.constant 5.110000e+02 : f32
          %mul3A_313 = vector.broadcast %mul3A_312 : f32 to vector<16xf32>
          %mul3A_314 = arith.mulf %min3A_287, %mul3A_313 : vector<16xf32>
          %convert_element_type3A_315 = arith.fptosi %mul3A_314 : vector<16xf32> to vector<16xi32>
          %convert_element_type3A_316 = arith.sitofp %convert_element_type3A_315 : vector<16xi32> to vector<16xf32>
          %sub3A_317 = arith.subf %mul3A_314, %convert_element_type3A_316 : vector<16xf32>
          %add3A_318 = arith.constant 1 : i32
          %add3A_319 = vector.broadcast %add3A_318 : i32 to vector<16xi32>
          %add3A_320 = arith.addi %convert_element_type3A_315, %add3A_319 : vector<16xi32>
          %min3A_321 = arith.constant 511 : i32
          %min3A_322 = vector.broadcast %min3A_321 : i32 to vector<16xi32>
          %min3A_323 = arith.minsi %add3A_320, %min3A_322 : vector<16xi32>
          %mul3A_324 = arith.constant 512 : i32
          %mul3A_325 = vector.broadcast %mul3A_324 : i32 to vector<16xi32>
          %mul3A_326 = arith.muli %convert_element_type3A_303, %mul3A_325 : vector<16xi32>
          %add3A_327 = arith.addi %mul3A_326, %convert_element_type3A_291 : vector<16xi32>
          %add3A_328 = arith.constant 0 : i32
          %add3A_329 = vector.broadcast %add3A_328 : i32 to vector<16xi32>
          %add3A_330 = arith.addi %add3A_327, %add3A_329 : vector<16xi32>
          %mul3A_331 = arith.constant 512 : i32
          %mul3A_332 = vector.broadcast %mul3A_331 : i32 to vector<16xi32>
          %mul3A_333 = arith.muli %convert_element_type3A_303, %mul3A_332 : vector<16xi32>
          %add3A_334 = arith.addi %mul3A_333, %min3A_299 : vector<16xi32>
          %add3A_335 = arith.constant 0 : i32
          %add3A_336 = vector.broadcast %add3A_335 : i32 to vector<16xi32>
          %add3A_337 = arith.addi %add3A_334, %add3A_336 : vector<16xi32>
          %mul3A_338 = arith.constant 512 : i32
          %mul3A_339 = vector.broadcast %mul3A_338 : i32 to vector<16xi32>
          %mul3A_340 = arith.muli %min3A_311, %mul3A_339 : vector<16xi32>
          %add3A_341 = arith.addi %mul3A_340, %convert_element_type3A_291 : vector<16xi32>
          %add3A_342 = arith.constant 0 : i32
          %add3A_343 = vector.broadcast %add3A_342 : i32 to vector<16xi32>
          %add3A_344 = arith.addi %add3A_341, %add3A_343 : vector<16xi32>
          %mul3A_345 = arith.constant 512 : i32
          %mul3A_346 = vector.broadcast %mul3A_345 : i32 to vector<16xi32>
          %mul3A_347 = arith.muli %min3A_311, %mul3A_346 : vector<16xi32>
          %add3A_348 = arith.addi %mul3A_347, %min3A_299 : vector<16xi32>
          %add3A_349 = arith.constant 0 : i32
          %add3A_350 = vector.broadcast %add3A_349 : i32 to vector<16xi32>
          %add3A_351 = arith.addi %add3A_348, %add3A_350 : vector<16xi32>
          %mul3A_352 = arith.constant 512 : i32
          %mul3A_353 = vector.broadcast %mul3A_352 : i32 to vector<16xi32>
          %mul3A_354 = arith.muli %convert_element_type3A_315, %mul3A_353 : vector<16xi32>
          %add3A_355 = arith.addi %mul3A_354, %convert_element_type3A_303 : vector<16xi32>
          %add3A_356 = arith.constant 262144 : i32
          %add3A_357 = vector.broadcast %add3A_356 : i32 to vector<16xi32>
          %add3A_358 = arith.addi %add3A_355, %add3A_357 : vector<16xi32>
          %mul3A_359 = arith.constant 512 : i32
          %mul3A_360 = vector.broadcast %mul3A_359 : i32 to vector<16xi32>
          %mul3A_361 = arith.muli %convert_element_type3A_315, %mul3A_360 : vector<16xi32>
          %add3A_362 = arith.addi %mul3A_361, %min3A_311 : vector<16xi32>
          %add3A_363 = arith.constant 262144 : i32
          %add3A_364 = vector.broadcast %add3A_363 : i32 to vector<16xi32>
          %add3A_365 = arith.addi %add3A_362, %add3A_364 : vector<16xi32>
          %mul3A_366 = arith.constant 512 : i32
          %mul3A_367 = vector.broadcast %mul3A_366 : i32 to vector<16xi32>
          %mul3A_368 = arith.muli %min3A_323, %mul3A_367 : vector<16xi32>
          %add3A_369 = arith.addi %mul3A_368, %convert_element_type3A_303 : vector<16xi32>
          %add3A_370 = arith.constant 262144 : i32
          %add3A_371 = vector.broadcast %add3A_370 : i32 to vector<16xi32>
          %add3A_372 = arith.addi %add3A_369, %add3A_371 : vector<16xi32>
          %mul3A_373 = arith.constant 512 : i32
          %mul3A_374 = vector.broadcast %mul3A_373 : i32 to vector<16xi32>
          %mul3A_375 = arith.muli %min3A_323, %mul3A_374 : vector<16xi32>
          %add3A_376 = arith.addi %mul3A_375, %min3A_311 : vector<16xi32>
          %add3A_377 = arith.constant 262144 : i32
          %add3A_378 = vector.broadcast %add3A_377 : i32 to vector<16xi32>
          %add3A_379 = arith.addi %add3A_376, %add3A_378 : vector<16xi32>
          %mul3A_380 = arith.constant 512 : i32
          %mul3A_381 = vector.broadcast %mul3A_380 : i32 to vector<16xi32>
          %mul3A_382 = arith.muli %convert_element_type3A_315, %mul3A_381 : vector<16xi32>
          %add3A_383 = arith.addi %mul3A_382, %convert_element_type3A_291 : vector<16xi32>
          %add3A_384 = arith.constant 524288 : i32
          %add3A_385 = vector.broadcast %add3A_384 : i32 to vector<16xi32>
          %add3A_386 = arith.addi %add3A_383, %add3A_385 : vector<16xi32>
          %mul3A_387 = arith.constant 512 : i32
          %mul3A_388 = vector.broadcast %mul3A_387 : i32 to vector<16xi32>
          %mul3A_389 = arith.muli %convert_element_type3A_315, %mul3A_388 : vector<16xi32>
          %add3A_390 = arith.addi %mul3A_389, %min3A_299 : vector<16xi32>
          %add3A_391 = arith.constant 524288 : i32
          %add3A_392 = vector.broadcast %add3A_391 : i32 to vector<16xi32>
          %add3A_393 = arith.addi %add3A_390, %add3A_392 : vector<16xi32>
          %mul3A_394 = arith.constant 512 : i32
          %mul3A_395 = vector.broadcast %mul3A_394 : i32 to vector<16xi32>
          %mul3A_396 = arith.muli %min3A_323, %mul3A_395 : vector<16xi32>
          %add3A_397 = arith.addi %mul3A_396, %convert_element_type3A_291 : vector<16xi32>
          %add3A_398 = arith.constant 524288 : i32
          %add3A_399 = vector.broadcast %add3A_398 : i32 to vector<16xi32>
          %add3A_400 = arith.addi %add3A_397, %add3A_399 : vector<16xi32>
          %mul3A_401 = arith.constant 512 : i32
          %mul3A_402 = vector.broadcast %mul3A_401 : i32 to vector<16xi32>
          %mul3A_403 = arith.muli %min3A_323, %mul3A_402 : vector<16xi32>
          %add3A_404 = arith.addi %mul3A_403, %min3A_299 : vector<16xi32>
          %add3A_405 = arith.constant 524288 : i32
          %add3A_406 = vector.broadcast %add3A_405 : i32 to vector<16xi32>
          %add3A_407 = arith.addi %add3A_404, %add3A_406 : vector<16xi32>
          %mul3A_408 = arith.constant 16 : i32
          %mul3A_409 = arith.muli %scan3A_237, %mul3A_408 : i32
          %add3A_410 = arith.constant 0 : i32
          %add3A_411 = arith.addi %add3A_410, %mul3A_409 : i32
          %swap3A = arith.constant 0 : i32
          %swap3A_412 = arith.index_cast %swap3A : i32 to index
          %swap3A_413 = arith.index_cast %add3A_411 : i32 to index
          %swap3A_414 = tpu.vector_load %arg8[%swap3A_412, %swap3A_413] {strides = array<i32>} : memref<2x1536xi32, #tpu.memory_space<vmem>>, vector<16xi32>,
          tpu.vector_store %arg8[%swap3A_412, %swap3A_413], %add3A_330 {strides = array<i32>} : memref<2x1536xi32, #tpu.memory_space<vmem>>, vector<16xi32>,
          %mul3A_415 = arith.constant 16 : i32
          %mul3A_416 = arith.muli %scan3A_237, %mul3A_415 : i32
          %add3A_417 = arith.constant 128 : i32
          %add3A_418 = arith.addi %add3A_417, %mul3A_416 : i32
          %swap3A_419 = arith.constant 0 : i32
          %swap3A_420 = arith.index_cast %swap3A_419 : i32 to index
          %swap3A_421 = arith.index_cast %add3A_418 : i32 to index
          %swap3A_422 = tpu.vector_load %arg8[%swap3A_420, %swap3A_421] {strides = array<i32>} : memref<2x1536xi32, #tpu.memory_space<vmem>>, vector<16xi32>,
          tpu.vector_store %arg8[%swap3A_420, %swap3A_421], %add3A_337 {strides = array<i32>} : memref<2x1536xi32, #tpu.memory_space<vmem>>, vector<16xi32>,
          %mul3A_423 = arith.constant 16 : i32
          %mul3A_424 = arith.muli %scan3A_237, %mul3A_423 : i32
          %add3A_425 = arith.constant 256 : i32
          %add3A_426 = arith.addi %add3A_425, %mul3A_424 : i32
          %swap3A_427 = arith.constant 0 : i32
          %swap3A_428 = arith.index_cast %swap3A_427 : i32 to index
          %swap3A_429 = arith.index_cast %add3A_426 : i32 to index
          %swap3A_430 = tpu.vector_load %arg8[%swap3A_428, %swap3A_429] {strides = array<i32>} : memref<2x1536xi32, #tpu.memory_space<vmem>>, vector<16xi32>,
          tpu.vector_store %arg8[%swap3A_428, %swap3A_429], %add3A_344 {strides = array<i32>} : memref<2x1536xi32, #tpu.memory_space<vmem>>, vector<16xi32>,
          %mul3A_431 = arith.constant 16 : i32
          %mul3A_432 = arith.muli %scan3A_237, %mul3A_431 : i32
          %add3A_433 = arith.constant 384 : i32
          %add3A_434 = arith.addi %add3A_433, %mul3A_432 : i32
          %swap3A_435 = arith.constant 0 : i32
          %swap3A_436 = arith.index_cast %swap3A_435 : i32 to index
          %swap3A_437 = arith.index_cast %add3A_434 : i32 to index
          %swap3A_438 = tpu.vector_load %arg8[%swap3A_436, %swap3A_437] {strides = array<i32>} : memref<2x1536xi32, #tpu.memory_space<vmem>>, vector<16xi32>,
          tpu.vector_store %arg8[%swap3A_436, %swap3A_437], %add3A_351 {strides = array<i32>} : memref<2x1536xi32, #tpu.memory_space<vmem>>, vector<16xi32>,
          %mul3A_439 = arith.constant 16 : i32
          %mul3A_440 = arith.muli %scan3A_237, %mul3A_439 : i32
          %add3A_441 = arith.constant 512 : i32
          %add3A_442 = arith.addi %add3A_441, %mul3A_440 : i32
          %swap3A_443 = arith.constant 0 : i32
          %swap3A_444 = arith.index_cast %swap3A_443 : i32 to index
          %swap3A_445 = arith.index_cast %add3A_442 : i32 to index
          %swap3A_446 = tpu.vector_load %arg8[%swap3A_444, %swap3A_445] {strides = array<i32>} : memref<2x1536xi32, #tpu.memory_space<vmem>>, vector<16xi32>,
          tpu.vector_store %arg8[%swap3A_444, %swap3A_445], %add3A_358 {strides = array<i32>} : memref<2x1536xi32, #tpu.memory_space<vmem>>, vector<16xi32>,
          %mul3A_447 = arith.constant 16 : i32
          %mul3A_448 = arith.muli %scan3A_237, %mul3A_447 : i32
          %add3A_449 = arith.constant 640 : i32
          %add3A_450 = arith.addi %add3A_449, %mul3A_448 : i32
          %swap3A_451 = arith.constant 0 : i32
          %swap3A_452 = arith.index_cast %swap3A_451 : i32 to index
          %swap3A_453 = arith.index_cast %add3A_450 : i32 to index
          %swap3A_454 = tpu.vector_load %arg8[%swap3A_452, %swap3A_453] {strides = array<i32>} : memref<2x1536xi32, #tpu.memory_space<vmem>>, vector<16xi32>,
          tpu.vector_store %arg8[%swap3A_452, %swap3A_453], %add3A_365 {strides = array<i32>} : memref<2x1536xi32, #tpu.memory_space<vmem>>, vector<16xi32>,
          %mul3A_455 = arith.constant 16 : i32
          %mul3A_456 = arith.muli %scan3A_237, %mul3A_455 : i32
          %add3A_457 = arith.constant 768 : i32
          %add3A_458 = arith.addi %add3A_457, %mul3A_456 : i32
          %swap3A_459 = arith.constant 0 : i32
          %swap3A_460 = arith.index_cast %swap3A_459 : i32 to index
          %swap3A_461 = arith.index_cast %add3A_458 : i32 to index
          %swap3A_462 = tpu.vector_load %arg8[%swap3A_460, %swap3A_461] {strides = array<i32>} : memref<2x1536xi32, #tpu.memory_space<vmem>>, vector<16xi32>,
          tpu.vector_store %arg8[%swap3A_460, %swap3A_461], %add3A_372 {strides = array<i32>} : memref<2x1536xi32, #tpu.memory_space<vmem>>, vector<16xi32>,
          %mul3A_463 = arith.constant 16 : i32
          %mul3A_464 = arith.muli %scan3A_237, %mul3A_463 : i32
          %add3A_465 = arith.constant 896 : i32
          %add3A_466 = arith.addi %add3A_465, %mul3A_464 : i32
          %swap3A_467 = arith.constant 0 : i32
          %swap3A_468 = arith.index_cast %swap3A_467 : i32 to index
          %swap3A_469 = arith.index_cast %add3A_466 : i32 to index
          %swap3A_470 = tpu.vector_load %arg8[%swap3A_468, %swap3A_469] {strides = array<i32>} : memref<2x1536xi32, #tpu.memory_space<vmem>>, vector<16xi32>,
          tpu.vector_store %arg8[%swap3A_468, %swap3A_469], %add3A_379 {strides = array<i32>} : memref<2x1536xi32, #tpu.memory_space<vmem>>, vector<16xi32>,
          %mul3A_471 = arith.constant 16 : i32
          %mul3A_472 = arith.muli %scan3A_237, %mul3A_471 : i32
          %add3A_473 = arith.constant 1024 : i32
          %add3A_474 = arith.addi %add3A_473, %mul3A_472 : i32
          %swap3A_475 = arith.constant 0 : i32
          %swap3A_476 = arith.index_cast %swap3A_475 : i32 to index
          %swap3A_477 = arith.index_cast %add3A_474 : i32 to index
          %swap3A_478 = tpu.vector_load %arg8[%swap3A_476, %swap3A_477] {strides = array<i32>} : memref<2x1536xi32, #tpu.memory_space<vmem>>, vector<16xi32>,
          tpu.vector_store %arg8[%swap3A_476, %swap3A_477], %add3A_386 {strides = array<i32>} : memref<2x1536xi32, #tpu.memory_space<vmem>>, vector<16xi32>,
          %mul3A_479 = arith.constant 16 : i32
          %mul3A_480 = arith.muli %scan3A_237, %mul3A_479 : i32
          %add3A_481 = arith.constant 1152 : i32
          %add3A_482 = arith.addi %add3A_481, %mul3A_480 : i32
          %swap3A_483 = arith.constant 0 : i32
          %swap3A_484 = arith.index_cast %swap3A_483 : i32 to index
          %swap3A_485 = arith.index_cast %add3A_482 : i32 to index
          %swap3A_486 = tpu.vector_load %arg8[%swap3A_484, %swap3A_485] {strides = array<i32>} : memref<2x1536xi32, #tpu.memory_space<vmem>>, vector<16xi32>,
          tpu.vector_store %arg8[%swap3A_484, %swap3A_485], %add3A_393 {strides = array<i32>} : memref<2x1536xi32, #tpu.memory_space<vmem>>, vector<16xi32>,
          %mul3A_487 = arith.constant 16 : i32
          %mul3A_488 = arith.muli %scan3A_237, %mul3A_487 : i32
          %add3A_489 = arith.constant 1280 : i32
          %add3A_490 = arith.addi %add3A_489, %mul3A_488 : i32
          %swap3A_491 = arith.constant 0 : i32
          %swap3A_492 = arith.index_cast %swap3A_491 : i32 to index
          %swap3A_493 = arith.index_cast %add3A_490 : i32 to index
          %swap3A_494 = tpu.vector_load %arg8[%swap3A_492, %swap3A_493] {strides = array<i32>} : memref<2x1536xi32, #tpu.memory_space<vmem>>, vector<16xi32>,
          tpu.vector_store %arg8[%swap3A_492, %swap3A_493], %add3A_400 {strides = array<i32>} : memref<2x1536xi32, #tpu.memory_space<vmem>>, vector<16xi32>,
          %mul3A_495 = arith.constant 16 : i32
          %mul3A_496 = arith.muli %scan3A_237, %mul3A_495 : i32
          %add3A_497 = arith.constant 1408 : i32
          %add3A_498 = arith.addi %add3A_497, %mul3A_496 : i32
          %swap3A_499 = arith.constant 0 : i32
          %swap3A_500 = arith.index_cast %swap3A_499 : i32 to index
          %swap3A_501 = arith.index_cast %add3A_498 : i32 to index
          %swap3A_502 = tpu.vector_load %arg8[%swap3A_500, %swap3A_501] {strides = array<i32>} : memref<2x1536xi32, #tpu.memory_space<vmem>>, vector<16xi32>,
          tpu.vector_store %arg8[%swap3A_500, %swap3A_501], %add3A_407 {strides = array<i32>} : memref<2x1536xi32, #tpu.memory_space<vmem>>, vector<16xi32>,
          %mul3A_503 = arith.constant 16 : i32
          %mul3A_504 = arith.muli %scan3A_237, %mul3A_503 : i32
          %add3A_505 = arith.constant 0 : i32
          %add3A_506 = arith.addi %add3A_505, %mul3A_504 : i32
          %swap3A_507 = arith.constant 0 : i32
          %swap3A_508 = arith.index_cast %swap3A_507 : i32 to index
          %swap3A_509 = arith.index_cast %add3A_506 : i32 to index
          %swap3A_510 = tpu.vector_load %arg9[%swap3A_508, %swap3A_509] {strides = array<i32>} : memref<2x1536xf32, #tpu.memory_space<vmem>>, vector<16xf32>,
          tpu.vector_store %arg9[%swap3A_508, %swap3A_509], %sub3A_293 {strides = array<i32>} : memref<2x1536xf32, #tpu.memory_space<vmem>>, vector<16xf32>,
          %mul3A_511 = arith.constant 16 : i32
          %mul3A_512 = arith.muli %scan3A_237, %mul3A_511 : i32
          %add3A_513 = arith.constant 128 : i32
          %add3A_514 = arith.addi %add3A_513, %mul3A_512 : i32
          %swap3A_515 = arith.constant 0 : i32
          %swap3A_516 = arith.index_cast %swap3A_515 : i32 to index
          %swap3A_517 = arith.index_cast %add3A_514 : i32 to index
          %swap3A_518 = tpu.vector_load %arg9[%swap3A_516, %swap3A_517] {strides = array<i32>} : memref<2x1536xf32, #tpu.memory_space<vmem>>, vector<16xf32>,
          tpu.vector_store %arg9[%swap3A_516, %swap3A_517], %sub3A_305 {strides = array<i32>} : memref<2x1536xf32, #tpu.memory_space<vmem>>, vector<16xf32>,
          %mul3A_519 = arith.constant 16 : i32
          %mul3A_520 = arith.muli %scan3A_237, %mul3A_519 : i32
          %add3A_521 = arith.constant 256 : i32
          %add3A_522 = arith.addi %add3A_521, %mul3A_520 : i32
          %swap3A_523 = arith.constant 0 : i32
          %swap3A_524 = arith.index_cast %swap3A_523 : i32 to index
          %swap3A_525 = arith.index_cast %add3A_522 : i32 to index
          %swap3A_526 = tpu.vector_load %arg9[%swap3A_524, %swap3A_525] {strides = array<i32>} : memref<2x1536xf32, #tpu.memory_space<vmem>>, vector<16xf32>,
          tpu.vector_store %arg9[%swap3A_524, %swap3A_525], %sub3A_317 {strides = array<i32>} : memref<2x1536xf32, #tpu.memory_space<vmem>>, vector<16xf32>,
          %mul3A_527 = arith.constant 87 : i32
          %mul3A_528 = vector.broadcast %mul3A_527 : i32 to vector<16xi32>
          %mul3A_529 = arith.muli %add3A_241, %mul3A_528 : vector<16xi32>
          %mul3A_530 = arith.constant 2.000000e+00 : f32
          %mul3A_531 = vector.broadcast %mul3A_530 : f32 to vector<16xf32>
          %mul3A_532 = arith.mulf %mul3A_531, %min3A_269 : vector<16xf32>
          %sub3A_533 = arith.constant 1.000000e+00 : f32
          %sub3A_534 = vector.broadcast %sub3A_533 : f32 to vector<16xf32>
          %sub3A_535 = arith.subf %mul3A_532, %sub3A_534 : vector<16xf32>
          %mul3A_536 = arith.constant 2.000000e+00 : f32
          %mul3A_537 = vector.broadcast %mul3A_536 : f32 to vector<16xf32>
          %mul3A_538 = arith.mulf %mul3A_537, %min3A_278 : vector<16xf32>
          %sub3A_539 = arith.constant 1.000000e+00 : f32
          %sub3A_540 = vector.broadcast %sub3A_539 : f32 to vector<16xf32>
          %sub3A_541 = arith.subf %mul3A_538, %sub3A_540 : vector<16xf32>
          %mul3A_542 = arith.constant 2.000000e+00 : f32
          %mul3A_543 = vector.broadcast %mul3A_542 : f32 to vector<16xf32>
          %mul3A_544 = arith.mulf %mul3A_543, %min3A_287 : vector<16xf32>
          %sub3A_545 = arith.constant 1.000000e+00 : f32
          %sub3A_546 = vector.broadcast %sub3A_545 : f32 to vector<16xf32>
          %sub3A_547 = arith.subf %mul3A_544, %sub3A_546 : vector<16xf32>
          %add3A_548 = arith.constant 48 : i32
          %add3A_549 = vector.broadcast %add3A_548 : i32 to vector<16xi32>
          %add3A_550 = arith.addi %mul3A_529, %add3A_549 : vector<16xi32>
          %scatter3A = arith.constant 0 : i32
          %scatter3A_551 = arith.constant 0 : i32
          %scatter3A_552 = tpu.memref_slice %arg11[%scatter3A, %scatter3A_551] : memref<2x11136xf32, #tpu.memory_space<vmem>> -> memref<1x11136xf32, #tpu.memory_space<vmem>>
          %scatter3A_553 = tpu.memref_squeeze %scatter3A_552 : memref<1x11136xf32, #tpu.memory_space<vmem>> -> memref<11136xf32, #tpu.memory_space<vmem>>
          tpu.vector_store_idx %scatter3A_553[%add3A_550], %sub3A_535 : memref<11136xf32, #tpu.memory_space<vmem>>[vector<16xi32>], vector<16xf32>,
          %add3A_554 = arith.constant 49 : i32
          %add3A_555 = vector.broadcast %add3A_554 : i32 to vector<16xi32>
          %add3A_556 = arith.addi %mul3A_529, %add3A_555 : vector<16xi32>
          %scatter3A_557 = arith.constant 0 : i32
          %scatter3A_558 = arith.constant 0 : i32
          %scatter3A_559 = tpu.memref_slice %arg11[%scatter3A_557, %scatter3A_558] : memref<2x11136xf32, #tpu.memory_space<vmem>> -> memref<1x11136xf32, #tpu.memory_space<vmem>>
          %scatter3A_560 = tpu.memref_squeeze %scatter3A_559 : memref<1x11136xf32, #tpu.memory_space<vmem>> -> memref<11136xf32, #tpu.memory_space<vmem>>
          tpu.vector_store_idx %scatter3A_560[%add3A_556], %sub3A_541 : memref<11136xf32, #tpu.memory_space<vmem>>[vector<16xi32>], vector<16xf32>,
          %add3A_561 = arith.constant 50 : i32
          %add3A_562 = vector.broadcast %add3A_561 : i32 to vector<16xi32>
          %add3A_563 = arith.addi %mul3A_529, %add3A_562 : vector<16xi32>
          %scatter3A_564 = arith.constant 0 : i32
          %scatter3A_565 = arith.constant 0 : i32
          %scatter3A_566 = tpu.memref_slice %arg11[%scatter3A_564, %scatter3A_565] : memref<2x11136xf32, #tpu.memory_space<vmem>> -> memref<1x11136xf32, #tpu.memory_space<vmem>>
          %scatter3A_567 = tpu.memref_squeeze %scatter3A_566 : memref<1x11136xf32, #tpu.memory_space<vmem>> -> memref<11136xf32, #tpu.memory_space<vmem>>
          tpu.vector_store_idx %scatter3A_567[%add3A_563], %sub3A_547 : memref<11136xf32, #tpu.memory_space<vmem>>[vector<16xi32>], vector<16xf32>,
          %mul3A_568 = arith.mulf %sub3A_535, %sub3A_535 : vector<16xf32>
          %mul3A_569 = arith.constant 2.75573188E-6 : f32
          %mul3A_570 = vector.broadcast %mul3A_569 : f32 to vector<16xf32>
          %mul3A_571 = arith.mulf %mul3A_570, %mul3A_568 : vector<16xf32>
          %add3A_572 = arith.constant -1.98412701E-4 : f32
          %add3A_573 = vector.broadcast %add3A_572 : f32 to vector<16xf32>
          %add3A_574 = arith.addf %mul3A_571, %add3A_573 : vector<16xf32>
          %mul3A_575 = arith.mulf %add3A_574, %mul3A_568 : vector<16xf32>
          %add3A_576 = arith.constant 0.00833333377 : f32
          %add3A_577 = vector.broadcast %add3A_576 : f32 to vector<16xf32>
          %add3A_578 = arith.addf %mul3A_575, %add3A_577 : vector<16xf32>
          %mul3A_579 = arith.mulf %add3A_578, %mul3A_568 : vector<16xf32>
          %add3A_580 = arith.constant -0.166666672 : f32
          %add3A_581 = vector.broadcast %add3A_580 : f32 to vector<16xf32>
          %add3A_582 = arith.addf %mul3A_579, %add3A_581 : vector<16xf32>
          %mul3A_583 = arith.mulf %add3A_582, %mul3A_568 : vector<16xf32>
          %add3A_584 = arith.constant 1.000000e+00 : f32
          %add3A_585 = vector.broadcast %add3A_584 : f32 to vector<16xf32>
          %add3A_586 = arith.addf %mul3A_583, %add3A_585 : vector<16xf32>
          %mul3A_587 = arith.mulf %sub3A_535, %add3A_586 : vector<16xf32>
          %mul3A_588 = arith.constant -2.755732E-7 : f32
          %mul3A_589 = vector.broadcast %mul3A_588 : f32 to vector<16xf32>
          %mul3A_590 = arith.mulf %mul3A_589, %mul3A_568 : vector<16xf32>
          %add3A_591 = arith.constant 2.48015876E-5 : f32
          %add3A_592 = vector.broadcast %add3A_591 : f32 to vector<16xf32>
          %add3A_593 = arith.addf %mul3A_590, %add3A_592 : vector<16xf32>
          %mul3A_594 = arith.mulf %add3A_593, %mul3A_568 : vector<16xf32>
          %add3A_595 = arith.constant -0.00138888892 : f32
          %add3A_596 = vector.broadcast %add3A_595 : f32 to vector<16xf32>
          %add3A_597 = arith.addf %mul3A_594, %add3A_596 : vector<16xf32>
          %mul3A_598 = arith.mulf %add3A_597, %mul3A_568 : vector<16xf32>
          %add3A_599 = arith.constant 0.0416666679 : f32
          %add3A_600 = vector.broadcast %add3A_599 : f32 to vector<16xf32>
          %add3A_601 = arith.addf %mul3A_598, %add3A_600 : vector<16xf32>
          %mul3A_602 = arith.mulf %add3A_601, %mul3A_568 : vector<16xf32>
          %add3A_603 = arith.constant -5.000000e-01 : f32
          %add3A_604 = vector.broadcast %add3A_603 : f32 to vector<16xf32>
          %add3A_605 = arith.addf %mul3A_602, %add3A_604 : vector<16xf32>
          %mul3A_606 = arith.mulf %add3A_605, %mul3A_568 : vector<16xf32>
          %add3A_607 = arith.constant 1.000000e+00 : f32
          %add3A_608 = vector.broadcast %add3A_607 : f32 to vector<16xf32>
          %add3A_609 = arith.addf %mul3A_606, %add3A_608 : vector<16xf32>
          %mul3A_610 = arith.mulf %sub3A_541, %sub3A_541 : vector<16xf32>
          %mul3A_611 = arith.constant 2.75573188E-6 : f32
          %mul3A_612 = vector.broadcast %mul3A_611 : f32 to vector<16xf32>
          %mul3A_613 = arith.mulf %mul3A_612, %mul3A_610 : vector<16xf32>
          %add3A_614 = arith.constant -1.98412701E-4 : f32
          %add3A_615 = vector.broadcast %add3A_614 : f32 to vector<16xf32>
          %add3A_616 = arith.addf %mul3A_613, %add3A_615 : vector<16xf32>
          %mul3A_617 = arith.mulf %add3A_616, %mul3A_610 : vector<16xf32>
          %add3A_618 = arith.constant 0.00833333377 : f32
          %add3A_619 = vector.broadcast %add3A_618 : f32 to vector<16xf32>
          %add3A_620 = arith.addf %mul3A_617, %add3A_619 : vector<16xf32>
          %mul3A_621 = arith.mulf %add3A_620, %mul3A_610 : vector<16xf32>
          %add3A_622 = arith.constant -0.166666672 : f32
          %add3A_623 = vector.broadcast %add3A_622 : f32 to vector<16xf32>
          %add3A_624 = arith.addf %mul3A_621, %add3A_623 : vector<16xf32>
          %mul3A_625 = arith.mulf %add3A_624, %mul3A_610 : vector<16xf32>
          %add3A_626 = arith.constant 1.000000e+00 : f32
          %add3A_627 = vector.broadcast %add3A_626 : f32 to vector<16xf32>
          %add3A_628 = arith.addf %mul3A_625, %add3A_627 : vector<16xf32>
          %mul3A_629 = arith.mulf %sub3A_541, %add3A_628 : vector<16xf32>
          %mul3A_630 = arith.constant -2.755732E-7 : f32
          %mul3A_631 = vector.broadcast %mul3A_630 : f32 to vector<16xf32>
          %mul3A_632 = arith.mulf %mul3A_631, %mul3A_610 : vector<16xf32>
          %add3A_633 = arith.constant 2.48015876E-5 : f32
          %add3A_634 = vector.broadcast %add3A_633 : f32 to vector<16xf32>
          %add3A_635 = arith.addf %mul3A_632, %add3A_634 : vector<16xf32>
          %mul3A_636 = arith.mulf %add3A_635, %mul3A_610 : vector<16xf32>
          %add3A_637 = arith.constant -0.00138888892 : f32
          %add3A_638 = vector.broadcast %add3A_637 : f32 to vector<16xf32>
          %add3A_639 = arith.addf %mul3A_636, %add3A_638 : vector<16xf32>
          %mul3A_640 = arith.mulf %add3A_639, %mul3A_610 : vector<16xf32>
          %add3A_641 = arith.constant 0.0416666679 : f32
          %add3A_642 = vector.broadcast %add3A_641 : f32 to vector<16xf32>
          %add3A_643 = arith.addf %mul3A_640, %add3A_642 : vector<16xf32>
          %mul3A_644 = arith.mulf %add3A_643, %mul3A_610 : vector<16xf32>
          %add3A_645 = arith.constant -5.000000e-01 : f32
          %add3A_646 = vector.broadcast %add3A_645 : f32 to vector<16xf32>
          %add3A_647 = arith.addf %mul3A_644, %add3A_646 : vector<16xf32>
          %mul3A_648 = arith.mulf %add3A_647, %mul3A_610 : vector<16xf32>
          %add3A_649 = arith.constant 1.000000e+00 : f32
          %add3A_650 = vector.broadcast %add3A_649 : f32 to vector<16xf32>
          %add3A_651 = arith.addf %mul3A_648, %add3A_650 : vector<16xf32>
          %mul3A_652 = arith.mulf %sub3A_547, %sub3A_547 : vector<16xf32>
          %mul3A_653 = arith.constant 2.75573188E-6 : f32
          %mul3A_654 = vector.broadcast %mul3A_653 : f32 to vector<16xf32>
          %mul3A_655 = arith.mulf %mul3A_654, %mul3A_652 : vector<16xf32>
          %add3A_656 = arith.constant -1.98412701E-4 : f32
          %add3A_657 = vector.broadcast %add3A_656 : f32 to vector<16xf32>
          %add3A_658 = arith.addf %mul3A_655, %add3A_657 : vector<16xf32>
          %mul3A_659 = arith.mulf %add3A_658, %mul3A_652 : vector<16xf32>
          %add3A_660 = arith.constant 0.00833333377 : f32
          %add3A_661 = vector.broadcast %add3A_660 : f32 to vector<16xf32>
          %add3A_662 = arith.addf %mul3A_659, %add3A_661 : vector<16xf32>
          %mul3A_663 = arith.mulf %add3A_662, %mul3A_652 : vector<16xf32>
          %add3A_664 = arith.constant -0.166666672 : f32
          %add3A_665 = vector.broadcast %add3A_664 : f32 to vector<16xf32>
          %add3A_666 = arith.addf %mul3A_663, %add3A_665 : vector<16xf32>
          %mul3A_667 = arith.mulf %add3A_666, %mul3A_652 : vector<16xf32>
          %add3A_668 = arith.constant 1.000000e+00 : f32
          %add3A_669 = vector.broadcast %add3A_668 : f32 to vector<16xf32>
          %add3A_670 = arith.addf %mul3A_667, %add3A_669 : vector<16xf32>
          %mul3A_671 = arith.mulf %sub3A_547, %add3A_670 : vector<16xf32>
          %mul3A_672 = arith.constant -2.755732E-7 : f32
          %mul3A_673 = vector.broadcast %mul3A_672 : f32 to vector<16xf32>
          %mul3A_674 = arith.mulf %mul3A_673, %mul3A_652 : vector<16xf32>
          %add3A_675 = arith.constant 2.48015876E-5 : f32
          %add3A_676 = vector.broadcast %add3A_675 : f32 to vector<16xf32>
          %add3A_677 = arith.addf %mul3A_674, %add3A_676 : vector<16xf32>
          %mul3A_678 = arith.mulf %add3A_677, %mul3A_652 : vector<16xf32>
          %add3A_679 = arith.constant -0.00138888892 : f32
          %add3A_680 = vector.broadcast %add3A_679 : f32 to vector<16xf32>
          %add3A_681 = arith.addf %mul3A_678, %add3A_680 : vector<16xf32>
          %mul3A_682 = arith.mulf %add3A_681, %mul3A_652 : vector<16xf32>
          %add3A_683 = arith.constant 0.0416666679 : f32
          %add3A_684 = vector.broadcast %add3A_683 : f32 to vector<16xf32>
          %add3A_685 = arith.addf %mul3A_682, %add3A_684 : vector<16xf32>
          %mul3A_686 = arith.mulf %add3A_685, %mul3A_652 : vector<16xf32>
          %add3A_687 = arith.constant -5.000000e-01 : f32
          %add3A_688 = vector.broadcast %add3A_687 : f32 to vector<16xf32>
          %add3A_689 = arith.addf %mul3A_686, %add3A_688 : vector<16xf32>
          %mul3A_690 = arith.mulf %add3A_689, %mul3A_652 : vector<16xf32>
          %add3A_691 = arith.constant 1.000000e+00 : f32
          %add3A_692 = vector.broadcast %add3A_691 : f32 to vector<16xf32>
          %add3A_693 = arith.addf %mul3A_690, %add3A_692 : vector<16xf32>
          %add3A_694 = arith.constant 51 : i32
          %add3A_695 = vector.broadcast %add3A_694 : i32 to vector<16xi32>
          %add3A_696 = arith.addi %mul3A_529, %add3A_695 : vector<16xi32>
          %scatter3A_697 = arith.constant 0 : i32
          %scatter3A_698 = arith.constant 0 : i32
          %scatter3A_699 = tpu.memref_slice %arg11[%scatter3A_697, %scatter3A_698] : memref<2x11136xf32, #tpu.memory_space<vmem>> -> memref<1x11136xf32, #tpu.memory_space<vmem>>
          %scatter3A_700 = tpu.memref_squeeze %scatter3A_699 : memref<1x11136xf32, #tpu.memory_space<vmem>> -> memref<11136xf32, #tpu.memory_space<vmem>>
          tpu.vector_store_idx %scatter3A_700[%add3A_696], %mul3A_587 : memref<11136xf32, #tpu.memory_space<vmem>>[vector<16xi32>], vector<16xf32>,
          %add3A_701 = arith.constant 54 : i32
          %add3A_702 = vector.broadcast %add3A_701 : i32 to vector<16xi32>
          %add3A_703 = arith.addi %mul3A_529, %add3A_702 : vector<16xi32>
          %scatter3A_704 = arith.constant 0 : i32
          %scatter3A_705 = arith.constant 0 : i32
          %scatter3A_706 = tpu.memref_slice %arg11[%scatter3A_704, %scatter3A_705] : memref<2x11136xf32, #tpu.memory_space<vmem>> -> memref<1x11136xf32, #tpu.memory_space<vmem>>
          %scatter3A_707 = tpu.memref_squeeze %scatter3A_706 : memref<1x11136xf32, #tpu.memory_space<vmem>> -> memref<11136xf32, #tpu.memory_space<vmem>>
          tpu.vector_store_idx %scatter3A_707[%add3A_703], %add3A_609 : memref<11136xf32, #tpu.memory_space<vmem>>[vector<16xi32>], vector<16xf32>,
          %mul3A_708 = arith.constant 2.000000e+00 : f32
          %mul3A_709 = vector.broadcast %mul3A_708 : f32 to vector<16xf32>
          %mul3A_710 = arith.mulf %mul3A_709, %mul3A_587 : vector<16xf32>
          %mul3A_711 = arith.mulf %mul3A_710, %add3A_609 : vector<16xf32>
          %mul3A_712 = arith.constant 2.000000e+00 : f32
          %mul3A_713 = vector.broadcast %mul3A_712 : f32 to vector<16xf32>
          %mul3A_714 = arith.mulf %mul3A_713, %mul3A_587 : vector<16xf32>
          %mul3A_715 = arith.mulf %mul3A_714, %mul3A_587 : vector<16xf32>
          %sub3A_716 = arith.constant 1.000000e+00 : f32
          %sub3A_717 = vector.broadcast %sub3A_716 : f32 to vector<16xf32>
          %sub3A_718 = arith.subf %sub3A_717, %mul3A_715 : vector<16xf32>
          %add3A_719 = arith.constant 52 : i32
          %add3A_720 = vector.broadcast %add3A_719 : i32 to vector<16xi32>
          %add3A_721 = arith.addi %mul3A_529, %add3A_720 : vector<16xi32>
          %scatter3A_722 = arith.constant 0 : i32
          %scatter3A_723 = arith.constant 0 : i32
          %scatter3A_724 = tpu.memref_slice %arg11[%scatter3A_722, %scatter3A_723] : memref<2x11136xf32, #tpu.memory_space<vmem>> -> memref<1x11136xf32, #tpu.memory_space<vmem>>
          %scatter3A_725 = tpu.memref_squeeze %scatter3A_724 : memref<1x11136xf32, #tpu.memory_space<vmem>> -> memref<11136xf32, #tpu.memory_space<vmem>>
          tpu.vector_store_idx %scatter3A_725[%add3A_721], %mul3A_629 : memref<11136xf32, #tpu.memory_space<vmem>>[vector<16xi32>], vector<16xf32>,
          %add3A_726 = arith.constant 55 : i32
          %add3A_727 = vector.broadcast %add3A_726 : i32 to vector<16xi32>
          %add3A_728 = arith.addi %mul3A_529, %add3A_727 : vector<16xi32>
          %scatter3A_729 = arith.constant 0 : i32
          %scatter3A_730 = arith.constant 0 : i32
          %scatter3A_731 = tpu.memref_slice %arg11[%scatter3A_729, %scatter3A_730] : memref<2x11136xf32, #tpu.memory_space<vmem>> -> memref<1x11136xf32, #tpu.memory_space<vmem>>
          %scatter3A_732 = tpu.memref_squeeze %scatter3A_731 : memref<1x11136xf32, #tpu.memory_space<vmem>> -> memref<11136xf32, #tpu.memory_space<vmem>>
          tpu.vector_store_idx %scatter3A_732[%add3A_728], %add3A_651 : memref<11136xf32, #tpu.memory_space<vmem>>[vector<16xi32>], vector<16xf32>,
          %mul3A_733 = arith.constant 2.000000e+00 : f32
          %mul3A_734 = vector.broadcast %mul3A_733 : f32 to vector<16xf32>
          %mul3A_735 = arith.mulf %mul3A_734, %mul3A_629 : vector<16xf32>
          %mul3A_736 = arith.mulf %mul3A_735, %add3A_651 : vector<16xf32>
          %mul3A_737 = arith.constant 2.000000e+00 : f32
          %mul3A_738 = vector.broadcast %mul3A_737 : f32 to vector<16xf32>
          %mul3A_739 = arith.mulf %mul3A_738, %mul3A_629 : vector<16xf32>
          %mul3A_740 = arith.mulf %mul3A_739, %mul3A_629 : vector<16xf32>
          %sub3A_741 = arith.constant 1.000000e+00 : f32
          %sub3A_742 = vector.broadcast %sub3A_741 : f32 to vector<16xf32>
          %sub3A_743 = arith.subf %sub3A_742, %mul3A_740 : vector<16xf32>
          %add3A_744 = arith.constant 53 : i32
          %add3A_745 = vector.broadcast %add3A_744 : i32 to vector<16xi32>
          %add3A_746 = arith.addi %mul3A_529, %add3A_745 : vector<16xi32>
          %scatter3A_747 = arith.constant 0 : i32
          %scatter3A_748 = arith.constant 0 : i32
          %scatter3A_749 = tpu.memref_slice %arg11[%scatter3A_747, %scatter3A_748] : memref<2x11136xf32, #tpu.memory_space<vmem>> -> memref<1x11136xf32, #tpu.memory_space<vmem>>
          %scatter3A_750 = tpu.memref_squeeze %scatter3A_749 : memref<1x11136xf32, #tpu.memory_space<vmem>> -> memref<11136xf32, #tpu.memory_space<vmem>>
          tpu.vector_store_idx %scatter3A_750[%add3A_746], %mul3A_671 : memref<11136xf32, #tpu.memory_space<vmem>>[vector<16xi32>], vector<16xf32>,
          %add3A_751 = arith.constant 56 : i32
          %add3A_752 = vector.broadcast %add3A_751 : i32 to vector<16xi32>
          %add3A_753 = arith.addi %mul3A_529, %add3A_752 : vector<16xi32>
          %scatter3A_754 = arith.constant 0 : i32
          %scatter3A_755 = arith.constant 0 : i32
          %scatter3A_756 = tpu.memref_slice %arg11[%scatter3A_754, %scatter3A_755] : memref<2x11136xf32, #tpu.memory_space<vmem>> -> memref<1x11136xf32, #tpu.memory_space<vmem>>
          %scatter3A_757 = tpu.memref_squeeze %scatter3A_756 : memref<1x11136xf32, #tpu.memory_space<vmem>> -> memref<11136xf32, #tpu.memory_space<vmem>>
          tpu.vector_store_idx %scatter3A_757[%add3A_753], %add3A_693 : memref<11136xf32, #tpu.memory_space<vmem>>[vector<16xi32>], vector<16xf32>,
          %mul3A_758 = arith.constant 2.000000e+00 : f32
          %mul3A_759 = vector.broadcast %mul3A_758 : f32 to vector<16xf32>
          %mul3A_760 = arith.mulf %mul3A_759, %mul3A_671 : vector<16xf32>
          %mul3A_761 = arith.mulf %mul3A_760, %add3A_693 : vector<16xf32>
          %mul3A_762 = arith.constant 2.000000e+00 : f32
          %mul3A_763 = vector.broadcast %mul3A_762 : f32 to vector<16xf32>
          %mul3A_764 = arith.mulf %mul3A_763, %mul3A_671 : vector<16xf32>
          %mul3A_765 = arith.mulf %mul3A_764, %mul3A_671 : vector<16xf32>
          %sub3A_766 = arith.constant 1.000000e+00 : f32
          %sub3A_767 = vector.broadcast %sub3A_766 : f32 to vector<16xf32>
          %sub3A_768 = arith.subf %sub3A_767, %mul3A_765 : vector<16xf32>
          %add3A_769 = arith.constant 57 : i32
          %add3A_770 = vector.broadcast %add3A_769 : i32 to vector<16xi32>
          %add3A_771 = arith.addi %mul3A_529, %add3A_770 : vector<16xi32>
          %scatter3A_772 = arith.constant 0 : i32
          %scatter3A_773 = arith.constant 0 : i32
          %scatter3A_774 = tpu.memref_slice %arg11[%scatter3A_772, %scatter3A_773] : memref<2x11136xf32, #tpu.memory_space<vmem>> -> memref<1x11136xf32, #tpu.memory_space<vmem>>
          %scatter3A_775 = tpu.memref_squeeze %scatter3A_774 : memref<1x11136xf32, #tpu.memory_space<vmem>> -> memref<11136xf32, #tpu.memory_space<vmem>>
          tpu.vector_store_idx %scatter3A_775[%add3A_771], %mul3A_711 : memref<11136xf32, #tpu.memory_space<vmem>>[vector<16xi32>], vector<16xf32>,
          %add3A_776 = arith.constant 60 : i32
          %add3A_777 = vector.broadcast %add3A_776 : i32 to vector<16xi32>
          %add3A_778 = arith.addi %mul3A_529, %add3A_777 : vector<16xi32>
          %scatter3A_779 = arith.constant 0 : i32
          %scatter3A_780 = arith.constant 0 : i32
          %scatter3A_781 = tpu.memref_slice %arg11[%scatter3A_779, %scatter3A_780] : memref<2x11136xf32, #tpu.memory_space<vmem>> -> memref<1x11136xf32, #tpu.memory_space<vmem>>
          %scatter3A_782 = tpu.memref_squeeze %scatter3A_781 : memref<1x11136xf32, #tpu.memory_space<vmem>> -> memref<11136xf32, #tpu.memory_space<vmem>>
          tpu.vector_store_idx %scatter3A_782[%add3A_778], %sub3A_718 : memref<11136xf32, #tpu.memory_space<vmem>>[vector<16xi32>], vector<16xf32>,
          %mul3A_783 = arith.constant 2.000000e+00 : f32
          %mul3A_784 = vector.broadcast %mul3A_783 : f32 to vector<16xf32>
          %mul3A_785 = arith.mulf %mul3A_784, %mul3A_711 : vector<16xf32>
          %mul3A_786 = arith.mulf %mul3A_785, %sub3A_718 : vector<16xf32>
          %mul3A_787 = arith.constant 2.000000e+00 : f32
          %mul3A_788 = vector.broadcast %mul3A_787 : f32 to vector<16xf32>
          %mul3A_789 = arith.mulf %mul3A_788, %mul3A_711 : vector<16xf32>
          %mul3A_790 = arith.mulf %mul3A_789, %mul3A_711 : vector<16xf32>
          %sub3A_791 = arith.constant 1.000000e+00 : f32
          %sub3A_792 = vector.broadcast %sub3A_791 : f32 to vector<16xf32>
          %sub3A_793 = arith.subf %sub3A_792, %mul3A_790 : vector<16xf32>
          %add3A_794 = arith.constant 58 : i32
          %add3A_795 = vector.broadcast %add3A_794 : i32 to vector<16xi32>
          %add3A_796 = arith.addi %mul3A_529, %add3A_795 : vector<16xi32>
          %scatter3A_797 = arith.constant 0 : i32
          %scatter3A_798 = arith.constant 0 : i32
          %scatter3A_799 = tpu.memref_slice %arg11[%scatter3A_797, %scatter3A_798] : memref<2x11136xf32, #tpu.memory_space<vmem>> -> memref<1x11136xf32, #tpu.memory_space<vmem>>
          %scatter3A_800 = tpu.memref_squeeze %scatter3A_799 : memref<1x11136xf32, #tpu.memory_space<vmem>> -> memref<11136xf32, #tpu.memory_space<vmem>>
          tpu.vector_store_idx %scatter3A_800[%add3A_796], %mul3A_736 : memref<11136xf32, #tpu.memory_space<vmem>>[vector<16xi32>], vector<16xf32>,
          %add3A_801 = arith.constant 61 : i32
          %add3A_802 = vector.broadcast %add3A_801 : i32 to vector<16xi32>
          %add3A_803 = arith.addi %mul3A_529, %add3A_802 : vector<16xi32>
          %scatter3A_804 = arith.constant 0 : i32
          %scatter3A_805 = arith.constant 0 : i32
          %scatter3A_806 = tpu.memref_slice %arg11[%scatter3A_804, %scatter3A_805] : memref<2x11136xf32, #tpu.memory_space<vmem>> -> memref<1x11136xf32, #tpu.memory_space<vmem>>
          %scatter3A_807 = tpu.memref_squeeze %scatter3A_806 : memref<1x11136xf32, #tpu.memory_space<vmem>> -> memref<11136xf32, #tpu.memory_space<vmem>>
          tpu.vector_store_idx %scatter3A_807[%add3A_803], %sub3A_743 : memref<11136xf32, #tpu.memory_space<vmem>>[vector<16xi32>], vector<16xf32>,
          %mul3A_808 = arith.constant 2.000000e+00 : f32
          %mul3A_809 = vector.broadcast %mul3A_808 : f32 to vector<16xf32>
          %mul3A_810 = arith.mulf %mul3A_809, %mul3A_736 : vector<16xf32>
          %mul3A_811 = arith.mulf %mul3A_810, %sub3A_743 : vector<16xf32>
          %mul3A_812 = arith.constant 2.000000e+00 : f32
          %mul3A_813 = vector.broadcast %mul3A_812 : f32 to vector<16xf32>
          %mul3A_814 = arith.mulf %mul3A_813, %mul3A_736 : vector<16xf32>
          %mul3A_815 = arith.mulf %mul3A_814, %mul3A_736 : vector<16xf32>
          %sub3A_816 = arith.constant 1.000000e+00 : f32
          %sub3A_817 = vector.broadcast %sub3A_816 : f32 to vector<16xf32>
          %sub3A_818 = arith.subf %sub3A_817, %mul3A_815 : vector<16xf32>
          %add3A_819 = arith.constant 59 : i32
          %add3A_820 = vector.broadcast %add3A_819 : i32 to vector<16xi32>
          %add3A_821 = arith.addi %mul3A_529, %add3A_820 : vector<16xi32>
          %scatter3A_822 = arith.constant 0 : i32
          %scatter3A_823 = arith.constant 0 : i32
          %scatter3A_824 = tpu.memref_slice %arg11[%scatter3A_822, %scatter3A_823] : memref<2x11136xf32, #tpu.memory_space<vmem>> -> memref<1x11136xf32, #tpu.memory_space<vmem>>
          %scatter3A_825 = tpu.memref_squeeze %scatter3A_824 : memref<1x11136xf32, #tpu.memory_space<vmem>> -> memref<11136xf32, #tpu.memory_space<vmem>>
          tpu.vector_store_idx %scatter3A_825[%add3A_821], %mul3A_761 : memref<11136xf32, #tpu.memory_space<vmem>>[vector<16xi32>], vector<16xf32>,
          %add3A_826 = arith.constant 62 : i32
          %add3A_827 = vector.broadcast %add3A_826 : i32 to vector<16xi32>
          %add3A_828 = arith.addi %mul3A_529, %add3A_827 : vector<16xi32>
          %scatter3A_829 = arith.constant 0 : i32
          %scatter3A_830 = arith.constant 0 : i32
          %scatter3A_831 = tpu.memref_slice %arg11[%scatter3A_829, %scatter3A_830] : memref<2x11136xf32, #tpu.memory_space<vmem>> -> memref<1x11136xf32, #tpu.memory_space<vmem>>
          %scatter3A_832 = tpu.memref_squeeze %scatter3A_831 : memref<1x11136xf32, #tpu.memory_space<vmem>> -> memref<11136xf32, #tpu.memory_space<vmem>>
          tpu.vector_store_idx %scatter3A_832[%add3A_828], %sub3A_768 : memref<11136xf32, #tpu.memory_space<vmem>>[vector<16xi32>], vector<16xf32>,
          %mul3A_833 = arith.constant 2.000000e+00 : f32
          %mul3A_834 = vector.broadcast %mul3A_833 : f32 to vector<16xf32>
          %mul3A_835 = arith.mulf %mul3A_834, %mul3A_761 : vector<16xf32>
          %mul3A_836 = arith.mulf %mul3A_835, %sub3A_768 : vector<16xf32>
          %mul3A_837 = arith.constant 2.000000e+00 : f32
          %mul3A_838 = vector.broadcast %mul3A_837 : f32 to vector<16xf32>
          %mul3A_839 = arith.mulf %mul3A_838, %mul3A_761 : vector<16xf32>
          %mul3A_840 = arith.mulf %mul3A_839, %mul3A_761 : vector<16xf32>
          %sub3A_841 = arith.constant 1.000000e+00 : f32
          %sub3A_842 = vector.broadcast %sub3A_841 : f32 to vector<16xf32>
          %sub3A_843 = arith.subf %sub3A_842, %mul3A_840 : vector<16xf32>
          %add3A_844 = arith.constant 63 : i32
          %add3A_845 = vector.broadcast %add3A_844 : i32 to vector<16xi32>
          %add3A_846 = arith.addi %mul3A_529, %add3A_845 : vector<16xi32>
          %scatter3A_847 = arith.constant 0 : i32
          %scatter3A_848 = arith.constant 0 : i32
          %scatter3A_849 = tpu.memref_slice %arg11[%scatter3A_847, %scatter3A_848] : memref<2x11136xf32, #tpu.memory_space<vmem>> -> memref<1x11136xf32, #tpu.memory_space<vmem>>
          %scatter3A_850 = tpu.memref_squeeze %scatter3A_849 : memref<1x11136xf32, #tpu.memory_space<vmem>> -> memref<11136xf32, #tpu.memory_space<vmem>>
          tpu.vector_store_idx %scatter3A_850[%add3A_846], %mul3A_786 : memref<11136xf32, #tpu.memory_space<vmem>>[vector<16xi32>], vector<16xf32>,
          %add3A_851 = arith.constant 66 : i32
          %add3A_852 = vector.broadcast %add3A_851 : i32 to vector<16xi32>
          %add3A_853 = arith.addi %mul3A_529, %add3A_852 : vector<16xi32>
          %scatter3A_854 = arith.constant 0 : i32
          %scatter3A_855 = arith.constant 0 : i32
          %scatter3A_856 = tpu.memref_slice %arg11[%scatter3A_854, %scatter3A_855] : memref<2x11136xf32, #tpu.memory_space<vmem>> -> memref<1x11136xf32, #tpu.memory_space<vmem>>
          %scatter3A_857 = tpu.memref_squeeze %scatter3A_856 : memref<1x11136xf32, #tpu.memory_space<vmem>> -> memref<11136xf32, #tpu.memory_space<vmem>>
          tpu.vector_store_idx %scatter3A_857[%add3A_853], %sub3A_793 : memref<11136xf32, #tpu.memory_space<vmem>>[vector<16xi32>], vector<16xf32>,
          %mul3A_858 = arith.constant 2.000000e+00 : f32
          %mul3A_859 = vector.broadcast %mul3A_858 : f32 to vector<16xf32>
          %mul3A_860 = arith.mulf %mul3A_859, %mul3A_786 : vector<16xf32>
          %mul3A_861 = arith.mulf %mul3A_860, %sub3A_793 : vector<16xf32>
          %mul3A_862 = arith.constant 2.000000e+00 : f32
          %mul3A_863 = vector.broadcast %mul3A_862 : f32 to vector<16xf32>
          %mul3A_864 = arith.mulf %mul3A_863, %mul3A_786 : vector<16xf32>
          %mul3A_865 = arith.mulf %mul3A_864, %mul3A_786 : vector<16xf32>
          %sub3A_866 = arith.constant 1.000000e+00 : f32
          %sub3A_867 = vector.broadcast %sub3A_866 : f32 to vector<16xf32>
          %sub3A_868 = arith.subf %sub3A_867, %mul3A_865 : vector<16xf32>
          %add3A_869 = arith.constant 64 : i32
          %add3A_870 = vector.broadcast %add3A_869 : i32 to vector<16xi32>
          %add3A_871 = arith.addi %mul3A_529, %add3A_870 : vector<16xi32>
          %scatter3A_872 = arith.constant 0 : i32
          %scatter3A_873 = arith.constant 0 : i32
          %scatter3A_874 = tpu.memref_slice %arg11[%scatter3A_872, %scatter3A_873] : memref<2x11136xf32, #tpu.memory_space<vmem>> -> memref<1x11136xf32, #tpu.memory_space<vmem>>
          %scatter3A_875 = tpu.memref_squeeze %scatter3A_874 : memref<1x11136xf32, #tpu.memory_space<vmem>> -> memref<11136xf32, #tpu.memory_space<vmem>>
          tpu.vector_store_idx %scatter3A_875[%add3A_871], %mul3A_811 : memref<11136xf32, #tpu.memory_space<vmem>>[vector<16xi32>], vector<16xf32>,
          %add3A_876 = arith.constant 67 : i32
          %add3A_877 = vector.broadcast %add3A_876 : i32 to vector<16xi32>
          %add3A_878 = arith.addi %mul3A_529, %add3A_877 : vector<16xi32>
          %scatter3A_879 = arith.constant 0 : i32
          %scatter3A_880 = arith.constant 0 : i32
          %scatter3A_881 = tpu.memref_slice %arg11[%scatter3A_879, %scatter3A_880] : memref<2x11136xf32, #tpu.memory_space<vmem>> -> memref<1x11136xf32, #tpu.memory_space<vmem>>
          %scatter3A_882 = tpu.memref_squeeze %scatter3A_881 : memref<1x11136xf32, #tpu.memory_space<vmem>> -> memref<11136xf32, #tpu.memory_space<vmem>>
          tpu.vector_store_idx %scatter3A_882[%add3A_878], %sub3A_818 : memref<11136xf32, #tpu.memory_space<vmem>>[vector<16xi32>], vector<16xf32>,
          %mul3A_883 = arith.constant 2.000000e+00 : f32
          %mul3A_884 = vector.broadcast %mul3A_883 : f32 to vector<16xf32>
          %mul3A_885 = arith.mulf %mul3A_884, %mul3A_811 : vector<16xf32>
          %mul3A_886 = arith.mulf %mul3A_885, %sub3A_818 : vector<16xf32>
          %mul3A_887 = arith.constant 2.000000e+00 : f32
          %mul3A_888 = vector.broadcast %mul3A_887 : f32 to vector<16xf32>
          %mul3A_889 = arith.mulf %mul3A_888, %mul3A_811 : vector<16xf32>
          %mul3A_890 = arith.mulf %mul3A_889, %mul3A_811 : vector<16xf32>
          %sub3A_891 = arith.constant 1.000000e+00 : f32
          %sub3A_892 = vector.broadcast %sub3A_891 : f32 to vector<16xf32>
          %sub3A_893 = arith.subf %sub3A_892, %mul3A_890 : vector<16xf32>
          %add3A_894 = arith.constant 65 : i32
          %add3A_895 = vector.broadcast %add3A_894 : i32 to vector<16xi32>
          %add3A_896 = arith.addi %mul3A_529, %add3A_895 : vector<16xi32>
          %scatter3A_897 = arith.constant 0 : i32
          %scatter3A_898 = arith.constant 0 : i32
          %scatter3A_899 = tpu.memref_slice %arg11[%scatter3A_897, %scatter3A_898] : memref<2x11136xf32, #tpu.memory_space<vmem>> -> memref<1x11136xf32, #tpu.memory_space<vmem>>
          %scatter3A_900 = tpu.memref_squeeze %scatter3A_899 : memref<1x11136xf32, #tpu.memory_space<vmem>> -> memref<11136xf32, #tpu.memory_space<vmem>>
          tpu.vector_store_idx %scatter3A_900[%add3A_896], %mul3A_836 : memref<11136xf32, #tpu.memory_space<vmem>>[vector<16xi32>], vector<16xf32>,
          %add3A_901 = arith.constant 68 : i32
          %add3A_902 = vector.broadcast %add3A_901 : i32 to vector<16xi32>
          %add3A_903 = arith.addi %mul3A_529, %add3A_902 : vector<16xi32>
          %scatter3A_904 = arith.constant 0 : i32
          %scatter3A_905 = arith.constant 0 : i32
          %scatter3A_906 = tpu.memref_slice %arg11[%scatter3A_904, %scatter3A_905] : memref<2x11136xf32, #tpu.memory_space<vmem>> -> memref<1x11136xf32, #tpu.memory_space<vmem>>
          %scatter3A_907 = tpu.memref_squeeze %scatter3A_906 : memref<1x11136xf32, #tpu.memory_space<vmem>> -> memref<11136xf32, #tpu.memory_space<vmem>>
          tpu.vector_store_idx %scatter3A_907[%add3A_903], %sub3A_843 : memref<11136xf32, #tpu.memory_space<vmem>>[vector<16xi32>], vector<16xf32>,
          %mul3A_908 = arith.constant 2.000000e+00 : f32
          %mul3A_909 = vector.broadcast %mul3A_908 : f32 to vector<16xf32>
          %mul3A_910 = arith.mulf %mul3A_909, %mul3A_836 : vector<16xf32>
          %mul3A_911 = arith.mulf %mul3A_910, %sub3A_843 : vector<16xf32>
          %mul3A_912 = arith.constant 2.000000e+00 : f32
          %mul3A_913 = vector.broadcast %mul3A_912 : f32 to vector<16xf32>
          %mul3A_914 = arith.mulf %mul3A_913, %mul3A_836 : vector<16xf32>
          %mul3A_915 = arith.mulf %mul3A_914, %mul3A_836 : vector<16xf32>
          %sub3A_916 = arith.constant 1.000000e+00 : f32
          %sub3A_917 = vector.broadcast %sub3A_916 : f32 to vector<16xf32>
          %sub3A_918 = arith.subf %sub3A_917, %mul3A_915 : vector<16xf32>
          %add3A_919 = arith.constant 69 : i32
          %add3A_920 = vector.broadcast %add3A_919 : i32 to vector<16xi32>
          %add3A_921 = arith.addi %mul3A_529, %add3A_920 : vector<16xi32>
          %scatter3A_922 = arith.constant 0 : i32
          %scatter3A_923 = arith.constant 0 : i32
          %scatter3A_924 = tpu.memref_slice %arg11[%scatter3A_922, %scatter3A_923] : memref<2x11136xf32, #tpu.memory_space<vmem>> -> memref<1x11136xf32, #tpu.memory_space<vmem>>
          %scatter3A_925 = tpu.memref_squeeze %scatter3A_924 : memref<1x11136xf32, #tpu.memory_space<vmem>> -> memref<11136xf32, #tpu.memory_space<vmem>>
          tpu.vector_store_idx %scatter3A_925[%add3A_921], %mul3A_861 : memref<11136xf32, #tpu.memory_space<vmem>>[vector<16xi32>], vector<16xf32>,
          %add3A_926 = arith.constant 72 : i32
          %add3A_927 = vector.broadcast %add3A_926 : i32 to vector<16xi32>
          %add3A_928 = arith.addi %mul3A_529, %add3A_927 : vector<16xi32>
          %scatter3A_929 = arith.constant 0 : i32
          %scatter3A_930 = arith.constant 0 : i32
          %scatter3A_931 = tpu.memref_slice %arg11[%scatter3A_929, %scatter3A_930] : memref<2x11136xf32, #tpu.memory_space<vmem>> -> memref<1x11136xf32, #tpu.memory_space<vmem>>
          %scatter3A_932 = tpu.memref_squeeze %scatter3A_931 : memref<1x11136xf32, #tpu.memory_space<vmem>> -> memref<11136xf32, #tpu.memory_space<vmem>>
          tpu.vector_store_idx %scatter3A_932[%add3A_928], %sub3A_868 : memref<11136xf32, #tpu.memory_space<vmem>>[vector<16xi32>], vector<16xf32>,
          %mul3A_933 = arith.constant 2.000000e+00 : f32
          %mul3A_934 = vector.broadcast %mul3A_933 : f32 to vector<16xf32>
          %mul3A_935 = arith.mulf %mul3A_934, %mul3A_861 : vector<16xf32>
          %mul3A_936 = arith.mulf %mul3A_935, %sub3A_868 : vector<16xf32>
          %mul3A_937 = arith.constant 2.000000e+00 : f32
          %mul3A_938 = vector.broadcast %mul3A_937 : f32 to vector<16xf32>
          %mul3A_939 = arith.mulf %mul3A_938, %mul3A_861 : vector<16xf32>
          %mul3A_940 = arith.mulf %mul3A_939, %mul3A_861 : vector<16xf32>
          %sub3A_941 = arith.constant 1.000000e+00 : f32
          %sub3A_942 = vector.broadcast %sub3A_941 : f32 to vector<16xf32>
          %sub3A_943 = arith.subf %sub3A_942, %mul3A_940 : vector<16xf32>
          %add3A_944 = arith.constant 70 : i32
          %add3A_945 = vector.broadcast %add3A_944 : i32 to vector<16xi32>
          %add3A_946 = arith.addi %mul3A_529, %add3A_945 : vector<16xi32>
          %scatter3A_947 = arith.constant 0 : i32
          %scatter3A_948 = arith.constant 0 : i32
          %scatter3A_949 = tpu.memref_slice %arg11[%scatter3A_947, %scatter3A_948] : memref<2x11136xf32, #tpu.memory_space<vmem>> -> memref<1x11136xf32, #tpu.memory_space<vmem>>
          %scatter3A_950 = tpu.memref_squeeze %scatter3A_949 : memref<1x11136xf32, #tpu.memory_space<vmem>> -> memref<11136xf32, #tpu.memory_space<vmem>>
          tpu.vector_store_idx %scatter3A_950[%add3A_946], %mul3A_886 : memref<11136xf32, #tpu.memory_space<vmem>>[vector<16xi32>], vector<16xf32>,
          %add3A_951 = arith.constant 73 : i32
          %add3A_952 = vector.broadcast %add3A_951 : i32 to vector<16xi32>
          %add3A_953 = arith.addi %mul3A_529, %add3A_952 : vector<16xi32>
          %scatter3A_954 = arith.constant 0 : i32
          %scatter3A_955 = arith.constant 0 : i32
          %scatter3A_956 = tpu.memref_slice %arg11[%scatter3A_954, %scatter3A_955] : memref<2x11136xf32, #tpu.memory_space<vmem>> -> memref<1x11136xf32, #tpu.memory_space<vmem>>
          %scatter3A_957 = tpu.memref_squeeze %scatter3A_956 : memref<1x11136xf32, #tpu.memory_space<vmem>> -> memref<11136xf32, #tpu.memory_space<vmem>>
          tpu.vector_store_idx %scatter3A_957[%add3A_953], %sub3A_893 : memref<11136xf32, #tpu.memory_space<vmem>>[vector<16xi32>], vector<16xf32>,
          %mul3A_958 = arith.constant 2.000000e+00 : f32
          %mul3A_959 = vector.broadcast %mul3A_958 : f32 to vector<16xf32>
          %mul3A_960 = arith.mulf %mul3A_959, %mul3A_886 : vector<16xf32>
          %mul3A_961 = arith.mulf %mul3A_960, %sub3A_893 : vector<16xf32>
          %mul3A_962 = arith.constant 2.000000e+00 : f32
          %mul3A_963 = vector.broadcast %mul3A_962 : f32 to vector<16xf32>
          %mul3A_964 = arith.mulf %mul3A_963, %mul3A_886 : vector<16xf32>
          %mul3A_965 = arith.mulf %mul3A_964, %mul3A_886 : vector<16xf32>
          %sub3A_966 = arith.constant 1.000000e+00 : f32
          %sub3A_967 = vector.broadcast %sub3A_966 : f32 to vector<16xf32>
          %sub3A_968 = arith.subf %sub3A_967, %mul3A_965 : vector<16xf32>
          %add3A_969 = arith.constant 71 : i32
          %add3A_970 = vector.broadcast %add3A_969 : i32 to vector<16xi32>
          %add3A_971 = arith.addi %mul3A_529, %add3A_970 : vector<16xi32>
          %scatter3A_972 = arith.constant 0 : i32
          %scatter3A_973 = arith.constant 0 : i32
          %scatter3A_974 = tpu.memref_slice %arg11[%scatter3A_972, %scatter3A_973] : memref<2x11136xf32, #tpu.memory_space<vmem>> -> memref<1x11136xf32, #tpu.memory_space<vmem>>
          %scatter3A_975 = tpu.memref_squeeze %scatter3A_974 : memref<1x11136xf32, #tpu.memory_space<vmem>> -> memref<11136xf32, #tpu.memory_space<vmem>>
          tpu.vector_store_idx %scatter3A_975[%add3A_971], %mul3A_911 : memref<11136xf32, #tpu.memory_space<vmem>>[vector<16xi32>], vector<16xf32>,
          %add3A_976 = arith.constant 74 : i32
          %add3A_977 = vector.broadcast %add3A_976 : i32 to vector<16xi32>
          %add3A_978 = arith.addi %mul3A_529, %add3A_977 : vector<16xi32>
          %scatter3A_979 = arith.constant 0 : i32
          %scatter3A_980 = arith.constant 0 : i32
          %scatter3A_981 = tpu.memref_slice %arg11[%scatter3A_979, %scatter3A_980] : memref<2x11136xf32, #tpu.memory_space<vmem>> -> memref<1x11136xf32, #tpu.memory_space<vmem>>
          %scatter3A_982 = tpu.memref_squeeze %scatter3A_981 : memref<1x11136xf32, #tpu.memory_space<vmem>> -> memref<11136xf32, #tpu.memory_space<vmem>>
          tpu.vector_store_idx %scatter3A_982[%add3A_978], %sub3A_918 : memref<11136xf32, #tpu.memory_space<vmem>>[vector<16xi32>], vector<16xf32>,
          %mul3A_983 = arith.constant 2.000000e+00 : f32
          %mul3A_984 = vector.broadcast %mul3A_983 : f32 to vector<16xf32>
          %mul3A_985 = arith.mulf %mul3A_984, %mul3A_911 : vector<16xf32>
          %mul3A_986 = arith.mulf %mul3A_985, %sub3A_918 : vector<16xf32>
          %mul3A_987 = arith.constant 2.000000e+00 : f32
          %mul3A_988 = vector.broadcast %mul3A_987 : f32 to vector<16xf32>
          %mul3A_989 = arith.mulf %mul3A_988, %mul3A_911 : vector<16xf32>
          %mul3A_990 = arith.mulf %mul3A_989, %mul3A_911 : vector<16xf32>
          %sub3A_991 = arith.constant 1.000000e+00 : f32
          %sub3A_992 = vector.broadcast %sub3A_991 : f32 to vector<16xf32>
          %sub3A_993 = arith.subf %sub3A_992, %mul3A_990 : vector<16xf32>
          %add3A_994 = arith.constant 75 : i32
          %add3A_995 = vector.broadcast %add3A_994 : i32 to vector<16xi32>
          %add3A_996 = arith.addi %mul3A_529, %add3A_995 : vector<16xi32>
          %scatter3A_997 = arith.constant 0 : i32
          %scatter3A_998 = arith.constant 0 : i32
          %scatter3A_999 = tpu.memref_slice %arg11[%scatter3A_997, %scatter3A_998] : memref<2x11136xf32, #tpu.memory_space<vmem>> -> memref<1x11136xf32, #tpu.memory_space<vmem>>
          %scatter3A_1000 = tpu.memref_squeeze %scatter3A_999 : memref<1x11136xf32, #tpu.memory_space<vmem>> -> memref<11136xf32, #tpu.memory_space<vmem>>
          tpu.vector_store_idx %scatter3A_1000[%add3A_996], %mul3A_936 : memref<11136xf32, #tpu.memory_space<vmem>>[vector<16xi32>], vector<16xf32>,
          %add3A_1001 = arith.constant 78 : i32
          %add3A_1002 = vector.broadcast %add3A_1001 : i32 to vector<16xi32>
          %add3A_1003 = arith.addi %mul3A_529, %add3A_1002 : vector<16xi32>
          %scatter3A_1004 = arith.constant 0 : i32
          %scatter3A_1005 = arith.constant 0 : i32
          %scatter3A_1006 = tpu.memref_slice %arg11[%scatter3A_1004, %scatter3A_1005] : memref<2x11136xf32, #tpu.memory_space<vmem>> -> memref<1x11136xf32, #tpu.memory_space<vmem>>
          %scatter3A_1007 = tpu.memref_squeeze %scatter3A_1006 : memref<1x11136xf32, #tpu.memory_space<vmem>> -> memref<11136xf32, #tpu.memory_space<vmem>>
          tpu.vector_store_idx %scatter3A_1007[%add3A_1003], %sub3A_943 : memref<11136xf32, #tpu.memory_space<vmem>>[vector<16xi32>], vector<16xf32>,
          %mul3A_1008 = arith.constant 2.000000e+00 : f32
          %mul3A_1009 = vector.broadcast %mul3A_1008 : f32 to vector<16xf32>
          %mul3A_1010 = arith.mulf %mul3A_1009, %mul3A_936 : vector<16xf32>
          %mul3A_1011 = arith.mulf %mul3A_1010, %sub3A_943 : vector<16xf32>
          %mul3A_1012 = arith.constant 2.000000e+00 : f32
          %mul3A_1013 = vector.broadcast %mul3A_1012 : f32 to vector<16xf32>
          %mul3A_1014 = arith.mulf %mul3A_1013, %mul3A_936 : vector<16xf32>
          %mul3A_1015 = arith.mulf %mul3A_1014, %mul3A_936 : vector<16xf32>
          %sub3A_1016 = arith.constant 1.000000e+00 : f32
          %sub3A_1017 = vector.broadcast %sub3A_1016 : f32 to vector<16xf32>
          %sub3A_1018 = arith.subf %sub3A_1017, %mul3A_1015 : vector<16xf32>
          %add3A_1019 = arith.constant 76 : i32
          %add3A_1020 = vector.broadcast %add3A_1019 : i32 to vector<16xi32>
          %add3A_1021 = arith.addi %mul3A_529, %add3A_1020 : vector<16xi32>
          %scatter3A_1022 = arith.constant 0 : i32
          %scatter3A_1023 = arith.constant 0 : i32
          %scatter3A_1024 = tpu.memref_slice %arg11[%scatter3A_1022, %scatter3A_1023] : memref<2x11136xf32, #tpu.memory_space<vmem>> -> memref<1x11136xf32, #tpu.memory_space<vmem>>
          %scatter3A_1025 = tpu.memref_squeeze %scatter3A_1024 : memref<1x11136xf32, #tpu.memory_space<vmem>> -> memref<11136xf32, #tpu.memory_space<vmem>>
          tpu.vector_store_idx %scatter3A_1025[%add3A_1021], %mul3A_961 : memref<11136xf32, #tpu.memory_space<vmem>>[vector<16xi32>], vector<16xf32>,
          %add3A_1026 = arith.constant 79 : i32
          %add3A_1027 = vector.broadcast %add3A_1026 : i32 to vector<16xi32>
          %add3A_1028 = arith.addi %mul3A_529, %add3A_1027 : vector<16xi32>
          %scatter3A_1029 = arith.constant 0 : i32
          %scatter3A_1030 = arith.constant 0 : i32
          %scatter3A_1031 = tpu.memref_slice %arg11[%scatter3A_1029, %scatter3A_1030] : memref<2x11136xf32, #tpu.memory_space<vmem>> -> memref<1x11136xf32, #tpu.memory_space<vmem>>
          %scatter3A_1032 = tpu.memref_squeeze %scatter3A_1031 : memref<1x11136xf32, #tpu.memory_space<vmem>> -> memref<11136xf32, #tpu.memory_space<vmem>>
          tpu.vector_store_idx %scatter3A_1032[%add3A_1028], %sub3A_968 : memref<11136xf32, #tpu.memory_space<vmem>>[vector<16xi32>], vector<16xf32>,
          %mul3A_1033 = arith.constant 2.000000e+00 : f32
          %mul3A_1034 = vector.broadcast %mul3A_1033 : f32 to vector<16xf32>
          %mul3A_1035 = arith.mulf %mul3A_1034, %mul3A_961 : vector<16xf32>
          %mul3A_1036 = arith.mulf %mul3A_1035, %sub3A_968 : vector<16xf32>
          %mul3A_1037 = arith.constant 2.000000e+00 : f32
          %mul3A_1038 = vector.broadcast %mul3A_1037 : f32 to vector<16xf32>
          %mul3A_1039 = arith.mulf %mul3A_1038, %mul3A_961 : vector<16xf32>
          %mul3A_1040 = arith.mulf %mul3A_1039, %mul3A_961 : vector<16xf32>
          %sub3A_1041 = arith.constant 1.000000e+00 : f32
          %sub3A_1042 = vector.broadcast %sub3A_1041 : f32 to vector<16xf32>
          %sub3A_1043 = arith.subf %sub3A_1042, %mul3A_1040 : vector<16xf32>
          %add3A_1044 = arith.constant 77 : i32
          %add3A_1045 = vector.broadcast %add3A_1044 : i32 to vector<16xi32>
          %add3A_1046 = arith.addi %mul3A_529, %add3A_1045 : vector<16xi32>
          %scatter3A_1047 = arith.constant 0 : i32
          %scatter3A_1048 = arith.constant 0 : i32
          %scatter3A_1049 = tpu.memref_slice %arg11[%scatter3A_1047, %scatter3A_1048] : memref<2x11136xf32, #tpu.memory_space<vmem>> -> memref<1x11136xf32, #tpu.memory_space<vmem>>
          %scatter3A_1050 = tpu.memref_squeeze %scatter3A_1049 : memref<1x11136xf32, #tpu.memory_space<vmem>> -> memref<11136xf32, #tpu.memory_space<vmem>>
          tpu.vector_store_idx %scatter3A_1050[%add3A_1046], %mul3A_986 : memref<11136xf32, #tpu.memory_space<vmem>>[vector<16xi32>], vector<16xf32>,
          %add3A_1051 = arith.constant 80 : i32
          %add3A_1052 = vector.broadcast %add3A_1051 : i32 to vector<16xi32>
          %add3A_1053 = arith.addi %mul3A_529, %add3A_1052 : vector<16xi32>
          %scatter3A_1054 = arith.constant 0 : i32
          %scatter3A_1055 = arith.constant 0 : i32
          %scatter3A_1056 = tpu.memref_slice %arg11[%scatter3A_1054, %scatter3A_1055] : memref<2x11136xf32, #tpu.memory_space<vmem>> -> memref<1x11136xf32, #tpu.memory_space<vmem>>
          %scatter3A_1057 = tpu.memref_squeeze %scatter3A_1056 : memref<1x11136xf32, #tpu.memory_space<vmem>> -> memref<11136xf32, #tpu.memory_space<vmem>>
          tpu.vector_store_idx %scatter3A_1057[%add3A_1053], %sub3A_993 : memref<11136xf32, #tpu.memory_space<vmem>>[vector<16xi32>], vector<16xf32>,
          %mul3A_1058 = arith.constant 2.000000e+00 : f32
          %mul3A_1059 = vector.broadcast %mul3A_1058 : f32 to vector<16xf32>
          %mul3A_1060 = arith.mulf %mul3A_1059, %mul3A_986 : vector<16xf32>
          %mul3A_1061 = arith.mulf %mul3A_1060, %sub3A_993 : vector<16xf32>
          %mul3A_1062 = arith.constant 2.000000e+00 : f32
          %mul3A_1063 = vector.broadcast %mul3A_1062 : f32 to vector<16xf32>
          %mul3A_1064 = arith.mulf %mul3A_1063, %mul3A_986 : vector<16xf32>
          %mul3A_1065 = arith.mulf %mul3A_1064, %mul3A_986 : vector<16xf32>
          %sub3A_1066 = arith.constant 1.000000e+00 : f32
          %sub3A_1067 = vector.broadcast %sub3A_1066 : f32 to vector<16xf32>
          %sub3A_1068 = arith.subf %sub3A_1067, %mul3A_1065 : vector<16xf32>
          %add3A_1069 = arith.constant 81 : i32
          %add3A_1070 = vector.broadcast %add3A_1069 : i32 to vector<16xi32>
          %add3A_1071 = arith.addi %mul3A_529, %add3A_1070 : vector<16xi32>
          %scatter3A_1072 = arith.constant 0 : i32
          %scatter3A_1073 = arith.constant 0 : i32
          %scatter3A_1074 = tpu.memref_slice %arg11[%scatter3A_1072, %scatter3A_1073] : memref<2x11136xf32, #tpu.memory_space<vmem>> -> memref<1x11136xf32, #tpu.memory_space<vmem>>
          %scatter3A_1075 = tpu.memref_squeeze %scatter3A_1074 : memref<1x11136xf32, #tpu.memory_space<vmem>> -> memref<11136xf32, #tpu.memory_space<vmem>>
          tpu.vector_store_idx %scatter3A_1075[%add3A_1071], %mul3A_1011 : memref<11136xf32, #tpu.memory_space<vmem>>[vector<16xi32>], vector<16xf32>,
          %add3A_1076 = arith.constant 84 : i32
          %add3A_1077 = vector.broadcast %add3A_1076 : i32 to vector<16xi32>
          %add3A_1078 = arith.addi %mul3A_529, %add3A_1077 : vector<16xi32>
          %scatter3A_1079 = arith.constant 0 : i32
          %scatter3A_1080 = arith.constant 0 : i32
          %scatter3A_1081 = tpu.memref_slice %arg11[%scatter3A_1079, %scatter3A_1080] : memref<2x11136xf32, #tpu.memory_space<vmem>> -> memref<1x11136xf32, #tpu.memory_space<vmem>>
          %scatter3A_1082 = tpu.memref_squeeze %scatter3A_1081 : memref<1x11136xf32, #tpu.memory_space<vmem>> -> memref<11136xf32, #tpu.memory_space<vmem>>
          tpu.vector_store_idx %scatter3A_1082[%add3A_1078], %sub3A_1018 : memref<11136xf32, #tpu.memory_space<vmem>>[vector<16xi32>], vector<16xf32>,
          %add3A_1083 = arith.constant 82 : i32
          %add3A_1084 = vector.broadcast %add3A_1083 : i32 to vector<16xi32>
          %add3A_1085 = arith.addi %mul3A_529, %add3A_1084 : vector<16xi32>
          %scatter3A_1086 = arith.constant 0 : i32
          %scatter3A_1087 = arith.constant 0 : i32
          %scatter3A_1088 = tpu.memref_slice %arg11[%scatter3A_1086, %scatter3A_1087] : memref<2x11136xf32, #tpu.memory_space<vmem>> -> memref<1x11136xf32, #tpu.memory_space<vmem>>
          %scatter3A_1089 = tpu.memref_squeeze %scatter3A_1088 : memref<1x11136xf32, #tpu.memory_space<vmem>> -> memref<11136xf32, #tpu.memory_space<vmem>>
          tpu.vector_store_idx %scatter3A_1089[%add3A_1085], %mul3A_1036 : memref<11136xf32, #tpu.memory_space<vmem>>[vector<16xi32>], vector<16xf32>,
          %add3A_1090 = arith.constant 85 : i32
          %add3A_1091 = vector.broadcast %add3A_1090 : i32 to vector<16xi32>
          %add3A_1092 = arith.addi %mul3A_529, %add3A_1091 : vector<16xi32>
          %scatter3A_1093 = arith.constant 0 : i32
          %scatter3A_1094 = arith.constant 0 : i32
          %scatter3A_1095 = tpu.memref_slice %arg11[%scatter3A_1093, %scatter3A_1094] : memref<2x11136xf32, #tpu.memory_space<vmem>> -> memref<1x11136xf32, #tpu.memory_space<vmem>>
          %scatter3A_1096 = tpu.memref_squeeze %scatter3A_1095 : memref<1x11136xf32, #tpu.memory_space<vmem>> -> memref<11136xf32, #tpu.memory_space<vmem>>
          tpu.vector_store_idx %scatter3A_1096[%add3A_1092], %sub3A_1043 : memref<11136xf32, #tpu.memory_space<vmem>>[vector<16xi32>], vector<16xf32>,
          %add3A_1097 = arith.constant 83 : i32
          %add3A_1098 = vector.broadcast %add3A_1097 : i32 to vector<16xi32>
          %add3A_1099 = arith.addi %mul3A_529, %add3A_1098 : vector<16xi32>
          %scatter3A_1100 = arith.constant 0 : i32
          %scatter3A_1101 = arith.constant 0 : i32
          %scatter3A_1102 = tpu.memref_slice %arg11[%scatter3A_1100, %scatter3A_1101] : memref<2x11136xf32, #tpu.memory_space<vmem>> -> memref<1x11136xf32, #tpu.memory_space<vmem>>
          %scatter3A_1103 = tpu.memref_squeeze %scatter3A_1102 : memref<1x11136xf32, #tpu.memory_space<vmem>> -> memref<11136xf32, #tpu.memory_space<vmem>>
          tpu.vector_store_idx %scatter3A_1103[%add3A_1099], %mul3A_1061 : memref<11136xf32, #tpu.memory_space<vmem>>[vector<16xi32>], vector<16xf32>,
          %add3A_1104 = arith.constant 86 : i32
          %add3A_1105 = vector.broadcast %add3A_1104 : i32 to vector<16xi32>
          %add3A_1106 = arith.addi %mul3A_529, %add3A_1105 : vector<16xi32>
          %scatter3A_1107 = arith.constant 0 : i32
          %scatter3A_1108 = arith.constant 0 : i32
          %scatter3A_1109 = tpu.memref_slice %arg11[%scatter3A_1107, %scatter3A_1108] : memref<2x11136xf32, #tpu.memory_space<vmem>> -> memref<1x11136xf32, #tpu.memory_space<vmem>>
          %scatter3A_1110 = tpu.memref_squeeze %scatter3A_1109 : memref<1x11136xf32, #tpu.memory_space<vmem>> -> memref<11136xf32, #tpu.memory_space<vmem>>
          tpu.vector_store_idx %scatter3A_1110[%add3A_1106], %sub3A_1068 : memref<11136xf32, #tpu.memory_space<vmem>>[vector<16xi32>], vector<16xf32>,
        }
        %scan3A_224 = arith.constant 8 : i32
        %dma_start3A_225 = arith.constant 0 : i32
        %dma_start3A_226 = arith.constant 0 : i32
        %dma_start3A_227 = arith.constant 0 : i32
        %dma_start3A_228 = arith.constant 0 : i32
        %dma_start3A_229 = tpu.memref_slice %arg10[%dma_start3A_226, %dma_start3A_227, %dma_start3A_228] : memref<2x1536x16xf32, #tpu.memory_space<vmem>> -> memref<1x1536x16xf32, #tpu.memory_space<vmem>>
        %dma_start3A_230 = tpu.memref_squeeze %dma_start3A_229 : memref<1x1536x16xf32, #tpu.memory_space<vmem>> -> memref<1536x16xf32, #tpu.memory_space<vmem>>
        %dma_start3A_231 = arith.constant 0 : i32
        %dma_start3A_232 = tpu.memref_slice %arg8[%dma_start3A_225, %dma_start3A_231] : memref<2x1536xi32, #tpu.memory_space<vmem>> -> memref<1x1536xi32, #tpu.memory_space<vmem>>
        %dma_start3A_233 = tpu.memref_squeeze %dma_start3A_232 : memref<1x1536xi32, #tpu.memory_space<vmem>> -> memref<1536xi32, #tpu.memory_space<vmem>>
        %dma_start3A_234 = arith.constant 0 : i32
        %dma_start3A_235 = arith.constant 0 : i32
        %dma_start3A_236 = tpu.memref_slice %arg3[%dma_start3A_234, %dma_start3A_235] : memref<786432x16xf32, #tpu.memory_space<hbm>> -> memref<786432x16xf32, #tpu.memory_space<hbm>>
        tpu.enqueue_indirect_dma source(%dma_start3A_236 : memref<786432x16xf32, #tpu.memory_space<hbm>>) target(%dma_start3A_230 : memref<1536x16xf32, #tpu.memory_space<vmem>>) offsets(%dma_start3A_233 : memref<1536xi32, #tpu.memory_space<vmem>>) semaphore(%arg12 : memref<!tpu.dma_semaphore, #tpu.memory_space<semaphore_mem>>)
      } else {
      }
      %dma_wait3A_161 = arith.constant 1 : i32
      %dma_wait3A_162 = arith.constant 1 : i32
      %dma_wait3A_163 = arith.constant 0 : i32
      %dma_wait3A_164 = arith.constant 0 : i32
      %dma_wait3A_165 = tpu.memref_slice %arg10[%dma_wait3A_162, %dma_wait3A_163, %dma_wait3A_164] : memref<2x1536x16xf32, #tpu.memory_space<vmem>> -> memref<1x1536x16xf32, #tpu.memory_space<vmem>>
      %dma_wait3A_166 = tpu.memref_squeeze %dma_wait3A_165 : memref<1x1536x16xf32, #tpu.memory_space<vmem>> -> memref<1536x16xf32, #tpu.memory_space<vmem>>
      %dma_wait3A_167 = arith.constant 0 : i32
      %dma_wait3A_168 = tpu.memref_slice %arg8[%dma_wait3A_161, %dma_wait3A_167] : memref<2x1536xi32, #tpu.memory_space<vmem>> -> memref<1x1536xi32, #tpu.memory_space<vmem>>
      %dma_wait3A_169 = tpu.memref_squeeze %dma_wait3A_168 : memref<1x1536xi32, #tpu.memory_space<vmem>> -> memref<1536xi32, #tpu.memory_space<vmem>>
      %dma_wait3A_170 = arith.constant 0 : i32
      %dma_wait3A_171 = arith.constant 0 : i32
      %dma_wait3A_172 = tpu.memref_slice %arg3[%dma_wait3A_170, %dma_wait3A_171] : memref<786432x16xf32, #tpu.memory_space<hbm>> -> memref<786432x16xf32, #tpu.memory_space<hbm>>
      tpu.wait_indirect_dma semaphore(%arg13 : memref<!tpu.dma_semaphore, #tpu.memory_space<semaphore_mem>>) src(%dma_wait3A_172 : memref<786432x16xf32, #tpu.memory_space<hbm>>) dst(%dma_wait3A_166 : memref<1536x16xf32, #tpu.memory_space<vmem>>)
      %broadcast_in_dim3A_173 = arith.constant 0 : i32
      %broadcast_in_dim3A_174 = vector.broadcast %broadcast_in_dim3A_173 : i32 to vector<16xi32>
      %scan3A_175 = arith.constant 0 : i32
      %scan3A_176 = arith.constant 0 : i32
      %scan3A_177 = arith.constant 128 : i32
      %scan3A_178 = arith.addi %scan3A_176, %scan3A_177 : i32
      %scan3A_179 = arith.constant 1 : i32
      scf.for %scan3A_195 = %scan3A_176 to %scan3A_178 step %scan3A_179  : i32 {
        %add3A_196 = vector.broadcast %scan3A_195 : i32 to vector<16xi32>
        %add3A_197 = arith.addi %broadcast_in_dim3A_174, %add3A_196 : vector<16xi32>
        %gather3A = arith.constant 1 : i32
        %gather3A_198 = arith.constant 0 : i32
        %gather3A_199 = tpu.memref_slice %arg9[%gather3A, %gather3A_198] : memref<2x1536xf32, #tpu.memory_space<vmem>> -> memref<1x1536xf32, #tpu.memory_space<vmem>>
        %gather3A_200 = tpu.memref_squeeze %gather3A_199 : memref<1x1536xf32, #tpu.memory_space<vmem>> -> memref<1536xf32, #tpu.memory_space<vmem>>
        %gather3A_201 = tpu.vector_load_idx %gather3A_200[%add3A_197] : memref<1536xf32, #tpu.memory_space<vmem>>[vector<16xi32>], vector<16xf32>,
        %add3A_202 = arith.constant 128 : i32
        %add3A_203 = vector.broadcast %add3A_202 : i32 to vector<16xi32>
        %add3A_204 = arith.addi %add3A_197, %add3A_203 : vector<16xi32>
        %gather3A_205 = arith.constant 1 : i32
        %gather3A_206 = arith.constant 0 : i32
        %gather3A_207 = tpu.memref_slice %arg9[%gather3A_205, %gather3A_206] : memref<2x1536xf32, #tpu.memory_space<vmem>> -> memref<1x1536xf32, #tpu.memory_space<vmem>>
        %gather3A_208 = tpu.memref_squeeze %gather3A_207 : memref<1x1536xf32, #tpu.memory_space<vmem>> -> memref<1536xf32, #tpu.memory_space<vmem>>
        %gather3A_209 = tpu.vector_load_idx %gather3A_208[%add3A_204] : memref<1536xf32, #tpu.memory_space<vmem>>[vector<16xi32>], vector<16xf32>,
        %add3A_210 = arith.constant 256 : i32
        %add3A_211 = vector.broadcast %add3A_210 : i32 to vector<16xi32>
        %add3A_212 = arith.addi %add3A_197, %add3A_211 : vector<16xi32>
        %gather3A_213 = arith.constant 1 : i32
        %gather3A_214 = arith.constant 0 : i32
        %gather3A_215 = tpu.memref_slice %arg9[%gather3A_213, %gather3A_214] : memref<2x1536xf32, #tpu.memory_space<vmem>> -> memref<1x1536xf32, #tpu.memory_space<vmem>>
        %gather3A_216 = tpu.memref_squeeze %gather3A_215 : memref<1x1536xf32, #tpu.memory_space<vmem>> -> memref<1536xf32, #tpu.memory_space<vmem>>
        %gather3A_217 = tpu.vector_load_idx %gather3A_216[%add3A_212] : memref<1536xf32, #tpu.memory_space<vmem>>[vector<16xi32>], vector<16xf32>,
        %sub3A = arith.constant 1.000000e+00 : f32
        %sub3A_218 = vector.broadcast %sub3A : f32 to vector<16xf32>
        %sub3A_219 = arith.subf %sub3A_218, %gather3A_201 : vector<16xf32>
        %sub3A_220 = arith.constant 1.000000e+00 : f32
        %sub3A_221 = vector.broadcast %sub3A_220 : f32 to vector<16xf32>
        %sub3A_222 = arith.subf %sub3A_221, %gather3A_209 : vector<16xf32>
        %sub3A_223 = arith.constant 1.000000e+00 : f32
        %sub3A_224 = vector.broadcast %sub3A_223 : f32 to vector<16xf32>
        %sub3A_225 = arith.subf %sub3A_224, %gather3A_217 : vector<16xf32>
        %add3A_226 = arith.constant 0 : i32
        %add3A_227 = arith.addi %add3A_226, %scan3A_195 : i32
        %get3A_228 = arith.constant 1 : i32
        %get3A_229 = arith.index_cast %get3A_228 : i32 to index
        %get3A_230 = arith.index_cast %add3A_227 : i32 to index
        %get3A_231 = arith.constant 0 : index
        %get3A_232 = tpu.vector_load %arg10[%get3A_229, %get3A_230, %get3A_231] {strides = array<i32>} : memref<2x1536x16xf32, #tpu.memory_space<vmem>>, vector<16xf32>,
        %add3A_233 = arith.constant 128 : i32
        %add3A_234 = arith.addi %add3A_233, %scan3A_195 : i32
        %get3A_235 = arith.constant 1 : i32
        %get3A_236 = arith.index_cast %get3A_235 : i32 to index
        %get3A_237 = arith.index_cast %add3A_234 : i32 to index
        %get3A_238 = arith.constant 0 : index
        %get3A_239 = tpu.vector_load %arg10[%get3A_236, %get3A_237, %get3A_238] {strides = array<i32>} : memref<2x1536x16xf32, #tpu.memory_space<vmem>>, vector<16xf32>,
        %add3A_240 = arith.constant 256 : i32
        %add3A_241 = arith.addi %add3A_240, %scan3A_195 : i32
        %get3A_242 = arith.constant 1 : i32
        %get3A_243 = arith.index_cast %get3A_242 : i32 to index
        %get3A_244 = arith.index_cast %add3A_241 : i32 to index
        %get3A_245 = arith.constant 0 : index
        %get3A_246 = tpu.vector_load %arg10[%get3A_243, %get3A_244, %get3A_245] {strides = array<i32>} : memref<2x1536x16xf32, #tpu.memory_space<vmem>>, vector<16xf32>,
        %add3A_247 = arith.constant 384 : i32
        %add3A_248 = arith.addi %add3A_247, %scan3A_195 : i32
        %get3A_249 = arith.constant 1 : i32
        %get3A_250 = arith.index_cast %get3A_249 : i32 to index
        %get3A_251 = arith.index_cast %add3A_248 : i32 to index
        %get3A_252 = arith.constant 0 : index
        %get3A_253 = tpu.vector_load %arg10[%get3A_250, %get3A_251, %get3A_252] {strides = array<i32>} : memref<2x1536x16xf32, #tpu.memory_space<vmem>>, vector<16xf32>,
        %add3A_254 = arith.constant 512 : i32
        %add3A_255 = arith.addi %add3A_254, %scan3A_195 : i32
        %get3A_256 = arith.constant 1 : i32
        %get3A_257 = arith.index_cast %get3A_256 : i32 to index
        %get3A_258 = arith.index_cast %add3A_255 : i32 to index
        %get3A_259 = arith.constant 0 : index
        %get3A_260 = tpu.vector_load %arg10[%get3A_257, %get3A_258, %get3A_259] {strides = array<i32>} : memref<2x1536x16xf32, #tpu.memory_space<vmem>>, vector<16xf32>,
        %add3A_261 = arith.constant 640 : i32
        %add3A_262 = arith.addi %add3A_261, %scan3A_195 : i32
        %get3A_263 = arith.constant 1 : i32
        %get3A_264 = arith.index_cast %get3A_263 : i32 to index
        %get3A_265 = arith.index_cast %add3A_262 : i32 to index
        %get3A_266 = arith.constant 0 : index
        %get3A_267 = tpu.vector_load %arg10[%get3A_264, %get3A_265, %get3A_266] {strides = array<i32>} : memref<2x1536x16xf32, #tpu.memory_space<vmem>>, vector<16xf32>,
        %add3A_268 = arith.constant 768 : i32
        %add3A_269 = arith.addi %add3A_268, %scan3A_195 : i32
        %get3A_270 = arith.constant 1 : i32
        %get3A_271 = arith.index_cast %get3A_270 : i32 to index
        %get3A_272 = arith.index_cast %add3A_269 : i32 to index
        %get3A_273 = arith.constant 0 : index
        %get3A_274 = tpu.vector_load %arg10[%get3A_271, %get3A_272, %get3A_273] {strides = array<i32>} : memref<2x1536x16xf32, #tpu.memory_space<vmem>>, vector<16xf32>,
        %add3A_275 = arith.constant 896 : i32
        %add3A_276 = arith.addi %add3A_275, %scan3A_195 : i32
        %get3A_277 = arith.constant 1 : i32
        %get3A_278 = arith.index_cast %get3A_277 : i32 to index
        %get3A_279 = arith.index_cast %add3A_276 : i32 to index
        %get3A_280 = arith.constant 0 : index
        %get3A_281 = tpu.vector_load %arg10[%get3A_278, %get3A_279, %get3A_280] {strides = array<i32>} : memref<2x1536x16xf32, #tpu.memory_space<vmem>>, vector<16xf32>,
        %add3A_282 = arith.constant 1024 : i32
        %add3A_283 = arith.addi %add3A_282, %scan3A_195 : i32
        %get3A_284 = arith.constant 1 : i32
        %get3A_285 = arith.index_cast %get3A_284 : i32 to index
        %get3A_286 = arith.index_cast %add3A_283 : i32 to index
        %get3A_287 = arith.constant 0 : index
        %get3A_288 = tpu.vector_load %arg10[%get3A_285, %get3A_286, %get3A_287] {strides = array<i32>} : memref<2x1536x16xf32, #tpu.memory_space<vmem>>, vector<16xf32>,
        %add3A_289 = arith.constant 1152 : i32
        %add3A_290 = arith.addi %add3A_289, %scan3A_195 : i32
        %get3A_291 = arith.constant 1 : i32
        %get3A_292 = arith.index_cast %get3A_291 : i32 to index
        %get3A_293 = arith.index_cast %add3A_290 : i32 to index
        %get3A_294 = arith.constant 0 : index
        %get3A_295 = tpu.vector_load %arg10[%get3A_292, %get3A_293, %get3A_294] {strides = array<i32>} : memref<2x1536x16xf32, #tpu.memory_space<vmem>>, vector<16xf32>,
        %add3A_296 = arith.constant 1280 : i32
        %add3A_297 = arith.addi %add3A_296, %scan3A_195 : i32
        %get3A_298 = arith.constant 1 : i32
        %get3A_299 = arith.index_cast %get3A_298 : i32 to index
        %get3A_300 = arith.index_cast %add3A_297 : i32 to index
        %get3A_301 = arith.constant 0 : index
        %get3A_302 = tpu.vector_load %arg10[%get3A_299, %get3A_300, %get3A_301] {strides = array<i32>} : memref<2x1536x16xf32, #tpu.memory_space<vmem>>, vector<16xf32>,
        %add3A_303 = arith.constant 1408 : i32
        %add3A_304 = arith.addi %add3A_303, %scan3A_195 : i32
        %get3A_305 = arith.constant 1 : i32
        %get3A_306 = arith.index_cast %get3A_305 : i32 to index
        %get3A_307 = arith.index_cast %add3A_304 : i32 to index
        %get3A_308 = arith.constant 0 : index
        %get3A_309 = tpu.vector_load %arg10[%get3A_306, %get3A_307, %get3A_308] {strides = array<i32>} : memref<2x1536x16xf32, #tpu.memory_space<vmem>>, vector<16xf32>,
        %mul3A_310 = arith.mulf %sub3A_219, %sub3A_222 : vector<16xf32>
        %mul3A_311 = arith.mulf %mul3A_310, %get3A_232 : vector<16xf32>
        %mul3A_312 = arith.mulf %gather3A_201, %sub3A_222 : vector<16xf32>
        %mul3A_313 = arith.mulf %mul3A_312, %get3A_239 : vector<16xf32>
        %add3A_314 = arith.addf %mul3A_311, %mul3A_313 : vector<16xf32>
        %mul3A_315 = arith.mulf %sub3A_219, %gather3A_209 : vector<16xf32>
        %mul3A_316 = arith.mulf %mul3A_315, %get3A_246 : vector<16xf32>
        %mul3A_317 = arith.mulf %gather3A_201, %gather3A_209 : vector<16xf32>
        %mul3A_318 = arith.mulf %mul3A_317, %get3A_253 : vector<16xf32>
        %add3A_319 = arith.addf %mul3A_316, %mul3A_318 : vector<16xf32>
        %add3A_320 = arith.addf %add3A_314, %add3A_319 : vector<16xf32>
        %mul3A_321 = arith.constant 87 : i32
        %mul3A_322 = arith.muli %scan3A_195, %mul3A_321 : i32
        %add3A_323 = arith.constant 0 : i32
        %add3A_324 = arith.addi %mul3A_322, %add3A_323 : i32
        %swap3A = arith.constant 1 : i32
        %swap3A_325 = arith.index_cast %swap3A : i32 to index
        %swap3A_326 = arith.index_cast %add3A_324 : i32 to index
        %swap3A_327 = tpu.vector_load %arg11[%swap3A_325, %swap3A_326] {strides = array<i32>} : memref<2x11136xf32, #tpu.memory_space<vmem>>, vector<16xf32>,
        tpu.vector_store %arg11[%swap3A_325, %swap3A_326], %add3A_320 {strides = array<i32>} : memref<2x11136xf32, #tpu.memory_space<vmem>>, vector<16xf32>,
        %mul3A_328 = arith.mulf %sub3A_222, %sub3A_225 : vector<16xf32>
        %mul3A_329 = arith.mulf %mul3A_328, %get3A_260 : vector<16xf32>
        %mul3A_330 = arith.mulf %gather3A_209, %sub3A_225 : vector<16xf32>
        %mul3A_331 = arith.mulf %mul3A_330, %get3A_267 : vector<16xf32>
        %add3A_332 = arith.addf %mul3A_329, %mul3A_331 : vector<16xf32>
        %mul3A_333 = arith.mulf %sub3A_222, %gather3A_217 : vector<16xf32>
        %mul3A_334 = arith.mulf %mul3A_333, %get3A_274 : vector<16xf32>
        %mul3A_335 = arith.mulf %gather3A_209, %gather3A_217 : vector<16xf32>
        %mul3A_336 = arith.mulf %mul3A_335, %get3A_281 : vector<16xf32>
        %add3A_337 = arith.addf %mul3A_334, %mul3A_336 : vector<16xf32>
        %add3A_338 = arith.addf %add3A_332, %add3A_337 : vector<16xf32>
        %mul3A_339 = arith.constant 87 : i32
        %mul3A_340 = arith.muli %scan3A_195, %mul3A_339 : i32
        %add3A_341 = arith.constant 16 : i32
        %add3A_342 = arith.addi %mul3A_340, %add3A_341 : i32
        %swap3A_343 = arith.constant 1 : i32
        %swap3A_344 = arith.index_cast %swap3A_343 : i32 to index
        %swap3A_345 = arith.index_cast %add3A_342 : i32 to index
        %swap3A_346 = tpu.vector_load %arg11[%swap3A_344, %swap3A_345] {strides = array<i32>} : memref<2x11136xf32, #tpu.memory_space<vmem>>, vector<16xf32>,
        tpu.vector_store %arg11[%swap3A_344, %swap3A_345], %add3A_338 {strides = array<i32>} : memref<2x11136xf32, #tpu.memory_space<vmem>>, vector<16xf32>,
        %mul3A_347 = arith.mulf %sub3A_219, %sub3A_225 : vector<16xf32>
        %mul3A_348 = arith.mulf %mul3A_347, %get3A_288 : vector<16xf32>
        %mul3A_349 = arith.mulf %gather3A_201, %sub3A_225 : vector<16xf32>
        %mul3A_350 = arith.mulf %mul3A_349, %get3A_295 : vector<16xf32>
        %add3A_351 = arith.addf %mul3A_348, %mul3A_350 : vector<16xf32>
        %mul3A_352 = arith.mulf %sub3A_219, %gather3A_217 : vector<16xf32>
        %mul3A_353 = arith.mulf %mul3A_352, %get3A_302 : vector<16xf32>
        %mul3A_354 = arith.mulf %gather3A_201, %gather3A_217 : vector<16xf32>
        %mul3A_355 = arith.mulf %mul3A_354, %get3A_309 : vector<16xf32>
        %add3A_356 = arith.addf %mul3A_353, %mul3A_355 : vector<16xf32>
        %add3A_357 = arith.addf %add3A_351, %add3A_356 : vector<16xf32>
        %mul3A_358 = arith.constant 87 : i32
        %mul3A_359 = arith.muli %scan3A_195, %mul3A_358 : i32
        %add3A_360 = arith.constant 32 : i32
        %add3A_361 = arith.addi %mul3A_359, %add3A_360 : i32
        %swap3A_362 = arith.constant 1 : i32
        %swap3A_363 = arith.index_cast %swap3A_362 : i32 to index
        %swap3A_364 = arith.index_cast %add3A_361 : i32 to index
        %swap3A_365 = tpu.vector_load %arg11[%swap3A_363, %swap3A_364] {strides = array<i32>} : memref<2x11136xf32, #tpu.memory_space<vmem>>, vector<16xf32>,
        tpu.vector_store %arg11[%swap3A_363, %swap3A_364], %add3A_357 {strides = array<i32>} : memref<2x11136xf32, #tpu.memory_space<vmem>>, vector<16xf32>,
      }
      %scan3A_180 = arith.constant 128 : i32
      %mul3A_181 = arith.constant 128 : i32
      %mul3A_182 = arith.muli %add3A_95, %mul3A_181 : i32
      %add3A_183 = arith.addi %mul3A_2, %mul3A_182 : i32
      %mul3A_184 = arith.constant 87 : i32
      %mul3A_185 = arith.muli %add3A_183, %mul3A_184 : i32
      %dma_start3A_186 = arith.constant 1 : i32
      %dma_start3A_187 = arith.constant 0 : i32
      %dma_start3A_188 = tpu.memref_slice %arg11[%dma_start3A_186, %dma_start3A_187] : memref<2x11136xf32, #tpu.memory_space<vmem>> -> memref<1x11136xf32, #tpu.memory_space<vmem>>
      %dma_start3A_189 = tpu.memref_squeeze %dma_start3A_188 : memref<1x11136xf32, #tpu.memory_space<vmem>> -> memref<11136xf32, #tpu.memory_space<vmem>>
      %dma_start3A_190 = tpu.memref_slice %arg5[%mul3A_185] : memref<91226112xf32, #tpu.memory_space<hbm>> -> memref<11136xf32, #tpu.memory_space<hbm>>
      %dma_start3A_191 = tpu.memref_slice %arg5[%mul3A_185] : memref<91226112xf32, #tpu.memory_space<hbm>> -> memref<11136xf32, #tpu.memory_space<hbm>>
      %dma_start3A_192 = arith.constant 0 : i32
      %dma_start3A_193 = tpu.memref_slice %arg11[%dma_start3A_186, %dma_start3A_192] : memref<2x11136xf32, #tpu.memory_space<vmem>> -> memref<1x11136xf32, #tpu.memory_space<vmem>>
      %dma_start3A_194 = tpu.memref_squeeze %dma_start3A_193 : memref<1x11136xf32, #tpu.memory_space<vmem>> -> memref<11136xf32, #tpu.memory_space<vmem>>
      tpu.enqueue_dma source(%dma_start3A_194 : memref<11136xf32, #tpu.memory_space<vmem>>) target(%dma_start3A_191 : memref<11136xf32, #tpu.memory_space<hbm>>) target_semaphore(%arg15 : memref<!tpu.dma_semaphore, #tpu.memory_space<semaphore_mem>>)
    }
    %scan3A_63 = arith.constant 128 : i32
    %add3A_64 = arith.constant 32512 : i32
    %add3A_65 = arith.addi %mul3A_2, %add3A_64 : i32
    %mul3A_66 = arith.constant 87 : i32
    %mul3A_67 = arith.muli %add3A_65, %mul3A_66 : i32
    %dma_wait3A = arith.constant 0 : i32
    %dma_wait3A_68 = arith.constant 0 : i32
    %dma_wait3A_69 = tpu.memref_slice %arg11[%dma_wait3A, %dma_wait3A_68] : memref<2x11136xf32, #tpu.memory_space<vmem>> -> memref<1x11136xf32, #tpu.memory_space<vmem>>
    %dma_wait3A_70 = tpu.memref_squeeze %dma_wait3A_69 : memref<1x11136xf32, #tpu.memory_space<vmem>> -> memref<11136xf32, #tpu.memory_space<vmem>>
    %dma_wait3A_71 = tpu.memref_slice %arg5[%mul3A_67] : memref<91226112xf32, #tpu.memory_space<hbm>> -> memref<11136xf32, #tpu.memory_space<hbm>>
    %dma_wait3A_72 = tpu.memref_slice %arg5[%mul3A_67] : memref<91226112xf32, #tpu.memory_space<hbm>> -> memref<11136xf32, #tpu.memory_space<hbm>>
    %dma_wait3A_73 = arith.constant 0 : i32
    %dma_wait3A_74 = tpu.memref_slice %arg11[%dma_wait3A, %dma_wait3A_73] : memref<2x11136xf32, #tpu.memory_space<vmem>> -> memref<1x11136xf32, #tpu.memory_space<vmem>>
    %dma_wait3A_75 = tpu.memref_squeeze %dma_wait3A_74 : memref<1x11136xf32, #tpu.memory_space<vmem>> -> memref<11136xf32, #tpu.memory_space<vmem>>
    tpu.wait_dma2 semaphore(%arg14 : memref<!tpu.dma_semaphore, #tpu.memory_space<semaphore_mem>>) src(%dma_wait3A_75 : memref<11136xf32, #tpu.memory_space<vmem>>) dst(%dma_wait3A_72 : memref<11136xf32, #tpu.memory_space<hbm>>)
    %add3A_76 = arith.constant 32640 : i32
    %add3A_77 = arith.addi %mul3A_2, %add3A_76 : i32
    %mul3A_78 = arith.constant 87 : i32
    %mul3A_79 = arith.muli %add3A_77, %mul3A_78 : i32
    %dma_wait3A_80 = arith.constant 1 : i32
    %dma_wait3A_81 = arith.constant 0 : i32
    %dma_wait3A_82 = tpu.memref_slice %arg11[%dma_wait3A_80, %dma_wait3A_81] : memref<2x11136xf32, #tpu.memory_space<vmem>> -> memref<1x11136xf32, #tpu.memory_space<vmem>>
    %dma_wait3A_83 = tpu.memref_squeeze %dma_wait3A_82 : memref<1x11136xf32, #tpu.memory_space<vmem>> -> memref<11136xf32, #tpu.memory_space<vmem>>
    %dma_wait3A_84 = tpu.memref_slice %arg5[%mul3A_79] : memref<91226112xf32, #tpu.memory_space<hbm>> -> memref<11136xf32, #tpu.memory_space<hbm>>
    %dma_wait3A_85 = tpu.memref_slice %arg5[%mul3A_79] : memref<91226112xf32, #tpu.memory_space<hbm>> -> memref<11136xf32, #tpu.memory_space<hbm>>
    %dma_wait3A_86 = arith.constant 0 : i32
    %dma_wait3A_87 = tpu.memref_slice %arg11[%dma_wait3A_80, %dma_wait3A_86] : memref<2x11136xf32, #tpu.memory_space<vmem>> -> memref<1x11136xf32, #tpu.memory_space<vmem>>
    %dma_wait3A_88 = tpu.memref_squeeze %dma_wait3A_87 : memref<1x11136xf32, #tpu.memory_space<vmem>> -> memref<11136xf32, #tpu.memory_space<vmem>>
    tpu.wait_dma2 semaphore(%arg15 : memref<!tpu.dma_semaphore, #tpu.memory_space<semaphore_mem>>) src(%dma_wait3A_88 : memref<11136xf32, #tpu.memory_space<vmem>>) dst(%dma_wait3A_85 : memref<11136xf32, #tpu.memory_space<hbm>>)
    return
  }
}

</mosaic_0001>

<sc_bundles>
// kernel: kernel.3.cloned.1.call-start
scs
__scs_entry_jumppad:
0x0: {  	(pc) =	sbr.rel $0x88, $3  }
0x1: {  	(tag) =	ssettag $0x0;
	lr =	simm.s32 $0x1  }
0x2: {  	[smem:$0x3F9E] =	sst lr;
	_ =	strace $0xD0000000  }
0x3: {  	_ = 	snop  }
0x4: {  	_ = 	snop  }
0x5: {  	_ = 	snop  }
0x6: {  	_ = 	snop  }
0x7: {  	_ = 	snop  }
__scs_overlays_trampoline_lowered:
0x8: {  	[smem:$0x3FAD] =	sst s0  }
0x9: {  	[smem:$0x3FAE] =	sst s1  }
0xa: {  	[smem:$0x3FAF] =	sst s2  }
0xb: {  	[smem:$0x3FB0] =	sst s3  }
0xc: {  	[smem:$0x3FB1] =	sst s4  }
0xd: {  	[smem:$0x3FB2] =	sst s5  }
0xe: {  	[smem:$0x3FB3] =	sst s6  }
0xf: {  	[smem:$0x3FB4] =	sst s7  }
0x10: {  	[smem:$0x3FB5] =	sst s8  }
0x11: {  	[smem:$0x3FB6] =	sst s9;
	s0 =	simm.s32 @!p0 $0x0  }
0x12: {  	s1 =	sld [smem:$0x3F9C];
	s0 =	simm.s32 @p0 $0x1  }
0x13: {  	[smem:$0x3FB7] =	sst s0;
	s0 =	simm.s32 @!p1 $0x0  }
0x14: {  	s2 =	sld [smem:$0x3F9B];
	s0 =	simm.s32 @p1 $0x1  }
0x15: {  	[smem:$0x3FB8] =	sst s0;
	s0 =	simm.s32 @!p2 $0x0  }
0x16: {  	s3 =	sld [smem:$0x3FDB];
	s0 =	simm.s32 @p2 $0x1  }
0x17: {  	s4 =	simm.s32 $0x1BF5;
	[smem:$0x3FBA] =	sst s0  }
0x18: {  	s0 =	sld [smem:$0x3F9D];
	_ =	swait.ge [sflag:s4], $0x0  }
0x19: {  	s7 =	sld [smem:$0x3F9E]  }
0x1a: {  	s8 =	sadd.s32 $0xFFFFE003, lr  }
0x1b: {  	s9 =	sadd.s32 $0xFFFFFEF7, lr;
	s5 =	simm.s32 $0xFFFFFFFF;
	p2 =	slt.u32 s8, $0xFFFFF086  }
0x1c: {  	p1 =	slt.u32 s9, $0xF7A;
	s5 =	simm.s32 @!p2 $0x0  }
0x1d: {  	s5 =	simm.s32 @p1 $0x1;
	p0 =	seq.s32 s7, s2  }
0x1e: {  	s7 =	smul.u32 @!p0 $0xF7A, s2;
	p2 =	seq.s32 @!p0 s5, $0x0  }
0x1f: {  	s9 =	smul.u32 $0xF7A, s1;
	s8 =	simm.s32 @!p0 $0x1BF5;
	p2 =	por !p2, p0  }
0x20: {  	[sflag:s8] =	ssyncset.s32 @!p0 $0xFFFFF086;
	s6 =	sadd.s32 @!p0 s3, s7;
	s7 =	simm.s32 @!p0 $0x108  }
0x21: {  	s3 =	sadd.s32 s3, s9;
	s6 =	sadd.s32 @!p0 $0x88, s6;
	s7 =	simm.s32 @p2 $0x1082  }
0x22: {  	[simem:s7], [sflag:s8] =	dma.local @!p0 [hbm:s6], $0xF7A  }
0x23: {  	s9 =	sor.u32 $0xD0000000, s2;
	s6 =	simm.s32 $0x108;
	_ =	swait.ge @!p0 [sflag:s8], $0x0  }
0x24: {  	s3 =	sadd.s32 $0x88, s3;
	s6 =	simm.s32 @!p1 $0x1082;
	[sflag:s4] =	ssyncset.s32 $0xFFFFF086  }
0x25: {  	[simem:s6], [sflag:s4] =	dma.local [hbm:s3], $0xF7A  }
0x26: {  	[smem:$0x3F9E] =	sst s1;
	(tag) =	ssettag s2;
	_ =	strace s9  }
0x27: {  	s1 =	sld [smem:$0x3FAE]  }
0x28: {  	s2 =	sld [smem:$0x3FAF]  }
0x29: {  	s4 =	sld [smem:$0x3FB1]  }
0x2a: {  	p0 =	seq.s32 s5, $0x0;
	s5 =	sld [smem:$0x3FB2]  }
0x2b: {  	s6 =	sld [smem:$0x3FB3]  }
0x2c: {  	s7 =	sld [smem:$0x3FB4]  }
0x2d: {  	s3 =	simm.s32 $0x108;
	s8 =	sld [smem:$0x3FB5]  }
0x2e: {  	s3 =	simm.s32 @!p0 $0x1082;
	s9 =	sld [smem:$0x3FB6]  }
0x2f: {  	lr =	sadd.s32 s0, s3;
	s0 =	sld [smem:$0x3FAD]  }
0x30: {  	s3 =	sld [smem:$0x3FB0]  }
0x31: {  	[smem:$0x3FB9] =	sst s10  }
0x32: {  	s10 =	sld [smem:$0x3FB7];
	_ =	sdelay $0x3  }
0x33: {  	p0 =	seq.s32 s10, $0x1;
	s10 =	sld [smem:$0x3FB9];
	_ =	sdelay $0x3  }
0x34: {  	[smem:$0x3FB9] =	sst s10  }
0x35: {  	s10 =	sld [smem:$0x3FB8];
	_ =	sdelay $0x3  }
0x36: {  	p1 =	seq.s32 s10, $0x1;
	s10 =	sld [smem:$0x3FB9];
	_ =	sdelay $0x3  }
0x37: {  	[smem:$0x3FB9] =	sst s10  }
0x38: {  	s10 =	sld [smem:$0x3FBA]  }
0x39: {  	_ = 	snop;
	(pc) =	sbr.ind lr, $3  }
0x3a: {  	_ = 	snop  }
0x3b: {  	_ = 	snop  }
0x3c: {  	p2 =	seq.s32 s10, $0x1;
	s10 =	sld [smem:$0x3FB9]  }
0x3d: {  	_ =	shalt  }
0x3e: {  	_ =	shalt  }
0x3f: {  	_ =	shalt  }
0x40: {  	_ =	shalt  }
0x41: {  	_ =	shalt  }
0x42: {  	_ =	shalt  }
0x43: {  	_ =	shalt  }
0x44: {  	_ =	shalt  }
0x45: {  	_ =	shalt  }
0x46: {  	_ =	shalt  }
0x47: {  	_ =	shalt  }
0x48: {  	_ =	shalt  }
0x49: {  	_ =	shalt  }
0x4a: {  	_ =	shalt  }
0x4b: {  	_ =	shalt  }
0x4c: {  	_ =	shalt  }
0x4d: {  	_ =	shalt  }
0x4e: {  	_ =	shalt  }
0x4f: {  	_ =	shalt  }
0x50: {  	_ =	shalt  }
0x51: {  	_ =	shalt  }
0x52: {  	_ =	shalt  }
0x53: {  	_ =	shalt  }
0x54: {  	_ =	shalt  }
0x55: {  	_ =	shalt  }
0x56: {  	_ =	shalt  }
0x57: {  	_ =	shalt  }
0x58: {  	_ =	shalt  }
0x59: {  	_ =	shalt  }
0x5a: {  	_ =	shalt  }
0x5b: {  	_ =	shalt  }
0x5c: {  	_ =	shalt  }
0x5d: {  	_ =	shalt  }
0x5e: {  	_ =	shalt  }
0x5f: {  	_ =	shalt  }
0x60: {  	_ =	shalt  }
0x61: {  	_ =	shalt  }
0x62: {  	_ =	shalt  }
0x63: {  	_ =	shalt  }
0x64: {  	_ =	shalt  }
0x65: {  	_ =	shalt  }
0x66: {  	_ =	shalt  }
0x67: {  	_ =	shalt  }
0x68: {  	_ =	shalt  }
0x69: {  	_ =	shalt  }
0x6a: {  	_ =	shalt  }
0x6b: {  	_ =	shalt  }
0x6c: {  	_ =	shalt  }
0x6d: {  	_ =	shalt  }
0x6e: {  	_ =	shalt  }
0x6f: {  	_ =	shalt  }
0x70: {  	_ =	shalt  }
0x71: {  	_ =	shalt  }
0x72: {  	_ =	shalt  }
0x73: {  	_ =	shalt  }
0x74: {  	_ =	shalt  }
0x75: {  	_ =	shalt  }
0x76: {  	_ =	shalt  }
0x77: {  	_ =	shalt  }
0x78: {  	_ =	shalt  }
0x79: {  	_ =	shalt  }
0x7a: {  	_ =	shalt  }
0x7b: {  	_ =	shalt  }
0x7c: {  	_ =	shalt  }
0x7d: {  	_ =	shalt  }
0x7e: {  	_ =	shalt  }
0x7f: {  	_ =	shalt  }
0x80: {  	_ =	shalt  }
0x81: {  	_ =	shalt  }
0x82: {  	_ =	shalt  }
0x83: {  	_ =	shalt  }
0x84: {  	_ =	shalt  }
0x85: {  	_ =	shalt  }
0x86: {  	_ =	shalt  }
0x87: {  	_ =	shalt  }
.Lfunc_end0:
.L_simem_size_0:
called_computation.2_lowered:
.L_overlay_start_0:
0x88: {  	s2 =	sld [smem:$0x3FD9]  }
0x89: {  	s3 =	sld [smem:$0x3FFE];
	_ =	sdelay $0x1  }
0x8a: {  	s1 =	srdreg.scid  }
0x8b: {  	s0 =	sand.u32 $0x1, s1  }
0x8c: {  	s17 =	sshll.u32 s0, $0xA;
	s2 =	sadd.s32 s3, s2  }
0x8d: {  	s2 =	sadd.s32 s2, s17  }
0x8e: {  	[smem:$0x3FC5] =	sst s2  }
0x8f: {  	_ = 	snop  }
0x90: {  	s2 =	sld [smem:$0x3FD0];
	(tm) =	ssettm $0x1  }
0x91: {  	s18 =	sld [smem:$0x3FFB];
	_ =	sdelay $0x3  }
0x92: {  	_ =	strace s18  }
0x93: {  	s3 =	sld [smem:$0x3FFC];
	_ =	sdelay $0x3  }
0x94: {  	_ =	strace s3  }
0x95: {  	s3 =	sld [smem:$0x3FFD];
	_ =	sdelay $0x3  }
0x96: {  	_ =	strace s3  }
0x97: {  	_ =	strace $0x8FFFFFFF  }
0x98: {  	s19 =	sld [smem:$0x3FDB];
	_ =	sdelay $0x1  }
0x99: {  	s4 =	simm.s32 $_scs_section_size  }
0x9a: {  	s5 =	simm.s32 $_size__tile_overlayer_lowered;
	s6 =	simm.s32 $_tile_overlayer_lowered  }
0x9b: {  	s22 =	simm.s32 $0x1BFF;
	s21 =	sshll.u32 s6, $0x1;
	s3 =	sadd.s32 s4, s19  }
0x9c: {  	s7 =	simm.s32 $0x0;
	s20 =	sshll.u32 s5, $0x1;
	s5 =	sadd.s32 s21, s3  }
0x9d: {  	[timem:s7], [sflag:s22] =	dma.local [hbm:s5], s20  }
0x9e: {  	_ =	swait.ge [sflag:s22], s20  }
0x9f: {  	s4 =	ssub.s32 $0x0, s20;
	[sflag:s22] =	ssyncset.done $0x0  }
0xa0: {  	[sflag:s22] =	ssyncadd.s32 s4;
	_ =	sdelay $0x1  }
0xa1: {  	s23 =	simm.s32 $0x1B8B  }
0xa2: {  	_ =	swait.ge [sflag:s23], $0x1  }
0xa3: {  	[sflag:s23] =	ssyncset.done $0x0  }
0xa4: {  	s25 =	simm.s32 $0x1B8E;
	s24 =	sld [smem:$0x3FFE];
	[sflag:s23] =	ssyncadd.s32 $0xFFFFFFFF  }
0xa5: {  	s26 =	simm.s32 $execute0_lowered;
	[smem:$0x3FD2] =	sst s25  }
0xa6: {  	s5 =	sshll.u32 s26, $0x1;
	_ =	strace $0x80000049;
	[dreg:$0x1] =	wrdreg $0xFFFFFFFF  }
0xa7: {  	s28 =	simm.s32 $_size_execute0_lowered;
	s3 =	sadd.s32 s3, s5;
	[dreg:$0x0] =	wrdreg $0x0  }
0xa8: {  	s5 =	sshll.u32 s28, $0x1;
	[dreg:$0x2] =	wrdreg s3  }
0xa9: {  	[dreg:$0x3] =	wrdreg s5  }
0xaa: {  	[dreg:$0x4] =	wrdreg $0xC0  }
0xab: {  	_ =	task [dreg:s7], $0x5FFFF  }
0xac: {  	[dreg:$0x1] =	wrdreg $0xFFFFFFFF  }
0xad: {  	[dreg:$0x0] =	wrdreg $0x60  }
0xae: {  	[dreg:$0x2] =	wrdreg s24  }
0xaf: {  	[dreg:$0x3] =	wrdreg s2  }
0xb0: {  	[dreg:$0x4] =	wrdreg $0x9  }
0xb1: {  	_ =	task.clear_ibuf [dreg:s7], $0x5FFFF;
	_ =	strace $0x90000049  }
0xb2: {  	s29 =	simm.s32 $0x9;
	_ =	strace $0x8000004B  }
0xb3: {  	_ =	swait.ge [sflag:s29], $0x1  }
0xb4: {  	[sflag:s29] =	ssyncadd.s32 $0xFFFFFFFF  }
0xb5: {  	_ =	strace $0x9000004B  }
0xb6: {  	_ =	sfence  }
0xb7: {  	s30 =	sld [smem:$0x0];
	_ =	sdelay $0x2  }
0xb8: {  	s31 =	sshll.u32 s1, $0xD;
	s1 =	sshrl.u32 s1, $0x2  }
0xb9: {  	s3 =	sand.u32 $0x4000, s31;
	s1 =	sadd.s32 s1, s30  }
0xba: {  	s0 =	sor.u32 s3, s0;
	s1 =	sshll.u32 s1, $0x11  }
0xbb: {  	s0 =	sor.u32 s1, s0  }
0xbc: {  	s0 =	sadd.s32 $0x8F2B, s0  }
0xbd: {  	[sflag:s0] =	ssyncadd.remote.s32 $0x1  }
0xbe: {  	_ =	sfence.sel $0xFFFF  }
0xbf: {  	[dreg:$0x0] =	wrdreg $0xFFFFFFFF;
	(pc) =	sbr.abs _section_cstart, $3  }
0xc0: {  	[dreg:$0x1] =	wrdreg $0xFFFFFFFF  }
0xc1: {  	_ =	task.clear_ibuf [dreg:s7], $0x2FFFF;
	_ =	strace $0x9FFFFFFF  }
0xc2: {  	(tm) =	ssettm $0x7FFFFFFF  }
0xc3: {  	_ =	shalt  }
tec
execute0_lowered:
.L_overlay_start_1:
0x0: {  	(tag) =	ssettag $0x1  }
0x1: {  	s0 =	rddreg [dreg:$0x0]  }
0x2: {  	s1 =	rddreg [dreg:$0x1];
	s3 =	simm.s32 $0x0  }
0x3: {  	s2 =	srdreg.scid;
	s4 =	stileid.u32;
	s13 =	simm.s32 $0x5  }
0x4: {  	s14 =	simm.s32 $0xDB60;
	s15 =	simm.s32 $0x600;
	s18 =	simm.s32 $0x180  }
0x5: {  	s19 =	simm.s32 $0x106E0;
	s20 =	simm.s32 $0x960;
	s21 =	simm.s32 $0x7B60  }
0x6: {  	s22 =	simm.s32 $0x1;
	s23 =	simm.s32 $0xF60;
	s24 =	simm.s32 $0x2  }
0x7: {  	s25 =	simm.s32 $0x1560;
	s26 =	simm.s32 $0x3;
	s30 =	simm.s32 $0x0  }
0x8: {  	[smem:$0x7FF] =	sst s3;
	s2 =	sand.u32 $0x1, s2;
	s5 =	sshll.u32 s4, $0x1  }
0x9: {  	s4 =	sadd.s32 $0x1C01200, s0;
	s6 =	ssub.s32 $0x2, s2;
	s2 =	sor.u32 s2, s5  }
0xa: {  	s5 =	sadd.s32 $0xC01200, s0;
	s0 =	sadd.s32 $0xC01000, s0;
	s8 =	smul.u32 $0x3000, s2  }
0xb: {  	_ =	strace $0x8000004A;
	s7 =	sshrl.u32 s6, $0x1;
	[dreg:$0x3] =	wrdreg s0  }
0xc: {  	s29 =	ssub.s32 s6, s7;
	s7 =	sshll.u32 s2, $0xF;
	s31 =	sadd.s32 s4, s8  }
0xd: {  	s6 =	simm.s32 $0x0;
	s0 =	smax.u32 s29, $0x1;
	[dreg:$0x4] =	wrdreg s31  }
0xe: {  	v0 =	vlaneseq.u32;
	s9 =	sor.u32 $0x100, s7;
	s11 =	sor.u32 $0x80, s7;
	[dreg:$0x5] =	wrdreg s0  }
.LBB2_1:
0xf: {  	[dreg:$0x6] =	wrdreg s6  }
0x10: {  	s0 =	rddreg [dreg:$0x3];
	s2 =	simm.s32 $0x300  }
0x11: {  	[tilespmem:s2], [sflag:$0x5] =	stream.linear.gather [hbm4b:s0+s3], $0x60, $0x38;
	[tilespmem:$0x13260] =	vst v63  }
0x12: {  	_ =	swait.ge [sflag:s13], $0x60  }
0x13: {  	[sflag:s13] =	ssyncset.done $0x0  }
0x14: {  	[sflag:s13] =	ssyncadd.s32 $0xFFFFFFA0  }
0x15: {  	v1 =	vld [tilespmem:$0x300]  }
0x16: {  	v2 =	vld [tilespmem:$0x310]  }
0x17: {  	v4 =	vld [tilespmem:$0x330]  }
0x18: {  	v6 =	vor.u32 s3, v0;
	v5 =	vld [tilespmem:$0x340]  }
0x19: {  	v8 =	vmul.u32 $0x3, v6;
	v3 =	vld [tilespmem:$0x320]  }
0x1a: {  	v7 =	vld [tilespmem:$0x350]  }
0x1b: {  	s31 =	rddreg [dreg:$0x4];
	v9 =	vadd.s32 $0x1, v8  }
0x1c: {  	[tilespmem:s3], [sflag:$0x5] =	stream.linear.gather [hbm4b:s31+s3], $0x180, $0x38;
	v4 =	vsub.f32 v4, v1;
	[tilespmem:$0x13260] =	vst v63  }
0x1d: {  	_ =	swait.ge [sflag:s13], $0x180;
	v5 =	vsub.f32 v5, v2  }
0x1e: {  	[sflag:s13] =	ssyncset.done $0x0;
	(erf) = vrcp.f32 v4  }
0x1f: {  	[sflag:s13] =	ssyncadd.s32 $0xFFFFFE80;
	v4 =	vsub.f32 v7, v3;
	(erf) = vrcp.f32 v5;
	v5 =	vadd.s32 $0x2, v8  }
0x20: {  	v9 =	vld.idx.msk [tilespmem:v9+s3+$0x0], $0xffff  }
0x21: {  	v8 =	vld.idx.msk [tilespmem:v8+s3+$0x0], $0xffff;
	(erf) = vrcp.f32 v4;
	_ =	sdelay $0x2  }
0x22: {  	v7 =	vmul.u32 $0x57, v6;
	v10 =	vld.idx.msk [tilespmem:v5+s3+$0x0], $0xffff;
	_ =	sdelay $0x1  }
0x23: {  	v6 =	vsub.f32 v9, v2;
	v9 =	vand.u32 $0x3FFF, v7;
	v15 =	vsub.f32 v8, v1  }
0x24: {  	v12 =	vadd.s32 $0x3B, v7;
	v11 =	vadd.s32 $0x4E, v7;
	v14 =	vadd.s32 $0x32, v7;
	v4 =	vpop (erf)  }
0x25: {  	v19 =	vadd.s32 $0x31, v7;
	v62 =	vadd.s32 $0x35, v7;
	v5 =	vpop (erf);
	v15 =	vmul.f32 v15, v4  }
0x26: {  	v20 =	vadd.s32 $0x30, v9;
	v13 =	vmul.f32 v6, v5;
	v16 =	vsub.f32 v10, v3  }
0x27: {  	v8 =	vadd.s32 $0x52, v7;
	v10 =	vadd.s32 $0x4D, v7;
	v6 =	vpop (erf);
	v15 =	vmax.f32 v15, $0.0e+00  }
0x28: {  	v17 =	vmax.f32 v13, $0.0e+00;
	v16 =	vmul.f32 v16, v6;
	v15 =	vmin.f32 v15, $1.000000000e+00  }
0x29: {  	v17 =	vmin.f32 v17, $1.000000000e+00;
	v22 =	vmul.f32 $5.110000000e+02, v15;
	v15 =	vadd.f32 v15, v15  }
0x2a: {  	v18 =	vmul.f32 $5.110000000e+02, v17;
	v17 =	vadd.f32 v17, v17;
	v16 =	vmax.f32 v16, $0.0e+00  }
0x2b: {  	v16 =	vmin.f32 v16, $1.000000000e+00;
	v24 =	vtrunc.f32 v22;
	v15 =	vadd.f32 $-1.000000000e+00, v15  }
0x2c: {  	v21 =	vtrunc.f32 v18;
	v23 =	vmul.f32 $5.110000000e+02, v16;
	v16 =	vadd.f32 v16, v16  }
0x2d: {  	v17 =	vadd.f32 $-1.000000000e+00, v17;
	v24 =	vcvt.f32.s32 v24;
	v21 =	vcvt.f32.s32 v21  }
0x2e: {  	v25 =	vtrunc.f32 v23;
	v29 =	vadd.f32 $-1.000000000e+00, v16;
	v16 =	vmul.f32 v15, v15  }
0x2f: {  	v32 =	vcvt.s32.f32 v24;
	v33 =	vadd.s32 $0x1, v24;
	v34 =	vmul.f32 v17, v17  }
0x30: {  	v54 =	vadd.s32 $0x80000, v24;
	v26 =	vcvt.s32.f32 v21;
	v25 =	vcvt.f32.s32 v25  }
0x31: {  	v27 =	vshll.u32 v21, $0x9;
	v28 =	vadd.s32 $0x1, v21;
	v21 =	vadd.s32 $0x40000, v21  }
0x32: {  	vm15 =	vlt.s32 v33, $0x1FF;
	vm0 =	vlt.s32 v28, $0x1FF;
	v31 =	vmul.f32 $2.755732000e-07, v16  }
0x33: {  	v52 =	vnsel vm15, $0x1FF, v33;
	v53 =	vmul.f32 $2.755731880e-06, v16;
	v37 =	vmul.f32 $2.755732000e-07, v34  }
0x34: {  	v39 =	vmul.f32 v29, v29;
	v41 =	vmul.f32 $2.755731880e-06, v34;
	v22 =	vsub.f32 v22, v32  }
0x35: {  	s0 =	simm.s32 $0x660;
	v30 =	vadd.s32 $0x1, v25;
	v35 =	vadd.s32 v52, v27;
	v27 =	vadd.s32 v24, v27  }
0x36: {  	v18 =	vsub.f32 v18, v26;
	v38 =	vcvt.s32.f32 v25;
	v25 =	vshll.u32 v25, $0x9;
	[tilespmem:s0+$0xFFFFFD00] =	vst v27  }
0x37: {  	v26 =	vnsel vm0, $0x1FF, v28;
	v58 =	vadd.s32 $0x80000, v52;
	v43 =	vadd.s32 v25, v21;
	[tilespmem:s0+$0xFFFFFD80] =	vst v35  }
0x38: {  	v36 =	vshll.u32 v26, $0x9;
	v26 =	vadd.s32 $0x40000, v26;
	v55 =	vadd.s32 v25, v54;
	[tilespmem:s0+$0xFFFFFF00] =	vst v43  }
0x39: {  	vm1 =	vlt.s32 v30, $0x1FF;
	v31 =	vsub.f32 $2.480158760e-05, v31;
	v40 =	vadd.s32 v25, v26;
	[tilespmem:s0+$0x100] =	vst v55  }
0x3a: {  	v33 =	vadd.f32 $-1.984127010e-04, v53;
	v37 =	vsub.f32 $2.480158760e-05, v37;
	v25 =	vadd.s32 v25, v58;
	[tilespmem:s0+$0xFFFFFF80] =	vst v40  }
0x3b: {  	v42 =	vmul.f32 $2.755731880e-06, v39;
	v30 =	vnsel vm1, $0x1FF, v30;
	v24 =	vadd.s32 v24, v36;
	[tilespmem:s0+$0x180] =	vst v25  }
0x3c: {  	v41 =	vadd.f32 $-1.984127010e-04, v41;
	v28 =	vadd.s32 v52, v36;
	v30 =	vshll.u32 v30, $0x9;
	[tilespmem:s0+$0xFFFFFE00] =	vst v24  }
0x3d: {  	v57 =	vmul.f32 $2.755732000e-07, v39;
	v23 =	vsub.f32 v23, v38;
	[tilespmem:s0+$0xFFFFFE80] =	vst v28;
	v26 =	vadd.s32 v30, v26  }
0x3e: {  	v37 =	vmul.f32 v37, v34;
	v33 =	vmul.f32 v33, v16;
	v21 =	vadd.s32 v30, v21;
	[tilespmem:s0+$0x80] =	vst v26  }
0x3f: {  	v31 =	vmul.f32 v31, v16;
	v59 =	vadd.f32 $-1.984127010e-04, v42;
	v60 =	vadd.s32 v30, v54;
	[tilespmem:s0+$0x0] =	vst v21  }
0x40: {  	v30 =	vadd.s32 v30, v58;
	v37 =	vadd.f32 $-1.388888920e-03, v37;
	v27 =	vadd.f32 $8.333333770e-03, v33;
	[tilespmem:s0+$0x200] =	vst v60  }
0x41: {  	s2 =	simm.s32 $0xFE0;
	v31 =	vadd.f32 $-1.388888920e-03, v31;
	v26 =	vmul.f32 v41, v34;
	v25 =	vmul.f32 v59, v39;
	[tilespmem:s0+$0x280] =	vst v30  }
0x42: {  	v35 =	vsub.f32 $2.480158760e-05, v57;
	[tilespmem:s2+$0x80] =	vst v23;
	v37 =	vmul.f32 v37, v34;
	v27 =	vmul.f32 v27, v16  }
0x43: {  	[tilespmem:s2+$0x0] =	vst v18;
	v31 =	vmul.f32 v31, v16;
	v26 =	vadd.f32 $8.333333770e-03, v26;
	v25 =	vadd.f32 $8.333333770e-03, v25  }
0x44: {  	[tilespmem:s2+$0xFFFFFF80] =	vst v22;
	v56 =	vadd.f32 $4.166666790e-02, v37;
	v21 =	vadd.f32 $-1.666666720e-01, v27;
	v27 =	vmul.f32 v35, v39  }
0x45: {  	[tilespmem:v20+s14+$0x0] =	vst.idx.msk $0xffff, v15;
	v20 =	vadd.s32 $0x34, v7;
	v31 =	vadd.f32 $4.166666790e-02, v31;
	v26 =	vmul.f32 v26, v34  }
0x46: {  	v25 =	vmul.f32 v25, v39;
	v33 =	vmul.f32 v56, v34;
	v27 =	vadd.f32 $-1.388888920e-03, v27  }
0x47: {  	v31 =	vmul.f32 v31, v16;
	v21 =	vmul.f32 v21, v16;
	v23 =	vadd.f32 $-1.666666720e-01, v26  }
0x48: {  	v18 =	vadd.f32 $-1.666666720e-01, v25;
	v24 =	vadd.f32 $-5.000000000e-01, v33;
	v27 =	vmul.f32 v27, v39  }
0x49: {  	v26 =	vadd.s32 $0x33, v7;
	v31 =	vadd.f32 $-5.000000000e-01, v31;
	v21 =	vadd.f32 $1.000000000e+00, v21  }
0x4a: {  	v22 =	vmul.f32 v23, v34;
	v24 =	vmul.f32 v24, v34;
	v25 =	vadd.f32 $4.166666790e-02, v27  }
0x4b: {  	v23 =	vadd.s32 $0x36, v7;
	v21 =	vmul.f32 v21, v15;
	v16 =	vmul.f32 v31, v16  }
0x4c: {  	[tilespmem:v19+s14+$0x0] =	vst.idx.msk $0xffff, v17;
	v15 =	vmul.f32 v18, v39;
	v19 =	vadd.f32 $1.000000000e+00, v22;
	v18 =	vmul.f32 v25, v39  }
0x4d: {  	v27 =	vadd.f32 v21, v21;
	v25 =	vadd.s32 $0x37, v7;
	v61 =	vadd.f32 $1.000000000e+00, v16  }
0x4e: {  	v13 =	vadd.s32 $0x38, v9;
	[tilespmem:v14+s14+$0x0] =	vst.idx.msk $0xffff, v29;
	v15 =	vadd.f32 $1.000000000e+00, v15;
	v14 =	vadd.f32 $-5.000000000e-01, v18  }
0x4f: {  	v19 =	vmul.f32 v19, v17;
	[tilespmem:v26+s14+$0x0] =	vst.idx.msk $0xffff, v21;
	v26 =	vadd.f32 $1.000000000e+00, v24;
	v22 =	vmul.f32 v27, v21  }
0x50: {  	v24 =	vadd.s32 $0x39, v7;
	[tilespmem:v23+s14+$0x0] =	vst.idx.msk $0xffff, v61;
	v17 =	vmul.f32 v15, v29;
	v18 =	vmul.f32 v14, v39  }
0x51: {  	v63 =	vadd.f32 v19, v19;
	v15 =	vadd.s32 $0x49, v7;
	v21 =	vadd.s32 $0x3A, v7;
	[tilespmem:v20+s14+$0x0] =	vst.idx.msk $0xffff, v19  }
0x52: {  	v23 =	vmul.f32 v61, v27;
	v20 =	vadd.s32 $0x3C, v7;
	[tilespmem:v25+s14+$0x0] =	vst.idx.msk $0xffff, v26;
	v18 =	vadd.f32 $1.000000000e+00, v18  }
0x53: {  	v16 =	vsub.f32 $1.000000000e+00, v22;
	v14 =	vadd.s32 $0x47, v7;
	v25 =	vmul.f32 v63, v19;
	[tilespmem:v62+s14+$0x0] =	vst.idx.msk $0xffff, v17  }
0x54: {  	s6 =	simm.s32 $0x10;
	v22 =	vadd.f32 v17, v17;
	v19 =	vmul.f32 v26, v63;
	[tilespmem:v13+s14+$0x0] =	vst.idx.msk $0xffff, v18;
	v13 =	vadd.s32 $0x3D, v7  }
.LBB2_2:
0x55: {  	p0 =	sne.s32 s6, $0x70;
	v25 =	vsub.f32 $1.000000000e+00, v25;
	v26 =	vadd.s32 $0x45, v7;
	v27 =	vadd.s32 $0x46, v7;
	s0 =	sadd.s32 $0x10, s0;
	s2 =	sadd.s32 $0x10, s2  }
0x56: {  	v29 =	vadd.s32 $0x3E, v7;
	s8 =	smov.u32 s6;
	s6 =	sadd.s32 $0x10, s6;
	[tilespmem:v24+s14+$0x0] =	vst.idx.msk $0xffff, v23;
	v24 =	vadd.f32 v23, v23;
	v28 =	vadd.f32 v19, v19  }
0x57: {  	v17 =	vmul.f32 v22, v17;
	v30 =	vadd.s32 $0x40, v9;
	[tilespmem:v20+s14+$0x0] =	vst.idx.msk $0xffff, v16;
	v20 =	vadd.s32 $0x3F, v7  }
0x58: {  	v18 =	vmul.f32 v18, v22;
	v22 =	vmul.f32 v24, v23;
	[tilespmem:v21+s14+$0x0] =	vst.idx.msk $0xffff, v19;
	v21 =	vadd.s32 $0x42, v7  }
0x59: {  	v17 =	vsub.f32 $1.000000000e+00, v17;
	v16 =	vmul.f32 v16, v24;
	[tilespmem:v13+s14+$0x0] =	vst.idx.msk $0xffff, v25;
	v13 =	vmul.f32 v28, v19  }
0x5a: {  	v23 =	vadd.s32 $0x43, v7;
	v19 =	vmul.f32 v25, v28;
	[tilespmem:v12+s14+$0x0] =	vst.idx.msk $0xffff, v18;
	v12 =	vadd.f32 v18, v18  }
0x5b: {  	v25 =	vadd.s32 $0x41, v7;
	v22 =	vsub.f32 $1.000000000e+00, v22;
	v24 =	vadd.f32 v16, v16;
	[tilespmem:v29+s14+$0x0] =	vst.idx.msk $0xffff, v17  }
0x5c: {  	v17 =	vmul.f32 v17, v12;
	v12 =	vmul.f32 v12, v18;
	[tilespmem:v20+s14+$0x0] =	vst.idx.msk $0xffff, v16;
	v18 =	vadd.s32 $0x44, v7  }
0x5d: {  	v13 =	vsub.f32 $1.000000000e+00, v13;
	v16 =	vmul.f32 v24, v16;
	v20 =	vadd.f32 v19, v19;
	[tilespmem:v21+s14+$0x0] =	vst.idx.msk $0xffff, v22  }
0x5e: {  	v29 =	vadd.s32 $0x48, v9;
	v21 =	vor.u32 s8, v0;
	[tilespmem:v30+s14+$0x0] =	vst.idx.msk $0xffff, v19;
	v28 =	vadd.f32 v17, v17  }
0x5f: {  	v30 =	vmul.u32 $0x3, v21;
	v12 =	vsub.f32 $1.000000000e+00, v12;
	v19 =	vmul.f32 v20, v19;
	[tilespmem:v23+s14+$0x0] =	vst.idx.msk $0xffff, v13  }
0x60: {  	v22 =	vmul.f32 v22, v24;
	v16 =	vsub.f32 $1.000000000e+00, v16;
	[tilespmem:v25+s14+$0x0] =	vst.idx.msk $0xffff, v17;
	v17 =	vmul.f32 v28, v17  }
0x61: {  	v23 =	vadd.s32 $0x1, v30;
	v24 =	vadd.s32 $0x2, v30;
	[tilespmem:v18+s14+$0x0] =	vst.idx.msk $0xffff, v12;
	v18 =	vmul.f32 v12, v28  }
0x62: {  	v21 =	vmul.u32 $0x57, v21;
	v13 =	vmul.f32 v13, v20;
	v20 =	vadd.s32 $0x4A, v7;
	[tilespmem:v26+s14+$0x0] =	vst.idx.msk $0xffff, v22  }
0x63: {  	v19 =	vsub.f32 $1.000000000e+00, v19;
	v25 =	vadd.f32 v22, v22;
	v26 =	vadd.s32 $0x4B, v7;
	[tilespmem:v29+s14+$0x0] =	vst.idx.msk $0xffff, v16  }
0x64: {  	v28 =	vand.u32 $0x3FFF, v21;
	v12 =	vadd.s32 $0x3B, v21;
	[tilespmem:v27+s14+$0x0] =	vst.idx.msk $0xffff, v13;
	v27 =	vadd.f32 v13, v13  }
0x65: {  	v17 =	vsub.f32 $1.000000000e+00, v17;
	v22 =	vmul.f32 v25, v22;
	[tilespmem:v15+s14+$0x0] =	vst.idx.msk $0xffff, v19;
	v15 =	vadd.s32 $0x4C, v7  }
0x66: {  	v16 =	vmul.f32 v16, v25;
	v13 =	vmul.f32 v27, v13;
	[tilespmem:v14+s14+$0x0] =	vst.idx.msk $0xffff, v18;
	v14 =	vadd.s32 $0x4F, v7  }
0x67: {  	v22 =	vsub.f32 $1.000000000e+00, v22;
	v19 =	vmul.f32 v19, v27;
	[tilespmem:v20+s14+$0x0] =	vst.idx.msk $0xffff, v17;
	v20 =	vadd.f32 v18, v18  }
0x68: {  	v25 =	vadd.f32 v16, v16;
	v27 =	vadd.s32 $0x51, v7;
	[tilespmem:v26+s14+$0x0] =	vst.idx.msk $0xffff, v16;
	v26 =	vadd.s32 $0x50, v9;
	v9 =	vmovc v28  }
0x69: {  	v13 =	vsub.f32 $1.000000000e+00, v13;
	v18 =	vmul.f32 v20, v18;
	[tilespmem:v11+s14+$0x0] =	vst.idx.msk $0xffff, v22;
	v11 =	vadd.f32 v19, v19  }
0x6a: {  	v16 =	vmul.f32 v25, v16;
	v17 =	vmul.f32 v17, v20;
	[tilespmem:v15+s14+$0x0] =	vst.idx.msk $0xffff, v19;
	v15 =	vadd.s32 $0x54, v7  }
0x6b: {  	v20 =	vmul.f32 v22, v25;
	v18 =	vsub.f32 $1.000000000e+00, v18;
	[tilespmem:v14+s14+$0x0] =	vst.idx.msk $0xffff, v13;
	v14 =	vmul.f32 v11, v19  }
0x6c: {  	v11 =	vmul.f32 v13, v11;
	v13 =	vadd.s32 $0x55, v7;
	[tilespmem:v10+s14+$0x0] =	vst.idx.msk $0xffff, v17;
	v10 =	vadd.f32 v17, v17  }
0x6d: {  	v16 =	vsub.f32 $1.000000000e+00, v16;
	v19 =	vadd.s32 $0x53, v7;
	[tilespmem:v26+s14+$0x0] =	vst.idx.msk $0xffff, v18  }
0x6e: {  	v18 =	vmul.f32 v18, v10;
	v10 =	vmul.f32 v10, v17;
	[tilespmem:v27+s14+$0x0] =	vst.idx.msk $0xffff, v20;
	v17 =	vadd.s32 $0x56, v7  }
0x6f: {  	v14 =	vsub.f32 $1.000000000e+00, v14;
	v7 =	vmov v21;
	[tilespmem:v15+s14+$0x0] =	vst.idx.msk $0xffff, v16  }
0x70: {  	[tilespmem:v8+s14+$0x0] =	vst.idx.msk $0xffff, v11  }
0x71: {  	v8 =	vsub.f32 $1.000000000e+00, v10;
	[tilespmem:v13+s14+$0x0] =	vst.idx.msk $0xffff, v14  }
0x72: {  	[tilespmem:v19+s14+$0x0] =	vst.idx.msk $0xffff, v18  }
0x73: {  	[tilespmem:v17+s14+$0x0] =	vst.idx.msk $0xffff, v8  }
0x74: {  	v8 =	vld.idx.msk [tilespmem:v23+s3+$0x0], $0xffff;
	_ =	sdelay $0x1  }
0x75: {  	v10 =	vld.idx.msk [tilespmem:v30+s3+$0x0], $0xffff  }
0x76: {  	v11 =	vld.idx.msk [tilespmem:v24+s3+$0x0], $0xffff;
	_ =	sdelay $0x2  }
0x77: {  	v8 =	vsub.f32 v8, v2;
	_ =	sdelay $0x1  }
0x78: {  	v15 =	vsub.f32 v10, v1;
	v13 =	vmul.f32 v8, v5;
	v8 =	vadd.s32 $0x52, v7  }
0x79: {  	v10 =	vadd.s32 $0x4D, v7;
	v16 =	vsub.f32 v11, v3;
	v11 =	vadd.s32 $0x4E, v7  }
0x7a: {  	v14 =	vadd.s32 $0x32, v7;
	v17 =	vmax.f32 v13, $0.0e+00;
	v13 =	vadd.s32 $0x38, v9  }
0x7b: {  	v18 =	vmul.f32 v15, v4;
	v15 =	vmin.f32 v17, $1.000000000e+00;
	v16 =	vmul.f32 v16, v6  }
0x7c: {  	v20 =	vmul.f32 $5.110000000e+02, v15;
	v17 =	vadd.f32 v15, v15;
	v15 =	vadd.s32 $0x31, v7  }
0x7d: {  	v19 =	vmax.f32 v18, $0.0e+00;
	v18 =	vadd.s32 $0x30, v9;
	v16 =	vmax.f32 v16, $0.0e+00  }
0x7e: {  	v19 =	vmin.f32 v19, $1.000000000e+00;
	v21 =	vmin.f32 v16, $1.000000000e+00;
	v16 =	vtrunc.f32 v20  }
0x7f: {  	v22 =	vmul.f32 $5.110000000e+02, v19;
	v19 =	vadd.f32 v19, v19;
	v23 =	vmul.f32 $5.110000000e+02, v21  }
0x80: {  	v24 =	vcvt.f32.s32 v16;
	v16 =	vadd.f32 $-1.000000000e+00, v17;
	v17 =	vadd.f32 v21, v21  }
0x81: {  	v21 =	vtrunc.f32 v22;
	v19 =	vadd.f32 $-1.000000000e+00, v19;
	v25 =	vtrunc.f32 v23  }
0x82: {  	v26 =	vcvt.s32.f32 v24;
	v27 =	vshll.u32 v24, $0x9;
	v25 =	vcvt.f32.s32 v25  }
0x83: {  	v28 =	vadd.s32 $0x1, v24;
	v17 =	vadd.f32 $-1.000000000e+00, v17;
	v29 =	vmul.f32 v19, v19  }
0x84: {  	v21 =	vcvt.f32.s32 v21;
	vm0 =	vlt.s32 v28, $0x1FF;
	v30 =	vadd.s32 $0x1, v25  }
0x85: {  	v24 =	vadd.s32 $0x40000, v24;
	v31 =	vmul.f32 $2.755732000e-07, v29;
	vm1 =	vlt.s32 v30, $0x1FF  }
0x86: {  	v32 =	vcvt.s32.f32 v21;
	v33 =	vadd.s32 $0x1, v21;
	v30 =	vnsel vm1, $0x1FF, v30  }
0x87: {  	v34 =	vmul.f32 v16, v16;
	v31 =	vsub.f32 $2.480158760e-05, v31;
	v30 =	vshll.u32 v30, $0x9  }
0x88: {  	v20 =	vsub.f32 v20, v26;
	v26 =	vnsel vm0, $0x1FF, v28;
	vm1 =	vlt.s32 v33, $0x1FF  }
0x89: {  	v28 =	vnsel vm1, $0x1FF, v33;
	v33 =	vmul.f32 $2.755731880e-06, v29;
	v31 =	vmul.f32 v31, v29  }
0x8a: {  	v37 =	vmul.f32 $2.755732000e-07, v34;
	v36 =	vshll.u32 v26, $0x9;
	v35 =	vadd.s32 v28, v27  }
0x8b: {  	v27 =	vadd.s32 v21, v27;
	v33 =	vadd.f32 $-1.984127010e-04, v33;
	v31 =	vadd.f32 $-1.388888920e-03, v31  }
0x8c: {  	v38 =	vcvt.s32.f32 v25;
	v25 =	vshll.u32 v25, $0x9;
	v37 =	vsub.f32 $2.480158760e-05, v37  }
0x8d: {  	v39 =	vmul.f32 v17, v17;
	v26 =	vadd.s32 $0x40000, v26;
	v31 =	vmul.f32 v31, v29  }
0x8e: {  	v41 =	vmul.f32 $2.755731880e-06, v34;
	v40 =	vadd.s32 v25, v26;
	v37 =	vmul.f32 v37, v34  }
0x8f: {  	v26 =	vadd.s32 v30, v26;
	v31 =	vadd.f32 $4.166666790e-02, v31;
	[tilespmem:s0+$0xFFFFFF80] =	vst v40;
	v40 =	vmul.f32 $2.755731880e-06, v39  }
0x90: {  	v42 =	vadd.s32 v25, v24;
	v41 =	vadd.f32 $-1.984127010e-04, v41;
	v37 =	vadd.f32 $-1.388888920e-03, v37  }
0x91: {  	v43 =	vadd.s32 $0x80000, v21;
	v31 =	vmul.f32 v31, v29;
	[tilespmem:s0+$0x80] =	vst v26;
	v26 =	vmul.f32 v33, v29  }
0x92: {  	v24 =	vadd.s32 v30, v24;
	v37 =	vmul.f32 v37, v34;
	v33 =	vmul.f32 v41, v34  }
0x93: {  	v41 =	vadd.s32 v25, v43;
	[tilespmem:s0+$0xFFFFFD00] =	vst v27;
	v26 =	vadd.f32 $8.333333770e-03, v26;
	v27 =	vadd.f32 $-5.000000000e-01, v31  }
0x94: {  	v23 =	vsub.f32 v23, v38;
	v31 =	vadd.f32 $4.166666790e-02, v37;
	[tilespmem:s0+$0xFFFFFD80] =	vst v35;
	v35 =	vmul.f32 $2.755732000e-07, v39  }
0x95: {  	v37 =	vadd.s32 $0x80000, v28;
	v33 =	vadd.f32 $8.333333770e-03, v33;
	[tilespmem:s0+$0xFFFFFF00] =	vst v42;
	v26 =	vmul.f32 v26, v29  }
0x96: {  	v38 =	vadd.f32 $-1.984127010e-04, v40;
	v31 =	vmul.f32 v31, v34;
	[tilespmem:s0+$0x100] =	vst v41;
	v35 =	vsub.f32 $2.480158760e-05, v35  }
0x97: {  	v25 =	vadd.s32 v25, v37;
	[tilespmem:s0+$0x0] =	vst v24;
	v24 =	vadd.f32 $-1.666666720e-01, v26;
	v26 =	vmul.f32 v33, v34  }
0x98: {  	v21 =	vadd.s32 v21, v36;
	[tilespmem:s0+$0x180] =	vst v25;
	v25 =	vmul.f32 v38, v39;
	v33 =	vmul.f32 v35, v39  }
0x99: {  	v35 =	vadd.s32 v30, v43;
	[tilespmem:s0+$0xFFFFFE00] =	vst v21;
	v21 =	vmul.f32 v24, v29;
	v24 =	vadd.f32 $-5.000000000e-01, v31  }
0x9a: {  	v30 =	vadd.s32 v30, v37;
	[tilespmem:s0+$0x200] =	vst v35;
	v25 =	vadd.f32 $8.333333770e-03, v25;
	v31 =	vadd.f32 $-1.388888920e-03, v33  }
0x9b: {  	v28 =	vadd.s32 v28, v36;
	[tilespmem:s0+$0x280] =	vst v30;
	v21 =	vadd.f32 $1.000000000e+00, v21;
	v24 =	vmul.f32 v24, v34  }
0x9c: {  	v22 =	vsub.f32 v22, v32;
	[tilespmem:s0+$0xFFFFFE80] =	vst v28;
	v25 =	vmul.f32 v25, v39;
	v28 =	vmul.f32 v31, v39  }
0x9d: {  	v26 =	vadd.f32 $-1.666666720e-01, v26;
	[tilespmem:s2+$0x80] =	vst v23;
	v21 =	vmul.f32 v21, v19;
	v23 =	vmul.f32 v27, v29  }
0x9e: {  	v27 =	vadd.s32 $0x33, v7;
	[tilespmem:s2+$0x0] =	vst v20;
	v20 =	vadd.f32 $-1.666666720e-01, v25;
	v25 =	vadd.f32 $4.166666790e-02, v28  }
0x9f: {  	[tilespmem:s2+$0xFFFFFF80] =	vst v22;
	v22 =	vmul.f32 v26, v34;
	v26 =	vadd.s32 $0x36, v7;
	v28 =	vadd.f32 v21, v21  }
0xa0: {  	[tilespmem:v18+s14+$0x0] =	vst.idx.msk $0xffff, v19;
	v18 =	vmul.f32 v20, v39;
	v19 =	vmul.f32 v25, v39;
	v20 =	vadd.s32 $0x34, v7  }
0xa1: {  	v25 =	vadd.s32 $0x37, v7;
	[tilespmem:v15+s14+$0x0] =	vst.idx.msk $0xffff, v16;
	v15 =	vadd.f32 $1.000000000e+00, v22;
	v22 =	vmul.f32 v28, v21  }
0xa2: {  	v23 =	vadd.f32 $1.000000000e+00, v23;
	[tilespmem:v14+s14+$0x0] =	vst.idx.msk $0xffff, v17;
	v14 =	vadd.f32 $-5.000000000e-01, v19;
	v19 =	vadd.s32 $0x35, v7  }
0xa3: {  	v29 =	vmul.f32 v15, v16;
	v15 =	vadd.f32 $1.000000000e+00, v18;
	[tilespmem:v27+s14+$0x0] =	vst.idx.msk $0xffff, v21;
	v16 =	vsub.f32 $1.000000000e+00, v22  }
.Ltmp0:
0xa4: {  	v27 =	vadd.f32 $1.000000000e+00, v24;
	v18 =	vmul.f32 v14, v39;
	[tilespmem:v26+s14+$0x0] =	vst.idx.msk $0xffff, v23;
	v14 =	vadd.s32 $0x47, v7;
	(pc) =	sbr.rel @p0 .LBB2_2-.Ltmp0, $4  }
0xa5: {  	v24 =	vadd.s32 $0x39, v7;
	v17 =	vmul.f32 v15, v17;
	[tilespmem:v20+s14+$0x0] =	vst.idx.msk $0xffff, v29;
	v26 =	vadd.f32 v29, v29  }
0xa6: {  	v20 =	vadd.s32 $0x3C, v7;
	v15 =	vadd.s32 $0x49, v7;
	v18 =	vadd.f32 $1.000000000e+00, v18;
	[tilespmem:v25+s14+$0x0] =	vst.idx.msk $0xffff, v27  }
0xa7: {  	v21 =	vadd.s32 $0x3A, v7;
	v25 =	vmul.f32 v26, v29;
	[tilespmem:v19+s14+$0x0] =	vst.idx.msk $0xffff, v17;
	v22 =	vadd.f32 v17, v17  }
0xa8: {  	v23 =	vmul.f32 v23, v28;
	v19 =	vmul.f32 v27, v26;
	[tilespmem:v13+s14+$0x0] =	vst.idx.msk $0xffff, v18;
	v13 =	vadd.s32 $0x3D, v7  }
0xa9: {  	_ =	sdelay $0x3  }
0xaa: {  	v25 =	vsub.f32 $1.000000000e+00, v25;
	v60 =	vadd.s32 $0x3E, v7;
	[tilespmem:v24+s14+$0x0] =	vst.idx.msk $0xffff, v23  }
0xab: {  	v17 =	vmul.f32 v22, v17;
	v61 =	vadd.s32 $0x3F, v7;
	v26 =	vadd.f32 v23, v23;
	[tilespmem:v20+s14+$0x0] =	vst.idx.msk $0xffff, v16  }
0xac: {  	v18 =	vmul.f32 v18, v22;
	v62 =	vadd.s32 $0x42, v7;
	v63 =	vadd.s32 $0x40, v9;
	[tilespmem:v21+s14+$0x0] =	vst.idx.msk $0xffff, v19  }
0xad: {  	v27 =	vadd.f32 v19, v19;
	v17 =	vsub.f32 $1.000000000e+00, v17;
	v23 =	vmul.f32 v26, v23;
	[tilespmem:v13+s14+$0x0] =	vst.idx.msk $0xffff, v25  }
0xae: {  	v32 =	vadd.s32 $0x43, v7;
	v34 =	vadd.s32 $0x41, v7;
	v30 =	vmul.f32 v16, v26;
	[tilespmem:v12+s14+$0x0] =	vst.idx.msk $0xffff, v18  }
0xaf: {  	v33 =	vadd.f32 v18, v18;
	v31 =	vmul.f32 v27, v19;
	v23 =	vsub.f32 $1.000000000e+00, v23;
	[tilespmem:v60+s14+$0x0] =	vst.idx.msk $0xffff, v17  }
0xb0: {  	v35 =	vadd.s32 $0x45, v7;
	v36 =	vadd.s32 $0x44, v7;
	v25 =	vmul.f32 v25, v27;
	[tilespmem:v61+s14+$0x0] =	vst.idx.msk $0xffff, v30  }
0xb1: {  	v37 =	vadd.f32 v30, v30;
	v18 =	vmul.f32 v33, v18;
	v16 =	vsub.f32 $1.000000000e+00, v31;
	[tilespmem:v62+s14+$0x0] =	vst.idx.msk $0xffff, v23  }
0xb2: {  	v38 =	vadd.s32 $0x46, v7;
	v39 =	vadd.s32 $0x48, v9;
	v17 =	vmul.f32 v17, v33;
	[tilespmem:v63+s14+$0x0] =	vst.idx.msk $0xffff, v25  }
0xb3: {  	v40 =	vadd.f32 v25, v25;
	v13 =	vmul.f32 v37, v30;
	v18 =	vsub.f32 $1.000000000e+00, v18;
	[tilespmem:v32+s14+$0x0] =	vst.idx.msk $0xffff, v16  }
0xb4: {  	v23 =	vmul.f32 v23, v37;
	[tilespmem:v34+s14+$0x0] =	vst.idx.msk $0xffff, v17  }
0xb5: {  	v41 =	vadd.f32 v17, v17;
	v42 =	vmul.f32 v40, v25;
	v13 =	vsub.f32 $1.000000000e+00, v13;
	[tilespmem:v36+s14+$0x0] =	vst.idx.msk $0xffff, v18  }
0xb6: {  	v43 =	vadd.s32 $0x4A, v7;
	v46 =	vadd.s32 $0x4B, v7;
	v16 =	vmul.f32 v16, v40;
	[tilespmem:v35+s14+$0x0] =	vst.idx.msk $0xffff, v23  }
0xb7: {  	v44 =	vsub.f32 $1.000000000e+00, v42;
	v45 =	vadd.f32 v23, v23;
	v17 =	vmul.f32 v41, v17;
	[tilespmem:v39+s14+$0x0] =	vst.idx.msk $0xffff, v13  }
0xb8: {  	v49 =	vadd.s32 $0x4C, v7;
	v12 =	vmul.f32 v18, v41;
	[tilespmem:v38+s14+$0x0] =	vst.idx.msk $0xffff, v16  }
0xb9: {  	v47 =	vadd.f32 v16, v16;
	v48 =	vmul.f32 v45, v23;
	v17 =	vsub.f32 $1.000000000e+00, v17;
	[tilespmem:v15+s14+$0x0] =	vst.idx.msk $0xffff, v44  }
0xba: {  	v50 =	vadd.s32 $0x4F, v7;
	v13 =	vmul.f32 v13, v45;
	[tilespmem:v14+s14+$0x0] =	vst.idx.msk $0xffff, v12  }
0xbb: {  	v52 =	vadd.f32 v12, v12;
	v51 =	vsub.f32 $1.000000000e+00, v48;
	v16 =	vmul.f32 v47, v16;
	[tilespmem:v43+s14+$0x0] =	vst.idx.msk $0xffff, v17  }
0xbc: {  	v54 =	vadd.s32 $0x50, v9;
	v55 =	vadd.s32 $0x51, v7;
	v18 =	vmul.f32 v44, v47;
	[tilespmem:v46+s14+$0x0] =	vst.idx.msk $0xffff, v13  }
0xbd: {  	v53 =	vadd.f32 v13, v13;
	v16 =	vsub.f32 $1.000000000e+00, v16;
	v12 =	vmul.f32 v52, v12;
	[tilespmem:v11+s14+$0x0] =	vst.idx.msk $0xffff, v51  }
0xbe: {  	v57 =	vadd.s32 $0x54, v7;
	v17 =	vmul.f32 v17, v52;
	[tilespmem:v49+s14+$0x0] =	vst.idx.msk $0xffff, v18  }
0xbf: {  	v56 =	vadd.f32 v18, v18;
	v13 =	vmul.f32 v53, v13;
	v12 =	vsub.f32 $1.000000000e+00, v12;
	[tilespmem:v50+s14+$0x0] =	vst.idx.msk $0xffff, v16  }
0xc0: {  	v59 =	vadd.s32 $0x55, v7;
	v61 =	vadd.s32 $0x53, v7;
	v58 =	vmul.f32 v51, v53;
	[tilespmem:v10+s14+$0x0] =	vst.idx.msk $0xffff, v17  }
0xc1: {  	v60 =	vadd.f32 v17, v17;
	v18 =	vmul.f32 v56, v18;
	v13 =	vsub.f32 $1.000000000e+00, v13;
	[tilespmem:v54+s14+$0x0] =	vst.idx.msk $0xffff, v12  }
0xc2: {  	v7 =	vadd.s32 $0x56, v7;
	v11 =	vmul.f32 v16, v56;
	[tilespmem:v55+s14+$0x0] =	vst.idx.msk $0xffff, v58  }
0xc3: {  	v62 =	vmul.f32 v60, v17;
	v63 =	vsub.f32 $1.000000000e+00, v18;
	[tilespmem:v57+s14+$0x0] =	vst.idx.msk $0xffff, v13  }
0xc4: {  	v12 =	vmul.f32 v12, v60;
	[tilespmem:v8+s14+$0x0] =	vst.idx.msk $0xffff, v11  }
0xc5: {  	v8 =	vsub.f32 $1.000000000e+00, v62;
	[tilespmem:v59+s14+$0x0] =	vst.idx.msk $0xffff, v63  }
0xc6: {  	[tilespmem:v61+s14+$0x0] =	vst.idx.msk $0xffff, v12  }
0xc7: {  	s0 =	simm.s32 $0x360;
	s2 =	simm.s32 $0x1B60;
	s31 =	simm.s32 $0x0;
	[tilespmem:v7+s14+$0x0] =	vst.idx.msk $0xffff, v8  }
0xc8: {  	[tilespmem:s2], [sflag:$0x1] =	stream.indirect.gather [hbm4b:s5+s15], $0x10, s0, s15, $0xb8;
	[tilespmem:$0x13260] =	vst v63  }
.LBB2_4:
0xc9: {  	s2 =	sshll.u32 s31, $0x8  }
0xca: {  	p0 =	seq.s32 s31, $0x0;
	s0 =	sor.u32 s11, s2  }
0xcb: {  	v7 =	vor.u32 s30, v0;
	s6 =	simm.s32 @!p0 $0x4;
	s8 =	smul.u32 $0x3, s0  }
0xcc: {  	v8 =	vmul.u32 $0x3, v7;
	_ =	swait.ge @!p0 [sflag:s6], $0x2B80  }
0xcd: {  	[sflag:s6] =	ssyncset.done @!p0 $0x0;
	s8 =	sshrl.u32 s8, $0x3  }
0xce: {  	v9 =	vadd.s32 $0x1, v8;
	[sflag:s6] =	ssyncadd.s32 @!p0 $0xFFFFD480;
	s29 =	sadd.s32 s4, s8  }
0xcf: {  	[tilespmem:s18], [sflag:$0x5] =	stream.linear.gather [hbm4b:s29+s30], $0x180, $0x38;
	[tilespmem:$0x13260] =	vst v63  }
0xd0: {  	v10 =	vadd.s32 $0x2, v8;
	_ =	swait.ge [sflag:s13], $0x180  }
0xd1: {  	[sflag:s13] =	ssyncset.done $0x0  }
0xd2: {  	[sflag:s13] =	ssyncadd.s32 $0xFFFFFE80  }
0xd3: {  	v9 =	vld.idx.msk [tilespmem:v9+s18+$0x0], $0xffff  }
0xd4: {  	v8 =	vld.idx.msk [tilespmem:v8+s18+$0x0], $0xffff  }
0xd5: {  	v10 =	vld.idx.msk [tilespmem:v10+s18+$0x0], $0xffff;
	_ =	sdelay $0x3  }
0xd6: {  	v7 =	vmul.u32 $0x57, v7;
	v11 =	vsub.f32 v9, v2  }
0xd7: {  	v15 =	vsub.f32 v8, v1;
	v16 =	vsub.f32 v10, v3  }
0xd8: {  	v12 =	vadd.s32 $0x3B, v7;
	v14 =	vadd.s32 $0x32, v7;
	v13 =	vmul.f32 v11, v5  }
0xd9: {  	v19 =	vadd.s32 $0x31, v7;
	v15 =	vmul.f32 v15, v4;
	v16 =	vmul.f32 v16, v6  }
0xda: {  	v62 =	vadd.s32 $0x35, v7;
	v9 =	vand.u32 $0x3FFF, v7;
	v8 =	vadd.s32 $0x52, v7  }
0xdb: {  	v17 =	vmax.f32 v13, $0.0e+00;
	v15 =	vmax.f32 v15, $0.0e+00;
	v16 =	vmax.f32 v16, $0.0e+00  }
0xdc: {  	v17 =	vmin.f32 v17, $1.000000000e+00;
	v15 =	vmin.f32 v15, $1.000000000e+00;
	v16 =	vmin.f32 v16, $1.000000000e+00  }
0xdd: {  	v18 =	vmul.f32 $5.110000000e+02, v17;
	v17 =	vadd.f32 v17, v17;
	v22 =	vmul.f32 $5.110000000e+02, v15  }
0xde: {  	v23 =	vmul.f32 $5.110000000e+02, v16;
	v15 =	vadd.f32 v15, v15;
	v16 =	vadd.f32 v16, v16  }
0xdf: {  	v21 =	vtrunc.f32 v18;
	v17 =	vadd.f32 $-1.000000000e+00, v17;
	v24 =	vtrunc.f32 v22  }
0xe0: {  	v25 =	vtrunc.f32 v23;
	v15 =	vadd.f32 $-1.000000000e+00, v15;
	v21 =	vcvt.f32.s32 v21  }
0xe1: {  	v29 =	vadd.f32 $-1.000000000e+00, v16;
	v25 =	vcvt.f32.s32 v25;
	v24 =	vcvt.f32.s32 v24  }
0xe2: {  	v10 =	vadd.s32 $0x4D, v7;
	v16 =	vmul.f32 v15, v15;
	v34 =	vmul.f32 v17, v17  }
0xe3: {  	v20 =	vadd.s32 $0x30, v9;
	v39 =	vmul.f32 v29, v29;
	v26 =	vcvt.s32.f32 v21  }
0xe4: {  	v27 =	vshll.u32 v21, $0x9;
	v28 =	vadd.s32 $0x1, v21;
	v30 =	vadd.s32 $0x1, v25  }
0xe5: {  	v21 =	vadd.s32 $0x40000, v21;
	v32 =	vcvt.s32.f32 v24;
	v33 =	vadd.s32 $0x1, v24  }
0xe6: {  	v38 =	vcvt.s32.f32 v25;
	v25 =	vshll.u32 v25, $0x9;
	v54 =	vadd.s32 $0x80000, v24  }
0xe7: {  	vm0 =	vlt.s32 v28, $0x1FF;
	vm1 =	vlt.s32 v30, $0x1FF;
	v31 =	vmul.f32 $2.755732000e-07, v16  }
0xe8: {  	vm15 =	vlt.s32 v33, $0x1FF;
	v53 =	vmul.f32 $2.755731880e-06, v16;
	v37 =	vmul.f32 $2.755732000e-07, v34  }
0xe9: {  	v41 =	vmul.f32 $2.755731880e-06, v34;
	v42 =	vmul.f32 $2.755731880e-06, v39;
	v43 =	vadd.s32 v25, v21  }
0xea: {  	v55 =	vadd.s32 v25, v54;
	v57 =	vmul.f32 $2.755732000e-07, v39;
	v30 =	vnsel vm1, $0x1FF, v30  }
0xeb: {  	v18 =	vsub.f32 v18, v26;
	v26 =	vnsel vm0, $0x1FF, v28;
	v52 =	vnsel vm15, $0x1FF, v33  }
0xec: {  	s12 =	simm.s32 $0xEE0;
	v23 =	vsub.f32 v23, v38;
	v22 =	vsub.f32 v22, v32;
	v30 =	vshll.u32 v30, $0x9  }
0xed: {  	[tilespmem:s12+$0xFFFFFC80] =	vst v43;
	v31 =	vsub.f32 $2.480158760e-05, v31;
	v35 =	vadd.s32 v52, v27;
	v36 =	vshll.u32 v26, $0x9  }
0xee: {  	[tilespmem:s12+$0xFFFFFE80] =	vst v55;
	v27 =	vadd.s32 v24, v27;
	v33 =	vadd.f32 $-1.984127010e-04, v53;
	v37 =	vsub.f32 $2.480158760e-05, v37  }
0xef: {  	v26 =	vadd.s32 $0x40000, v26;
	v41 =	vadd.f32 $-1.984127010e-04, v41;
	v58 =	vadd.s32 $0x80000, v52;
	[tilespmem:s12+$0xFFFFFA80] =	vst v27  }
0xf0: {  	v59 =	vadd.f32 $-1.984127010e-04, v42;
	v40 =	vadd.s32 v25, v26;
	v26 =	vadd.s32 v30, v26;
	[tilespmem:s12+$0xFFFFFB00] =	vst v35  }
0xf1: {  	v21 =	vadd.s32 v30, v21;
	v35 =	vsub.f32 $2.480158760e-05, v57;
	v25 =	vadd.s32 v25, v58;
	[tilespmem:s12+$0xFFFFFD00] =	vst v40  }
0xf2: {  	v24 =	vadd.s32 v24, v36;
	v37 =	vmul.f32 v37, v34;
	v33 =	vmul.f32 v33, v16;
	[tilespmem:s12+$0xFFFFFE00] =	vst v26  }
0xf3: {  	v60 =	vadd.s32 v30, v54;
	v31 =	vmul.f32 v31, v16;
	v26 =	vmul.f32 v41, v34;
	[tilespmem:s12+$0xFFFFFD80] =	vst v21  }
0xf4: {  	v30 =	vadd.s32 v30, v58;
	[tilespmem:s12+$0xFFFFFF00] =	vst v25;
	v37 =	vadd.f32 $-1.388888920e-03, v37;
	v27 =	vadd.f32 $8.333333770e-03, v33  }
0xf5: {  	v25 =	vmul.f32 v59, v39;
	[tilespmem:s12+$0xFFFFFB80] =	vst v24;
	v31 =	vadd.f32 $-1.388888920e-03, v31;
	v26 =	vadd.f32 $8.333333770e-03, v26  }
0xf6: {  	v28 =	vadd.s32 v52, v36;
	[tilespmem:s12+$0xFFFFFF80] =	vst v60;
	v37 =	vmul.f32 v37, v34;
	v27 =	vmul.f32 v27, v16  }
0xf7: {  	[tilespmem:s12+$0x0] =	vst v30;
	v25 =	vadd.f32 $8.333333770e-03, v25;
	v31 =	vmul.f32 v31, v16;
	v26 =	vmul.f32 v26, v34  }
0xf8: {  	s6 =	simm.s32 $0x1660;
	[tilespmem:s12+$0xFFFFFC00] =	vst v28;
	v56 =	vadd.f32 $4.166666790e-02, v37;
	v21 =	vadd.f32 $-1.666666720e-01, v27;
	v27 =	vmul.f32 v35, v39  }
0xf9: {  	[tilespmem:s6+$0x0] =	vst v23;
	v25 =	vmul.f32 v25, v39;
	v31 =	vadd.f32 $4.166666790e-02, v31;
	v23 =	vadd.f32 $-1.666666720e-01, v26  }
0xfa: {  	[tilespmem:s6+$0xFFFFFF80] =	vst v18;
	v33 =	vmul.f32 v56, v34;
	v21 =	vmul.f32 v21, v16;
	v27 =	vadd.f32 $-1.388888920e-03, v27  }
0xfb: {  	[tilespmem:s6+$0xFFFFFF00] =	vst v22;
	v18 =	vadd.f32 $-1.666666720e-01, v25;
	v31 =	vmul.f32 v31, v16;
	v22 =	vmul.f32 v23, v34  }
0xfc: {  	[tilespmem:v20+s19+$0x0] =	vst.idx.msk $0xffff, v15;
	v24 =	vadd.f32 $-5.000000000e-01, v33;
	v21 =	vadd.f32 $1.000000000e+00, v21;
	v27 =	vmul.f32 v27, v39  }
0xfd: {  	[tilespmem:v19+s19+$0x0] =	vst.idx.msk $0xffff, v17;
	v26 =	vadd.s32 $0x33, v7;
	v31 =	vadd.f32 $-5.000000000e-01, v31;
	v19 =	vadd.f32 $1.000000000e+00, v22  }
0xfe: {  	v24 =	vmul.f32 v24, v34;
	v21 =	vmul.f32 v21, v15;
	v25 =	vadd.f32 $4.166666790e-02, v27  }
0xff: {  	v23 =	vadd.s32 $0x36, v7;
	v16 =	vmul.f32 v31, v16;
	v15 =	vmul.f32 v18, v39  }
0x100: {  	v20 =	vadd.s32 $0x34, v7;
	v19 =	vmul.f32 v19, v17;
	v18 =	vmul.f32 v25, v39  }
0x101: {  	v27 =	vadd.f32 v21, v21;
	v25 =	vadd.s32 $0x37, v7;
	v61 =	vadd.f32 $1.000000000e+00, v16  }
0x102: {  	v11 =	vadd.s32 $0x4E, v7;
	[tilespmem:v14+s19+$0x0] =	vst.idx.msk $0xffff, v29;
	v15 =	vadd.f32 $1.000000000e+00, v15;
	v14 =	vadd.f32 $-5.000000000e-01, v18  }
0x103: {  	v13 =	vadd.s32 $0x38, v9;
	[tilespmem:v26+s19+$0x0] =	vst.idx.msk $0xffff, v21;
	v26 =	vadd.f32 $1.000000000e+00, v24;
	v63 =	vadd.f32 v19, v19  }
0x104: {  	v24 =	vadd.s32 $0x39, v7;
	v22 =	vmul.f32 v27, v21;
	[tilespmem:v23+s19+$0x0] =	vst.idx.msk $0xffff, v61;
	v18 =	vmul.f32 v14, v39  }
0x105: {  	v17 =	vmul.f32 v15, v29;
	v15 =	vadd.s32 $0x49, v7;
	v21 =	vadd.s32 $0x3A, v7;
	[tilespmem:v20+s19+$0x0] =	vst.idx.msk $0xffff, v19  }
0x106: {  	v23 =	vmul.f32 v61, v27;
	v20 =	vadd.s32 $0x3C, v7;
	[tilespmem:v25+s19+$0x0] =	vst.idx.msk $0xffff, v26;
	v18 =	vadd.f32 $1.000000000e+00, v18  }
0x107: {  	v16 =	vsub.f32 $1.000000000e+00, v22;
	v14 =	vadd.s32 $0x47, v7;
	v25 =	vmul.f32 v63, v19;
	[tilespmem:v62+s19+$0x0] =	vst.idx.msk $0xffff, v17  }
0x108: {  	s8 =	simm.s32 $0x10;
	v22 =	vadd.f32 v17, v17;
	v19 =	vmul.f32 v26, v63;
	[tilespmem:v13+s19+$0x0] =	vst.idx.msk $0xffff, v18;
	v13 =	vadd.s32 $0x3D, v7  }
.LBB2_5:
0x109: {  	p0 =	sne.s32 s8, $0x70;
	v25 =	vsub.f32 $1.000000000e+00, v25;
	v26 =	vadd.s32 $0x45, v7;
	v27 =	vadd.s32 $0x46, v7;
	s12 =	sadd.s32 $0x10, s12;
	s6 =	sadd.s32 $0x10, s6  }
0x10a: {  	v29 =	vadd.s32 $0x3E, v7;
	s10 =	smov.u32 s8;
	s8 =	sadd.s32 $0x10, s8;
	[tilespmem:v24+s19+$0x0] =	vst.idx.msk $0xffff, v23;
	v24 =	vadd.f32 v23, v23;
	v28 =	vadd.f32 v19, v19  }
0x10b: {  	v17 =	vmul.f32 v22, v17;
	v30 =	vadd.s32 $0x40, v9;
	[tilespmem:v20+s19+$0x0] =	vst.idx.msk $0xffff, v16;
	v20 =	vadd.s32 $0x3F, v7  }
0x10c: {  	v18 =	vmul.f32 v18, v22;
	v22 =	vmul.f32 v24, v23;
	[tilespmem:v21+s19+$0x0] =	vst.idx.msk $0xffff, v19;
	v21 =	vadd.s32 $0x42, v7  }
0x10d: {  	v17 =	vsub.f32 $1.000000000e+00, v17;
	v16 =	vmul.f32 v16, v24;
	[tilespmem:v13+s19+$0x0] =	vst.idx.msk $0xffff, v25;
	v13 =	vmul.f32 v28, v19  }
0x10e: {  	v23 =	vadd.s32 $0x43, v7;
	v19 =	vmul.f32 v25, v28;
	[tilespmem:v12+s19+$0x0] =	vst.idx.msk $0xffff, v18;
	v12 =	vadd.f32 v18, v18  }
0x10f: {  	v25 =	vadd.s32 $0x41, v7;
	v22 =	vsub.f32 $1.000000000e+00, v22;
	v24 =	vadd.f32 v16, v16;
	[tilespmem:v29+s19+$0x0] =	vst.idx.msk $0xffff, v17  }
0x110: {  	v17 =	vmul.f32 v17, v12;
	v12 =	vmul.f32 v12, v18;
	[tilespmem:v20+s19+$0x0] =	vst.idx.msk $0xffff, v16;
	v18 =	vadd.s32 $0x44, v7  }
0x111: {  	v13 =	vsub.f32 $1.000000000e+00, v13;
	v16 =	vmul.f32 v24, v16;
	v20 =	vadd.f32 v19, v19;
	[tilespmem:v21+s19+$0x0] =	vst.idx.msk $0xffff, v22  }
0x112: {  	v29 =	vadd.s32 $0x48, v9;
	v21 =	vor.u32 s10, v0;
	[tilespmem:v30+s19+$0x0] =	vst.idx.msk $0xffff, v19;
	v28 =	vadd.f32 v17, v17  }
0x113: {  	v30 =	vmul.u32 $0x3, v21;
	v12 =	vsub.f32 $1.000000000e+00, v12;
	v19 =	vmul.f32 v20, v19;
	[tilespmem:v23+s19+$0x0] =	vst.idx.msk $0xffff, v13  }
0x114: {  	v22 =	vmul.f32 v22, v24;
	v16 =	vsub.f32 $1.000000000e+00, v16;
	[tilespmem:v25+s19+$0x0] =	vst.idx.msk $0xffff, v17;
	v17 =	vmul.f32 v28, v17  }
0x115: {  	v23 =	vadd.s32 $0x1, v30;
	v24 =	vadd.s32 $0x2, v30;
	[tilespmem:v18+s19+$0x0] =	vst.idx.msk $0xffff, v12;
	v18 =	vmul.f32 v12, v28  }
0x116: {  	v21 =	vmul.u32 $0x57, v21;
	v13 =	vmul.f32 v13, v20;
	v20 =	vadd.s32 $0x4A, v7;
	[tilespmem:v26+s19+$0x0] =	vst.idx.msk $0xffff, v22  }
0x117: {  	v19 =	vsub.f32 $1.000000000e+00, v19;
	v25 =	vadd.f32 v22, v22;
	v26 =	vadd.s32 $0x4B, v7;
	[tilespmem:v29+s19+$0x0] =	vst.idx.msk $0xffff, v16  }
0x118: {  	v28 =	vand.u32 $0x3FFF, v21;
	v12 =	vadd.s32 $0x3B, v21;
	[tilespmem:v27+s19+$0x0] =	vst.idx.msk $0xffff, v13;
	v27 =	vadd.f32 v13, v13  }
0x119: {  	v17 =	vsub.f32 $1.000000000e+00, v17;
	v22 =	vmul.f32 v25, v22;
	[tilespmem:v15+s19+$0x0] =	vst.idx.msk $0xffff, v19;
	v15 =	vadd.s32 $0x4C, v7  }
0x11a: {  	v16 =	vmul.f32 v16, v25;
	v13 =	vmul.f32 v27, v13;
	[tilespmem:v14+s19+$0x0] =	vst.idx.msk $0xffff, v18;
	v14 =	vadd.s32 $0x4F, v7  }
0x11b: {  	v22 =	vsub.f32 $1.000000000e+00, v22;
	v19 =	vmul.f32 v19, v27;
	[tilespmem:v20+s19+$0x0] =	vst.idx.msk $0xffff, v17;
	v20 =	vadd.f32 v18, v18  }
0x11c: {  	v25 =	vadd.f32 v16, v16;
	v27 =	vadd.s32 $0x51, v7;
	[tilespmem:v26+s19+$0x0] =	vst.idx.msk $0xffff, v16;
	v26 =	vadd.s32 $0x50, v9;
	v9 =	vmovc v28  }
0x11d: {  	v13 =	vsub.f32 $1.000000000e+00, v13;
	v18 =	vmul.f32 v20, v18;
	[tilespmem:v11+s19+$0x0] =	vst.idx.msk $0xffff, v22;
	v11 =	vadd.f32 v19, v19  }
0x11e: {  	v16 =	vmul.f32 v25, v16;
	v17 =	vmul.f32 v17, v20;
	[tilespmem:v15+s19+$0x0] =	vst.idx.msk $0xffff, v19;
	v15 =	vadd.s32 $0x54, v7  }
0x11f: {  	v20 =	vmul.f32 v22, v25;
	v18 =	vsub.f32 $1.000000000e+00, v18;
	[tilespmem:v14+s19+$0x0] =	vst.idx.msk $0xffff, v13;
	v14 =	vmul.f32 v11, v19  }
0x120: {  	v11 =	vmul.f32 v13, v11;
	v13 =	vadd.s32 $0x55, v7;
	[tilespmem:v10+s19+$0x0] =	vst.idx.msk $0xffff, v17;
	v10 =	vadd.f32 v17, v17  }
0x121: {  	v16 =	vsub.f32 $1.000000000e+00, v16;
	v19 =	vadd.s32 $0x53, v7;
	[tilespmem:v26+s19+$0x0] =	vst.idx.msk $0xffff, v18  }
0x122: {  	v18 =	vmul.f32 v18, v10;
	v10 =	vmul.f32 v10, v17;
	[tilespmem:v27+s19+$0x0] =	vst.idx.msk $0xffff, v20;
	v17 =	vadd.s32 $0x56, v7  }
0x123: {  	v14 =	vsub.f32 $1.000000000e+00, v14;
	v7 =	vmov v21;
	[tilespmem:v15+s19+$0x0] =	vst.idx.msk $0xffff, v16  }
0x124: {  	[tilespmem:v8+s19+$0x0] =	vst.idx.msk $0xffff, v11  }
0x125: {  	v8 =	vsub.f32 $1.000000000e+00, v10;
	[tilespmem:v13+s19+$0x0] =	vst.idx.msk $0xffff, v14  }
0x126: {  	[tilespmem:v19+s19+$0x0] =	vst.idx.msk $0xffff, v18  }
0x127: {  	[tilespmem:v17+s19+$0x0] =	vst.idx.msk $0xffff, v8  }
0x128: {  	v8 =	vld.idx.msk [tilespmem:v23+s18+$0x0], $0xffff;
	_ =	sdelay $0x1  }
0x129: {  	v10 =	vld.idx.msk [tilespmem:v30+s18+$0x0], $0xffff  }
0x12a: {  	v11 =	vld.idx.msk [tilespmem:v24+s18+$0x0], $0xffff;
	_ =	sdelay $0x2  }
0x12b: {  	v8 =	vsub.f32 v8, v2;
	_ =	sdelay $0x1  }
0x12c: {  	v15 =	vsub.f32 v10, v1;
	v13 =	vmul.f32 v8, v5;
	v8 =	vadd.s32 $0x52, v7  }
0x12d: {  	v10 =	vadd.s32 $0x4D, v7;
	v16 =	vsub.f32 v11, v3;
	v11 =	vadd.s32 $0x4E, v7  }
0x12e: {  	v14 =	vadd.s32 $0x32, v7;
	v17 =	vmax.f32 v13, $0.0e+00;
	v13 =	vadd.s32 $0x38, v9  }
0x12f: {  	v18 =	vmul.f32 v15, v4;
	v15 =	vmin.f32 v17, $1.000000000e+00;
	v16 =	vmul.f32 v16, v6  }
0x130: {  	v20 =	vmul.f32 $5.110000000e+02, v15;
	v17 =	vadd.f32 v15, v15;
	v15 =	vadd.s32 $0x31, v7  }
0x131: {  	v19 =	vmax.f32 v18, $0.0e+00;
	v18 =	vadd.s32 $0x30, v9;
	v16 =	vmax.f32 v16, $0.0e+00  }
0x132: {  	v19 =	vmin.f32 v19, $1.000000000e+00;
	v21 =	vmin.f32 v16, $1.000000000e+00;
	v16 =	vtrunc.f32 v20  }
0x133: {  	v22 =	vmul.f32 $5.110000000e+02, v19;
	v19 =	vadd.f32 v19, v19;
	v23 =	vmul.f32 $5.110000000e+02, v21  }
0x134: {  	v24 =	vcvt.f32.s32 v16;
	v16 =	vadd.f32 $-1.000000000e+00, v17;
	v17 =	vadd.f32 v21, v21  }
0x135: {  	v21 =	vtrunc.f32 v22;
	v19 =	vadd.f32 $-1.000000000e+00, v19;
	v25 =	vtrunc.f32 v23  }
0x136: {  	v26 =	vcvt.s32.f32 v24;
	v27 =	vshll.u32 v24, $0x9;
	v25 =	vcvt.f32.s32 v25  }
0x137: {  	v28 =	vadd.s32 $0x1, v24;
	v17 =	vadd.f32 $-1.000000000e+00, v17;
	v29 =	vmul.f32 v19, v19  }
0x138: {  	v21 =	vcvt.f32.s32 v21;
	vm0 =	vlt.s32 v28, $0x1FF;
	v30 =	vadd.s32 $0x1, v25  }
0x139: {  	v24 =	vadd.s32 $0x40000, v24;
	v31 =	vmul.f32 $2.755732000e-07, v29;
	vm1 =	vlt.s32 v30, $0x1FF  }
0x13a: {  	v32 =	vcvt.s32.f32 v21;
	v33 =	vadd.s32 $0x1, v21;
	v30 =	vnsel vm1, $0x1FF, v30  }
0x13b: {  	v34 =	vmul.f32 v16, v16;
	v31 =	vsub.f32 $2.480158760e-05, v31;
	v30 =	vshll.u32 v30, $0x9  }
0x13c: {  	v20 =	vsub.f32 v20, v26;
	v26 =	vnsel vm0, $0x1FF, v28;
	vm1 =	vlt.s32 v33, $0x1FF  }
0x13d: {  	v28 =	vnsel vm1, $0x1FF, v33;
	v33 =	vmul.f32 $2.755731880e-06, v29;
	v31 =	vmul.f32 v31, v29  }
0x13e: {  	v37 =	vmul.f32 $2.755732000e-07, v34;
	v36 =	vshll.u32 v26, $0x9;
	v35 =	vadd.s32 v28, v27  }
0x13f: {  	v27 =	vadd.s32 v21, v27;
	v33 =	vadd.f32 $-1.984127010e-04, v33;
	v31 =	vadd.f32 $-1.388888920e-03, v31  }
0x140: {  	v38 =	vcvt.s32.f32 v25;
	v25 =	vshll.u32 v25, $0x9;
	v37 =	vsub.f32 $2.480158760e-05, v37  }
0x141: {  	v39 =	vmul.f32 v17, v17;
	v26 =	vadd.s32 $0x40000, v26;
	v31 =	vmul.f32 v31, v29  }
0x142: {  	v41 =	vmul.f32 $2.755731880e-06, v34;
	v40 =	vadd.s32 v25, v26;
	v37 =	vmul.f32 v37, v34  }
0x143: {  	v26 =	vadd.s32 v30, v26;
	v31 =	vadd.f32 $4.166666790e-02, v31;
	[tilespmem:s12+$0xFFFFFD00] =	vst v40;
	v40 =	vmul.f32 $2.755731880e-06, v39  }
0x144: {  	v42 =	vadd.s32 v25, v24;
	v41 =	vadd.f32 $-1.984127010e-04, v41;
	v37 =	vadd.f32 $-1.388888920e-03, v37  }
0x145: {  	v43 =	vadd.s32 $0x80000, v21;
	v31 =	vmul.f32 v31, v29;
	[tilespmem:s12+$0xFFFFFE00] =	vst v26;
	v26 =	vmul.f32 v33, v29  }
0x146: {  	v24 =	vadd.s32 v30, v24;
	v37 =	vmul.f32 v37, v34;
	v33 =	vmul.f32 v41, v34  }
0x147: {  	v41 =	vadd.s32 v25, v43;
	[tilespmem:s12+$0xFFFFFA80] =	vst v27;
	v26 =	vadd.f32 $8.333333770e-03, v26;
	v27 =	vadd.f32 $-5.000000000e-01, v31  }
0x148: {  	v23 =	vsub.f32 v23, v38;
	v31 =	vadd.f32 $4.166666790e-02, v37;
	[tilespmem:s12+$0xFFFFFB00] =	vst v35;
	v35 =	vmul.f32 $2.755732000e-07, v39  }
0x149: {  	v37 =	vadd.s32 $0x80000, v28;
	v33 =	vadd.f32 $8.333333770e-03, v33;
	[tilespmem:s12+$0xFFFFFC80] =	vst v42;
	v26 =	vmul.f32 v26, v29  }
0x14a: {  	v38 =	vadd.f32 $-1.984127010e-04, v40;
	v31 =	vmul.f32 v31, v34;
	[tilespmem:s12+$0xFFFFFE80] =	vst v41;
	v35 =	vsub.f32 $2.480158760e-05, v35  }
0x14b: {  	v25 =	vadd.s32 v25, v37;
	[tilespmem:s12+$0xFFFFFD80] =	vst v24;
	v24 =	vadd.f32 $-1.666666720e-01, v26;
	v26 =	vmul.f32 v33, v34  }
0x14c: {  	v21 =	vadd.s32 v21, v36;
	[tilespmem:s12+$0xFFFFFF00] =	vst v25;
	v25 =	vmul.f32 v38, v39;
	v33 =	vmul.f32 v35, v39  }
0x14d: {  	v35 =	vadd.s32 v30, v43;
	[tilespmem:s12+$0xFFFFFB80] =	vst v21;
	v21 =	vmul.f32 v24, v29;
	v24 =	vadd.f32 $-5.000000000e-01, v31  }
0x14e: {  	v30 =	vadd.s32 v30, v37;
	[tilespmem:s12+$0xFFFFFF80] =	vst v35;
	v25 =	vadd.f32 $8.333333770e-03, v25;
	v31 =	vadd.f32 $-1.388888920e-03, v33  }
0x14f: {  	v28 =	vadd.s32 v28, v36;
	[tilespmem:s12+$0x0] =	vst v30;
	v21 =	vadd.f32 $1.000000000e+00, v21;
	v24 =	vmul.f32 v24, v34  }
0x150: {  	v22 =	vsub.f32 v22, v32;
	[tilespmem:s12+$0xFFFFFC00] =	vst v28;
	v25 =	vmul.f32 v25, v39;
	v28 =	vmul.f32 v31, v39  }
0x151: {  	v26 =	vadd.f32 $-1.666666720e-01, v26;
	[tilespmem:s6+$0x0] =	vst v23;
	v21 =	vmul.f32 v21, v19;
	v23 =	vmul.f32 v27, v29  }
0x152: {  	v27 =	vadd.s32 $0x33, v7;
	[tilespmem:s6+$0xFFFFFF80] =	vst v20;
	v20 =	vadd.f32 $-1.666666720e-01, v25;
	v25 =	vadd.f32 $4.166666790e-02, v28  }
0x153: {  	[tilespmem:s6+$0xFFFFFF00] =	vst v22;
	v22 =	vmul.f32 v26, v34;
	v26 =	vadd.s32 $0x36, v7;
	v28 =	vadd.f32 v21, v21  }
0x154: {  	[tilespmem:v18+s19+$0x0] =	vst.idx.msk $0xffff, v19;
	v18 =	vmul.f32 v20, v39;
	v19 =	vmul.f32 v25, v39;
	v20 =	vadd.s32 $0x34, v7  }
0x155: {  	v25 =	vadd.s32 $0x37, v7;
	[tilespmem:v15+s19+$0x0] =	vst.idx.msk $0xffff, v16;
	v15 =	vadd.f32 $1.000000000e+00, v22;
	v22 =	vmul.f32 v28, v21  }
0x156: {  	v23 =	vadd.f32 $1.000000000e+00, v23;
	[tilespmem:v14+s19+$0x0] =	vst.idx.msk $0xffff, v17;
	v14 =	vadd.f32 $-5.000000000e-01, v19;
	v19 =	vadd.s32 $0x35, v7  }
0x157: {  	v29 =	vmul.f32 v15, v16;
	v15 =	vadd.f32 $1.000000000e+00, v18;
	[tilespmem:v27+s19+$0x0] =	vst.idx.msk $0xffff, v21;
	v16 =	vsub.f32 $1.000000000e+00, v22  }
.Ltmp1:
0x158: {  	v27 =	vadd.f32 $1.000000000e+00, v24;
	v18 =	vmul.f32 v14, v39;
	[tilespmem:v26+s19+$0x0] =	vst.idx.msk $0xffff, v23;
	v14 =	vadd.s32 $0x47, v7;
	(pc) =	sbr.rel @p0 .LBB2_5-.Ltmp1, $4  }
0x159: {  	v24 =	vadd.s32 $0x39, v7;
	v17 =	vmul.f32 v15, v17;
	[tilespmem:v20+s19+$0x0] =	vst.idx.msk $0xffff, v29;
	v26 =	vadd.f32 v29, v29  }
0x15a: {  	v20 =	vadd.s32 $0x3C, v7;
	v15 =	vadd.s32 $0x49, v7;
	v18 =	vadd.f32 $1.000000000e+00, v18;
	[tilespmem:v25+s19+$0x0] =	vst.idx.msk $0xffff, v27  }
0x15b: {  	v21 =	vadd.s32 $0x3A, v7;
	v25 =	vmul.f32 v26, v29;
	[tilespmem:v19+s19+$0x0] =	vst.idx.msk $0xffff, v17;
	v22 =	vadd.f32 v17, v17  }
0x15c: {  	v23 =	vmul.f32 v23, v28;
	v19 =	vmul.f32 v27, v26;
	[tilespmem:v13+s19+$0x0] =	vst.idx.msk $0xffff, v18;
	v13 =	vadd.s32 $0x3D, v7  }
0x15d: {  	_ =	sdelay $0x3  }
0x15e: {  	v25 =	vsub.f32 $1.000000000e+00, v25;
	v53 =	vadd.s32 $0x3E, v7;
	[tilespmem:v24+s19+$0x0] =	vst.idx.msk $0xffff, v23  }
0x15f: {  	v17 =	vmul.f32 v22, v17;
	v26 =	vadd.f32 v23, v23;
	[tilespmem:v20+s19+$0x0] =	vst.idx.msk $0xffff, v16;
	v20 =	vadd.s32 $0x3F, v7  }
0x160: {  	v18 =	vmul.f32 v18, v22;
	v22 =	vadd.s32 $0x40, v9;
	[tilespmem:v21+s19+$0x0] =	vst.idx.msk $0xffff, v19;
	v21 =	vadd.s32 $0x42, v7  }
0x161: {  	v27 =	vadd.f32 v19, v19;
	v17 =	vsub.f32 $1.000000000e+00, v17;
	v23 =	vmul.f32 v26, v23;
	[tilespmem:v13+s19+$0x0] =	vst.idx.msk $0xffff, v25  }
0x162: {  	v54 =	vadd.s32 $0x41, v7;
	v13 =	vmul.f32 v16, v26;
	[tilespmem:v12+s19+$0x0] =	vst.idx.msk $0xffff, v18;
	v12 =	vadd.s32 $0x43, v7  }
0x163: {  	v16 =	vmul.f32 v27, v19;
	v19 =	vadd.f32 v18, v18;
	v23 =	vsub.f32 $1.000000000e+00, v23;
	[tilespmem:v53+s19+$0x0] =	vst.idx.msk $0xffff, v17  }
0x164: {  	v55 =	vadd.s32 $0x45, v7;
	v25 =	vmul.f32 v25, v27;
	[tilespmem:v20+s19+$0x0] =	vst.idx.msk $0xffff, v13;
	v20 =	vadd.s32 $0x44, v7  }
0x165: {  	v56 =	vadd.f32 v13, v13;
	v18 =	vmul.f32 v19, v18;
	v16 =	vsub.f32 $1.000000000e+00, v16;
	[tilespmem:v21+s19+$0x0] =	vst.idx.msk $0xffff, v23  }
0x166: {  	v17 =	vmul.f32 v17, v19;
	v19 =	vadd.s32 $0x48, v9;
	v21 =	vadd.s32 $0x46, v7;
	[tilespmem:v22+s19+$0x0] =	vst.idx.msk $0xffff, v25  }
0x167: {  	v13 =	vmul.f32 v56, v13;
	v18 =	vsub.f32 $1.000000000e+00, v18;
	v22 =	vadd.f32 v25, v25;
	[tilespmem:v12+s19+$0x0] =	vst.idx.msk $0xffff, v16  }
0x168: {  	v23 =	vmul.f32 v23, v56;
	[tilespmem:v54+s19+$0x0] =	vst.idx.msk $0xffff, v17  }
0x169: {  	v12 =	vadd.f32 v17, v17;
	v13 =	vsub.f32 $1.000000000e+00, v13;
	v57 =	vmul.f32 v22, v25;
	[tilespmem:v20+s19+$0x0] =	vst.idx.msk $0xffff, v18  }
0x16a: {  	v58 =	vadd.s32 $0x4B, v7;
	v16 =	vmul.f32 v16, v22;
	v20 =	vadd.s32 $0x4A, v7;
	[tilespmem:v55+s19+$0x0] =	vst.idx.msk $0xffff, v23  }
0x16b: {  	v17 =	vmul.f32 v12, v17;
	v22 =	vsub.f32 $1.000000000e+00, v57;
	[tilespmem:v19+s19+$0x0] =	vst.idx.msk $0xffff, v13;
	v19 =	vadd.f32 v23, v23  }
0x16c: {  	v12 =	vmul.f32 v18, v12;
	v18 =	vadd.f32 v16, v16;
	[tilespmem:v21+s19+$0x0] =	vst.idx.msk $0xffff, v16  }
0x16d: {  	v17 =	vsub.f32 $1.000000000e+00, v17;
	v21 =	vmul.f32 v19, v23;
	[tilespmem:v15+s19+$0x0] =	vst.idx.msk $0xffff, v22;
	v15 =	vadd.s32 $0x4C, v7  }
0x16e: {  	v13 =	vmul.f32 v13, v19;
	[tilespmem:v14+s19+$0x0] =	vst.idx.msk $0xffff, v12;
	v14 =	vadd.s32 $0x4F, v7  }
0x16f: {  	v16 =	vmul.f32 v18, v16;
	v19 =	vsub.f32 $1.000000000e+00, v21;
	[tilespmem:v20+s19+$0x0] =	vst.idx.msk $0xffff, v17;
	v20 =	vadd.f32 v12, v12  }
0x170: {  	v9 =	vadd.s32 $0x50, v9;
	v18 =	vmul.f32 v22, v18;
	v22 =	vadd.s32 $0x51, v7;
	[tilespmem:v58+s19+$0x0] =	vst.idx.msk $0xffff, v13  }
0x171: {  	v16 =	vsub.f32 $1.000000000e+00, v16;
	v21 =	vadd.f32 v13, v13;
	v12 =	vmul.f32 v20, v12;
	[tilespmem:v11+s19+$0x0] =	vst.idx.msk $0xffff, v19  }
0x172: {  	v11 =	vadd.f32 v18, v18;
	v17 =	vmul.f32 v17, v20;
	[tilespmem:v15+s19+$0x0] =	vst.idx.msk $0xffff, v18;
	v15 =	vadd.s32 $0x54, v7  }
0x173: {  	v13 =	vmul.f32 v21, v13;
	v12 =	vsub.f32 $1.000000000e+00, v12;
	[tilespmem:v14+s19+$0x0] =	vst.idx.msk $0xffff, v16  }
0x174: {  	v14 =	vmul.f32 v19, v21;
	v18 =	vmul.f32 v11, v18;
	[tilespmem:v10+s19+$0x0] =	vst.idx.msk $0xffff, v17;
	v10 =	vadd.s32 $0x55, v7  }
0x175: {  	v19 =	vadd.f32 v17, v17;
	v13 =	vsub.f32 $1.000000000e+00, v13;
	[tilespmem:v9+s19+$0x0] =	vst.idx.msk $0xffff, v12;
	v9 =	vadd.s32 $0x53, v7  }
0x176: {  	v11 =	vmul.f32 v16, v11;
	v7 =	vadd.s32 $0x56, v7;
	[tilespmem:v22+s19+$0x0] =	vst.idx.msk $0xffff, v14  }
0x177: {  	v16 =	vsub.f32 $1.000000000e+00, v18;
	v14 =	vmul.f32 v19, v17;
	[tilespmem:v15+s19+$0x0] =	vst.idx.msk $0xffff, v13  }
0x178: {  	v12 =	vmul.f32 v12, v19;
	[tilespmem:v8+s19+$0x0] =	vst.idx.msk $0xffff, v11  }
0x179: {  	v8 =	vsub.f32 $1.000000000e+00, v14;
	[tilespmem:v10+s19+$0x0] =	vst.idx.msk $0xffff, v16  }
0x17a: {  	s6 =	simm.s32 $0x0;
	[tilespmem:v9+s19+$0x0] =	vst.idx.msk $0xffff, v12  }
0x17b: {  	[tilespmem:v7+s19+$0x0] =	vst.idx.msk $0xffff, v8;
	v7 =	vmov s6  }
0x17c: {  	[tilespmem:s21], [sflag:$0x2] =	stream.indirect.gather [hbm4b:s5+s15], $0x10, s20, s15, $0xb8;
	v8 =	vor.u32 $0x80, v7;
	[tilespmem:$0x13260] =	vst v63  }
0x17d: {  	v9 =	vor.u32 $0x100, v7;
	_ =	swait.ge [sflag:s22], $0x6000  }
0x17e: {  	[sflag:s22] =	ssyncset.done $0x0  }
0x17f: {  	[sflag:s22] =	ssyncadd.s32 $0xFFFFA000  }
0x180: {  	v11 =	vld.idx.msk [tilespmem:v7+s23+$0x0], $0xffff  }
0x181: {  	v15 =	vld.idx.msk [tilespmem:v8+s23+$0x0], $0xffff  }
0x182: {  	s8 =	simm.s32 $0x0;
	v8 =	vld.idx.msk [tilespmem:v9+s23+$0x0], $0xffff  }
0x183: {  	v10 =	vld [tilespmem:s8+$0x7360]  }
0x184: {  	v9 =	vld [tilespmem:s8+$0x3360]  }
0x185: {  	v12 =	vld [tilespmem:s8+$0x1B60]  }
0x186: {  	v14 =	vld [tilespmem:s8+$0x3B60];
	v17 =	vsub.f32 $1.000000000e+00, v11;
	v18 =	vsub.f32 $1.000000000e+00, v15;
	v13 =	vmul.f32 v15, v11  }
0x187: {  	v23 =	vld [tilespmem:s8+$0x6360];
	v19 =	vsub.f32 $1.000000000e+00, v8;
	v7 =	vmul.f32 v8, v15;
	v16 =	vmul.f32 v8, v11  }
0x188: {  	v60 =	vld [tilespmem:s8+$0x4360];
	v63 =	vmul.f32 v15, v17;
	v21 =	vmul.f32 v18, v17  }
0x189: {  	v20 =	vld [tilespmem:s8+$0x2B60];
	v9 =	vmul.f32 v9, v13;
	v59 =	vmul.f32 v19, v18  }
0x18a: {  	v22 =	vld [tilespmem:s8+$0x5B60];
	v62 =	vmul.f32 v18, v11;
	v11 =	vmul.f32 v19, v11  }
0x18b: {  	v61 =	vld [tilespmem:s8+$0x2360];
	v13 =	vmul.f32 v8, v18;
	v18 =	vmul.f32 v19, v15  }
0x18c: {  	v10 =	vmul.f32 v10, v16;
	v15 =	vmul.f32 v23, v11;
	v11 =	vld [tilespmem:s8+$0x4B60]  }
0x18d: {  	v12 =	vmul.f32 v12, v21;
	v21 =	vmul.f32 v60, v18;
	v18 =	vld [tilespmem:s8+$0x6B60]  }
0x18e: {  	v16 =	vmul.f32 v14, v59;
	v14 =	vmul.f32 v8, v17;
	v8 =	vld [tilespmem:s8+$0x5360]  }
0x18f: {  	v19 =	vmul.f32 v19, v17  }
0x190: {  	s10 =	simm.s32 $0xDB60;
	s28 =	simm.s32 $0x40;
	v20 =	vmul.f32 v20, v63  }
0x191: {  	s29 =	simm.s32 $0x0;
	s12 =	simm.s32 $0xDB60;
	v17 =	vmul.f32 v22, v19;
	v19 =	vmul.f32 v61, v62;
	s8 =	simm.s32 $0x0  }
.LBB2_7:
0x192: {  	v16 =	vadd.f32 v21, v16;
	v11 =	vmul.f32 v11, v13;
	v13 =	vmul.f32 v18, v14;
	s6 =	sadd.s32 $0x1, s6;
	s29 =	sadd.s32 $0x57, s29;
	s10 =	sadd.s32 $0x57, s10  }
0x193: {  	p0 =	sne.s32 s28, $0x1FC0;
	v7 =	vmul.f32 v8, v7;
	s16 =	smov.u32 s28;
	s28 =	sadd.s32 $0x40, s28;
	v12 =	vadd.f32 v19, v12;
	v9 =	vadd.f32 v9, v20  }
0x194: {  	v8 =	vadd.f32 v15, v17;
	v10 =	vadd.f32 v10, v13  }
0x195: {  	v7 =	vadd.f32 v7, v11;
	v9 =	vadd.f32 v9, v12  }
0x196: {  	v11 =	vmov s6;
	v8 =	vadd.f32 v10, v8  }
0x197: {  	s17 =	sand.u32 $0x3FFF, s8;
	s8 =	smov.u32 s29;
	v12 =	vor.u32 $0x100, v11;
	v10 =	vor.u32 $0x80, v11;
	v7 =	vadd.f32 v7, v16;
	[tilespmem:s12+$0x0] =	vst v9;
	s12 =	smov.u32 s10  }
0x198: {  	[tilespmem:s17+$0xDB80] =	vst v8  }
0x199: {  	s16 =	sshra.s32 s16, $0x2;
	[tilespmem:s17+$0xDB70] =	vst v7  }
0x19a: {  	v9 =	vld [tilespmem:s16+$0x3360]  }
0x19b: {  	v15 =	vld.idx.msk [tilespmem:v11+s23+$0x0], $0xffff  }
0x19c: {  	v17 =	vld.idx.msk [tilespmem:v10+s23+$0x0], $0xffff  }
0x19d: {  	v14 =	vld.idx.msk [tilespmem:v12+s23+$0x0], $0xffff  }
0x19e: {  	v8 =	vld [tilespmem:s16+$0x5360]  }
0x19f: {  	v11 =	vld [tilespmem:s16+$0x4B60]  }
0x1a0: {  	v10 =	vld [tilespmem:s16+$0x7360]  }
0x1a1: {  	v12 =	vld [tilespmem:s16+$0x1B60]  }
0x1a2: {  	v19 =	vsub.f32 $1.000000000e+00, v15;
	v20 =	vsub.f32 $1.000000000e+00, v17;
	v13 =	vmul.f32 v17, v15;
	v16 =	vld [tilespmem:s16+$0x3B60]  }
0x1a3: {  	v21 =	vsub.f32 $1.000000000e+00, v14;
	v7 =	vmul.f32 v14, v17;
	v18 =	vmul.f32 v14, v15;
	v22 =	vld [tilespmem:s16+$0x2B60]  }
0x1a4: {  	v24 =	vmul.f32 v20, v19;
	v9 =	vmul.f32 v9, v13;
	v23 =	vld [tilespmem:s16+$0x5B60]  }
0x1a5: {  	v13 =	vmul.f32 v14, v20;
	v26 =	vmul.f32 v21, v20;
	v25 =	vld [tilespmem:s16+$0x6360]  }
0x1a6: {  	v10 =	vmul.f32 v10, v18;
	v27 =	vld [tilespmem:s16+$0x4360];
	v12 =	vmul.f32 v12, v24  }
0x1a7: {  	v14 =	vmul.f32 v14, v19;
	v24 =	vld [tilespmem:s16+$0x2360];
	v16 =	vmul.f32 v16, v26  }
.Ltmp2:
0x1a8: {  	v20 =	vmul.f32 v20, v15;
	v15 =	vmul.f32 v21, v15;
	v18 =	vld [tilespmem:s16+$0x6B60];
	(pc) =	sbr.rel @p0 .LBB2_7-.Ltmp2, $4  }
0x1a9: {  	v28 =	vmul.f32 v21, v19;
	v26 =	vmul.f32 v21, v17  }
0x1aa: {  	v29 =	vmul.f32 v17, v19;
	v15 =	vmul.f32 v25, v15  }
0x1ab: {  	v17 =	vmul.f32 v23, v28;
	v21 =	vmul.f32 v27, v26  }
0x1ac: {  	v19 =	vmul.f32 v24, v20;
	v20 =	vmul.f32 v22, v29  }
0x1ad: {  	v16 =	vadd.f32 v21, v16;
	v11 =	vmul.f32 v11, v13;
	v63 =	vmul.f32 v18, v14  }
0x1ae: {  	v7 =	vmul.f32 v8, v7;
	v12 =	vadd.f32 v19, v12;
	v9 =	vadd.f32 v9, v20  }
0x1af: {  	v8 =	vadd.f32 v15, v17;
	s6 =	sadd.s32 s7, s2;
	v10 =	vadd.f32 v10, v63  }
0x1b0: {  	p0 =	seq.s32 s31, $0x7F;
	s6 =	smul.u32 $0x57, s6;
	v7 =	vadd.f32 v7, v11;
	v9 =	vadd.f32 v9, v12  }
.Ltmp3:
0x1b1: {  	v8 =	vadd.f32 v10, v8;
	(pc) =	sbr.rel @p0 .LBB2_12-.Ltmp3, $4  }
0x1b2: {  	s8 =	sand.u32 $0x3FFF, s8;
	v7 =	vadd.f32 v7, v16;
	[tilespmem:s12+$0x0] =	vst v9  }
0x1b3: {  	s6 =	sshrl.u32 s6, $0x3;
	[tilespmem:s8+$0xDB80] =	vst v8  }
0x1b4: {  	s6 =	sadd.s32 s1, s6;
	[tilespmem:s8+$0xDB70] =	vst v7  }
0x1b5: {  	[hbm4b:s6+s3] =	stream.linear.scatter [tilespmem:s14], [sflag:$0x3], $0x2B80, $0x38;
	[tilespmem:$0x13260] =	vst v63  }
0x1b6: {  	s2 =	sadd.s32 s2, s9;
	s6 =	simm.s32 $0x0  }
0x1b7: {  	s2 =	smul.u32 $0x3, s2;
	v7 =	vor.u32 s6, v0  }
0x1b8: {  	_ =	swait.ge [sflag:s26], $0x2B80;
	v8 =	vmul.u32 $0x3, v7  }
0x1b9: {  	[sflag:s26] =	ssyncset.done $0x0;
	s2 =	sshrl.u32 s2, $0x3  }
0x1ba: {  	[sflag:s26] =	ssyncadd.s32 $0xFFFFD480;
	s2 =	sadd.s32 s4, s2;
	v9 =	vadd.s32 $0x1, v8  }
0x1bb: {  	[tilespmem:s6], [sflag:$0x5] =	stream.linear.gather [hbm4b:s2+s6], $0x180, $0x38;
	[tilespmem:$0x13260] =	vst v63  }
0x1bc: {  	v10 =	vadd.s32 $0x2, v8;
	_ =	swait.ge [sflag:s13], $0x180  }
0x1bd: {  	[sflag:s13] =	ssyncset.done $0x0  }
0x1be: {  	[sflag:s13] =	ssyncadd.s32 $0xFFFFFE80  }
0x1bf: {  	v9 =	vld.idx.msk [tilespmem:v9+s3+$0x0], $0xffff  }
0x1c0: {  	v8 =	vld.idx.msk [tilespmem:v8+s3+$0x0], $0xffff  }
0x1c1: {  	v10 =	vld.idx.msk [tilespmem:v10+s3+$0x0], $0xffff;
	_ =	sdelay $0x3  }
0x1c2: {  	v7 =	vmul.u32 $0x57, v7;
	v11 =	vsub.f32 v9, v2  }
0x1c3: {  	v15 =	vsub.f32 v8, v1;
	v16 =	vsub.f32 v10, v3  }
0x1c4: {  	v12 =	vadd.s32 $0x3B, v7;
	v14 =	vadd.s32 $0x32, v7;
	v13 =	vmul.f32 v11, v5  }
0x1c5: {  	v19 =	vadd.s32 $0x31, v7;
	v15 =	vmul.f32 v15, v4;
	v16 =	vmul.f32 v16, v6  }
0x1c6: {  	v62 =	vadd.s32 $0x35, v7;
	v9 =	vand.u32 $0x3FFF, v7;
	v8 =	vadd.s32 $0x52, v7  }
0x1c7: {  	v17 =	vmax.f32 v13, $0.0e+00;
	v15 =	vmax.f32 v15, $0.0e+00;
	v16 =	vmax.f32 v16, $0.0e+00  }
0x1c8: {  	v17 =	vmin.f32 v17, $1.000000000e+00;
	v15 =	vmin.f32 v15, $1.000000000e+00;
	v16 =	vmin.f32 v16, $1.000000000e+00  }
0x1c9: {  	v18 =	vmul.f32 $5.110000000e+02, v17;
	v17 =	vadd.f32 v17, v17;
	v22 =	vmul.f32 $5.110000000e+02, v15  }
0x1ca: {  	v23 =	vmul.f32 $5.110000000e+02, v16;
	v15 =	vadd.f32 v15, v15;
	v16 =	vadd.f32 v16, v16  }
0x1cb: {  	v21 =	vtrunc.f32 v18;
	v17 =	vadd.f32 $-1.000000000e+00, v17;
	v24 =	vtrunc.f32 v22  }
0x1cc: {  	v25 =	vtrunc.f32 v23;
	v15 =	vadd.f32 $-1.000000000e+00, v15;
	v21 =	vcvt.f32.s32 v21  }
0x1cd: {  	v29 =	vadd.f32 $-1.000000000e+00, v16;
	v25 =	vcvt.f32.s32 v25;
	v24 =	vcvt.f32.s32 v24  }
0x1ce: {  	v10 =	vadd.s32 $0x4D, v7;
	v16 =	vmul.f32 v15, v15;
	v34 =	vmul.f32 v17, v17  }
0x1cf: {  	v20 =	vadd.s32 $0x30, v9;
	v39 =	vmul.f32 v29, v29;
	v26 =	vcvt.s32.f32 v21  }
0x1d0: {  	v27 =	vshll.u32 v21, $0x9;
	v28 =	vadd.s32 $0x1, v21;
	v30 =	vadd.s32 $0x1, v25  }
0x1d1: {  	v21 =	vadd.s32 $0x40000, v21;
	v32 =	vcvt.s32.f32 v24;
	v33 =	vadd.s32 $0x1, v24  }
0x1d2: {  	v38 =	vcvt.s32.f32 v25;
	v25 =	vshll.u32 v25, $0x9;
	v54 =	vadd.s32 $0x80000, v24  }
0x1d3: {  	vm0 =	vlt.s32 v28, $0x1FF;
	vm1 =	vlt.s32 v30, $0x1FF;
	v31 =	vmul.f32 $2.755732000e-07, v16  }
0x1d4: {  	vm15 =	vlt.s32 v33, $0x1FF;
	v53 =	vmul.f32 $2.755731880e-06, v16;
	v37 =	vmul.f32 $2.755732000e-07, v34  }
0x1d5: {  	v41 =	vmul.f32 $2.755731880e-06, v34;
	v42 =	vmul.f32 $2.755731880e-06, v39;
	v43 =	vadd.s32 v25, v21  }
0x1d6: {  	v55 =	vadd.s32 v25, v54;
	v57 =	vmul.f32 $2.755732000e-07, v39;
	v30 =	vnsel vm1, $0x1FF, v30  }
0x1d7: {  	v18 =	vsub.f32 v18, v26;
	v26 =	vnsel vm0, $0x1FF, v28;
	v52 =	vnsel vm15, $0x1FF, v33  }
0x1d8: {  	s2 =	simm.s32 $0x660;
	v23 =	vsub.f32 v23, v38;
	v22 =	vsub.f32 v22, v32;
	v30 =	vshll.u32 v30, $0x9  }
0x1d9: {  	[tilespmem:s2+$0xFFFFFF00] =	vst v43;
	v31 =	vsub.f32 $2.480158760e-05, v31;
	v35 =	vadd.s32 v52, v27;
	v36 =	vshll.u32 v26, $0x9  }
0x1da: {  	[tilespmem:s2+$0x100] =	vst v55;
	v27 =	vadd.s32 v24, v27;
	v33 =	vadd.f32 $-1.984127010e-04, v53;
	v37 =	vsub.f32 $2.480158760e-05, v37  }
0x1db: {  	v26 =	vadd.s32 $0x40000, v26;
	v41 =	vadd.f32 $-1.984127010e-04, v41;
	v58 =	vadd.s32 $0x80000, v52;
	[tilespmem:s2+$0xFFFFFD00] =	vst v27  }
0x1dc: {  	v59 =	vadd.f32 $-1.984127010e-04, v42;
	v40 =	vadd.s32 v25, v26;
	v26 =	vadd.s32 v30, v26;
	[tilespmem:s2+$0xFFFFFD80] =	vst v35  }
0x1dd: {  	v21 =	vadd.s32 v30, v21;
	v35 =	vsub.f32 $2.480158760e-05, v57;
	v25 =	vadd.s32 v25, v58;
	[tilespmem:s2+$0xFFFFFF80] =	vst v40  }
0x1de: {  	v24 =	vadd.s32 v24, v36;
	v37 =	vmul.f32 v37, v34;
	v33 =	vmul.f32 v33, v16;
	[tilespmem:s2+$0x80] =	vst v26  }
0x1df: {  	v60 =	vadd.s32 v30, v54;
	v31 =	vmul.f32 v31, v16;
	v26 =	vmul.f32 v41, v34;
	[tilespmem:s2+$0x0] =	vst v21  }
0x1e0: {  	v30 =	vadd.s32 v30, v58;
	[tilespmem:s2+$0x180] =	vst v25;
	v37 =	vadd.f32 $-1.388888920e-03, v37;
	v27 =	vadd.f32 $8.333333770e-03, v33  }
0x1e1: {  	v25 =	vmul.f32 v59, v39;
	[tilespmem:s2+$0xFFFFFE00] =	vst v24;
	v31 =	vadd.f32 $-1.388888920e-03, v31;
	v26 =	vadd.f32 $8.333333770e-03, v26  }
0x1e2: {  	v28 =	vadd.s32 v52, v36;
	[tilespmem:s2+$0x200] =	vst v60;
	v37 =	vmul.f32 v37, v34;
	v27 =	vmul.f32 v27, v16  }
0x1e3: {  	[tilespmem:s2+$0x280] =	vst v30;
	v25 =	vadd.f32 $8.333333770e-03, v25;
	v31 =	vmul.f32 v31, v16;
	v26 =	vmul.f32 v26, v34  }
0x1e4: {  	s6 =	simm.s32 $0xFE0;
	[tilespmem:s2+$0xFFFFFE80] =	vst v28;
	v56 =	vadd.f32 $4.166666790e-02, v37;
	v21 =	vadd.f32 $-1.666666720e-01, v27;
	v27 =	vmul.f32 v35, v39  }
0x1e5: {  	[tilespmem:s6+$0x80] =	vst v23;
	v25 =	vmul.f32 v25, v39;
	v31 =	vadd.f32 $4.166666790e-02, v31;
	v23 =	vadd.f32 $-1.666666720e-01, v26  }
0x1e6: {  	[tilespmem:s6+$0x0] =	vst v18;
	v33 =	vmul.f32 v56, v34;
	v21 =	vmul.f32 v21, v16;
	v27 =	vadd.f32 $-1.388888920e-03, v27  }
0x1e7: {  	[tilespmem:s6+$0xFFFFFF80] =	vst v22;
	v18 =	vadd.f32 $-1.666666720e-01, v25;
	v31 =	vmul.f32 v31, v16;
	v22 =	vmul.f32 v23, v34  }
0x1e8: {  	[tilespmem:v20+s14+$0x0] =	vst.idx.msk $0xffff, v15;
	v24 =	vadd.f32 $-5.000000000e-01, v33;
	v21 =	vadd.f32 $1.000000000e+00, v21;
	v27 =	vmul.f32 v27, v39  }
0x1e9: {  	[tilespmem:v19+s14+$0x0] =	vst.idx.msk $0xffff, v17;
	v26 =	vadd.s32 $0x33, v7;
	v31 =	vadd.f32 $-5.000000000e-01, v31;
	v19 =	vadd.f32 $1.000000000e+00, v22  }
0x1ea: {  	v24 =	vmul.f32 v24, v34;
	v21 =	vmul.f32 v21, v15;
	v25 =	vadd.f32 $4.166666790e-02, v27  }
0x1eb: {  	v23 =	vadd.s32 $0x36, v7;
	v16 =	vmul.f32 v31, v16;
	v15 =	vmul.f32 v18, v39  }
0x1ec: {  	v20 =	vadd.s32 $0x34, v7;
	v19 =	vmul.f32 v19, v17;
	v18 =	vmul.f32 v25, v39  }
0x1ed: {  	v27 =	vadd.f32 v21, v21;
	v25 =	vadd.s32 $0x37, v7;
	v61 =	vadd.f32 $1.000000000e+00, v16  }
0x1ee: {  	v11 =	vadd.s32 $0x4E, v7;
	[tilespmem:v14+s14+$0x0] =	vst.idx.msk $0xffff, v29;
	v15 =	vadd.f32 $1.000000000e+00, v15;
	v14 =	vadd.f32 $-5.000000000e-01, v18  }
0x1ef: {  	v13 =	vadd.s32 $0x38, v9;
	[tilespmem:v26+s14+$0x0] =	vst.idx.msk $0xffff, v21;
	v26 =	vadd.f32 $1.000000000e+00, v24;
	v63 =	vadd.f32 v19, v19  }
0x1f0: {  	v24 =	vadd.s32 $0x39, v7;
	v22 =	vmul.f32 v27, v21;
	[tilespmem:v23+s14+$0x0] =	vst.idx.msk $0xffff, v61;
	v18 =	vmul.f32 v14, v39  }
0x1f1: {  	v17 =	vmul.f32 v15, v29;
	v15 =	vadd.s32 $0x49, v7;
	v21 =	vadd.s32 $0x3A, v7;
	[tilespmem:v20+s14+$0x0] =	vst.idx.msk $0xffff, v19  }
0x1f2: {  	v23 =	vmul.f32 v61, v27;
	v20 =	vadd.s32 $0x3C, v7;
	[tilespmem:v25+s14+$0x0] =	vst.idx.msk $0xffff, v26;
	v18 =	vadd.f32 $1.000000000e+00, v18  }
0x1f3: {  	v16 =	vsub.f32 $1.000000000e+00, v22;
	v14 =	vadd.s32 $0x47, v7;
	v25 =	vmul.f32 v63, v19;
	[tilespmem:v62+s14+$0x0] =	vst.idx.msk $0xffff, v17  }
0x1f4: {  	s8 =	simm.s32 $0x10;
	v22 =	vadd.f32 v17, v17;
	v19 =	vmul.f32 v26, v63;
	[tilespmem:v13+s14+$0x0] =	vst.idx.msk $0xffff, v18;
	v13 =	vadd.s32 $0x3D, v7  }
.LBB2_10:
0x1f5: {  	p0 =	sne.s32 s8, $0x70;
	v25 =	vsub.f32 $1.000000000e+00, v25;
	v26 =	vadd.s32 $0x45, v7;
	v27 =	vadd.s32 $0x46, v7;
	s2 =	sadd.s32 $0x10, s2;
	s6 =	sadd.s32 $0x10, s6  }
0x1f6: {  	v29 =	vadd.s32 $0x3E, v7;
	s10 =	smov.u32 s8;
	s8 =	sadd.s32 $0x10, s8;
	[tilespmem:v24+s14+$0x0] =	vst.idx.msk $0xffff, v23;
	v24 =	vadd.f32 v23, v23;
	v28 =	vadd.f32 v19, v19  }
0x1f7: {  	v17 =	vmul.f32 v22, v17;
	v30 =	vadd.s32 $0x40, v9;
	[tilespmem:v20+s14+$0x0] =	vst.idx.msk $0xffff, v16;
	v20 =	vadd.s32 $0x3F, v7  }
0x1f8: {  	v18 =	vmul.f32 v18, v22;
	v22 =	vmul.f32 v24, v23;
	[tilespmem:v21+s14+$0x0] =	vst.idx.msk $0xffff, v19;
	v21 =	vadd.s32 $0x42, v7  }
0x1f9: {  	v17 =	vsub.f32 $1.000000000e+00, v17;
	v16 =	vmul.f32 v16, v24;
	[tilespmem:v13+s14+$0x0] =	vst.idx.msk $0xffff, v25;
	v13 =	vmul.f32 v28, v19  }
0x1fa: {  	v23 =	vadd.s32 $0x43, v7;
	v19 =	vmul.f32 v25, v28;
	[tilespmem:v12+s14+$0x0] =	vst.idx.msk $0xffff, v18;
	v12 =	vadd.f32 v18, v18  }
0x1fb: {  	v25 =	vadd.s32 $0x41, v7;
	v22 =	vsub.f32 $1.000000000e+00, v22;
	v24 =	vadd.f32 v16, v16;
	[tilespmem:v29+s14+$0x0] =	vst.idx.msk $0xffff, v17  }
0x1fc: {  	v17 =	vmul.f32 v17, v12;
	v12 =	vmul.f32 v12, v18;
	[tilespmem:v20+s14+$0x0] =	vst.idx.msk $0xffff, v16;
	v18 =	vadd.s32 $0x44, v7  }
0x1fd: {  	v13 =	vsub.f32 $1.000000000e+00, v13;
	v16 =	vmul.f32 v24, v16;
	v20 =	vadd.f32 v19, v19;
	[tilespmem:v21+s14+$0x0] =	vst.idx.msk $0xffff, v22  }
0x1fe: {  	v29 =	vadd.s32 $0x48, v9;
	v21 =	vor.u32 s10, v0;
	[tilespmem:v30+s14+$0x0] =	vst.idx.msk $0xffff, v19;
	v28 =	vadd.f32 v17, v17  }
0x1ff: {  	v30 =	vmul.u32 $0x3, v21;
	v12 =	vsub.f32 $1.000000000e+00, v12;
	v19 =	vmul.f32 v20, v19;
	[tilespmem:v23+s14+$0x0] =	vst.idx.msk $0xffff, v13  }
0x200: {  	v22 =	vmul.f32 v22, v24;
	v16 =	vsub.f32 $1.000000000e+00, v16;
	[tilespmem:v25+s14+$0x0] =	vst.idx.msk $0xffff, v17;
	v17 =	vmul.f32 v28, v17  }
0x201: {  	v23 =	vadd.s32 $0x1, v30;
	v24 =	vadd.s32 $0x2, v30;
	[tilespmem:v18+s14+$0x0] =	vst.idx.msk $0xffff, v12;
	v18 =	vmul.f32 v12, v28  }
0x202: {  	v21 =	vmul.u32 $0x57, v21;
	v13 =	vmul.f32 v13, v20;
	v20 =	vadd.s32 $0x4A, v7;
	[tilespmem:v26+s14+$0x0] =	vst.idx.msk $0xffff, v22  }
0x203: {  	v19 =	vsub.f32 $1.000000000e+00, v19;
	v25 =	vadd.f32 v22, v22;
	v26 =	vadd.s32 $0x4B, v7;
	[tilespmem:v29+s14+$0x0] =	vst.idx.msk $0xffff, v16  }
0x204: {  	v28 =	vand.u32 $0x3FFF, v21;
	v12 =	vadd.s32 $0x3B, v21;
	[tilespmem:v27+s14+$0x0] =	vst.idx.msk $0xffff, v13;
	v27 =	vadd.f32 v13, v13  }
0x205: {  	v17 =	vsub.f32 $1.000000000e+00, v17;
	v22 =	vmul.f32 v25, v22;
	[tilespmem:v15+s14+$0x0] =	vst.idx.msk $0xffff, v19;
	v15 =	vadd.s32 $0x4C, v7  }
0x206: {  	v16 =	vmul.f32 v16, v25;
	v13 =	vmul.f32 v27, v13;
	[tilespmem:v14+s14+$0x0] =	vst.idx.msk $0xffff, v18;
	v14 =	vadd.s32 $0x4F, v7  }
0x207: {  	v22 =	vsub.f32 $1.000000000e+00, v22;
	v19 =	vmul.f32 v19, v27;
	[tilespmem:v20+s14+$0x0] =	vst.idx.msk $0xffff, v17;
	v20 =	vadd.f32 v18, v18  }
0x208: {  	v25 =	vadd.f32 v16, v16;
	v27 =	vadd.s32 $0x51, v7;
	[tilespmem:v26+s14+$0x0] =	vst.idx.msk $0xffff, v16;
	v26 =	vadd.s32 $0x50, v9;
	v9 =	vmovc v28  }
0x209: {  	v13 =	vsub.f32 $1.000000000e+00, v13;
	v18 =	vmul.f32 v20, v18;
	[tilespmem:v11+s14+$0x0] =	vst.idx.msk $0xffff, v22;
	v11 =	vadd.f32 v19, v19  }
0x20a: {  	v16 =	vmul.f32 v25, v16;
	v17 =	vmul.f32 v17, v20;
	[tilespmem:v15+s14+$0x0] =	vst.idx.msk $0xffff, v19;
	v15 =	vadd.s32 $0x54, v7  }
0x20b: {  	v20 =	vmul.f32 v22, v25;
	v18 =	vsub.f32 $1.000000000e+00, v18;
	[tilespmem:v14+s14+$0x0] =	vst.idx.msk $0xffff, v13;
	v14 =	vmul.f32 v11, v19  }
0x20c: {  	v11 =	vmul.f32 v13, v11;
	v13 =	vadd.s32 $0x55, v7;
	[tilespmem:v10+s14+$0x0] =	vst.idx.msk $0xffff, v17;
	v10 =	vadd.f32 v17, v17  }
0x20d: {  	v16 =	vsub.f32 $1.000000000e+00, v16;
	v19 =	vadd.s32 $0x53, v7;
	[tilespmem:v26+s14+$0x0] =	vst.idx.msk $0xffff, v18  }
0x20e: {  	v18 =	vmul.f32 v18, v10;
	v10 =	vmul.f32 v10, v17;
	[tilespmem:v27+s14+$0x0] =	vst.idx.msk $0xffff, v20;
	v17 =	vadd.s32 $0x56, v7  }
0x20f: {  	v14 =	vsub.f32 $1.000000000e+00, v14;
	v7 =	vmov v21;
	[tilespmem:v15+s14+$0x0] =	vst.idx.msk $0xffff, v16  }
0x210: {  	[tilespmem:v8+s14+$0x0] =	vst.idx.msk $0xffff, v11  }
0x211: {  	v8 =	vsub.f32 $1.000000000e+00, v10;
	[tilespmem:v13+s14+$0x0] =	vst.idx.msk $0xffff, v14  }
0x212: {  	[tilespmem:v19+s14+$0x0] =	vst.idx.msk $0xffff, v18  }
0x213: {  	[tilespmem:v17+s14+$0x0] =	vst.idx.msk $0xffff, v8  }
0x214: {  	v8 =	vld.idx.msk [tilespmem:v23+s3+$0x0], $0xffff;
	_ =	sdelay $0x1  }
0x215: {  	v10 =	vld.idx.msk [tilespmem:v30+s3+$0x0], $0xffff  }
0x216: {  	v11 =	vld.idx.msk [tilespmem:v24+s3+$0x0], $0xffff;
	_ =	sdelay $0x2  }
0x217: {  	v8 =	vsub.f32 v8, v2;
	_ =	sdelay $0x1  }
0x218: {  	v15 =	vsub.f32 v10, v1;
	v13 =	vmul.f32 v8, v5;
	v8 =	vadd.s32 $0x52, v7  }
0x219: {  	v10 =	vadd.s32 $0x4D, v7;
	v16 =	vsub.f32 v11, v3;
	v11 =	vadd.s32 $0x4E, v7  }
0x21a: {  	v14 =	vadd.s32 $0x32, v7;
	v17 =	vmax.f32 v13, $0.0e+00;
	v13 =	vadd.s32 $0x38, v9  }
0x21b: {  	v18 =	vmul.f32 v15, v4;
	v15 =	vmin.f32 v17, $1.000000000e+00;
	v16 =	vmul.f32 v16, v6  }
0x21c: {  	v20 =	vmul.f32 $5.110000000e+02, v15;
	v17 =	vadd.f32 v15, v15;
	v15 =	vadd.s32 $0x31, v7  }
0x21d: {  	v19 =	vmax.f32 v18, $0.0e+00;
	v18 =	vadd.s32 $0x30, v9;
	v16 =	vmax.f32 v16, $0.0e+00  }
0x21e: {  	v19 =	vmin.f32 v19, $1.000000000e+00;
	v21 =	vmin.f32 v16, $1.000000000e+00;
	v16 =	vtrunc.f32 v20  }
0x21f: {  	v22 =	vmul.f32 $5.110000000e+02, v19;
	v19 =	vadd.f32 v19, v19;
	v23 =	vmul.f32 $5.110000000e+02, v21  }
0x220: {  	v24 =	vcvt.f32.s32 v16;
	v16 =	vadd.f32 $-1.000000000e+00, v17;
	v17 =	vadd.f32 v21, v21  }
0x221: {  	v21 =	vtrunc.f32 v22;
	v19 =	vadd.f32 $-1.000000000e+00, v19;
	v25 =	vtrunc.f32 v23  }
0x222: {  	v26 =	vcvt.s32.f32 v24;
	v27 =	vshll.u32 v24, $0x9;
	v25 =	vcvt.f32.s32 v25  }
0x223: {  	v28 =	vadd.s32 $0x1, v24;
	v17 =	vadd.f32 $-1.000000000e+00, v17;
	v29 =	vmul.f32 v19, v19  }
0x224: {  	v21 =	vcvt.f32.s32 v21;
	vm0 =	vlt.s32 v28, $0x1FF;
	v30 =	vadd.s32 $0x1, v25  }
0x225: {  	v24 =	vadd.s32 $0x40000, v24;
	v31 =	vmul.f32 $2.755732000e-07, v29;
	vm1 =	vlt.s32 v30, $0x1FF  }
0x226: {  	v32 =	vcvt.s32.f32 v21;
	v33 =	vadd.s32 $0x1, v21;
	v30 =	vnsel vm1, $0x1FF, v30  }
0x227: {  	v34 =	vmul.f32 v16, v16;
	v31 =	vsub.f32 $2.480158760e-05, v31;
	v30 =	vshll.u32 v30, $0x9  }
0x228: {  	v20 =	vsub.f32 v20, v26;
	v26 =	vnsel vm0, $0x1FF, v28;
	vm1 =	vlt.s32 v33, $0x1FF  }
0x229: {  	v28 =	vnsel vm1, $0x1FF, v33;
	v33 =	vmul.f32 $2.755731880e-06, v29;
	v31 =	vmul.f32 v31, v29  }
0x22a: {  	v37 =	vmul.f32 $2.755732000e-07, v34;
	v36 =	vshll.u32 v26, $0x9;
	v35 =	vadd.s32 v28, v27  }
0x22b: {  	v27 =	vadd.s32 v21, v27;
	v33 =	vadd.f32 $-1.984127010e-04, v33;
	v31 =	vadd.f32 $-1.388888920e-03, v31  }
0x22c: {  	v38 =	vcvt.s32.f32 v25;
	v25 =	vshll.u32 v25, $0x9;
	v37 =	vsub.f32 $2.480158760e-05, v37  }
0x22d: {  	v39 =	vmul.f32 v17, v17;
	v26 =	vadd.s32 $0x40000, v26;
	v31 =	vmul.f32 v31, v29  }
0x22e: {  	v41 =	vmul.f32 $2.755731880e-06, v34;
	v40 =	vadd.s32 v25, v26;
	v37 =	vmul.f32 v37, v34  }
0x22f: {  	v26 =	vadd.s32 v30, v26;
	v31 =	vadd.f32 $4.166666790e-02, v31;
	[tilespmem:s2+$0xFFFFFF80] =	vst v40;
	v40 =	vmul.f32 $2.755731880e-06, v39  }
0x230: {  	v42 =	vadd.s32 v25, v24;
	v41 =	vadd.f32 $-1.984127010e-04, v41;
	v37 =	vadd.f32 $-1.388888920e-03, v37  }
0x231: {  	v43 =	vadd.s32 $0x80000, v21;
	v31 =	vmul.f32 v31, v29;
	[tilespmem:s2+$0x80] =	vst v26;
	v26 =	vmul.f32 v33, v29  }
0x232: {  	v24 =	vadd.s32 v30, v24;
	v37 =	vmul.f32 v37, v34;
	v33 =	vmul.f32 v41, v34  }
0x233: {  	v41 =	vadd.s32 v25, v43;
	[tilespmem:s2+$0xFFFFFD00] =	vst v27;
	v26 =	vadd.f32 $8.333333770e-03, v26;
	v27 =	vadd.f32 $-5.000000000e-01, v31  }
0x234: {  	v23 =	vsub.f32 v23, v38;
	v31 =	vadd.f32 $4.166666790e-02, v37;
	[tilespmem:s2+$0xFFFFFD80] =	vst v35;
	v35 =	vmul.f32 $2.755732000e-07, v39  }
0x235: {  	v37 =	vadd.s32 $0x80000, v28;
	v33 =	vadd.f32 $8.333333770e-03, v33;
	[tilespmem:s2+$0xFFFFFF00] =	vst v42;
	v26 =	vmul.f32 v26, v29  }
0x236: {  	v38 =	vadd.f32 $-1.984127010e-04, v40;
	v31 =	vmul.f32 v31, v34;
	[tilespmem:s2+$0x100] =	vst v41;
	v35 =	vsub.f32 $2.480158760e-05, v35  }
0x237: {  	v25 =	vadd.s32 v25, v37;
	[tilespmem:s2+$0x0] =	vst v24;
	v24 =	vadd.f32 $-1.666666720e-01, v26;
	v26 =	vmul.f32 v33, v34  }
0x238: {  	v21 =	vadd.s32 v21, v36;
	[tilespmem:s2+$0x180] =	vst v25;
	v25 =	vmul.f32 v38, v39;
	v33 =	vmul.f32 v35, v39  }
0x239: {  	v35 =	vadd.s32 v30, v43;
	[tilespmem:s2+$0xFFFFFE00] =	vst v21;
	v21 =	vmul.f32 v24, v29;
	v24 =	vadd.f32 $-5.000000000e-01, v31  }
0x23a: {  	v30 =	vadd.s32 v30, v37;
	[tilespmem:s2+$0x200] =	vst v35;
	v25 =	vadd.f32 $8.333333770e-03, v25;
	v31 =	vadd.f32 $-1.388888920e-03, v33  }
0x23b: {  	v28 =	vadd.s32 v28, v36;
	[tilespmem:s2+$0x280] =	vst v30;
	v21 =	vadd.f32 $1.000000000e+00, v21;
	v24 =	vmul.f32 v24, v34  }
0x23c: {  	v22 =	vsub.f32 v22, v32;
	[tilespmem:s2+$0xFFFFFE80] =	vst v28;
	v25 =	vmul.f32 v25, v39;
	v28 =	vmul.f32 v31, v39  }
0x23d: {  	v26 =	vadd.f32 $-1.666666720e-01, v26;
	[tilespmem:s6+$0x80] =	vst v23;
	v21 =	vmul.f32 v21, v19;
	v23 =	vmul.f32 v27, v29  }
0x23e: {  	v27 =	vadd.s32 $0x33, v7;
	[tilespmem:s6+$0x0] =	vst v20;
	v20 =	vadd.f32 $-1.666666720e-01, v25;
	v25 =	vadd.f32 $4.166666790e-02, v28  }
0x23f: {  	[tilespmem:s6+$0xFFFFFF80] =	vst v22;
	v22 =	vmul.f32 v26, v34;
	v26 =	vadd.s32 $0x36, v7;
	v28 =	vadd.f32 v21, v21  }
0x240: {  	[tilespmem:v18+s14+$0x0] =	vst.idx.msk $0xffff, v19;
	v18 =	vmul.f32 v20, v39;
	v19 =	vmul.f32 v25, v39;
	v20 =	vadd.s32 $0x34, v7  }
0x241: {  	v25 =	vadd.s32 $0x37, v7;
	[tilespmem:v15+s14+$0x0] =	vst.idx.msk $0xffff, v16;
	v15 =	vadd.f32 $1.000000000e+00, v22;
	v22 =	vmul.f32 v28, v21  }
0x242: {  	v23 =	vadd.f32 $1.000000000e+00, v23;
	[tilespmem:v14+s14+$0x0] =	vst.idx.msk $0xffff, v17;
	v14 =	vadd.f32 $-5.000000000e-01, v19;
	v19 =	vadd.s32 $0x35, v7  }
0x243: {  	v29 =	vmul.f32 v15, v16;
	v15 =	vadd.f32 $1.000000000e+00, v18;
	[tilespmem:v27+s14+$0x0] =	vst.idx.msk $0xffff, v21;
	v16 =	vsub.f32 $1.000000000e+00, v22  }
.Ltmp4:
0x244: {  	v27 =	vadd.f32 $1.000000000e+00, v24;
	v18 =	vmul.f32 v14, v39;
	[tilespmem:v26+s14+$0x0] =	vst.idx.msk $0xffff, v23;
	v14 =	vadd.s32 $0x47, v7;
	(pc) =	sbr.rel @p0 .LBB2_10-.Ltmp4, $4  }
0x245: {  	v24 =	vadd.s32 $0x39, v7;
	v17 =	vmul.f32 v15, v17;
	[tilespmem:v20+s14+$0x0] =	vst.idx.msk $0xffff, v29;
	v26 =	vadd.f32 v29, v29  }
0x246: {  	v20 =	vadd.s32 $0x3C, v7;
	v15 =	vadd.s32 $0x49, v7;
	v18 =	vadd.f32 $1.000000000e+00, v18;
	[tilespmem:v25+s14+$0x0] =	vst.idx.msk $0xffff, v27  }
0x247: {  	v21 =	vadd.s32 $0x3A, v7;
	v25 =	vmul.f32 v26, v29;
	[tilespmem:v19+s14+$0x0] =	vst.idx.msk $0xffff, v17;
	v22 =	vadd.f32 v17, v17  }
0x248: {  	v23 =	vmul.f32 v23, v28;
	v19 =	vmul.f32 v27, v26;
	[tilespmem:v13+s14+$0x0] =	vst.idx.msk $0xffff, v18;
	v13 =	vadd.s32 $0x3D, v7  }
0x249: {  	_ =	sdelay $0x3  }
0x24a: {  	v25 =	vsub.f32 $1.000000000e+00, v25;
	v60 =	vadd.s32 $0x3E, v7;
	[tilespmem:v24+s14+$0x0] =	vst.idx.msk $0xffff, v23  }
0x24b: {  	v17 =	vmul.f32 v22, v17;
	v61 =	vadd.s32 $0x3F, v7;
	v26 =	vadd.f32 v23, v23;
	[tilespmem:v20+s14+$0x0] =	vst.idx.msk $0xffff, v16  }
0x24c: {  	v18 =	vmul.f32 v18, v22;
	v62 =	vadd.s32 $0x42, v7;
	v63 =	vadd.s32 $0x40, v9;
	[tilespmem:v21+s14+$0x0] =	vst.idx.msk $0xffff, v19  }
0x24d: {  	v27 =	vadd.f32 v19, v19;
	v17 =	vsub.f32 $1.000000000e+00, v17;
	v23 =	vmul.f32 v26, v23;
	[tilespmem:v13+s14+$0x0] =	vst.idx.msk $0xffff, v25  }
0x24e: {  	v32 =	vadd.s32 $0x43, v7;
	v34 =	vadd.s32 $0x41, v7;
	v30 =	vmul.f32 v16, v26;
	[tilespmem:v12+s14+$0x0] =	vst.idx.msk $0xffff, v18  }
0x24f: {  	v33 =	vadd.f32 v18, v18;
	v31 =	vmul.f32 v27, v19;
	v23 =	vsub.f32 $1.000000000e+00, v23;
	[tilespmem:v60+s14+$0x0] =	vst.idx.msk $0xffff, v17  }
0x250: {  	v35 =	vadd.s32 $0x45, v7;
	v36 =	vadd.s32 $0x44, v7;
	v25 =	vmul.f32 v25, v27;
	[tilespmem:v61+s14+$0x0] =	vst.idx.msk $0xffff, v30  }
0x251: {  	v37 =	vadd.f32 v30, v30;
	v18 =	vmul.f32 v33, v18;
	v16 =	vsub.f32 $1.000000000e+00, v31;
	[tilespmem:v62+s14+$0x0] =	vst.idx.msk $0xffff, v23  }
0x252: {  	v38 =	vadd.s32 $0x46, v7;
	v39 =	vadd.s32 $0x48, v9;
	v17 =	vmul.f32 v17, v33;
	[tilespmem:v63+s14+$0x0] =	vst.idx.msk $0xffff, v25  }
0x253: {  	v40 =	vadd.f32 v25, v25;
	v13 =	vmul.f32 v37, v30;
	v18 =	vsub.f32 $1.000000000e+00, v18;
	[tilespmem:v32+s14+$0x0] =	vst.idx.msk $0xffff, v16  }
0x254: {  	v23 =	vmul.f32 v23, v37;
	[tilespmem:v34+s14+$0x0] =	vst.idx.msk $0xffff, v17  }
0x255: {  	v41 =	vadd.f32 v17, v17;
	v42 =	vmul.f32 v40, v25;
	v13 =	vsub.f32 $1.000000000e+00, v13;
	[tilespmem:v36+s14+$0x0] =	vst.idx.msk $0xffff, v18  }
0x256: {  	v43 =	vadd.s32 $0x4A, v7;
	v46 =	vadd.s32 $0x4B, v7;
	v16 =	vmul.f32 v16, v40;
	[tilespmem:v35+s14+$0x0] =	vst.idx.msk $0xffff, v23  }
0x257: {  	v44 =	vsub.f32 $1.000000000e+00, v42;
	v45 =	vadd.f32 v23, v23;
	v17 =	vmul.f32 v41, v17;
	[tilespmem:v39+s14+$0x0] =	vst.idx.msk $0xffff, v13  }
0x258: {  	v49 =	vadd.s32 $0x4C, v7;
	v12 =	vmul.f32 v18, v41;
	[tilespmem:v38+s14+$0x0] =	vst.idx.msk $0xffff, v16  }
0x259: {  	v47 =	vadd.f32 v16, v16;
	v48 =	vmul.f32 v45, v23;
	v17 =	vsub.f32 $1.000000000e+00, v17;
	[tilespmem:v15+s14+$0x0] =	vst.idx.msk $0xffff, v44  }
0x25a: {  	v50 =	vadd.s32 $0x4F, v7;
	v13 =	vmul.f32 v13, v45;
	[tilespmem:v14+s14+$0x0] =	vst.idx.msk $0xffff, v12  }
0x25b: {  	v52 =	vadd.f32 v12, v12;
	v51 =	vsub.f32 $1.000000000e+00, v48;
	v16 =	vmul.f32 v47, v16;
	[tilespmem:v43+s14+$0x0] =	vst.idx.msk $0xffff, v17  }
0x25c: {  	v54 =	vadd.s32 $0x50, v9;
	v55 =	vadd.s32 $0x51, v7;
	v18 =	vmul.f32 v44, v47;
	[tilespmem:v46+s14+$0x0] =	vst.idx.msk $0xffff, v13  }
0x25d: {  	v53 =	vadd.f32 v13, v13;
	v16 =	vsub.f32 $1.000000000e+00, v16;
	v12 =	vmul.f32 v52, v12;
	[tilespmem:v11+s14+$0x0] =	vst.idx.msk $0xffff, v51  }
0x25e: {  	v57 =	vadd.s32 $0x54, v7;
	v17 =	vmul.f32 v17, v52;
	[tilespmem:v49+s14+$0x0] =	vst.idx.msk $0xffff, v18  }
0x25f: {  	v56 =	vadd.f32 v18, v18;
	v13 =	vmul.f32 v53, v13;
	v12 =	vsub.f32 $1.000000000e+00, v12;
	[tilespmem:v50+s14+$0x0] =	vst.idx.msk $0xffff, v16  }
0x260: {  	v59 =	vadd.s32 $0x55, v7;
	v61 =	vadd.s32 $0x53, v7;
	v58 =	vmul.f32 v51, v53;
	[tilespmem:v10+s14+$0x0] =	vst.idx.msk $0xffff, v17  }
0x261: {  	v60 =	vadd.f32 v17, v17;
	v18 =	vmul.f32 v56, v18;
	v13 =	vsub.f32 $1.000000000e+00, v13;
	[tilespmem:v54+s14+$0x0] =	vst.idx.msk $0xffff, v12  }
0x262: {  	v7 =	vadd.s32 $0x56, v7;
	v11 =	vmul.f32 v16, v56;
	[tilespmem:v55+s14+$0x0] =	vst.idx.msk $0xffff, v58  }
0x263: {  	v62 =	vmul.f32 v60, v17;
	v63 =	vsub.f32 $1.000000000e+00, v18;
	[tilespmem:v57+s14+$0x0] =	vst.idx.msk $0xffff, v13  }
0x264: {  	v12 =	vmul.f32 v12, v60;
	[tilespmem:v8+s14+$0x0] =	vst.idx.msk $0xffff, v11  }
0x265: {  	v8 =	vsub.f32 $1.000000000e+00, v62;
	[tilespmem:v59+s14+$0x0] =	vst.idx.msk $0xffff, v63  }
0x266: {  	[tilespmem:v61+s14+$0x0] =	vst.idx.msk $0xffff, v12  }
0x267: {  	s2 =	simm.s32 $0x360;
	s6 =	simm.s32 $0x1B60;
	[tilespmem:v7+s14+$0x0] =	vst.idx.msk $0xffff, v8  }
0x268: {  	[tilespmem:s6], [sflag:$0x1] =	stream.indirect.gather [hbm4b:s5+s15], $0x10, s2, s15, $0xb8;
	[tilespmem:$0x13260] =	vst v63  }
.LBB2_12:
0x269: {  	s2 =	simm.s32 $0x0  }
0x26a: {  	v7 =	vmov s2  }
0x26b: {  	_ =	swait.ge [sflag:s24], $0x6000;
	v8 =	vor.u32 $0x100, v7  }
0x26c: {  	[sflag:s24] =	ssyncset.done $0x0;
	v9 =	vor.u32 $0x80, v7  }
0x26d: {  	s6 =	simm.s32 $0x0;
	[sflag:s24] =	ssyncadd.s32 $0xFFFFA000  }
0x26e: {  	v10 =	vld [tilespmem:s6+$0x9360]  }
0x26f: {  	v7 =	vld.idx.msk [tilespmem:v7+s25+$0x0], $0xffff  }
0x270: {  	v8 =	vld.idx.msk [tilespmem:v8+s25+$0x0], $0xffff  }
0x271: {  	v9 =	vld.idx.msk [tilespmem:v9+s25+$0x0], $0xffff  }
0x272: {  	v11 =	vld [tilespmem:s6+$0x8360]  }
0x273: {  	v12 =	vld [tilespmem:s6+$0xD360]  }
0x274: {  	v13 =	vld [tilespmem:s6+$0xBB60]  }
0x275: {  	v16 =	vld [tilespmem:s6+$0x9B60];
	v15 =	vsub.f32 $1.000000000e+00, v7;
	v17 =	vmul.f32 v8, v7  }
0x276: {  	v19 =	vld [tilespmem:s6+$0xCB60];
	v14 =	vsub.f32 $1.000000000e+00, v8;
	v20 =	vmul.f32 v9, v7;
	v21 =	vmul.f32 v8, v9  }
0x277: {  	v58 =	vld [tilespmem:s6+$0x8B60];
	v18 =	vsub.f32 $1.000000000e+00, v9;
	v26 =	vmul.f32 v9, v15;
	v27 =	vmul.f32 v8, v15  }
0x278: {  	v22 =	vld [tilespmem:s6+$0x7B60];
	v23 =	vmul.f32 v14, v15;
	v24 =	vmul.f32 v14, v7  }
0x279: {  	v25 =	vld [tilespmem:s6+$0xC360];
	v7 =	vmul.f32 v18, v7;
	v10 =	vmul.f32 v10, v20  }
0x27a: {  	v56 =	vld [tilespmem:s6+$0xA360];
	v12 =	vmul.f32 v12, v17;
	v8 =	vmul.f32 v8, v18  }
0x27b: {  	v57 =	vld [tilespmem:s6+$0xAB60];
	v9 =	vmul.f32 v14, v9;
	v15 =	vmul.f32 v18, v15  }
0x27c: {  	v28 =	vld [tilespmem:s6+$0xB360];
	v60 =	vmul.f32 v19, v27;
	v62 =	vmul.f32 v58, v26  }
0x27d: {  	v7 =	vmul.f32 v11, v7;
	v11 =	vmul.f32 v14, v18  }
0x27e: {  	v13 =	vmul.f32 v13, v23;
	v59 =	vmul.f32 v25, v24  }
0x27f: {  	v9 =	vmul.f32 v56, v9;
	v11 =	vmul.f32 v16, v11  }
0x280: {  	v8 =	vmul.f32 v57, v8;
	v61 =	vmul.f32 v22, v15;
	v12 =	vadd.f32 v12, v60  }
0x281: {  	s8 =	simm.s32 $0x1;
	v13 =	vadd.f32 v59, v13;
	v11 =	vadd.f32 v9, v11;
	v9 =	vmul.f32 v28, v21  }
0x282: {  	v10 =	vadd.f32 v10, v62;
	v14 =	vadd.f32 v7, v61;
	v7 =	vmov s8  }
0x283: {  	v12 =	vadd.f32 v12, v13;
	v63 =	vadd.f32 v9, v8;
	v9 =	vor.u32 $0x100, v7  }
0x284: {  	s31 =	sadd.s32 $0x1, s31;
	s10 =	simm.s32 $0x57;
	s28 =	sand.u32 $0x3FFF, s2;
	v10 =	vadd.f32 v10, v14  }
0x285: {  	s12 =	simm.s32 $0x80;
	s2 =	simm.s32 $0x57;
	s6 =	simm.s32 $0x10;
	v8 =	vor.u32 $0x80, v7;
	[tilespmem:s28+$0x10700] =	vst v12;
	v11 =	vadd.f32 v63, v11  }
.LBB2_13:
0x286: {  	p0 =	sne.s32 s12, $0x1FC0;
	s8 =	sadd.s32 $0x1, s8;
	s10 =	sadd.s32 $0x57, s10;
	[tilespmem:s28+$0x106E0] =	vst v10  }
0x287: {  	s16 =	smov.u32 s12;
	s12 =	sadd.s32 $0x40, s12;
	[tilespmem:s28+$0x106F0] =	vst v11  }
0x288: {  	v10 =	vld.idx.msk [tilespmem:v9+s25+$0x0], $0xffff  }
0x289: {  	v11 =	vld.idx.msk [tilespmem:v7+s25+$0x0], $0xffff  }
0x28a: {  	v7 =	vmov s8;
	v12 =	vld.idx.msk [tilespmem:v8+s25+$0x0], $0xffff  }
0x28b: {  	v8 =	vor.u32 $0x80, v7;
	v9 =	vor.u32 $0x100, v7;
	v13 =	vld [tilespmem:s6+$0x9360]  }
0x28c: {  	v14 =	vld [tilespmem:s6+$0x8360]  }
0x28d: {  	v15 =	vld [tilespmem:s6+$0xD360]  }
0x28e: {  	v16 =	vsub.f32 $1.000000000e+00, v10;
	v17 =	vld [tilespmem:s6+$0xBB60]  }
0x28f: {  	v18 =	vsub.f32 $1.000000000e+00, v11;
	v20 =	vmul.f32 v10, v11;
	v19 =	vld [tilespmem:s6+$0x9B60]  }
0x290: {  	v21 =	vsub.f32 $1.000000000e+00, v12;
	v23 =	vmul.f32 v12, v11;
	v24 =	vmul.f32 v10, v12;
	v22 =	vld [tilespmem:s6+$0xCB60]  }
0x291: {  	v27 =	vmul.f32 v16, v11;
	v26 =	vmul.f32 v16, v18;
	v25 =	vld [tilespmem:s6+$0x7B60]  }
0x292: {  	s16 =	sshra.s32 s16, $0x2;
	v11 =	vmul.f32 v21, v11;
	v13 =	vmul.f32 v13, v23;
	v28 =	vld [tilespmem:s6+$0xC360]  }
0x293: {  	v15 =	vmul.f32 v15, v20;
	v23 =	vld [tilespmem:s6+$0xA360];
	v17 =	vmul.f32 v17, v26  }
0x294: {  	v11 =	vmul.f32 v14, v11;
	v14 =	vmul.f32 v16, v21;
	v20 =	vld [tilespmem:s6+$0xAB60]  }
0x295: {  	v29 =	vmul.f32 v12, v18;
	v30 =	vmul.f32 v10, v18;
	v26 =	vld [tilespmem:s6+$0x8B60]  }
0x296: {  	v10 =	vmul.f32 v10, v21;
	v14 =	vmul.f32 v19, v14;
	v31 =	vld [tilespmem:s6+$0xB360];
	s6 =	smov.u32 s16  }
0x297: {  	v12 =	vmul.f32 v16, v12;
	v16 =	vmul.f32 v28, v27  }
0x298: {  	v18 =	vmul.f32 v21, v18;
	v19 =	vmul.f32 v22, v30  }
0x299: {  	v12 =	vmul.f32 v23, v12;
	v10 =	vmul.f32 v20, v10;
	v16 =	vadd.f32 v16, v17  }
0x29a: {  	v15 =	vadd.f32 v15, v19;
	v17 =	vmul.f32 v25, v18;
	v18 =	vmul.f32 v26, v29  }
.Ltmp5:
0x29b: {  	v12 =	vadd.f32 v12, v14;
	v14 =	vmul.f32 v31, v24;
	(pc) =	sbr.rel @p0 .LBB2_13-.Ltmp5, $4  }
0x29c: {  	v11 =	vadd.f32 v11, v17;
	v13 =	vadd.f32 v13, v18  }
0x29d: {  	v15 =	vadd.f32 v15, v16;
	v14 =	vadd.f32 v14, v10  }
0x29e: {  	s28 =	sand.u32 $0x3FFF, s2;
	s2 =	smov.u32 s10;
	v10 =	vadd.f32 v13, v11  }
0x29f: {  	v11 =	vadd.f32 v14, v12;
	[tilespmem:s28+$0x10700] =	vst v15  }
0x2a0: {  	_ =	sdelay $0x1  }
0x2a1: {  	[tilespmem:s28+$0x106E0] =	vst v10  }
0x2a2: {  	[tilespmem:s28+$0x106F0] =	vst v11  }
0x2a3: {  	v9 =	vld.idx.msk [tilespmem:v9+s25+$0x0], $0xffff  }
0x2a4: {  	v7 =	vld.idx.msk [tilespmem:v7+s25+$0x0], $0xffff  }
0x2a5: {  	v8 =	vld.idx.msk [tilespmem:v8+s25+$0x0], $0xffff  }
0x2a6: {  	v10 =	vld [tilespmem:s6+$0x9360]  }
0x2a7: {  	v11 =	vld [tilespmem:s6+$0x8360]  }
0x2a8: {  	v12 =	vld [tilespmem:s6+$0xD360]  }
0x2a9: {  	v13 =	vld [tilespmem:s6+$0xBB60]  }
0x2aa: {  	v16 =	vld [tilespmem:s6+$0x9B60];
	v14 =	vsub.f32 $1.000000000e+00, v9;
	v15 =	vsub.f32 $1.000000000e+00, v7;
	v17 =	vmul.f32 v9, v7  }
0x2ab: {  	v19 =	vld [tilespmem:s6+$0xCB60];
	v18 =	vsub.f32 $1.000000000e+00, v8;
	v20 =	vmul.f32 v8, v7;
	v21 =	vmul.f32 v9, v8  }
0x2ac: {  	v28 =	vld [tilespmem:s6+$0xB360];
	v23 =	vmul.f32 v14, v15;
	v24 =	vmul.f32 v14, v7  }
0x2ad: {  	v22 =	vld [tilespmem:s6+$0x7B60];
	v7 =	vmul.f32 v18, v7;
	v10 =	vmul.f32 v10, v20  }
0x2ae: {  	v25 =	vld [tilespmem:s6+$0xC360];
	v12 =	vmul.f32 v12, v17;
	v56 =	vmul.f32 v14, v18  }
0x2af: {  	v54 =	vld [tilespmem:s6+$0xA360];
	v26 =	vmul.f32 v8, v15;
	v27 =	vmul.f32 v9, v15  }
0x2b0: {  	v57 =	vld [tilespmem:s6+$0x8B60];
	v9 =	vmul.f32 v9, v18;
	v8 =	vmul.f32 v14, v8  }
0x2b1: {  	v55 =	vld [tilespmem:s6+$0xAB60];
	v15 =	vmul.f32 v18, v15;
	v62 =	vmul.f32 v28, v21  }
0x2b2: {  	v13 =	vmul.f32 v13, v23;
	v7 =	vmul.f32 v11, v7  }
0x2b3: {  	v11 =	vmul.f32 v16, v56;
	v58 =	vmul.f32 v25, v24  }
0x2b4: {  	v59 =	vmul.f32 v19, v27;
	v8 =	vmul.f32 v54, v8  }
0x2b5: {  	v60 =	vmul.f32 v22, v15;
	v61 =	vmul.f32 v57, v26;
	v13 =	vadd.f32 v58, v13  }
0x2b6: {  	v9 =	vmul.f32 v55, v9;
	v12 =	vadd.f32 v12, v59;
	v8 =	vadd.f32 v8, v11  }
0x2b7: {  	v7 =	vadd.f32 v7, v60;
	v10 =	vadd.f32 v10, v61  }
0x2b8: {  	s0 =	smul.u32 $0x57, s0;
	p0 =	sne.s32 s31, $0x80;
	v9 =	vadd.f32 v62, v9;
	v63 =	vadd.f32 v12, v13  }
.Ltmp6:
0x2b9: {  	s2 =	sand.u32 $0x3FFF, s2;
	v7 =	vadd.f32 v10, v7;
	(pc) =	sbr.rel @p0 .LBB2_4-.Ltmp6, $4  }
0x2ba: {  	v8 =	vadd.f32 v9, v8;
	[tilespmem:s2+$0x10700] =	vst v63  }
0x2bb: {  	s0 =	sshrl.u32 s0, $0x3;
	[tilespmem:s2+$0x106E0] =	vst v7  }
0x2bc: {  	s0 =	sadd.s32 s1, s0;
	[tilespmem:s2+$0x106F0] =	vst v8  }
0x2bd: {  	[hbm4b:s0+s3] =	stream.linear.scatter [tilespmem:s19], [sflag:$0x4], $0x2B80, $0x38;
	[tilespmem:$0x13260] =	vst v63  }
0x2be: {  	_ =	swait.ge [sflag:s26], $0x2B80  }
0x2bf: {  	[sflag:s26] =	ssyncset.done $0x0  }
0x2c0: {  	s2 =	simm.s32 $0x4;
	[sflag:s26] =	ssyncadd.s32 $0xFFFFD480  }
0x2c1: {  	_ =	swait.ge [sflag:s2], $0x2B80  }
0x2c2: {  	s6 =	rddreg [dreg:$0x6]  }
0x2c3: {  	s0 =	rddreg [dreg:$0x5];
	s6 =	sadd.s32 $0x1, s6  }
0x2c4: {  	p0 =	sne.s32 s6, s0  }
.Ltmp7:
0x2c5: {  	_ = 	snop;
	(pc) =	sbr.rel @p0 .LBB2_1-.Ltmp7, $3  }
0x2c6: {  	_ =	sdelay $0x1  }
0x2c7: {  	[sflag:s2] =	ssyncset.done $0x0  }
0x2c8: {  	[sflag:s2] =	ssyncadd.s32 $0xFFFFD480  }
0x2c9: {  	_ =	sfence.sel $0x180000  }
0x2ca: {  	[bflag:$0x0] =	sbarrier.arrive $0xFFFF  }
0x2cb: {  	_ =	strace $0x9000004A  }
0x2cc: {  	s0 =	stileid.u32;
	[bflag:$0x2] =	sbarrier.arrive $0xFFFF  }
0x2cd: {  	p0 =	sne.s32 s0, $0x0;
	s0 =	rddreg [dreg:$0x2]  }
0x2ce: {  	s0 =	sadd.s32 @!p0 $0x100000, s0  }
0x2cf: {  	[sflag:s0] =	ssyncadd.tile.s32 @!p0 $0x1;
	_ =	shalt  }
.Lfunc_end2:
_tile_overlayer_lowered:
.L_overlay_start_2:
0x2d0: {  	(tag) =	ssettag $0x2  }
0x2d1: {  	s0 =	rddreg [dreg:$0x0];
	s2 =	stileid.u32  }
0x2d2: {  	s1 =	rddreg [dreg:$0x1];
	p0 =	sne.s32 s2, $0x0  }
0x2d3: {  	s3 =	rddreg [dreg:$0x2];
	[bflag:$0x3] =	sbarrier.arrive $0xFFFF;
	s2 =	simm.s32 @!p0 $0x1C05  }
0x2d4: {  	[timem:s3], [sflag:s2] =	dma.local @!p0 [hbm:s0], s1  }
0x2d5: {  	s0 =	simm.s32 @!p0 $0x5  }
0x2d6: {  	_ =	swait.ge @!p0 [sflag:s0], s1  }
0x2d7: {  	s1 =	ssub.s32 @!p0 $0x0, s1;
	[sflag:s0] =	ssyncset.done @!p0 $0x0  }
0x2d8: {  	[sflag:s0] =	ssyncadd.s32 @!p0 s1  }
0x2d9: {  	[bflag:$0x3] =	sbarrier.arrive $0xFFFF  }
0x2da: {  	_ =	shalt  }

// kernel: sparse-core-data-format-call.1.cloned.1.call-start
scs
called_computation.1_lowered:
.L_overlay_start_0:
0x0: {  	s2 =	sld [smem:$0x3FD9]  }
0x1: {  	s3 =	sld [smem:$0x3FFE];
	_ =	sdelay $0x1  }
0x2: {  	s1 =	srdreg.scid  }
0x3: {  	s0 =	sand.u32 $0x1, s1  }
0x4: {  	s18 =	sshll.u32 s0, $0xA;
	s2 =	sadd.s32 s3, s2  }
0x5: {  	s2 =	sadd.s32 s2, s18  }
0x6: {  	[smem:$0x3FC5] =	sst s2  }
0x7: {  	_ = 	snop  }
0x8: {  	s2 =	sld [smem:$0x3FC8];
	(tm) =	ssettm $0x1  }
0x9: {  	s19 =	sld [smem:$0x3FFB];
	_ =	sdelay $0x3  }
0xa: {  	_ =	strace s19  }
0xb: {  	s3 =	sld [smem:$0x3FFC];
	_ =	sdelay $0x3  }
0xc: {  	_ =	strace s3  }
0xd: {  	s3 =	sld [smem:$0x3FFD];
	_ =	sdelay $0x3  }
0xe: {  	_ =	strace s3  }
0xf: {  	_ =	strace $0x8FFFFFFF  }
0x10: {  	s20 =	sld [smem:$0x3FDB];
	_ =	sdelay $0x1  }
0x11: {  	s4 =	simm.s32 $_scs_section_size  }
0x12: {  	s5 =	simm.s32 $_size__tile_overlayer_lowered;
	s6 =	simm.s32 $_tile_overlayer_lowered  }
0x13: {  	s23 =	simm.s32 $0x1BFF;
	s22 =	sshll.u32 s6, $0x1;
	s3 =	sadd.s32 s4, s20  }
0x14: {  	s7 =	simm.s32 $0x0;
	s21 =	sshll.u32 s5, $0x1;
	s5 =	sadd.s32 s22, s3  }
0x15: {  	[timem:s7], [sflag:s23] =	dma.local [hbm:s5], s21  }
0x16: {  	_ =	swait.ge [sflag:s23], s21  }
0x17: {  	s4 =	ssub.s32 $0x0, s21;
	[sflag:s23] =	ssyncset.done $0x0  }
0x18: {  	[sflag:s23] =	ssyncadd.s32 s4;
	_ =	sdelay $0x1  }
0x19: {  	s24 =	simm.s32 $0x1B8B  }
0x1a: {  	_ =	swait.ge [sflag:s24], $0x1  }
0x1b: {  	[sflag:s24] =	ssyncset.done $0x0  }
0x1c: {  	s26 =	simm.s32 $0x1B8E;
	s25 =	sld [smem:$0x3FFE];
	[sflag:s24] =	ssyncadd.s32 $0xFFFFFFFF  }
0x1d: {  	s27 =	simm.s32 $execute0_lowered;
	[smem:$0x3FD2] =	sst s26  }
0x1e: {  	s5 =	sshll.u32 s27, $0x1;
	_ =	strace $0x80000046;
	[dreg:$0x1] =	wrdreg $0xFFFFFFFF  }
0x1f: {  	s28 =	simm.s32 $_size_execute0_lowered;
	s3 =	sadd.s32 s3, s5;
	[dreg:$0x0] =	wrdreg $0x0  }
0x20: {  	s5 =	sshll.u32 s28, $0x1;
	[dreg:$0x2] =	wrdreg s3  }
0x21: {  	[dreg:$0x3] =	wrdreg s5  }
0x22: {  	[dreg:$0x4] =	wrdreg $0xC0  }
0x23: {  	_ =	task [dreg:s7], $0x5FFFF  }
0x24: {  	[dreg:$0x1] =	wrdreg $0xFFFFFFFF  }
0x25: {  	[dreg:$0x0] =	wrdreg $0x60  }
0x26: {  	[dreg:$0x2] =	wrdreg s2  }
0x27: {  	[dreg:$0x3] =	wrdreg s25  }
0x28: {  	[dreg:$0x4] =	wrdreg $0x9  }
0x29: {  	_ =	task.clear_ibuf [dreg:s7], $0x5FFFF;
	_ =	strace $0x90000046  }
0x2a: {  	s29 =	simm.s32 $0x9;
	_ =	strace $0x80000048  }
0x2b: {  	_ =	swait.ge [sflag:s29], $0x1  }
0x2c: {  	[sflag:s29] =	ssyncadd.s32 $0xFFFFFFFF  }
0x2d: {  	_ =	strace $0x90000048  }
0x2e: {  	_ =	sfence  }
0x2f: {  	s30 =	sld [smem:$0x0];
	_ =	sdelay $0x2  }
0x30: {  	s31 =	sshll.u32 s1, $0xD;
	s1 =	sshrl.u32 s1, $0x2  }
0x31: {  	s3 =	sand.u32 $0x4000, s31;
	s1 =	sadd.s32 s1, s30  }
0x32: {  	s0 =	sor.u32 s3, s0;
	s1 =	sshll.u32 s1, $0x11  }
0x33: {  	s0 =	sor.u32 s1, s0  }
0x34: {  	s0 =	sadd.s32 $0x8F2B, s0  }
0x35: {  	[sflag:s0] =	ssyncadd.remote.s32 $0x1  }
0x36: {  	_ =	sfence.sel $0xFFFF  }
0x37: {  	[dreg:$0x0] =	wrdreg $0xFFFFFFFF;
	(pc) =	sbr.abs _section_cstart, $3  }
0x38: {  	[dreg:$0x1] =	wrdreg $0xFFFFFFFF  }
0x39: {  	_ =	task.clear_ibuf [dreg:s7], $0x2FFFF;
	_ =	strace $0x9FFFFFFF  }
0x3a: {  	(tm) =	ssettm $0x7FFFFFFF  }
0x3b: {  	_ =	shalt  }
tec
execute0_lowered:
.L_overlay_start_1:
0x0: {  	(tag) =	ssettag $0x1  }
0x1: {  	s0 =	srdreg.scid;
	s28 =	rddreg [dreg:$0x0]  }
0x2: {  	s1 =	stileid.u32;
	s30 =	rddreg [dreg:$0x1]  }
0x3: {  	_ =	strace $0x80000047;
	s5 =	simm.s32 $0x1;
	s6 =	simm.s32 $0x2  }
0x4: {  	s23 =	simm.s32 $0x0;
	s15 =	simm.s32 $0x80;
	s0 =	sshll.u32 s0, $0x4  }
0x5: {  	s22 =	simm.s32 $0x0;
	s21 =	simm.s32 $0x0;
	s0 =	sand.u32 $0x10, s0  }
0x6: {  	s24 =	simm.s32 $0x0;
	s16 =	simm.s32 $0x0;
	s0 =	sor.u32 s1, s0  }
0x7: {  	s18 =	simm.s32 $0x0;
	s19 =	simm.s32 $0x0;
	s3 =	sshll.u32 s0, $0x3  }
0x8: {  	s20 =	simm.s32 $0x0;
	s2 =	sadd.s32 $0x1000, s30;
	s31 =	ssub.s32 $0x200, s3  }
0x9: {  	s7 =	sadd.s32 $0x3000, s30;
	s8 =	sadd.s32 $0x5000, s30;
	s4 =	sand.u32 $0xF8, s31  }
0xa: {  	s9 =	sadd.s32 $0x7000, s30;
	s1 =	sshrl.u32 s31, $0x8;
	p0 =	sne.s32 s4, $0x0  }
.Ltmp0:
0xb: {  	s4 =	simm.s32 $0x1;
	s5 =	simm.s32 @!p0 $0x0;
	(pc) =	sbr.rel .LBB1_1-.Ltmp0, $4  }
0xc: {  	s10 =	sadd.s32 $0x9000, s30;
	[sflag:s4] =	ssyncpa.u1 $0x0;
	s1 =	sadd.s32 s5, s1  }
0xd: {  	s11 =	sadd.s32 $0xB000, s30;
	[sflag:s6] =	ssyncpa.u1 $0x0;
	s6 =	smul.u32 $0xC, s1  }
0xe: {  	s12 =	sadd.s32 $0xD000, s30;
	s13 =	sadd.s32 $0xF000, s30;
	[dreg:$0x3] =	wrdreg s2  }
0xf: {  	s17 =	smov.u32 s3;
	p0 =	por $0x0, $0x0;
	s14 =	sor.u32 $0x1, s6  }
.LBB1_7:
0x10: {  	s0 =	sadd.s32 $0x80, s16  }
0x11: {  	s1 =	sadd.s32 $0x100, s17;
	s2 =	smov.u32 s17;
	p2 =	sgt.s32 s0, $0x1FF  }
0x12: {  	s2 =	smov.u32 @p2 s1  }
0x13: {  	s25 =	smov.u32 s18;
	s1 =	sadd.s32 $0x10, s18;
	p3 =	sgt.s32 s2, $0x1FF  }
0x14: {  	s25 =	smov.u32 @p3 s1  }
0x15: {  	s1 =	simm.s32 $0x1;
	p4 =	sgt.s32 s25, $0xF  }
0x16: {  	s1 =	simm.s32 @!p4 $0x0  }
0x17: {  	p1 =	slt.u32 s20, $0x2;
	s1 =	sadd.s32 s1, s19  }
0x18: {  	s23 =	smov.u32 s16;
	s0 =	simm.s32 @p2 $0x0;
	p2 =	sgt.s32 s1, $0x2  }
0x19: {  	s22 =	smov.u32 s17;
	s1 =	simm.s32 @p2 $0x0;
	p2 =	sne.s32 s20, s14  }
.Ltmp1:
0x1a: {  	s21 =	smov.u32 s18;
	s26 =	simm.s32 @!p1 $0x2;
	(pc) =	sbr.rel @!p2 .LBB1_8-.Ltmp1, $4  }
0x1b: {  	s24 =	smov.u32 s19;
	p0 =	por !p0, !p0;
	_ =	swait.ge @!p1 [sflag:s26], $0x4000  }
0x1c: {  	[sflag:s26] =	ssyncset.done @!p1 $0x0;
	s16 =	smov.u32 s0;
	s2 =	smov.u32 @p3 s3  }
0x1d: {  	[sflag:s26] =	ssyncadd.s32 @!p1 $0xFFFFC000;
	s17 =	smov.u32 s2;
	s25 =	simm.s32 @p4 $0x0  }
0x1e: {  	s18 =	smov.u32 s25;
	s20 =	sadd.s32 $0x1, s20;
	s19 =	smov.u32 s1  }
.LBB1_1:
0x1f: {  	p1 =	sge.u32 s20, s6;
	s31 =	sadd.s32 $0xFFFFFFFF, s20  }
0x20: {  	s0 =	sxor.u32 @!p1 $0xFFFFFFFF, s20;
	s1 =	sand.u32 @!p1 $0x78, s16;
	s25 =	sshll.u32 @!p1 s17, $0x9  }
0x21: {  	s26 =	sshll.u32 @!p1 s16, $0x3;
	s27 =	sshll.u32 @!p1 s17, $0x7;
	s0 =	sshll.u32 @!p1 s0, $0xE  }
0x22: {  	s25 =	sand.u32 @!p1 $0x3F000, s25;
	s26 =	sand.u32 @!p1 $0x3FC00, s26;
	s0 =	sand.u32 @!p1 $0x4000, s0  }
0x23: {  	s25 =	sadd.s32 @!p1 s25, s26;
	s26 =	sand.u32 @!p1 $0x200, s27;
	s27 =	sand.u32 @!p1 $0x180, s27  }
0x24: {  	s25 =	sor.u32 @!p1 s26, s25;
	s1 =	sor.u32 @!p1 s1, s27;
	s26 =	sshll.u32 @!p1 s19, $0x13  }
0x25: {  	s27 =	sshll.u32 @!p1 s18, $0xF;
	s25 =	sshrl.u32 @!p1 s25, $0x3;
	s26 =	sadd.s32 @!p1 s28, s26  }
0x26: {  	s1 =	sshrl.u32 @!p1 s1, $0x3;
	s26 =	sadd.s32 @!p1 s27, s26;
	s27 =	sand.u32 @!p1 $0x7, s16  }
0x27: {  	s25 =	sand.u32 @!p1 $0x7FC0, s25;
	s1 =	sadd.s32 @!p1 s1, s26;
	s26 =	sshll.u32 @!p1 s27, $0x12  }
0x28: {  	s1 =	sadd.s32 @!p1 s25, s1;
	s25 =	sor.u32 @!p1 $0x400, s26;
	s26 =	simm.s32 @!p1 $0x40000  }
0x29: {  	[tilespmem:s0], [sflag:$0x1] =	stream.strided.gather @!p1 [hbm4b:s1+s25], $0x4000, s26, s25, $0x38;
	[tilespmem:$0x10800] =	vst v63  }
0x2a: {  	p1 =	sge.u32 s31, s6  }
.Ltmp2:
0x2b: {  	_ = 	snop;
	(pc) =	sbr.rel @p1 .LBB1_7-.Ltmp2, $1  }
0x2c: {  	_ =	sdelay $0x3  }
0x2d: {  	s0 =	simm.s32 $0x1;
	s25 =	sand.u32 $0x1, s20  }
0x2e: {  	s0 =	simm.s32 @!p0 $0x0;
	s25 =	smul.u32 $0x11000, s25  }
0x2f: {  	s5 =	smov.u32 s28;
	_ =	swait.ge [sflag:s4], $0x4000;
	s1 =	smul.u32 $0x11000, s0  }
0x30: {  	s29 =	simm.s32 $0x0;
	[sflag:s4] =	ssyncset.done $0x0;
	s0 =	sshll.u32 s0, $0xE  }
0x31: {  	[sflag:s4] =	ssyncadd.s32 $0xFFFFC000;
	s25 =	sshrl.u32 s25, $0x2;
	s1 =	sshrl.u32 s1, $0x2  }
0x32: {  	s28 =	sor.u32 $0x40, s0;
	s26 =	sor.u32 $0x8000, s25;
	s27 =	sor.u32 $0x8000, s1  }
.LBB1_3:
0x33: {  	v0 =	vld [tilespmem:s28+$0x30]  }
0x34: {  	v1 =	vld [tilespmem:s28+$0xFFFFFFD0]  }
0x35: {  	v5 =	vld [tilespmem:s28+$0xFFFFFFE0]  }
0x36: {  	v6 =	vld [tilespmem:s28+$0xFFFFFFF0]  }
0x37: {  	s30 =	sadd.s32 $0x0, s27;
	v2 =	vld [tilespmem:s28+$0x0]  }
0x38: {  	v3 =	vld [tilespmem:s28+$0x10];
	[tilespmem:s30+$0x770 ss:$0x11] =	vst.msk $0xffff, v0  }
0x39: {  	v4 =	vld [tilespmem:s28+$0x20];
	[tilespmem:s30+$0x110 ss:$0x11] =	vst.msk $0xffff, v1  }
0x3a: {  	s31 =	sadd.s32 $0x80, s28;
	v0 =	vld [tilespmem:s28+$0xFFFFFFC0];
	[tilespmem:s30+$0x220 ss:$0x11] =	vst.msk $0xffff, v5  }
0x3b: {  	s1 =	simm.s32 $0x2200;
	s0 =	simm.s32 $0x4400;
	v1 =	vld [tilespmem:s31+$0x30];
	[tilespmem:s30+$0x330 ss:$0x11] =	vst.msk $0xffff, v6  }
.LBB1_4:
0x3c: {  	p1 =	sne.s32 s0, $0xEE00;
	v5 =	vld [tilespmem:s31+$0xFFFFFFD0];
	[tilespmem:s30+$0x440 ss:$0x11] =	vst.msk $0xffff, v2  }
0x3d: {  	v6 =	vld [tilespmem:s31+$0xFFFFFFE0];
	[tilespmem:s30+$0x550 ss:$0x11] =	vst.msk $0xffff, v3  }
0x3e: {  	s2 =	sshra.s32 s1, $0x2;
	s1 =	smov.u32 s0;
	v7 =	vld [tilespmem:s31+$0xFFFFFFF0];
	[tilespmem:s30+$0x660 ss:$0x11] =	vst.msk $0xffff, v4  }
.Ltmp3:
0x3f: {  	v2 =	vld [tilespmem:s31+$0x0];
	[tilespmem:s30+$0x0 ss:$0x11] =	vst.msk $0xffff, v0;
	s30 =	sadd.s32 s2, s27;
	(pc) =	sbr.rel @p1 .LBB1_4-.Ltmp3, $4  }
0x40: {  	v3 =	vld [tilespmem:s31+$0x10];
	[tilespmem:s30+$0x770 ss:$0x11] =	vst.msk $0xffff, v1  }
0x41: {  	[tilespmem:s30+$0x110 ss:$0x11] =	vst.msk $0xffff, v5;
	v4 =	vld [tilespmem:s31+$0x20]  }
0x42: {  	v0 =	vld [tilespmem:s31+$0xFFFFFFC0];
	[tilespmem:s30+$0x220 ss:$0x11] =	vst.msk $0xffff, v6;
	s31 =	sadd.s32 $0x80, s31  }
0x43: {  	s0 =	sadd.s32 $0x2200, s0;
	v1 =	vld [tilespmem:s31+$0x30];
	[tilespmem:s30+$0x330 ss:$0x11] =	vst.msk $0xffff, v7  }
0x44: {  	v5 =	vld [tilespmem:s31+$0xFFFFFFD0];
	[tilespmem:s30+$0x440 ss:$0x11] =	vst.msk $0xffff, v2  }
0x45: {  	v58 =	vld [tilespmem:s31+$0xFFFFFFE0];
	[tilespmem:s30+$0x550 ss:$0x11] =	vst.msk $0xffff, v3  }
0x46: {  	s0 =	sshra.s32 s1, $0x2;
	v59 =	vld [tilespmem:s31+$0xFFFFFFF0];
	[tilespmem:s30+$0x660 ss:$0x11] =	vst.msk $0xffff, v4  }
0x47: {  	v60 =	vld [tilespmem:s31+$0x0];
	s0 =	sadd.s32 s0, s27;
	[tilespmem:s30+$0x0 ss:$0x11] =	vst.msk $0xffff, v0  }
0x48: {  	v61 =	vld [tilespmem:s31+$0x10];
	[tilespmem:s0+$0x770 ss:$0x11] =	vst.msk $0xffff, v1  }
0x49: {  	v62 =	vld [tilespmem:s31+$0x20];
	s29 =	sadd.s32 $0x1, s29;
	[tilespmem:s0+$0x110 ss:$0x11] =	vst.msk $0xffff, v5  }
0x4a: {  	v63 =	vld [tilespmem:s31+$0xFFFFFFC0];
	p1 =	sne.s32 s29, $0x10;
	[tilespmem:s0+$0x220 ss:$0x11] =	vst.msk $0xffff, v58  }
.Ltmp4:
0x4b: {  	[tilespmem:s0+$0x330 ss:$0x11] =	vst.msk $0xffff, v59;
	(pc) =	sbr.rel @p1 .LBB1_3-.Ltmp4, $4  }
0x4c: {  	[tilespmem:s0+$0x440 ss:$0x11] =	vst.msk $0xffff, v60  }
0x4d: {  	[tilespmem:s0+$0x550 ss:$0x11] =	vst.msk $0xffff, v61  }
0x4e: {  	[tilespmem:s0+$0x660 ss:$0x11] =	vst.msk $0xffff, v62  }
0x4f: {  	s28 =	sadd.s32 $0x400, s28;
	s27 =	sadd.s32 $0x1, s27;
	[tilespmem:s0+$0x0 ss:$0x11] =	vst.msk $0xffff, v63  }
0x50: {  	s0 =	sshll.u32 s23, $0x7;
	s1 =	sshll.u32 s21, $0x3  }
0x51: {  	s2 =	sand.u32 $0xFC00, s0;
	s1 =	sand.u32 $0xFC00, s1  }
0x52: {  	s23 =	sshrl.u32 s21, $0x3;
	s0 =	sand.u32 $0x380, s0;
	s1 =	sadd.s32 s1, s2  }
0x53: {  	s2 =	sshll.u32 s22, $0xD;
	s0 =	sor.u32 s0, s1;
	s1 =	sshll.u32 s24, $0x16  }
0x54: {  	s27 =	rddreg [dreg:$0x3];
	s29 =	sand.u32 $0x7, s21;
	s24 =	sadd.s32 s1, s2  }
0x55: {  	s22 =	sand.u32 $0xF, s23;
	s0 =	sshrl.u32 s0, $0x3;
	s23 =	sadd.s32 s27, s24  }
0x56: {  	s21 =	sshll.u32 s29, $0x12;
	s0 =	sand.u32 $0x1FF0, s0;
	s23 =	sadd.s32 s22, s23  }
0x57: {  	s21 =	sor.u32 $0x10, s21;
	s30 =	sadd.s32 s1, s7;
	s23 =	sadd.s32 s0, s23  }
0x58: {  	[hbm4b:s23+s21] =	stream.strided.scatter [tilespmem:s26], [sflag:$0x2], $0x800, s15, s21, $0x8;
	[tilespmem:$0x10800] =	vst v63  }
0x59: {  	s23 =	sadd.s32 s2, s30  }
0x5a: {  	s23 =	sadd.s32 s22, s23  }
0x5b: {  	s31 =	sadd.s32 $0x8880, s25;
	s24 =	sadd.s32 s1, s8;
	s23 =	sadd.s32 s0, s23  }
0x5c: {  	[hbm4b:s23+s21] =	stream.strided.scatter [tilespmem:s31], [sflag:$0x2], $0x800, s15, s21, $0x8;
	[tilespmem:$0x10800] =	vst v63  }
0x5d: {  	s23 =	sadd.s32 s2, s24  }
0x5e: {  	s23 =	sadd.s32 s22, s23  }
0x5f: {  	s27 =	sadd.s32 s1, s9;
	s26 =	sadd.s32 $0x9100, s25;
	s23 =	sadd.s32 s0, s23  }
0x60: {  	[hbm4b:s23+s21] =	stream.strided.scatter [tilespmem:s26], [sflag:$0x2], $0x800, s15, s21, $0x8;
	[tilespmem:$0x10800] =	vst v63  }
0x61: {  	s23 =	sadd.s32 s2, s27  }
0x62: {  	s23 =	sadd.s32 s22, s23  }
0x63: {  	s29 =	sadd.s32 $0x9980, s25;
	s30 =	sadd.s32 s1, s10;
	s23 =	sadd.s32 s0, s23  }
0x64: {  	[hbm4b:s23+s21] =	stream.strided.scatter [tilespmem:s29], [sflag:$0x2], $0x800, s15, s21, $0x8;
	[tilespmem:$0x10800] =	vst v63  }
0x65: {  	s23 =	sadd.s32 s2, s30  }
0x66: {  	s23 =	sadd.s32 s22, s23  }
0x67: {  	s31 =	sadd.s32 $0xA200, s25;
	s26 =	sadd.s32 s1, s11;
	s23 =	sadd.s32 s0, s23  }
0x68: {  	[hbm4b:s23+s21] =	stream.strided.scatter [tilespmem:s31], [sflag:$0x2], $0x800, s15, s21, $0x8;
	[tilespmem:$0x10800] =	vst v63  }
0x69: {  	s23 =	sadd.s32 s2, s26  }
0x6a: {  	s23 =	sadd.s32 s22, s23  }
0x6b: {  	s27 =	sadd.s32 $0xAA80, s25;
	s29 =	sadd.s32 s1, s12;
	s23 =	sadd.s32 s0, s23  }
0x6c: {  	[hbm4b:s23+s21] =	stream.strided.scatter [tilespmem:s27], [sflag:$0x2], $0x800, s15, s21, $0x8;
	[tilespmem:$0x10800] =	vst v63  }
0x6d: {  	s1 =	sadd.s32 s1, s13;
	s23 =	sadd.s32 s2, s29  }
.Ltmp5:
0x6e: {  	s1 =	sadd.s32 s2, s1;
	s23 =	sadd.s32 s22, s23;
	(pc) =	sbr.rel .LBB1_7-.Ltmp5, $4  }
0x6f: {  	s30 =	sadd.s32 $0xB300, s25;
	s1 =	sadd.s32 s22, s1;
	s23 =	sadd.s32 s0, s23  }
0x70: {  	[hbm4b:s23+s21] =	stream.strided.scatter [tilespmem:s30], [sflag:$0x2], $0x800, s15, s21, $0x8;
	[tilespmem:$0x10800] =	vst v63  }
0x71: {  	s28 =	smov.u32 s5;
	s31 =	sadd.s32 $0xBB80, s25;
	s0 =	sadd.s32 s0, s1  }
0x72: {  	[hbm4b:s0+s21] =	stream.strided.scatter [tilespmem:s31], [sflag:$0x2], $0x800, s15, s21, $0x8;
	[tilespmem:$0x10800] =	vst v63  }
.LBB1_8:
0x73: {  	_ =	sfence.sel $0x180000  }
0x74: {  	s0 =	simm.s32 $0x1;
	[bflag:$0x0] =	sbarrier.arrive $0xFFFF  }
0x75: {  	s30 =	simm.s32 $0x2;
	[sflag:s0] =	ssyncpa.u1 $0x1  }
0x76: {  	[sflag:s30] =	ssyncpa.u1 $0x1  }
0x77: {  	_ =	strace $0x90000047  }
0x78: {  	s31 =	stileid.u32;
	[bflag:$0x2] =	sbarrier.arrive $0xFFFF  }
0x79: {  	p0 =	sne.s32 s31, $0x0;
	s0 =	rddreg [dreg:$0x2]  }
0x7a: {  	s0 =	sadd.s32 @!p0 $0x100000, s0  }
0x7b: {  	[sflag:s0] =	ssyncadd.tile.s32 @!p0 $0x1;
	_ =	shalt  }
.Lfunc_end1:
_tile_overlayer_lowered:
.L_overlay_start_2:
0x7c: {  	(tag) =	ssettag $0x2  }
0x7d: {  	s0 =	rddreg [dreg:$0x0];
	s2 =	stileid.u32  }
0x7e: {  	s1 =	rddreg [dreg:$0x1];
	p0 =	sne.s32 s2, $0x0  }
0x7f: {  	s3 =	rddreg [dreg:$0x2];
	[bflag:$0x3] =	sbarrier.arrive $0xFFFF;
	s2 =	simm.s32 @!p0 $0x1C01  }
0x80: {  	[timem:s3], [sflag:s2] =	dma.local @!p0 [hbm:s0], s1  }
0x81: {  	s0 =	simm.s32 @!p0 $0x1  }
0x82: {  	_ =	swait.ge @!p0 [sflag:s0], s1  }
0x83: {  	s1 =	ssub.s32 @!p0 $0x0, s1;
	[sflag:s0] =	ssyncset.done @!p0 $0x0  }
0x84: {  	[sflag:s0] =	ssyncadd.s32 @!p0 s1  }
0x85: {  	[bflag:$0x3] =	sbarrier.arrive $0xFFFF  }
0x86: {  	_ =	shalt  }

// kernel: sparse-core-data-format-call.cloned.1.call-start
scs
called_computation_lowered:
.L_overlay_start_0:
0x0: {  	s2 =	sld [smem:$0x3FD9]  }
0x1: {  	s3 =	sld [smem:$0x3FFE];
	_ =	sdelay $0x1  }
0x2: {  	s1 =	srdreg.scid  }
0x3: {  	s0 =	sand.u32 $0x1, s1  }
0x4: {  	s18 =	sshll.u32 s0, $0xA;
	s2 =	sadd.s32 s3, s2  }
0x5: {  	s2 =	sadd.s32 s2, s18  }
0x6: {  	[smem:$0x3FC5] =	sst s2  }
0x7: {  	_ = 	snop  }
0x8: {  	s2 =	sld [smem:$0x3FD0];
	(tm) =	ssettm $0x1  }
0x9: {  	s19 =	sld [smem:$0x3FFB];
	_ =	sdelay $0x3  }
0xa: {  	_ =	strace s19  }
0xb: {  	s3 =	sld [smem:$0x3FFC];
	_ =	sdelay $0x3  }
0xc: {  	_ =	strace s3  }
0xd: {  	s3 =	sld [smem:$0x3FFD];
	_ =	sdelay $0x3  }
0xe: {  	_ =	strace s3  }
0xf: {  	_ =	strace $0x8FFFFFFF  }
0x10: {  	s20 =	sld [smem:$0x3FDB];
	_ =	sdelay $0x1  }
0x11: {  	s4 =	simm.s32 $_scs_section_size  }
0x12: {  	s5 =	simm.s32 $_size__tile_overlayer_lowered;
	s6 =	simm.s32 $_tile_overlayer_lowered  }
0x13: {  	s23 =	simm.s32 $0x1BFF;
	s22 =	sshll.u32 s6, $0x1;
	s3 =	sadd.s32 s4, s20  }
0x14: {  	s7 =	simm.s32 $0x0;
	s21 =	sshll.u32 s5, $0x1;
	s5 =	sadd.s32 s22, s3  }
0x15: {  	[timem:s7], [sflag:s23] =	dma.local [hbm:s5], s21  }
0x16: {  	_ =	swait.ge [sflag:s23], s21  }
0x17: {  	s4 =	ssub.s32 $0x0, s21;
	[sflag:s23] =	ssyncset.done $0x0  }
0x18: {  	[sflag:s23] =	ssyncadd.s32 s4;
	_ =	sdelay $0x1  }
0x19: {  	s24 =	simm.s32 $0x1B8B  }
0x1a: {  	_ =	swait.ge [sflag:s24], $0x1  }
0x1b: {  	[sflag:s24] =	ssyncset.done $0x0  }
0x1c: {  	s26 =	simm.s32 $0x1B8E;
	s25 =	sld [smem:$0x3FFE];
	[sflag:s24] =	ssyncadd.s32 $0xFFFFFFFF  }
0x1d: {  	s27 =	simm.s32 $execute0_lowered;
	[smem:$0x3FD2] =	sst s26  }
0x1e: {  	s5 =	sshll.u32 s27, $0x1;
	_ =	strace $0x8000004C;
	[dreg:$0x1] =	wrdreg $0xFFFFFFFF  }
0x1f: {  	s28 =	simm.s32 $_size_execute0_lowered;
	s3 =	sadd.s32 s3, s5;
	[dreg:$0x0] =	wrdreg $0x0  }
0x20: {  	s5 =	sshll.u32 s28, $0x1;
	[dreg:$0x2] =	wrdreg s3  }
0x21: {  	[dreg:$0x3] =	wrdreg s5  }
0x22: {  	[dreg:$0x4] =	wrdreg $0xC0  }
0x23: {  	_ =	task [dreg:s7], $0x5FFFF  }
0x24: {  	[dreg:$0x1] =	wrdreg $0xFFFFFFFF  }
0x25: {  	[dreg:$0x0] =	wrdreg $0x60  }
0x26: {  	[dreg:$0x2] =	wrdreg s25  }
0x27: {  	[dreg:$0x3] =	wrdreg s2  }
0x28: {  	[dreg:$0x4] =	wrdreg $0x9  }
0x29: {  	_ =	task.clear_ibuf [dreg:s7], $0x5FFFF;
	_ =	strace $0x9000004C  }
0x2a: {  	s29 =	simm.s32 $0x9;
	_ =	strace $0x8000004E  }
0x2b: {  	_ =	swait.ge [sflag:s29], $0x1  }
0x2c: {  	[sflag:s29] =	ssyncadd.s32 $0xFFFFFFFF  }
0x2d: {  	_ =	strace $0x9000004E  }
0x2e: {  	_ =	sfence  }
0x2f: {  	s30 =	sld [smem:$0x0];
	_ =	sdelay $0x2  }
0x30: {  	s31 =	sshll.u32 s1, $0xD;
	s1 =	sshrl.u32 s1, $0x2  }
0x31: {  	s3 =	sand.u32 $0x4000, s31;
	s1 =	sadd.s32 s1, s30  }
0x32: {  	s0 =	sor.u32 s3, s0;
	s1 =	sshll.u32 s1, $0x11  }
0x33: {  	s0 =	sor.u32 s1, s0  }
0x34: {  	s0 =	sadd.s32 $0x8F2B, s0  }
0x35: {  	[sflag:s0] =	ssyncadd.remote.s32 $0x1  }
0x36: {  	_ =	sfence.sel $0xFFFF  }
0x37: {  	[dreg:$0x0] =	wrdreg $0xFFFFFFFF;
	(pc) =	sbr.abs _section_cstart, $3  }
0x38: {  	[dreg:$0x1] =	wrdreg $0xFFFFFFFF  }
0x39: {  	_ =	task.clear_ibuf [dreg:s7], $0x2FFFF;
	_ =	strace $0x9FFFFFFF  }
0x3a: {  	(tm) =	ssettm $0x7FFFFFFF  }
0x3b: {  	_ =	shalt  }
tec
execute0_lowered:
.L_overlay_start_1:
0x0: {  	(tag) =	ssettag $0x1  }
0x1: {  	s0 =	srdreg.scid  }
0x2: {  	s5 =	rddreg [dreg:$0x0];
	s1 =	sshll.u32 s0, $0x4  }
0x3: {  	s2 =	rddreg [dreg:$0x1];
	s0 =	stileid.u32;
	s1 =	sand.u32 $0x10, s1  }
0x4: {  	s4 =	simm.s32 $0x1;
	s8 =	simm.s32 $0x2;
	s1 =	sor.u32 s0, s1  }
0x5: {  	s12 =	simm.s32 $0x0;
	s9 =	simm.s32 $0x0;
	s3 =	sshll.u32 s1, $0x7  }
0x6: {  	s11 =	simm.s32 $0x0;
	s5 =	sadd.s32 $0x1000, s5;
	s6 =	ssub.s32 $0x100000, s3  }
.Ltmp0:
0x7: {  	s1 =	rddreg [dreg:$0x2];
	s7 =	sand.u32 $0xF80, s6;
	(pc) =	sbr.rel .LBB1_1-.Ltmp0, $4  }
0x8: {  	_ =	strace $0x8000004D;
	p0 =	sne.s32 s7, $0x0;
	s7 =	simm.s32 $0x1  }
0x9: {  	[sflag:s4] =	ssyncpa.u1 $0x0;
	s6 =	sshrl.u32 s6, $0xC;
	s7 =	simm.s32 @!p0 $0x0  }
0xa: {  	s10 =	smov.u32 s3;
	[sflag:s8] =	ssyncpa.u1 $0x0;
	s6 =	sadd.s32 s7, s6  }
0xb: {  	s8 =	simm.s32 $0x800000;
	p0 =	por $0x0, $0x0;
	s7 =	sadd.s32 $0x1, s6  }
.LBB1_4:
0xc: {  	v5 =	vld [tilespmem:s14+$0xFFFFFFD0];
	[tilespmem:s16+$0x2040 ss:$0x81] =	vst.msk $0xffff, v2  }
0xd: {  	v58 =	vld [tilespmem:s14+$0xFFFFFFE0];
	[tilespmem:s16+$0x2850 ss:$0x81] =	vst.msk $0xffff, v4  }
0xe: {  	s17 =	sshra.s32 s17, $0x2;
	s18 =	sshll.u32 s9, $0x3;
	v59 =	vld [tilespmem:s14+$0xFFFFFFF0];
	[tilespmem:s16+$0x3060 ss:$0x81] =	vst.msk $0xffff, v3;
	p1 =	sgt.s32 s9, $0xFFF80  }
0xf: {  	v60 =	vld [tilespmem:s14+$0x0];
	[tilespmem:s16+$0x0 ss:$0x81] =	vst.msk $0xffff, v1;
	s19 =	smov.u32 s9;
	s15 =	sadd.s32 s17, s15;
	s27 =	sshrl.u32 s18, $0x14  }
0x10: {  	s20 =	sshra.s32 s9, $0x1F;
	v61 =	vld [tilespmem:s14+$0x10];
	s29 =	sand.u32 $0x78, s9;
	s28 =	smul.u32 $0xBA3, s27;
	[tilespmem:s15+$0x3870 ss:$0x81] =	vst.msk $0xffff, v0  }
0x11: {  	v62 =	vld [tilespmem:s14+$0x20];
	s30 =	sand.u32 $0x7, s9;
	s19 =	simm.s32 @!p1 $0xFFF80;
	s20 =	sand.u32 s20, s9;
	[tilespmem:s15+$0x810 ss:$0x81] =	vst.msk $0xffff, v5  }
0x12: {  	v63 =	vld [tilespmem:s14+$0xFFFFFFC0];
	s18 =	sand.u32 $0xFFC00, s18;
	s19 =	ssub.s32 s19, s20;
	s16 =	sshrl.u32 s28, $0x12;
	[tilespmem:s15+$0x1020 ss:$0x81] =	vst.msk $0xffff, v58  }
0x13: {  	s14 =	sor.u32 s29, s18;
	s20 =	ssub.s32 $0x100000, s19;
	s16 =	smul.u32 $0x58, s16;
	[tilespmem:s15+$0x1830 ss:$0x81] =	vst.msk $0xffff, v59  }
0x14: {  	s18 =	sshll.u32 s30, $0x12;
	s19 =	sadd.s32 $0xFFF00080, s19;
	s20 =	smul.u32 $0x160, s20;
	[tilespmem:s15+$0x2040 ss:$0x81] =	vst.msk $0xffff, v60  }
0x15: {  	s14 =	sshrl.u32 s14, $0x3;
	p1 =	sgt.s32 s19, $0x7F;
	[tilespmem:s15+$0x2850 ss:$0x81] =	vst.msk $0xffff, v61;
	s16 =	ssub.s32 s27, s16  }
0x16: {  	s14 =	sadd.s32 s2, s14;
	[tilespmem:s15+$0x3060 ss:$0x81] =	vst.msk $0xffff, v62;
	s17 =	sshrl.u32 s20, $0x2;
	s16 =	sshll.u32 s16, $0x11  }
0x17: {  	s31 =	sor.u32 $0x400, s18;
	[tilespmem:s15+$0x0 ss:$0x81] =	vst.msk $0xffff, v63;
	s17 =	simm.s32 @p1 $0x0;
	s14 =	sadd.s32 s16, s14  }
0x18: {  	[hbm4b:s14+s31] =	stream.strided.scatter [tilespmem:s13], [sflag:$0x2], s17, s8, s31, $0x20;
	[tilespmem:$0x10100] =	vst v63  }
.LBB1_5:
0x19: {  	p1 =	slt.u32 s11, $0x2  }
0x1a: {  	p2 =	sgt.s32 @!p1 s12, $0xFFF80  }
0x1b: {  	s13 =	smov.u32 s12;
	s14 =	sshra.s32 @!p1 s12, $0x1F;
	p2 =	por !p2, p1  }
0x1c: {  	s12 =	sand.u32 @!p1 s14, s12;
	s13 =	simm.s32 @p2 $0xFFF80  }
0x1d: {  	s12 =	ssub.s32 @!p1 s13, s12  }
0x1e: {  	s13 =	ssub.s32 @!p1 $0x100000, s12  }
0x1f: {  	s12 =	sadd.s32 @!p1 $0xFFF00080, s12;
	s13 =	smul.u32 @!p1 $0x160, s13  }
0x20: {  	p2 =	sgt.s32 @!p1 s12, $0x7F  }
0x21: {  	s14 =	sadd.s32 $0x1000, s10;
	p2 =	por !p2, p1;
	s12 =	sshrl.u32 @!p1 s13, $0x2  }
0x22: {  	s12 =	simm.s32 @!p2 $0x0;
	p2 =	sgt.s32 s14, $0xFFFFF  }
0x23: {  	s14 =	smov.u32 @p2 s3;
	p2 =	sne.s32 s11, s7  }
.Ltmp1:
0x24: {  	_ = 	snop;
	(pc) =	sbr.rel @!p2 .LBB1_6-.Ltmp1, $4  }
0x25: {  	s13 =	simm.s32 @!p1 $0x2  }
0x26: {  	p0 =	por !p0, !p0;
	_ =	swait.ge @!p1 [sflag:s13], s12;
	s15 =	ssub.s32 @!p1 $0x0, s12  }
0x27: {  	s12 =	smov.u32 s9;
	s11 =	sadd.s32 $0x1, s11;
	[sflag:s13] =	ssyncset.done @!p1 $0x0  }
0x28: {  	s9 =	smov.u32 s10;
	s10 =	smov.u32 s14;
	[sflag:s13] =	ssyncadd.s32 @!p1 s15  }
.LBB1_1:
0x29: {  	p1 =	sge.u32 s11, s6  }
0x2a: {  	s13 =	sxor.u32 @!p1 $0xFFFFFFFF, s11;
	s14 =	sshll.u32 @!p1 s10, $0x4  }
0x2b: {  	s31 =	sadd.s32 $0xFFFFFFFF, s11;
	s13 =	sshll.u32 @!p1 s13, $0xE;
	s14 =	sand.u32 @!p1 $0xFFFFF0, s14  }
0x2c: {  	s15 =	simm.s32 @!p1 $0x0;
	s13 =	sand.u32 @!p1 $0x4000, s13;
	s14 =	sadd.s32 @!p1 s5, s14  }
0x2d: {  	[tilespmem:s13], [sflag:$0x1] =	stream.linear.gather @!p1 [hbm4b:s14+s15], $0x4000, $0x38;
	[tilespmem:$0x10100] =	vst v63  }
0x2e: {  	p1 =	sge.u32 s31, s6  }
.Ltmp2:
0x2f: {  	_ = 	snop;
	(pc) =	sbr.rel @p1 .LBB1_5-.Ltmp2, $1  }
0x30: {  	_ =	sdelay $0x3  }
0x31: {  	s13 =	simm.s32 $0x1  }
0x32: {  	_ =	swait.ge [sflag:s4], $0x4000;
	s13 =	simm.s32 @!p0 $0x0  }
0x33: {  	[sflag:s4] =	ssyncset.done $0x0;
	s14 =	sshll.u32 s13, $0xE  }
0x34: {  	[sflag:s4] =	ssyncadd.s32 $0xFFFFC000;
	s14 =	sor.u32 $0x40, s14  }
0x35: {  	s13 =	smul.u32 $0x10200, s13;
	v0 =	vld [tilespmem:s14+$0x30]  }
0x36: {  	v1 =	vld [tilespmem:s14+$0xFFFFFFD0]  }
0x37: {  	s13 =	sshrl.u32 s13, $0x2;
	v5 =	vld [tilespmem:s14+$0xFFFFFFE0]  }
0x38: {  	v6 =	vld [tilespmem:s14+$0xFFFFFFF0];
	s15 =	sor.u32 $0x8000, s13  }
0x39: {  	s31 =	sand.u32 $0x1, s11;
	v2 =	vld [tilespmem:s14+$0x0];
	s16 =	sadd.s32 $0x0, s15  }
0x3a: {  	v4 =	vld [tilespmem:s14+$0x10];
	s13 =	smul.u32 $0x10200, s31;
	[tilespmem:s16+$0x3870 ss:$0x81] =	vst.msk $0xffff, v0  }
0x3b: {  	v3 =	vld [tilespmem:s14+$0x20];
	[tilespmem:s16+$0x810 ss:$0x81] =	vst.msk $0xffff, v1  }
0x3c: {  	s13 =	sshrl.u32 s13, $0x2;
	v1 =	vld [tilespmem:s14+$0xFFFFFFC0];
	[tilespmem:s16+$0x1020 ss:$0x81] =	vst.msk $0xffff, v5;
	s14 =	sadd.s32 $0x80, s14  }
0x3d: {  	s17 =	simm.s32 $0x4;
	s18 =	simm.s32 $0x8;
	s13 =	sor.u32 $0x8000, s13;
	[tilespmem:s16+$0x1830 ss:$0x81] =	vst.msk $0xffff, v6;
	v0 =	vld [tilespmem:s14+$0x30]  }
.LBB1_3:
0x3e: {  	p1 =	sne.s32 s18, $0x1FC;
	v5 =	vld [tilespmem:s14+$0xFFFFFFD0];
	[tilespmem:s16+$0x2040 ss:$0x81] =	vst.msk $0xffff, v2  }
0x3f: {  	v6 =	vld [tilespmem:s14+$0xFFFFFFE0];
	[tilespmem:s16+$0x2850 ss:$0x81] =	vst.msk $0xffff, v4  }
0x40: {  	s19 =	sshra.s32 s17, $0x2;
	s17 =	smov.u32 s18;
	v7 =	vld [tilespmem:s14+$0xFFFFFFF0];
	[tilespmem:s16+$0x3060 ss:$0x81] =	vst.msk $0xffff, v3  }
.Ltmp3:
0x41: {  	v2 =	vld [tilespmem:s14+$0x0];
	[tilespmem:s16+$0x0 ss:$0x81] =	vst.msk $0xffff, v1;
	s16 =	sadd.s32 s19, s15;
	(pc) =	sbr.rel @p1 .LBB1_3-.Ltmp3, $4  }
0x42: {  	v4 =	vld [tilespmem:s14+$0x10];
	[tilespmem:s16+$0x3870 ss:$0x81] =	vst.msk $0xffff, v0  }
0x43: {  	[tilespmem:s16+$0x810 ss:$0x81] =	vst.msk $0xffff, v5;
	v3 =	vld [tilespmem:s14+$0x20]  }
0x44: {  	v1 =	vld [tilespmem:s14+$0xFFFFFFC0];
	[tilespmem:s16+$0x1020 ss:$0x81] =	vst.msk $0xffff, v6;
	s14 =	sadd.s32 $0x80, s14  }
0x45: {  	s18 =	sadd.s32 $0x4, s18;
	v0 =	vld [tilespmem:s14+$0x30];
	[tilespmem:s16+$0x1830 ss:$0x81] =	vst.msk $0xffff, v7  }
.Ltmp4:
0x46: {  	_ = 	snop;
	(pc) =	sbr.rel .LBB1_4-.Ltmp4, $1  }
0x47: {  	_ =	sdelay $0x3  }
.LBB1_6:
0x48: {  	_ =	sfence.sel $0x180000  }
0x49: {  	s2 =	simm.s32 $0x1;
	[bflag:$0x0] =	sbarrier.arrive $0xFFFF  }
0x4a: {  	s31 =	simm.s32 $0x2;
	[sflag:s2] =	ssyncpa.u1 $0x1  }
0x4b: {  	[sflag:s31] =	ssyncpa.u1 $0x1  }
0x4c: {  	p0 =	sne.s32 s0, $0x0;
	_ =	strace $0x9000004D  }
0x4d: {  	s0 =	sadd.s32 @!p0 $0x100000, s1;
	[bflag:$0x2] =	sbarrier.arrive $0xFFFF  }
0x4e: {  	[sflag:s0] =	ssyncadd.tile.s32 @!p0 $0x1;
	_ =	shalt  }
.Lfunc_end1:
_tile_overlayer_lowered:
.L_overlay_start_2:
0x4f: {  	(tag) =	ssettag $0x2  }
0x50: {  	s0 =	rddreg [dreg:$0x0];
	s2 =	stileid.u32  }
0x51: {  	s1 =	rddreg [dreg:$0x1];
	p0 =	sne.s32 s2, $0x0  }
0x52: {  	s3 =	rddreg [dreg:$0x2];
	[bflag:$0x3] =	sbarrier.arrive $0xFFFF;
	s2 =	simm.s32 @!p0 $0x1C01  }
0x53: {  	[timem:s3], [sflag:s2] =	dma.local @!p0 [hbm:s0], s1  }
0x54: {  	s0 =	simm.s32 @!p0 $0x1  }
0x55: {  	_ =	swait.ge @!p0 [sflag:s0], s1  }
0x56: {  	s1 =	ssub.s32 @!p0 $0x0, s1;
	[sflag:s0] =	ssyncset.done @!p0 $0x0  }
0x57: {  	[sflag:s0] =	ssyncadd.s32 @!p0 s1  }
0x58: {  	[bflag:$0x3] =	sbarrier.arrive $0xFFFF  }
0x59: {  	_ =	shalt  }

</sc_bundles>
